<compile_context>
chip_gen: v7x
topology: tpu7x:2x2x1
jax: 0.10.2.dev20260603
libtpu: 0.0.44.dev20260713+nightly
codegen_flags: <defaults>
</compile_context>

<pallas_src>
import functools
import jax
import jax.numpy as jnp
import numpy as np
from jax import lax
from jax.experimental import pallas as pl
from jax.experimental.pallas import tpu as pltpu
from jax.experimental.pallas import tpu_sc as plsc

_NC = 2
_NS = 16
_NW = _NC * _NS
_LANES = 16


def _stats_body(h_ref, s1_ref, s2_ref, a1_ref, a2_ref):
    i = pl.program_id(0)

    @pl.when(i == 0)
    def _():
        a1_ref[...] = jnp.zeros_like(a1_ref)
        a2_ref[...] = jnp.zeros_like(a2_ref)

    hb = h_ref[...]
    a1_ref[...] += jnp.sum(hb, axis=0, keepdims=True)
    a2_ref[...] += jnp.sum(hb * hb, axis=0, keepdims=True)

    @pl.when(i == pl.num_programs(0) - 1)
    def _():
        s1_ref[...] = a1_ref[...]
        s2_ref[...] = a2_ref[...]


def _proj_body(h_ref, p_ref, brow_ref, psrc_ref, pdst_ref, bsd_ref,
               tab_ref, asrc_ref, adst_ref):
    hb = h_ref[...]
    tab_ref[...] = (
        jnp.dot(hb, p_ref[...], preferred_element_type=jnp.float32)
        + brow_ref[...]
    )
    asrc_ref[...] = (
        jnp.dot(hb, psrc_ref[...], preferred_element_type=jnp.float32)
        + bsd_ref[0, 0]
    )
    adst_ref[...] = (
        jnp.dot(hb, pdst_ref[...], preferred_element_type=jnp.float32)
        + bsd_ref[0, 1]
    )


def _make_edge_body(n_acc, rows_per_sub, total_pairs, sub):
    c_edges = sub * 128
    npr = total_pairs // _NW
    extra = total_pairs % _NW

    def body(tab_hbm, asrc_hbm, adst_hbm, src_hbm, dst_hbm, ew_hbm, scal_hbm,
             zer_hbm, part_hbm, ewsum_hbm,
             src_i0, src_i1, dst_i0, dst_i1, ew_v0, ew_v1, rows_v0, rows_v1,
             asv_v0, asv_v1, adv_v0, adv_v1, ex_v, scalv,
             ewacc_v, acc_sh, gsem0, gsem1, ssem0, ssem1):
        cid = lax.axis_index("c")
        sid = lax.axis_index("s")
        wid = sid * _NC + cid
        src_i = (src_i0, src_i1)
        dst_i = (dst_i0, dst_i1)
        ew_v = (ew_v0, ew_v1)
        rows_v = (rows_v0, rows_v1)
        asv_v = (asv_v0, asv_v1)
        adv_v = (adv_v0, adv_v1)
        gsem = (gsem0, gsem1)
        ssem = (ssem0, ssem1)

        pltpu.sync_copy(zer_hbm, acc_sh.at[pl.ds(sid * rows_per_sub,
                                                 rows_per_sub)])
        pltpu.sync_copy(scal_hbm, scalv)
        ewacc_v[...] = jnp.zeros((_LANES,), jnp.float32)
        plsc.subcore_barrier()

        mv = scalv[0]
        cv = scalv[1]

        pbase = wid * npr + jnp.minimum(wid, extra)
        pcnt = npr + jnp.where(wid < extra, 1, 0)
        cbase = 2 * pbase
        cend = cbase + 2 * pcnt

        def fire_gathers(gi, b):
            rowbase = gi * sub
            ebase = gi * c_edges
            pltpu.sync_copy(src_hbm.at[pl.ds(rowbase, sub)], src_i[b])
            pltpu.sync_copy(dst_hbm.at[pl.ds(rowbase, sub)], dst_i[b])
            pltpu.sync_copy(ew_hbm.at[pl.ds(ebase, c_edges)], ew_v[b])
            for r in range(sub):
                pltpu.async_copy(tab_hbm.at[src_i[b].at[r]],
                                 rows_v[b].at[pl.ds(r * 128, 128)], gsem[b])
                pltpu.async_copy(asrc_hbm.at[src_i[b].at[r]],
                                 asv_v[b].at[pl.ds(r * 128, 128)], gsem[b])
                pltpu.async_copy(adst_hbm.at[dst_i[b].at[r]],
                                 adv_v[b].at[pl.ds(r * 128, 128)], gsem[b])

        def drain_gathers(b):
            for r in range(sub):
                pltpu.make_async_copy(
                    tab_hbm.at[src_i[b].at[r]],
                    rows_v[b].at[pl.ds(r * 128, 128)], gsem[b]).wait()
                pltpu.make_async_copy(
                    asrc_hbm.at[src_i[b].at[r]],
                    asv_v[b].at[pl.ds(r * 128, 128)], gsem[b]).wait()
                pltpu.make_async_copy(
                    adst_hbm.at[dst_i[b].at[r]],
                    adv_v[b].at[pl.ds(r * 128, 128)], gsem[b]).wait()

        def drain_scatter(b):
            for r in range(sub):
                pltpu.make_async_copy(
                    rows_v[b].at[pl.ds(r * 128, 128)],
                    acc_sh.at[dst_i[b].at[r]], ssem[b]).wait()

        def compute_and_scatter(b):
            @plsc.parallel_loop(0, sub * 8, unroll=4,
                                carry=jnp.zeros((_LANES,), jnp.float32))
            def ewc(g, acc):
                sl = pl.ds(g * _LANES, _LANES)
                al = asv_v[b][sl] + adv_v[b][sl] + cv * ew_v[b][sl]
                al = jnp.where(al > 0.0, al, 0.2 * al)
                ex_v[sl] = jnp.exp(al - mv)
                return acc + ew_v[b][sl]

            ewacc_v[...] += ewc

            @plsc.parallel_loop(0, c_edges, unroll=16)
            def _(ei):
                exw = ex_v[pl.ds(ei, _LANES)]
                exb = jnp.full((_LANES,), exw[0], jnp.float32)
                rows_v[b][ei] = rows_v[b][ei] * exb

            for r in range(sub):
                pltpu.async_copy(rows_v[b].at[pl.ds(r * 128, 128)],
                                 acc_sh.at[dst_i[b].at[r]], ssem[b], add=True)

        fire_gathers(cbase, 0)

        def pair(g, carry):
            i0 = cbase + 2 * g

            @pl.when(g > 0)
            def _():
                drain_scatter(1)
            fire_gathers(i0 + 1, 1)
            drain_gathers(0)
            compute_and_scatter(0)

            drain_scatter(0)

            @pl.when(i0 + 2 < cend)
            def _():
                fire_gathers(i0 + 2, 0)
            drain_gathers(1)
            compute_and_scatter(1)
            return carry

        lax.fori_loop(0, pcnt, pair, 0)
        drain_scatter(1)

        plsc.subcore_barrier()
        r0 = sid * rows_per_sub
        pltpu.sync_copy(acc_sh.at[pl.ds(r0, rows_per_sub)],
                        part_hbm.at[cid, pl.ds(r0, rows_per_sub)])
        pltpu.sync_copy(ewacc_v, ewsum_hbm.at[wid])

    return body


def _fin_body(part_ref, tab_ref, scal_ref, selx_ref, selden_ref, selsrc_ref,
              seldst_ref, gb_ref, f1_ref, f1b_ref, f2_ref, f2b_ref, f3_ref,
              f3b_ref, emb_ref, z_ref):
    p = part_ref[0] + part_ref[1]
    selx = selx_ref[...]
    num = jnp.dot(p, selx, preferred_element_type=jnp.float32)
    den = jnp.dot(p, selden_ref[...], preferred_element_type=jnp.float32)
    t = tab_ref[...]
    x = jnp.dot(t, selx, preferred_element_type=jnp.float32)
    asrc = jnp.dot(t, selsrc_ref[...], preferred_element_type=jnp.float32)
    adst = jnp.dot(t, seldst_ref[...], preferred_element_type=jnp.float32)
    mval = scal_ref[0, 0]
    cval = scal_ref[0, 1]
    mea = scal_ref[0, 2]
    al = asrc + adst + cval * mea
    al = jnp.where(al > 0.0, al, 0.2 * al)
    exl = jnp.exp(al - mval)
    num = num + exl * x
    den = den + exl
    gat = num / (den + 1e-16) + gb_ref[...]
    emb_ref[...] = jnp.maximum(gat, 0.0)
    z = jnp.maximum(
        jnp.dot(gat, f1_ref[...], preferred_element_type=jnp.float32)
        + f1b_ref[...], 0.0)
    z = jnp.maximum(
        jnp.dot(z, f2_ref[...], preferred_element_type=jnp.float32)
        + f2b_ref[...], 0.0)
    z_ref[...] = (jnp.dot(z, f3_ref[...], preferred_element_type=jnp.float32)
                  + f3b_ref[...])


def kernel(h, edge_index, edge_weight, gamma, beta, W, att_src, att_dst,
           W_edge, att_edge, gat_bias, fc1_W, fc1_b, fc2_W, fc2_b, fc3_W,
           fc3_b):
    n, f = h.shape
    e = edge_index.shape[1]
    br = 2000
    nb = n // br

    s1, s2 = pl.pallas_call(
        _stats_body,
        grid=(nb,),
        in_specs=[pl.BlockSpec((br, f), lambda i: (i, 0))],
        out_specs=[pl.BlockSpec((1, f), lambda i: (0, 0)),
                   pl.BlockSpec((1, f), lambda i: (0, 0))],
        out_shape=[jax.ShapeDtypeStruct((1, f), jnp.float32),
                   jax.ShapeDtypeStruct((1, f), jnp.float32)],
        scratch_shapes=[pltpu.VMEM((1, f), jnp.float32),
                        pltpu.VMEM((1, f), jnp.float32)],
    )(h)
    mean = s1[0] / n
    var = s2[0] / n - mean * mean

    scale = gamma * lax.rsqrt(var + 1e-5)
    b0 = beta - mean * scale
    wp = scale[:, None] * W
    bp = b0 @ W
    wsrc = wp @ att_src
    bsrc = bp @ att_src
    wdst = wp @ att_dst
    bdst = bp @ att_dst
    c = W_edge[0] @ att_edge

    p = jnp.zeros((f, 16), jnp.float32)
    p = p.at[:, 0:10].set(wp).at[:, 10].set(wsrc).at[:, 12].set(wdst)
    brow = jnp.zeros((1, 16), jnp.float32)
    brow = (brow.at[0, 0:10].set(bp).at[0, 10].set(bsrc)
            .at[0, 11].set(1.0).at[0, 12].set(bdst))

    tab, asrc_o, adst_o = pl.pallas_call(
        _proj_body,
        grid=(nb,),
        in_specs=[pl.BlockSpec((br, f), lambda i: (i, 0)),
                  pl.BlockSpec((f, 16), lambda i: (0, 0)),
                  pl.BlockSpec((1, 16), lambda i: (0, 0)),
                  pl.BlockSpec((f, 1), lambda i: (0, 0)),
                  pl.BlockSpec((f, 1), lambda i: (0, 0)),
                  pl.BlockSpec(memory_space=pltpu.SMEM)],
        out_specs=[pl.BlockSpec((br, 16), lambda i: (i, 0)),
                   pl.BlockSpec((br, 1), lambda i: (i, 0)),
                   pl.BlockSpec((br, 1), lambda i: (i, 0))],
        out_shape=[jax.ShapeDtypeStruct((n, 16), jnp.float32),
                   jax.ShapeDtypeStruct((n, 1), jnp.float32),
                   jax.ShapeDtypeStruct((n, 1), jnp.float32)],
    )(h, p, brow, wsrc[:, None], wdst[:, None],
      jnp.stack([bsrc, bdst]).reshape(1, 2))

    ms = jnp.max(asrc_o)
    md = jnp.max(adst_o)
    mval = jnp.maximum(ms + md + jnp.maximum(c, 0.0), 0.0)

    sub = 5
    c_edges = sub * 128
    total_pairs = e // (2 * c_edges)

    src2d = edge_index[0].reshape(-1, 128)
    dst2d = edge_index[1].reshape(-1, 128)
    ew1d = edge_weight.reshape(e)
    asrc1d = asrc_o.reshape(n)
    adst1d = adst_o.reshape(n)

    n_acc = -(-(n + 1) // (_NS * 8)) * (_NS * 8)
    rows_per_sub = n_acc // _NS
    zer = jnp.zeros((rows_per_sub, 16), jnp.float32)
    scal_sc = jnp.stack([jnp.full((16,), mval), jnp.full((16,), c)])

    edge_fn = pl.kernel(
        _make_edge_body(n_acc, rows_per_sub, total_pairs, sub),
        out_type=[jax.ShapeDtypeStruct((_NC, n_acc, 16), jnp.float32),
                  jax.ShapeDtypeStruct((_NW, 16), jnp.float32)],
        mesh=plsc.VectorSubcoreMesh(core_axis_name="c", subcore_axis_name="s"),
        compiler_params=pltpu.CompilerParams(use_tc_tiling_on_sc=False),
        scratch_types=[
            pltpu.VMEM((sub, 128), jnp.int32),
            pltpu.VMEM((sub, 128), jnp.int32),
            pltpu.VMEM((sub, 128), jnp.int32),
            pltpu.VMEM((sub, 128), jnp.int32),
            pltpu.VMEM((c_edges,), jnp.float32),
            pltpu.VMEM((c_edges,), jnp.float32),
            pltpu.VMEM((c_edges, 16), jnp.float32),
            pltpu.VMEM((c_edges, 16), jnp.float32),
            pltpu.VMEM((c_edges,), jnp.float32),
            pltpu.VMEM((c_edges,), jnp.float32),
            pltpu.VMEM((c_edges,), jnp.float32),
            pltpu.VMEM((c_edges,), jnp.float32),
            pltpu.VMEM((c_edges + 16,), jnp.float32),
            pltpu.VMEM((2, 16), jnp.float32),
            pltpu.VMEM((16,), jnp.float32),
            pltpu.VMEM_SHARED((n_acc, 16), jnp.float32),
            pltpu.SemaphoreType.DMA,
            pltpu.SemaphoreType.DMA,
            pltpu.SemaphoreType.DMA,
            pltpu.SemaphoreType.DMA,
        ],
    )
    part, ewsum = edge_fn(tab, asrc1d, adst1d, src2d, dst2d, ew1d,
                          scal_sc, zer)

    mea = jnp.sum(ewsum) / e
    scal_d = jnp.zeros((1, 8), jnp.float32)
    scal_d = scal_d.at[0, 0].set(mval).at[0, 1].set(c).at[0, 2].set(mea)

    selx = jnp.zeros((16, 10), jnp.float32).at[0:10, 0:10].set(jnp.eye(10))
    selden = jnp.zeros((16, 1), jnp.float32).at[11, 0].set(1.0)
    selsrc = jnp.zeros((16, 1), jnp.float32).at[10, 0].set(1.0)
    seldst = jnp.zeros((16, 1), jnp.float32).at[12, 0].set(1.0)

    emb, z = pl.pallas_call(
        _fin_body,
        grid=(nb,),
        in_specs=[pl.BlockSpec((_NC, br, 16), lambda i: (0, i, 0)),
                  pl.BlockSpec((br, 16), lambda i: (i, 0)),
                  pl.BlockSpec(memory_space=pltpu.SMEM),
                  pl.BlockSpec((16, 10), lambda i: (0, 0)),
                  pl.BlockSpec((16, 1), lambda i: (0, 0)),
                  pl.BlockSpec((16, 1), lambda i: (0, 0)),
                  pl.BlockSpec((16, 1), lambda i: (0, 0)),
                  pl.BlockSpec((1, 10), lambda i: (0, 0)),
                  pl.BlockSpec((10, 10), lambda i: (0, 0)),
                  pl.BlockSpec((1, 10), lambda i: (0, 0)),
                  pl.BlockSpec((10, 10), lambda i: (0, 0)),
                  pl.BlockSpec((1, 10), lambda i: (0, 0)),
                  pl.BlockSpec((10, 10), lambda i: (0, 0)),
                  pl.BlockSpec((1, 10), lambda i: (0, 0))],
        out_specs=[pl.BlockSpec((br, 10), lambda i: (i, 0)),
                   pl.BlockSpec((br, 10), lambda i: (i, 0))],
        out_shape=[jax.ShapeDtypeStruct((n, 10), jnp.float32),
                   jax.ShapeDtypeStruct((n, 10), jnp.float32)],
    )(part, tab, scal_d, selx, selden, selsrc, seldst,
      gat_bias.reshape(1, 10), fc1_W, fc1_b.reshape(1, 10), fc2_W,
      fc2_b.reshape(1, 10), fc3_W, fc3_b.reshape(1, 10))

    return (emb, z)

# --- scband reference (transcript-rebuilt; emitter-appended) ---
"""Pipeline reference for scband-attn-gcn-81767587381711 (READ-ONLY COPY).

The authoritative reference and input builder live on the scoring server;
editing this copy changes nothing except your own understanding.
"""

import jax, jax.numpy as jnp
import numpy as np

N = 100000
E = 3200000

def setup_inputs(seed: int = 0) -> dict:
    key = jax.random.key(seed)
    ks = jax.random.split(key, 20)
    h = jax.random.normal(ks[0], (N, 20), dtype=jnp.float32)
    edge_index = jax.random.randint(ks[1], (2, E), 0, N, dtype=jnp.int32)
    edge_weight = jax.random.uniform(ks[2], (E, 1), dtype=jnp.float32)
    # BatchNorm1d(20) params
    gamma = jnp.ones((20,), dtype=jnp.float32)
    beta = jnp.zeros((20,), dtype=jnp.float32)
    # GATConv(20 -> 10, heads=1, edge_dim=1) params
    W = 0.1 * jax.random.normal(ks[3], (20, 10), dtype=jnp.float32)
    att_src = 0.1 * jax.random.normal(ks[4], (10,), dtype=jnp.float32)
    att_dst = 0.1 * jax.random.normal(ks[5], (10,), dtype=jnp.float32)
    W_edge = 0.1 * jax.random.normal(ks[6], (1, 10), dtype=jnp.float32)
    att_edge = 0.1 * jax.random.normal(ks[7], (10,), dtype=jnp.float32)
    gat_bias = jnp.zeros((10,), dtype=jnp.float32)
    # fc layers 10->10
    fc1_W = 0.1 * jax.random.normal(ks[8], (10, 10), dtype=jnp.float32)
    fc1_b = jnp.zeros((10,), dtype=jnp.float32)
    fc2_W = 0.1 * jax.random.normal(ks[9], (10, 10), dtype=jnp.float32)
    fc2_b = jnp.zeros((10,), dtype=jnp.float32)
    fc3_W = 0.1 * jax.random.normal(ks[10], (10, 10), dtype=jnp.float32)
    fc3_b = jnp.zeros((10,), dtype=jnp.float32)
    return {"h": h, "edge_index": edge_index, "edge_weight": edge_weight,
            "gamma": gamma, "beta": beta, "W": W, "att_src": att_src,
            "att_dst": att_dst, "W_edge": W_edge, "att_edge": att_edge,
            "gat_bias": gat_bias, "fc1_W": fc1_W, "fc1_b": fc1_b,
            "fc2_W": fc2_W, "fc2_b": fc2_b, "fc3_W": fc3_W, "fc3_b": fc3_b}


def reference(h, edge_index, edge_weight, gamma, beta, W, att_src, att_dst,
              W_edge, att_edge, gat_bias, fc1_W, fc1_b, fc2_W, fc2_b, fc3_W, fc3_b):
    n = h.shape[0]
    # BatchNorm1d (training mode: batch statistics, biased variance)
    mean = jnp.mean(h, axis=0)
    var = jnp.var(h, axis=0)
    hn = (h - mean) / jnp.sqrt(var + 1e-5) * gamma + beta
    # GATConv: linear projection
    x = hn @ W  # [N, 10]
    # add self loops; edge_attr for loops = mean of edge_attr (PyG fill_value='mean')
    loop = jnp.arange(n, dtype=edge_index.dtype)
    src = jnp.concatenate([edge_index[0], loop])
    dst = jnp.concatenate([edge_index[1], loop])
    mean_ea = jnp.mean(edge_weight, axis=0, keepdims=True)
    ea = jnp.concatenate([edge_weight, jnp.broadcast_to(mean_ea, (n, edge_weight.shape[1]))], axis=0)
    # attention logits
    a_src = x @ att_src  # [N]
    a_dst = x @ att_dst  # [N]
    e_feat = ea @ W_edge  # [E+N, 10]
    a_e = e_feat @ att_edge  # [E+N]
    alpha = a_src[src] + a_dst[dst] + a_e
    alpha = jnp.where(alpha > 0, alpha, 0.2 * alpha)  # LeakyReLU(0.2)
    # softmax over incoming edges per dst node
    amax = jax.lax.stop_gradient(jax.ops.segment_max(alpha, dst, num_segments=n))
    amax = jnp.where(jnp.isfinite(amax), amax, 0.0)
    ex = jnp.exp(alpha - amax[dst])
    denom = jax.ops.segment_sum(ex, dst, num_segments=n)
    coef = ex / (denom[dst] + 1e-16)
    gat_out = jax.ops.segment_sum(coef[:, None] * x[src], dst, num_segments=n) + gat_bias
    embeddings = jax.nn.relu(gat_out)
    z = jax.nn.relu(gat_out @ fc1_W + fc1_b)
    z = jax.nn.relu(z @ fc2_W + fc2_b)
    z = z @ fc3_W + fc3_b
    return (embeddings, z)

if __name__ == "__main__":
    import jax
    _d = setup_inputs()
    print(jax.jit(kernel)(*tuple(_d.values())))

</pallas_src>

<mosaic_0001>
#map = affine_map<(d0, d1) -> (0, 0)>
#map1 = affine_map<(d0, d1) -> (0)>
#map2 = affine_map<(d0, d1) -> (0, 0, 0)>
module attributes {stable_mosaic.version = 14 : i64} {
  func.func @body(%arg0: i32, %arg1: i32, %arg2: memref<100000x16xf32, #tpu.memory_space<hbm>>, %arg3: memref<100000xf32, #tpu.memory_space<hbm>>, %arg4: memref<100000xf32, #tpu.memory_space<hbm>>, %arg5: memref<25000x128xi32, #tpu.memory_space<hbm>>, %arg6: memref<25000x128xi32, #tpu.memory_space<hbm>>, %arg7: memref<3200000xf32, #tpu.memory_space<hbm>>, %arg8: memref<2x16xf32, #tpu.memory_space<hbm>>, %arg9: memref<6256x16xf32, #tpu.memory_space<hbm>>, %arg10: memref<2x100096x16xf32, #tpu.memory_space<hbm>>, %arg11: memref<32x16xf32, #tpu.memory_space<hbm>>, %arg12: memref<5x128xi32, #tpu.memory_space<vmem>>, %arg13: memref<5x128xi32, #tpu.memory_space<vmem>>, %arg14: memref<5x128xi32, #tpu.memory_space<vmem>>, %arg15: memref<5x128xi32, #tpu.memory_space<vmem>>, %arg16: memref<640xf32, #tpu.memory_space<vmem>>, %arg17: memref<640xf32, #tpu.memory_space<vmem>>, %arg18: memref<640x16xf32, #tpu.memory_space<vmem>>, %arg19: memref<640x16xf32, #tpu.memory_space<vmem>>, %arg20: memref<640xf32, #tpu.memory_space<vmem>>, %arg21: memref<640xf32, #tpu.memory_space<vmem>>, %arg22: memref<640xf32, #tpu.memory_space<vmem>>, %arg23: memref<640xf32, #tpu.memory_space<vmem>>, %arg24: memref<656xf32, #tpu.memory_space<vmem>>, %arg25: memref<2x16xf32, #tpu.memory_space<vmem>>, %arg26: memref<16xf32, #tpu.memory_space<vmem>>, %arg27: memref<100096x16xf32, #tpu.memory_space<vmem_shared>>, %arg28: memref<!tpu.dma_semaphore, #tpu.memory_space<semaphore_mem>>, %arg29: memref<!tpu.dma_semaphore, #tpu.memory_space<semaphore_mem>>, %arg30: memref<!tpu.dma_semaphore, #tpu.memory_space<semaphore_mem>>, %arg31: memref<!tpu.dma_semaphore, #tpu.memory_space<semaphore_mem>>) attributes {dimension_semantics = [#tpu.dimension_semantics<core_parallel>, #tpu.dimension_semantics<subcore_parallel>], iteration_bounds = array<i64: 2, 16>, scalar_prefetch = 0 : i64, scratch_operands = 20 : i64, tpu.core_type = #tpu.core_type<sc_vector_subcore>, window_params = [{transform_indices = #map}, {transform_indices = #map1}, {transform_indices = #map1}, {transform_indices = #map}, {transform_indices = #map}, {transform_indices = #map1}, {transform_indices = #map}, {transform_indices = #map}, {transform_indices = #map2}, {transform_indices = #map}]} {
    %mul3A = arith.constant 2 : i32
    %mul3A_0 = arith.muli %arg1, %mul3A : i32
    %add3A = arith.addi %mul3A_0, %arg0 : i32
    %mul3A_1 = arith.constant 6256 : i32
    %mul3A_2 = arith.muli %arg1, %mul3A_1 : i32
    "tpu.region"() ({
      %run_scoped3A = tpu.sem_alloc : memref<!tpu.dma_semaphore, #tpu.memory_space<semaphore_mem>>
      %dma_start3A_223 = arith.constant 0 : i32
      %dma_start3A_224 = tpu.memref_slice %arg27[%mul3A_2, %dma_start3A_223] : memref<100096x16xf32, #tpu.memory_space<vmem_shared>> -> memref<6256x16xf32, #tpu.memory_space<vmem_shared>>
      tpu.enqueue_dma source(%arg9 : memref<6256x16xf32, #tpu.memory_space<hbm>>) target(%dma_start3A_224 : memref<6256x16xf32, #tpu.memory_space<vmem_shared>>) target_semaphore(%run_scoped3A : memref<!tpu.dma_semaphore, #tpu.memory_space<semaphore_mem>>)
      %dma_wait3A_225 = arith.constant 0 : i32
      %dma_wait3A_226 = tpu.memref_slice %arg27[%mul3A_2, %dma_wait3A_225] : memref<100096x16xf32, #tpu.memory_space<vmem_shared>> -> memref<6256x16xf32, #tpu.memory_space<vmem_shared>>
      tpu.wait_dma2 semaphore(%run_scoped3A : memref<!tpu.dma_semaphore, #tpu.memory_space<semaphore_mem>>) src(%arg9 : memref<6256x16xf32, #tpu.memory_space<hbm>>) dst(%dma_wait3A_226 : memref<6256x16xf32, #tpu.memory_space<vmem_shared>>)
      tpu.yield
    }) : () -> ()
    "tpu.region"() ({
      %run_scoped3A = tpu.sem_alloc : memref<!tpu.dma_semaphore, #tpu.memory_space<semaphore_mem>>
      tpu.enqueue_dma source(%arg8 : memref<2x16xf32, #tpu.memory_space<hbm>>) target(%arg25 : memref<2x16xf32, #tpu.memory_space<vmem>>) target_semaphore(%run_scoped3A : memref<!tpu.dma_semaphore, #tpu.memory_space<semaphore_mem>>)
      tpu.wait_dma2 semaphore(%run_scoped3A : memref<!tpu.dma_semaphore, #tpu.memory_space<semaphore_mem>>) src(%arg8 : memref<2x16xf32, #tpu.memory_space<hbm>>) dst(%arg25 : memref<2x16xf32, #tpu.memory_space<vmem>>)
      tpu.yield
    }) : () -> ()
    %broadcast_in_dim3A = arith.constant 0.000000e+00 : f32
    %broadcast_in_dim3A_3 = vector.broadcast %broadcast_in_dim3A : f32 to vector<16xf32>
    %swap3A = arith.constant 0 : index
    %swap3A_4 = tpu.vector_load %arg26[%swap3A] {strides = array<i32>} : memref<16xf32, #tpu.memory_space<vmem>>, vector<16xf32>,
    %swap3A_5 = vector.shape_cast %swap3A_4 : vector<16xf32> to vector<16xf32>
    %swap3A_6 = vector.shape_cast %broadcast_in_dim3A_3 : vector<16xf32> to vector<16xf32>
    tpu.vector_store %arg26[%swap3A], %swap3A_6 {strides = array<i32>} : memref<16xf32, #tpu.memory_space<vmem>>, vector<16xf32>,
    %barrier3A = arith.constant 0 : index
    tpu.barrier barrier_id(%barrier3A)
    %get3A = arith.constant 0 : i32
    %get3A_7 = arith.index_cast %get3A : i32 to index
    %get3A_8 = arith.constant 0 : index
    %get3A_9 = tpu.vector_load %arg25[%get3A_7, %get3A_8] {strides = array<i32>} : memref<2x16xf32, #tpu.memory_space<vmem>>, vector<1x16xf32>,
    %get3A_10 = vector.shape_cast %get3A_9 : vector<1x16xf32> to vector<16xf32>
    %get3A_11 = arith.constant 1 : i32
    %get3A_12 = arith.index_cast %get3A_11 : i32 to index
    %get3A_13 = arith.constant 0 : index
    %get3A_14 = tpu.vector_load %arg25[%get3A_12, %get3A_13] {strides = array<i32>} : memref<2x16xf32, #tpu.memory_space<vmem>>, vector<1x16xf32>,
    %get3A_15 = vector.shape_cast %get3A_14 : vector<1x16xf32> to vector<16xf32>
    %mul3A_16 = arith.constant 78 : i32
    %mul3A_17 = arith.muli %add3A, %mul3A_16 : i32
    %min3A = arith.constant 4 : i32
    %min3A_18 = arith.minsi %add3A, %min3A : i32
    %add3A_19 = arith.addi %mul3A_17, %min3A_18 : i32
    %lt3A = arith.constant 4 : i32
    %lt3A_20 = arith.cmpi slt, %add3A, %lt3A : i32
    %jit3A = arith.constant 1 : i32
    %jit3A_21 = arith.constant 0 : i32
    %select_n3A = arith.select %lt3A_20, %jit3A, %jit3A_21 : i32
    %add3A_22 = arith.constant 78 : i32
    %add3A_23 = arith.addi %add3A_22, %select_n3A : i32
    %mul3A_24 = arith.constant 2 : i32
    %mul3A_25 = arith.muli %mul3A_24, %add3A_19 : i32
    %mul3A_26 = arith.constant 2 : i32
    %mul3A_27 = arith.muli %mul3A_26, %add3A_23 : i32
    %add3A_28 = arith.addi %mul3A_25, %mul3A_27 : i32
    %mul3A_29 = arith.constant 5 : i32
    %mul3A_30 = arith.muli %mul3A_25, %mul3A_29 : i32
    %mul3A_31 = arith.constant 640 : i32
    %mul3A_32 = arith.muli %mul3A_25, %mul3A_31 : i32
    "tpu.region"() ({
      %run_scoped3A = tpu.sem_alloc : memref<!tpu.dma_semaphore, #tpu.memory_space<semaphore_mem>>
      %dma_start3A_223 = arith.constant 0 : i32
      %dma_start3A_224 = tpu.memref_slice %arg5[%mul3A_30, %dma_start3A_223] : memref<25000x128xi32, #tpu.memory_space<hbm>> -> memref<5x128xi32, #tpu.memory_space<hbm>>
      %dma_start3A_225 = arith.constant 0 : i32
      %dma_start3A_226 = tpu.memref_slice %arg5[%mul3A_30, %dma_start3A_225] : memref<25000x128xi32, #tpu.memory_space<hbm>> -> memref<5x128xi32, #tpu.memory_space<hbm>>
      tpu.enqueue_dma source(%dma_start3A_226 : memref<5x128xi32, #tpu.memory_space<hbm>>) target(%arg12 : memref<5x128xi32, #tpu.memory_space<vmem>>) target_semaphore(%run_scoped3A : memref<!tpu.dma_semaphore, #tpu.memory_space<semaphore_mem>>)
      %dma_wait3A_227 = arith.constant 0 : i32
      %dma_wait3A_228 = tpu.memref_slice %arg5[%mul3A_30, %dma_wait3A_227] : memref<25000x128xi32, #tpu.memory_space<hbm>> -> memref<5x128xi32, #tpu.memory_space<hbm>>
      %dma_wait3A_229 = arith.constant 0 : i32
      %dma_wait3A_230 = tpu.memref_slice %arg5[%mul3A_30, %dma_wait3A_229] : memref<25000x128xi32, #tpu.memory_space<hbm>> -> memref<5x128xi32, #tpu.memory_space<hbm>>
      tpu.wait_dma2 semaphore(%run_scoped3A : memref<!tpu.dma_semaphore, #tpu.memory_space<semaphore_mem>>) src(%dma_wait3A_230 : memref<5x128xi32, #tpu.memory_space<hbm>>) dst(%arg12 : memref<5x128xi32, #tpu.memory_space<vmem>>)
      tpu.yield
    }) : () -> ()
    "tpu.region"() ({
      %run_scoped3A = tpu.sem_alloc : memref<!tpu.dma_semaphore, #tpu.memory_space<semaphore_mem>>
      %dma_start3A_223 = arith.constant 0 : i32
      %dma_start3A_224 = tpu.memref_slice %arg6[%mul3A_30, %dma_start3A_223] : memref<25000x128xi32, #tpu.memory_space<hbm>> -> memref<5x128xi32, #tpu.memory_space<hbm>>
      %dma_start3A_225 = arith.constant 0 : i32
      %dma_start3A_226 = tpu.memref_slice %arg6[%mul3A_30, %dma_start3A_225] : memref<25000x128xi32, #tpu.memory_space<hbm>> -> memref<5x128xi32, #tpu.memory_space<hbm>>
      tpu.enqueue_dma source(%dma_start3A_226 : memref<5x128xi32, #tpu.memory_space<hbm>>) target(%arg14 : memref<5x128xi32, #tpu.memory_space<vmem>>) target_semaphore(%run_scoped3A : memref<!tpu.dma_semaphore, #tpu.memory_space<semaphore_mem>>)
      %dma_wait3A_227 = arith.constant 0 : i32
      %dma_wait3A_228 = tpu.memref_slice %arg6[%mul3A_30, %dma_wait3A_227] : memref<25000x128xi32, #tpu.memory_space<hbm>> -> memref<5x128xi32, #tpu.memory_space<hbm>>
      %dma_wait3A_229 = arith.constant 0 : i32
      %dma_wait3A_230 = tpu.memref_slice %arg6[%mul3A_30, %dma_wait3A_229] : memref<25000x128xi32, #tpu.memory_space<hbm>> -> memref<5x128xi32, #tpu.memory_space<hbm>>
      tpu.wait_dma2 semaphore(%run_scoped3A : memref<!tpu.dma_semaphore, #tpu.memory_space<semaphore_mem>>) src(%dma_wait3A_230 : memref<5x128xi32, #tpu.memory_space<hbm>>) dst(%arg14 : memref<5x128xi32, #tpu.memory_space<vmem>>)
      tpu.yield
    }) : () -> ()
    "tpu.region"() ({
      %run_scoped3A = tpu.sem_alloc : memref<!tpu.dma_semaphore, #tpu.memory_space<semaphore_mem>>
      %dma_start3A_223 = tpu.memref_slice %arg7[%mul3A_32] : memref<3200000xf32, #tpu.memory_space<hbm>> -> memref<640xf32, #tpu.memory_space<hbm>>
      %dma_start3A_224 = tpu.memref_slice %arg7[%mul3A_32] : memref<3200000xf32, #tpu.memory_space<hbm>> -> memref<640xf32, #tpu.memory_space<hbm>>
      tpu.enqueue_dma source(%dma_start3A_224 : memref<640xf32, #tpu.memory_space<hbm>>) target(%arg16 : memref<640xf32, #tpu.memory_space<vmem>>) target_semaphore(%run_scoped3A : memref<!tpu.dma_semaphore, #tpu.memory_space<semaphore_mem>>)
      %dma_wait3A_225 = tpu.memref_slice %arg7[%mul3A_32] : memref<3200000xf32, #tpu.memory_space<hbm>> -> memref<640xf32, #tpu.memory_space<hbm>>
      %dma_wait3A_226 = tpu.memref_slice %arg7[%mul3A_32] : memref<3200000xf32, #tpu.memory_space<hbm>> -> memref<640xf32, #tpu.memory_space<hbm>>
      tpu.wait_dma2 semaphore(%run_scoped3A : memref<!tpu.dma_semaphore, #tpu.memory_space<semaphore_mem>>) src(%dma_wait3A_226 : memref<640xf32, #tpu.memory_space<hbm>>) dst(%arg16 : memref<640xf32, #tpu.memory_space<vmem>>)
      tpu.yield
    }) : () -> ()
    %dma_start3A = arith.constant 0 : i32
    %dma_start3A_33 = arith.constant 0 : i32
    %dma_start3A_34 = arith.constant 0 : i32
    %dma_start3A_35 = tpu.memref_slice %arg18[%dma_start3A_33, %dma_start3A_34] : memref<640x16xf32, #tpu.memory_space<vmem>> -> memref<128x16xf32, #tpu.memory_space<vmem>>
    %dma_start3A_36 = arith.constant 0 : i32
    %dma_start3A_37 = tpu.memref_slice %arg12[%dma_start3A, %dma_start3A_36] : memref<5x128xi32, #tpu.memory_space<vmem>> -> memref<1x128xi32, #tpu.memory_space<vmem>>
    %dma_start3A_38 = tpu.memref_squeeze %dma_start3A_37 : memref<1x128xi32, #tpu.memory_space<vmem>> -> memref<128xi32, #tpu.memory_space<vmem>>
    %dma_start3A_39 = arith.constant 0 : i32
    %dma_start3A_40 = arith.constant 0 : i32
    %dma_start3A_41 = tpu.memref_slice %arg2[%dma_start3A_39, %dma_start3A_40] : memref<100000x16xf32, #tpu.memory_space<hbm>> -> memref<100000x16xf32, #tpu.memory_space<hbm>>
    tpu.enqueue_indirect_dma source(%dma_start3A_41 : memref<100000x16xf32, #tpu.memory_space<hbm>>) target(%dma_start3A_35 : memref<128x16xf32, #tpu.memory_space<vmem>>) offsets(%dma_start3A_38 : memref<128xi32, #tpu.memory_space<vmem>>) semaphore(%arg28 : memref<!tpu.dma_semaphore, #tpu.memory_space<semaphore_mem>>)
    %dma_start3A_42 = arith.constant 0 : i32
    %dma_start3A_43 = arith.constant 0 : i32
    %dma_start3A_44 = tpu.memref_slice %arg20[%dma_start3A_43] : memref<640xf32, #tpu.memory_space<vmem>> -> memref<128xf32, #tpu.memory_space<vmem>>
    %dma_start3A_45 = arith.constant 0 : i32
    %dma_start3A_46 = tpu.memref_slice %arg12[%dma_start3A_42, %dma_start3A_45] : memref<5x128xi32, #tpu.memory_space<vmem>> -> memref<1x128xi32, #tpu.memory_space<vmem>>
    %dma_start3A_47 = tpu.memref_squeeze %dma_start3A_46 : memref<1x128xi32, #tpu.memory_space<vmem>> -> memref<128xi32, #tpu.memory_space<vmem>>
    %dma_start3A_48 = arith.constant 0 : i32
    %dma_start3A_49 = tpu.memref_slice %arg3[%dma_start3A_48] : memref<100000xf32, #tpu.memory_space<hbm>> -> memref<100000xf32, #tpu.memory_space<hbm>>
    tpu.enqueue_indirect_dma source(%dma_start3A_49 : memref<100000xf32, #tpu.memory_space<hbm>>) target(%dma_start3A_44 : memref<128xf32, #tpu.memory_space<vmem>>) offsets(%dma_start3A_47 : memref<128xi32, #tpu.memory_space<vmem>>) semaphore(%arg28 : memref<!tpu.dma_semaphore, #tpu.memory_space<semaphore_mem>>)
    %dma_start3A_50 = arith.constant 0 : i32
    %dma_start3A_51 = arith.constant 0 : i32
    %dma_start3A_52 = tpu.memref_slice %arg22[%dma_start3A_51] : memref<640xf32, #tpu.memory_space<vmem>> -> memref<128xf32, #tpu.memory_space<vmem>>
    %dma_start3A_53 = arith.constant 0 : i32
    %dma_start3A_54 = tpu.memref_slice %arg14[%dma_start3A_50, %dma_start3A_53] : memref<5x128xi32, #tpu.memory_space<vmem>> -> memref<1x128xi32, #tpu.memory_space<vmem>>
    %dma_start3A_55 = tpu.memref_squeeze %dma_start3A_54 : memref<1x128xi32, #tpu.memory_space<vmem>> -> memref<128xi32, #tpu.memory_space<vmem>>
    %dma_start3A_56 = arith.constant 0 : i32
    %dma_start3A_57 = tpu.memref_slice %arg4[%dma_start3A_56] : memref<100000xf32, #tpu.memory_space<hbm>> -> memref<100000xf32, #tpu.memory_space<hbm>>
    tpu.enqueue_indirect_dma source(%dma_start3A_57 : memref<100000xf32, #tpu.memory_space<hbm>>) target(%dma_start3A_52 : memref<128xf32, #tpu.memory_space<vmem>>) offsets(%dma_start3A_55 : memref<128xi32, #tpu.memory_space<vmem>>) semaphore(%arg28 : memref<!tpu.dma_semaphore, #tpu.memory_space<semaphore_mem>>)
    %dma_start3A_58 = arith.constant 1 : i32
    %dma_start3A_59 = arith.constant 128 : i32
    %dma_start3A_60 = arith.constant 0 : i32
    %dma_start3A_61 = tpu.memref_slice %arg18[%dma_start3A_59, %dma_start3A_60] : memref<640x16xf32, #tpu.memory_space<vmem>> -> memref<128x16xf32, #tpu.memory_space<vmem>>
    %dma_start3A_62 = arith.constant 0 : i32
    %dma_start3A_63 = tpu.memref_slice %arg12[%dma_start3A_58, %dma_start3A_62] : memref<5x128xi32, #tpu.memory_space<vmem>> -> memref<1x128xi32, #tpu.memory_space<vmem>>
    %dma_start3A_64 = tpu.memref_squeeze %dma_start3A_63 : memref<1x128xi32, #tpu.memory_space<vmem>> -> memref<128xi32, #tpu.memory_space<vmem>>
    %dma_start3A_65 = arith.constant 0 : i32
    %dma_start3A_66 = arith.constant 0 : i32
    %dma_start3A_67 = tpu.memref_slice %arg2[%dma_start3A_65, %dma_start3A_66] : memref<100000x16xf32, #tpu.memory_space<hbm>> -> memref<100000x16xf32, #tpu.memory_space<hbm>>
    tpu.enqueue_indirect_dma source(%dma_start3A_67 : memref<100000x16xf32, #tpu.memory_space<hbm>>) target(%dma_start3A_61 : memref<128x16xf32, #tpu.memory_space<vmem>>) offsets(%dma_start3A_64 : memref<128xi32, #tpu.memory_space<vmem>>) semaphore(%arg28 : memref<!tpu.dma_semaphore, #tpu.memory_space<semaphore_mem>>)
    %dma_start3A_68 = arith.constant 1 : i32
    %dma_start3A_69 = arith.constant 128 : i32
    %dma_start3A_70 = tpu.memref_slice %arg20[%dma_start3A_69] : memref<640xf32, #tpu.memory_space<vmem>> -> memref<128xf32, #tpu.memory_space<vmem>>
    %dma_start3A_71 = arith.constant 0 : i32
    %dma_start3A_72 = tpu.memref_slice %arg12[%dma_start3A_68, %dma_start3A_71] : memref<5x128xi32, #tpu.memory_space<vmem>> -> memref<1x128xi32, #tpu.memory_space<vmem>>
    %dma_start3A_73 = tpu.memref_squeeze %dma_start3A_72 : memref<1x128xi32, #tpu.memory_space<vmem>> -> memref<128xi32, #tpu.memory_space<vmem>>
    %dma_start3A_74 = arith.constant 0 : i32
    %dma_start3A_75 = tpu.memref_slice %arg3[%dma_start3A_74] : memref<100000xf32, #tpu.memory_space<hbm>> -> memref<100000xf32, #tpu.memory_space<hbm>>
    tpu.enqueue_indirect_dma source(%dma_start3A_75 : memref<100000xf32, #tpu.memory_space<hbm>>) target(%dma_start3A_70 : memref<128xf32, #tpu.memory_space<vmem>>) offsets(%dma_start3A_73 : memref<128xi32, #tpu.memory_space<vmem>>) semaphore(%arg28 : memref<!tpu.dma_semaphore, #tpu.memory_space<semaphore_mem>>)
    %dma_start3A_76 = arith.constant 1 : i32
    %dma_start3A_77 = arith.constant 128 : i32
    %dma_start3A_78 = tpu.memref_slice %arg22[%dma_start3A_77] : memref<640xf32, #tpu.memory_space<vmem>> -> memref<128xf32, #tpu.memory_space<vmem>>
    %dma_start3A_79 = arith.constant 0 : i32
    %dma_start3A_80 = tpu.memref_slice %arg14[%dma_start3A_76, %dma_start3A_79] : memref<5x128xi32, #tpu.memory_space<vmem>> -> memref<1x128xi32, #tpu.memory_space<vmem>>
    %dma_start3A_81 = tpu.memref_squeeze %dma_start3A_80 : memref<1x128xi32, #tpu.memory_space<vmem>> -> memref<128xi32, #tpu.memory_space<vmem>>
    %dma_start3A_82 = arith.constant 0 : i32
    %dma_start3A_83 = tpu.memref_slice %arg4[%dma_start3A_82] : memref<100000xf32, #tpu.memory_space<hbm>> -> memref<100000xf32, #tpu.memory_space<hbm>>
    tpu.enqueue_indirect_dma source(%dma_start3A_83 : memref<100000xf32, #tpu.memory_space<hbm>>) target(%dma_start3A_78 : memref<128xf32, #tpu.memory_space<vmem>>) offsets(%dma_start3A_81 : memref<128xi32, #tpu.memory_space<vmem>>) semaphore(%arg28 : memref<!tpu.dma_semaphore, #tpu.memory_space<semaphore_mem>>)
    %dma_start3A_84 = arith.constant 2 : i32
    %dma_start3A_85 = arith.constant 256 : i32
    %dma_start3A_86 = arith.constant 0 : i32
    %dma_start3A_87 = tpu.memref_slice %arg18[%dma_start3A_85, %dma_start3A_86] : memref<640x16xf32, #tpu.memory_space<vmem>> -> memref<128x16xf32, #tpu.memory_space<vmem>>
    %dma_start3A_88 = arith.constant 0 : i32
    %dma_start3A_89 = tpu.memref_slice %arg12[%dma_start3A_84, %dma_start3A_88] : memref<5x128xi32, #tpu.memory_space<vmem>> -> memref<1x128xi32, #tpu.memory_space<vmem>>
    %dma_start3A_90 = tpu.memref_squeeze %dma_start3A_89 : memref<1x128xi32, #tpu.memory_space<vmem>> -> memref<128xi32, #tpu.memory_space<vmem>>
    %dma_start3A_91 = arith.constant 0 : i32
    %dma_start3A_92 = arith.constant 0 : i32
    %dma_start3A_93 = tpu.memref_slice %arg2[%dma_start3A_91, %dma_start3A_92] : memref<100000x16xf32, #tpu.memory_space<hbm>> -> memref<100000x16xf32, #tpu.memory_space<hbm>>
    tpu.enqueue_indirect_dma source(%dma_start3A_93 : memref<100000x16xf32, #tpu.memory_space<hbm>>) target(%dma_start3A_87 : memref<128x16xf32, #tpu.memory_space<vmem>>) offsets(%dma_start3A_90 : memref<128xi32, #tpu.memory_space<vmem>>) semaphore(%arg28 : memref<!tpu.dma_semaphore, #tpu.memory_space<semaphore_mem>>)
    %dma_start3A_94 = arith.constant 2 : i32
    %dma_start3A_95 = arith.constant 256 : i32
    %dma_start3A_96 = tpu.memref_slice %arg20[%dma_start3A_95] : memref<640xf32, #tpu.memory_space<vmem>> -> memref<128xf32, #tpu.memory_space<vmem>>
    %dma_start3A_97 = arith.constant 0 : i32
    %dma_start3A_98 = tpu.memref_slice %arg12[%dma_start3A_94, %dma_start3A_97] : memref<5x128xi32, #tpu.memory_space<vmem>> -> memref<1x128xi32, #tpu.memory_space<vmem>>
    %dma_start3A_99 = tpu.memref_squeeze %dma_start3A_98 : memref<1x128xi32, #tpu.memory_space<vmem>> -> memref<128xi32, #tpu.memory_space<vmem>>
    %dma_start3A_100 = arith.constant 0 : i32
    %dma_start3A_101 = tpu.memref_slice %arg3[%dma_start3A_100] : memref<100000xf32, #tpu.memory_space<hbm>> -> memref<100000xf32, #tpu.memory_space<hbm>>
    tpu.enqueue_indirect_dma source(%dma_start3A_101 : memref<100000xf32, #tpu.memory_space<hbm>>) target(%dma_start3A_96 : memref<128xf32, #tpu.memory_space<vmem>>) offsets(%dma_start3A_99 : memref<128xi32, #tpu.memory_space<vmem>>) semaphore(%arg28 : memref<!tpu.dma_semaphore, #tpu.memory_space<semaphore_mem>>)
    %dma_start3A_102 = arith.constant 2 : i32
    %dma_start3A_103 = arith.constant 256 : i32
    %dma_start3A_104 = tpu.memref_slice %arg22[%dma_start3A_103] : memref<640xf32, #tpu.memory_space<vmem>> -> memref<128xf32, #tpu.memory_space<vmem>>
    %dma_start3A_105 = arith.constant 0 : i32
    %dma_start3A_106 = tpu.memref_slice %arg14[%dma_start3A_102, %dma_start3A_105] : memref<5x128xi32, #tpu.memory_space<vmem>> -> memref<1x128xi32, #tpu.memory_space<vmem>>
    %dma_start3A_107 = tpu.memref_squeeze %dma_start3A_106 : memref<1x128xi32, #tpu.memory_space<vmem>> -> memref<128xi32, #tpu.memory_space<vmem>>
    %dma_start3A_108 = arith.constant 0 : i32
    %dma_start3A_109 = tpu.memref_slice %arg4[%dma_start3A_108] : memref<100000xf32, #tpu.memory_space<hbm>> -> memref<100000xf32, #tpu.memory_space<hbm>>
    tpu.enqueue_indirect_dma source(%dma_start3A_109 : memref<100000xf32, #tpu.memory_space<hbm>>) target(%dma_start3A_104 : memref<128xf32, #tpu.memory_space<vmem>>) offsets(%dma_start3A_107 : memref<128xi32, #tpu.memory_space<vmem>>) semaphore(%arg28 : memref<!tpu.dma_semaphore, #tpu.memory_space<semaphore_mem>>)
    %dma_start3A_110 = arith.constant 3 : i32
    %dma_start3A_111 = arith.constant 384 : i32
    %dma_start3A_112 = arith.constant 0 : i32
    %dma_start3A_113 = tpu.memref_slice %arg18[%dma_start3A_111, %dma_start3A_112] : memref<640x16xf32, #tpu.memory_space<vmem>> -> memref<128x16xf32, #tpu.memory_space<vmem>>
    %dma_start3A_114 = arith.constant 0 : i32
    %dma_start3A_115 = tpu.memref_slice %arg12[%dma_start3A_110, %dma_start3A_114] : memref<5x128xi32, #tpu.memory_space<vmem>> -> memref<1x128xi32, #tpu.memory_space<vmem>>
    %dma_start3A_116 = tpu.memref_squeeze %dma_start3A_115 : memref<1x128xi32, #tpu.memory_space<vmem>> -> memref<128xi32, #tpu.memory_space<vmem>>
    %dma_start3A_117 = arith.constant 0 : i32
    %dma_start3A_118 = arith.constant 0 : i32
    %dma_start3A_119 = tpu.memref_slice %arg2[%dma_start3A_117, %dma_start3A_118] : memref<100000x16xf32, #tpu.memory_space<hbm>> -> memref<100000x16xf32, #tpu.memory_space<hbm>>
    tpu.enqueue_indirect_dma source(%dma_start3A_119 : memref<100000x16xf32, #tpu.memory_space<hbm>>) target(%dma_start3A_113 : memref<128x16xf32, #tpu.memory_space<vmem>>) offsets(%dma_start3A_116 : memref<128xi32, #tpu.memory_space<vmem>>) semaphore(%arg28 : memref<!tpu.dma_semaphore, #tpu.memory_space<semaphore_mem>>)
    %dma_start3A_120 = arith.constant 3 : i32
    %dma_start3A_121 = arith.constant 384 : i32
    %dma_start3A_122 = tpu.memref_slice %arg20[%dma_start3A_121] : memref<640xf32, #tpu.memory_space<vmem>> -> memref<128xf32, #tpu.memory_space<vmem>>
    %dma_start3A_123 = arith.constant 0 : i32
    %dma_start3A_124 = tpu.memref_slice %arg12[%dma_start3A_120, %dma_start3A_123] : memref<5x128xi32, #tpu.memory_space<vmem>> -> memref<1x128xi32, #tpu.memory_space<vmem>>
    %dma_start3A_125 = tpu.memref_squeeze %dma_start3A_124 : memref<1x128xi32, #tpu.memory_space<vmem>> -> memref<128xi32, #tpu.memory_space<vmem>>
    %dma_start3A_126 = arith.constant 0 : i32
    %dma_start3A_127 = tpu.memref_slice %arg3[%dma_start3A_126] : memref<100000xf32, #tpu.memory_space<hbm>> -> memref<100000xf32, #tpu.memory_space<hbm>>
    tpu.enqueue_indirect_dma source(%dma_start3A_127 : memref<100000xf32, #tpu.memory_space<hbm>>) target(%dma_start3A_122 : memref<128xf32, #tpu.memory_space<vmem>>) offsets(%dma_start3A_125 : memref<128xi32, #tpu.memory_space<vmem>>) semaphore(%arg28 : memref<!tpu.dma_semaphore, #tpu.memory_space<semaphore_mem>>)
    %dma_start3A_128 = arith.constant 3 : i32
    %dma_start3A_129 = arith.constant 384 : i32
    %dma_start3A_130 = tpu.memref_slice %arg22[%dma_start3A_129] : memref<640xf32, #tpu.memory_space<vmem>> -> memref<128xf32, #tpu.memory_space<vmem>>
    %dma_start3A_131 = arith.constant 0 : i32
    %dma_start3A_132 = tpu.memref_slice %arg14[%dma_start3A_128, %dma_start3A_131] : memref<5x128xi32, #tpu.memory_space<vmem>> -> memref<1x128xi32, #tpu.memory_space<vmem>>
    %dma_start3A_133 = tpu.memref_squeeze %dma_start3A_132 : memref<1x128xi32, #tpu.memory_space<vmem>> -> memref<128xi32, #tpu.memory_space<vmem>>
    %dma_start3A_134 = arith.constant 0 : i32
    %dma_start3A_135 = tpu.memref_slice %arg4[%dma_start3A_134] : memref<100000xf32, #tpu.memory_space<hbm>> -> memref<100000xf32, #tpu.memory_space<hbm>>
    tpu.enqueue_indirect_dma source(%dma_start3A_135 : memref<100000xf32, #tpu.memory_space<hbm>>) target(%dma_start3A_130 : memref<128xf32, #tpu.memory_space<vmem>>) offsets(%dma_start3A_133 : memref<128xi32, #tpu.memory_space<vmem>>) semaphore(%arg28 : memref<!tpu.dma_semaphore, #tpu.memory_space<semaphore_mem>>)
    %dma_start3A_136 = arith.constant 4 : i32
    %dma_start3A_137 = arith.constant 512 : i32
    %dma_start3A_138 = arith.constant 0 : i32
    %dma_start3A_139 = tpu.memref_slice %arg18[%dma_start3A_137, %dma_start3A_138] : memref<640x16xf32, #tpu.memory_space<vmem>> -> memref<128x16xf32, #tpu.memory_space<vmem>>
    %dma_start3A_140 = arith.constant 0 : i32
    %dma_start3A_141 = tpu.memref_slice %arg12[%dma_start3A_136, %dma_start3A_140] : memref<5x128xi32, #tpu.memory_space<vmem>> -> memref<1x128xi32, #tpu.memory_space<vmem>>
    %dma_start3A_142 = tpu.memref_squeeze %dma_start3A_141 : memref<1x128xi32, #tpu.memory_space<vmem>> -> memref<128xi32, #tpu.memory_space<vmem>>
    %dma_start3A_143 = arith.constant 0 : i32
    %dma_start3A_144 = arith.constant 0 : i32
    %dma_start3A_145 = tpu.memref_slice %arg2[%dma_start3A_143, %dma_start3A_144] : memref<100000x16xf32, #tpu.memory_space<hbm>> -> memref<100000x16xf32, #tpu.memory_space<hbm>>
    tpu.enqueue_indirect_dma source(%dma_start3A_145 : memref<100000x16xf32, #tpu.memory_space<hbm>>) target(%dma_start3A_139 : memref<128x16xf32, #tpu.memory_space<vmem>>) offsets(%dma_start3A_142 : memref<128xi32, #tpu.memory_space<vmem>>) semaphore(%arg28 : memref<!tpu.dma_semaphore, #tpu.memory_space<semaphore_mem>>)
    %dma_start3A_146 = arith.constant 4 : i32
    %dma_start3A_147 = arith.constant 512 : i32
    %dma_start3A_148 = tpu.memref_slice %arg20[%dma_start3A_147] : memref<640xf32, #tpu.memory_space<vmem>> -> memref<128xf32, #tpu.memory_space<vmem>>
    %dma_start3A_149 = arith.constant 0 : i32
    %dma_start3A_150 = tpu.memref_slice %arg12[%dma_start3A_146, %dma_start3A_149] : memref<5x128xi32, #tpu.memory_space<vmem>> -> memref<1x128xi32, #tpu.memory_space<vmem>>
    %dma_start3A_151 = tpu.memref_squeeze %dma_start3A_150 : memref<1x128xi32, #tpu.memory_space<vmem>> -> memref<128xi32, #tpu.memory_space<vmem>>
    %dma_start3A_152 = arith.constant 0 : i32
    %dma_start3A_153 = tpu.memref_slice %arg3[%dma_start3A_152] : memref<100000xf32, #tpu.memory_space<hbm>> -> memref<100000xf32, #tpu.memory_space<hbm>>
    tpu.enqueue_indirect_dma source(%dma_start3A_153 : memref<100000xf32, #tpu.memory_space<hbm>>) target(%dma_start3A_148 : memref<128xf32, #tpu.memory_space<vmem>>) offsets(%dma_start3A_151 : memref<128xi32, #tpu.memory_space<vmem>>) semaphore(%arg28 : memref<!tpu.dma_semaphore, #tpu.memory_space<semaphore_mem>>)
    %dma_start3A_154 = arith.constant 4 : i32
    %dma_start3A_155 = arith.constant 512 : i32
    %dma_start3A_156 = tpu.memref_slice %arg22[%dma_start3A_155] : memref<640xf32, #tpu.memory_space<vmem>> -> memref<128xf32, #tpu.memory_space<vmem>>
    %dma_start3A_157 = arith.constant 0 : i32
    %dma_start3A_158 = tpu.memref_slice %arg14[%dma_start3A_154, %dma_start3A_157] : memref<5x128xi32, #tpu.memory_space<vmem>> -> memref<1x128xi32, #tpu.memory_space<vmem>>
    %dma_start3A_159 = tpu.memref_squeeze %dma_start3A_158 : memref<1x128xi32, #tpu.memory_space<vmem>> -> memref<128xi32, #tpu.memory_space<vmem>>
    %dma_start3A_160 = arith.constant 0 : i32
    %dma_start3A_161 = tpu.memref_slice %arg4[%dma_start3A_160] : memref<100000xf32, #tpu.memory_space<hbm>> -> memref<100000xf32, #tpu.memory_space<hbm>>
    tpu.enqueue_indirect_dma source(%dma_start3A_161 : memref<100000xf32, #tpu.memory_space<hbm>>) target(%dma_start3A_156 : memref<128xf32, #tpu.memory_space<vmem>>) offsets(%dma_start3A_159 : memref<128xi32, #tpu.memory_space<vmem>>) semaphore(%arg28 : memref<!tpu.dma_semaphore, #tpu.memory_space<semaphore_mem>>)
    %while3A = arith.constant 0 : i32
    %while3A_162 = arith.constant 0 : i32
    %while3A_163 = arith.subi %add3A_23, %while3A_162 : i32
    %while3A_164 = arith.addi %while3A_162, %while3A_163 : i32
    %while3A_165 = arith.constant 1 : i32
    %while3A_166 = arith.divsi %while3A_163, %while3A_165 : i32
    %while3A_167 = arith.muli %while3A_166, %while3A_165 : i32
    %while3A_168 = arith.addi %while3A_162, %while3A_167 : i32
    %while3A_169 = arith.constant 1 : i32
    scf.for %while3A_223 = %while3A_162 to %while3A_168 step %while3A_169  : i32 {
      %mul3A_224 = arith.constant 2 : i32
      %mul3A_225 = arith.muli %mul3A_224, %while3A_223 : i32
      %add3A_226 = arith.addi %mul3A_25, %mul3A_225 : i32
      %gt3A = arith.constant 0 : i32
      %gt3A_227 = arith.cmpi sgt, %while3A_223, %gt3A : i32
      %convert_element_type3A = arith.extui %gt3A_227 : i1 to i32
      %cond3A = arith.constant 0 : i32
      %cond3A_228 = arith.cmpi ne, %convert_element_type3A, %cond3A : i32
      scf.if %cond3A_228 {
        %dma_wait3A_814 = arith.constant 0 : i32
        %dma_wait3A_815 = arith.constant 0 : i32
        %dma_wait3A_816 = arith.constant 0 : i32
        %dma_wait3A_817 = tpu.memref_slice %arg19[%dma_wait3A_815, %dma_wait3A_816] : memref<640x16xf32, #tpu.memory_space<vmem>> -> memref<128x16xf32, #tpu.memory_space<vmem>>
        %dma_wait3A_818 = arith.constant 0 : i32
        %dma_wait3A_819 = tpu.memref_slice %arg15[%dma_wait3A_814, %dma_wait3A_818] : memref<5x128xi32, #tpu.memory_space<vmem>> -> memref<1x128xi32, #tpu.memory_space<vmem>>
        %dma_wait3A_820 = tpu.memref_squeeze %dma_wait3A_819 : memref<1x128xi32, #tpu.memory_space<vmem>> -> memref<128xi32, #tpu.memory_space<vmem>>
        %dma_wait3A_821 = arith.constant 0 : i32
        %dma_wait3A_822 = arith.constant 0 : i32
        %dma_wait3A_823 = tpu.memref_slice %arg27[%dma_wait3A_821, %dma_wait3A_822] : memref<100096x16xf32, #tpu.memory_space<vmem_shared>> -> memref<100096x16xf32, #tpu.memory_space<vmem_shared>>
        tpu.wait_indirect_dma semaphore(%arg31 : memref<!tpu.dma_semaphore, #tpu.memory_space<semaphore_mem>>) src(%dma_wait3A_817 : memref<128x16xf32, #tpu.memory_space<vmem>>) dst(%dma_wait3A_823 : memref<100096x16xf32, #tpu.memory_space<vmem_shared>>)
        %dma_wait3A_824 = arith.constant 1 : i32
        %dma_wait3A_825 = arith.constant 128 : i32
        %dma_wait3A_826 = arith.constant 0 : i32
        %dma_wait3A_827 = tpu.memref_slice %arg19[%dma_wait3A_825, %dma_wait3A_826] : memref<640x16xf32, #tpu.memory_space<vmem>> -> memref<128x16xf32, #tpu.memory_space<vmem>>
        %dma_wait3A_828 = arith.constant 0 : i32
        %dma_wait3A_829 = tpu.memref_slice %arg15[%dma_wait3A_824, %dma_wait3A_828] : memref<5x128xi32, #tpu.memory_space<vmem>> -> memref<1x128xi32, #tpu.memory_space<vmem>>
        %dma_wait3A_830 = tpu.memref_squeeze %dma_wait3A_829 : memref<1x128xi32, #tpu.memory_space<vmem>> -> memref<128xi32, #tpu.memory_space<vmem>>
        %dma_wait3A_831 = arith.constant 0 : i32
        %dma_wait3A_832 = arith.constant 0 : i32
        %dma_wait3A_833 = tpu.memref_slice %arg27[%dma_wait3A_831, %dma_wait3A_832] : memref<100096x16xf32, #tpu.memory_space<vmem_shared>> -> memref<100096x16xf32, #tpu.memory_space<vmem_shared>>
        tpu.wait_indirect_dma semaphore(%arg31 : memref<!tpu.dma_semaphore, #tpu.memory_space<semaphore_mem>>) src(%dma_wait3A_827 : memref<128x16xf32, #tpu.memory_space<vmem>>) dst(%dma_wait3A_833 : memref<100096x16xf32, #tpu.memory_space<vmem_shared>>)
        %dma_wait3A_834 = arith.constant 2 : i32
        %dma_wait3A_835 = arith.constant 256 : i32
        %dma_wait3A_836 = arith.constant 0 : i32
        %dma_wait3A_837 = tpu.memref_slice %arg19[%dma_wait3A_835, %dma_wait3A_836] : memref<640x16xf32, #tpu.memory_space<vmem>> -> memref<128x16xf32, #tpu.memory_space<vmem>>
        %dma_wait3A_838 = arith.constant 0 : i32
        %dma_wait3A_839 = tpu.memref_slice %arg15[%dma_wait3A_834, %dma_wait3A_838] : memref<5x128xi32, #tpu.memory_space<vmem>> -> memref<1x128xi32, #tpu.memory_space<vmem>>
        %dma_wait3A_840 = tpu.memref_squeeze %dma_wait3A_839 : memref<1x128xi32, #tpu.memory_space<vmem>> -> memref<128xi32, #tpu.memory_space<vmem>>
        %dma_wait3A_841 = arith.constant 0 : i32
        %dma_wait3A_842 = arith.constant 0 : i32
        %dma_wait3A_843 = tpu.memref_slice %arg27[%dma_wait3A_841, %dma_wait3A_842] : memref<100096x16xf32, #tpu.memory_space<vmem_shared>> -> memref<100096x16xf32, #tpu.memory_space<vmem_shared>>
        tpu.wait_indirect_dma semaphore(%arg31 : memref<!tpu.dma_semaphore, #tpu.memory_space<semaphore_mem>>) src(%dma_wait3A_837 : memref<128x16xf32, #tpu.memory_space<vmem>>) dst(%dma_wait3A_843 : memref<100096x16xf32, #tpu.memory_space<vmem_shared>>)
        %dma_wait3A_844 = arith.constant 3 : i32
        %dma_wait3A_845 = arith.constant 384 : i32
        %dma_wait3A_846 = arith.constant 0 : i32
        %dma_wait3A_847 = tpu.memref_slice %arg19[%dma_wait3A_845, %dma_wait3A_846] : memref<640x16xf32, #tpu.memory_space<vmem>> -> memref<128x16xf32, #tpu.memory_space<vmem>>
        %dma_wait3A_848 = arith.constant 0 : i32
        %dma_wait3A_849 = tpu.memref_slice %arg15[%dma_wait3A_844, %dma_wait3A_848] : memref<5x128xi32, #tpu.memory_space<vmem>> -> memref<1x128xi32, #tpu.memory_space<vmem>>
        %dma_wait3A_850 = tpu.memref_squeeze %dma_wait3A_849 : memref<1x128xi32, #tpu.memory_space<vmem>> -> memref<128xi32, #tpu.memory_space<vmem>>
        %dma_wait3A_851 = arith.constant 0 : i32
        %dma_wait3A_852 = arith.constant 0 : i32
        %dma_wait3A_853 = tpu.memref_slice %arg27[%dma_wait3A_851, %dma_wait3A_852] : memref<100096x16xf32, #tpu.memory_space<vmem_shared>> -> memref<100096x16xf32, #tpu.memory_space<vmem_shared>>
        tpu.wait_indirect_dma semaphore(%arg31 : memref<!tpu.dma_semaphore, #tpu.memory_space<semaphore_mem>>) src(%dma_wait3A_847 : memref<128x16xf32, #tpu.memory_space<vmem>>) dst(%dma_wait3A_853 : memref<100096x16xf32, #tpu.memory_space<vmem_shared>>)
        %dma_wait3A_854 = arith.constant 4 : i32
        %dma_wait3A_855 = arith.constant 512 : i32
        %dma_wait3A_856 = arith.constant 0 : i32
        %dma_wait3A_857 = tpu.memref_slice %arg19[%dma_wait3A_855, %dma_wait3A_856] : memref<640x16xf32, #tpu.memory_space<vmem>> -> memref<128x16xf32, #tpu.memory_space<vmem>>
        %dma_wait3A_858 = arith.constant 0 : i32
        %dma_wait3A_859 = tpu.memref_slice %arg15[%dma_wait3A_854, %dma_wait3A_858] : memref<5x128xi32, #tpu.memory_space<vmem>> -> memref<1x128xi32, #tpu.memory_space<vmem>>
        %dma_wait3A_860 = tpu.memref_squeeze %dma_wait3A_859 : memref<1x128xi32, #tpu.memory_space<vmem>> -> memref<128xi32, #tpu.memory_space<vmem>>
        %dma_wait3A_861 = arith.constant 0 : i32
        %dma_wait3A_862 = arith.constant 0 : i32
        %dma_wait3A_863 = tpu.memref_slice %arg27[%dma_wait3A_861, %dma_wait3A_862] : memref<100096x16xf32, #tpu.memory_space<vmem_shared>> -> memref<100096x16xf32, #tpu.memory_space<vmem_shared>>
        tpu.wait_indirect_dma semaphore(%arg31 : memref<!tpu.dma_semaphore, #tpu.memory_space<semaphore_mem>>) src(%dma_wait3A_857 : memref<128x16xf32, #tpu.memory_space<vmem>>) dst(%dma_wait3A_863 : memref<100096x16xf32, #tpu.memory_space<vmem_shared>>)
      } else {
      }
      %add3A_229 = arith.constant 1 : i32
      %add3A_230 = arith.addi %add3A_226, %add3A_229 : i32
      %mul3A_231 = arith.constant 5 : i32
      %mul3A_232 = arith.muli %add3A_230, %mul3A_231 : i32
      %mul3A_233 = arith.constant 640 : i32
      %mul3A_234 = arith.muli %add3A_230, %mul3A_233 : i32
      "tpu.region"() ({
        %run_scoped3A = tpu.sem_alloc : memref<!tpu.dma_semaphore, #tpu.memory_space<semaphore_mem>>
        %dma_start3A_814 = arith.constant 0 : i32
        %dma_start3A_815 = tpu.memref_slice %arg5[%mul3A_232, %dma_start3A_814] : memref<25000x128xi32, #tpu.memory_space<hbm>> -> memref<5x128xi32, #tpu.memory_space<hbm>>
        %dma_start3A_816 = arith.constant 0 : i32
        %dma_start3A_817 = tpu.memref_slice %arg5[%mul3A_232, %dma_start3A_816] : memref<25000x128xi32, #tpu.memory_space<hbm>> -> memref<5x128xi32, #tpu.memory_space<hbm>>
        tpu.enqueue_dma source(%dma_start3A_817 : memref<5x128xi32, #tpu.memory_space<hbm>>) target(%arg13 : memref<5x128xi32, #tpu.memory_space<vmem>>) target_semaphore(%run_scoped3A : memref<!tpu.dma_semaphore, #tpu.memory_space<semaphore_mem>>)
        %dma_wait3A_818 = arith.constant 0 : i32
        %dma_wait3A_819 = tpu.memref_slice %arg5[%mul3A_232, %dma_wait3A_818] : memref<25000x128xi32, #tpu.memory_space<hbm>> -> memref<5x128xi32, #tpu.memory_space<hbm>>
        %dma_wait3A_820 = arith.constant 0 : i32
        %dma_wait3A_821 = tpu.memref_slice %arg5[%mul3A_232, %dma_wait3A_820] : memref<25000x128xi32, #tpu.memory_space<hbm>> -> memref<5x128xi32, #tpu.memory_space<hbm>>
        tpu.wait_dma2 semaphore(%run_scoped3A : memref<!tpu.dma_semaphore, #tpu.memory_space<semaphore_mem>>) src(%dma_wait3A_821 : memref<5x128xi32, #tpu.memory_space<hbm>>) dst(%arg13 : memref<5x128xi32, #tpu.memory_space<vmem>>)
        tpu.yield
      }) : () -> ()
      "tpu.region"() ({
        %run_scoped3A = tpu.sem_alloc : memref<!tpu.dma_semaphore, #tpu.memory_space<semaphore_mem>>
        %dma_start3A_814 = arith.constant 0 : i32
        %dma_start3A_815 = tpu.memref_slice %arg6[%mul3A_232, %dma_start3A_814] : memref<25000x128xi32, #tpu.memory_space<hbm>> -> memref<5x128xi32, #tpu.memory_space<hbm>>
        %dma_start3A_816 = arith.constant 0 : i32
        %dma_start3A_817 = tpu.memref_slice %arg6[%mul3A_232, %dma_start3A_816] : memref<25000x128xi32, #tpu.memory_space<hbm>> -> memref<5x128xi32, #tpu.memory_space<hbm>>
        tpu.enqueue_dma source(%dma_start3A_817 : memref<5x128xi32, #tpu.memory_space<hbm>>) target(%arg15 : memref<5x128xi32, #tpu.memory_space<vmem>>) target_semaphore(%run_scoped3A : memref<!tpu.dma_semaphore, #tpu.memory_space<semaphore_mem>>)
        %dma_wait3A_818 = arith.constant 0 : i32
        %dma_wait3A_819 = tpu.memref_slice %arg6[%mul3A_232, %dma_wait3A_818] : memref<25000x128xi32, #tpu.memory_space<hbm>> -> memref<5x128xi32, #tpu.memory_space<hbm>>
        %dma_wait3A_820 = arith.constant 0 : i32
        %dma_wait3A_821 = tpu.memref_slice %arg6[%mul3A_232, %dma_wait3A_820] : memref<25000x128xi32, #tpu.memory_space<hbm>> -> memref<5x128xi32, #tpu.memory_space<hbm>>
        tpu.wait_dma2 semaphore(%run_scoped3A : memref<!tpu.dma_semaphore, #tpu.memory_space<semaphore_mem>>) src(%dma_wait3A_821 : memref<5x128xi32, #tpu.memory_space<hbm>>) dst(%arg15 : memref<5x128xi32, #tpu.memory_space<vmem>>)
        tpu.yield
      }) : () -> ()
      "tpu.region"() ({
        %run_scoped3A = tpu.sem_alloc : memref<!tpu.dma_semaphore, #tpu.memory_space<semaphore_mem>>
        %dma_start3A_814 = tpu.memref_slice %arg7[%mul3A_234] : memref<3200000xf32, #tpu.memory_space<hbm>> -> memref<640xf32, #tpu.memory_space<hbm>>
        %dma_start3A_815 = tpu.memref_slice %arg7[%mul3A_234] : memref<3200000xf32, #tpu.memory_space<hbm>> -> memref<640xf32, #tpu.memory_space<hbm>>
        tpu.enqueue_dma source(%dma_start3A_815 : memref<640xf32, #tpu.memory_space<hbm>>) target(%arg17 : memref<640xf32, #tpu.memory_space<vmem>>) target_semaphore(%run_scoped3A : memref<!tpu.dma_semaphore, #tpu.memory_space<semaphore_mem>>)
        %dma_wait3A_816 = tpu.memref_slice %arg7[%mul3A_234] : memref<3200000xf32, #tpu.memory_space<hbm>> -> memref<640xf32, #tpu.memory_space<hbm>>
        %dma_wait3A_817 = tpu.memref_slice %arg7[%mul3A_234] : memref<3200000xf32, #tpu.memory_space<hbm>> -> memref<640xf32, #tpu.memory_space<hbm>>
        tpu.wait_dma2 semaphore(%run_scoped3A : memref<!tpu.dma_semaphore, #tpu.memory_space<semaphore_mem>>) src(%dma_wait3A_817 : memref<640xf32, #tpu.memory_space<hbm>>) dst(%arg17 : memref<640xf32, #tpu.memory_space<vmem>>)
        tpu.yield
      }) : () -> ()
      %dma_start3A_235 = arith.constant 0 : i32
      %dma_start3A_236 = arith.constant 0 : i32
      %dma_start3A_237 = arith.constant 0 : i32
      %dma_start3A_238 = tpu.memref_slice %arg19[%dma_start3A_236, %dma_start3A_237] : memref<640x16xf32, #tpu.memory_space<vmem>> -> memref<128x16xf32, #tpu.memory_space<vmem>>
      %dma_start3A_239 = arith.constant 0 : i32
      %dma_start3A_240 = tpu.memref_slice %arg13[%dma_start3A_235, %dma_start3A_239] : memref<5x128xi32, #tpu.memory_space<vmem>> -> memref<1x128xi32, #tpu.memory_space<vmem>>
      %dma_start3A_241 = tpu.memref_squeeze %dma_start3A_240 : memref<1x128xi32, #tpu.memory_space<vmem>> -> memref<128xi32, #tpu.memory_space<vmem>>
      %dma_start3A_242 = arith.constant 0 : i32
      %dma_start3A_243 = arith.constant 0 : i32
      %dma_start3A_244 = tpu.memref_slice %arg2[%dma_start3A_242, %dma_start3A_243] : memref<100000x16xf32, #tpu.memory_space<hbm>> -> memref<100000x16xf32, #tpu.memory_space<hbm>>
      tpu.enqueue_indirect_dma source(%dma_start3A_244 : memref<100000x16xf32, #tpu.memory_space<hbm>>) target(%dma_start3A_238 : memref<128x16xf32, #tpu.memory_space<vmem>>) offsets(%dma_start3A_241 : memref<128xi32, #tpu.memory_space<vmem>>) semaphore(%arg29 : memref<!tpu.dma_semaphore, #tpu.memory_space<semaphore_mem>>)
      %dma_start3A_245 = arith.constant 0 : i32
      %dma_start3A_246 = arith.constant 0 : i32
      %dma_start3A_247 = tpu.memref_slice %arg21[%dma_start3A_246] : memref<640xf32, #tpu.memory_space<vmem>> -> memref<128xf32, #tpu.memory_space<vmem>>
      %dma_start3A_248 = arith.constant 0 : i32
      %dma_start3A_249 = tpu.memref_slice %arg13[%dma_start3A_245, %dma_start3A_248] : memref<5x128xi32, #tpu.memory_space<vmem>> -> memref<1x128xi32, #tpu.memory_space<vmem>>
      %dma_start3A_250 = tpu.memref_squeeze %dma_start3A_249 : memref<1x128xi32, #tpu.memory_space<vmem>> -> memref<128xi32, #tpu.memory_space<vmem>>
      %dma_start3A_251 = arith.constant 0 : i32
      %dma_start3A_252 = tpu.memref_slice %arg3[%dma_start3A_251] : memref<100000xf32, #tpu.memory_space<hbm>> -> memref<100000xf32, #tpu.memory_space<hbm>>
      tpu.enqueue_indirect_dma source(%dma_start3A_252 : memref<100000xf32, #tpu.memory_space<hbm>>) target(%dma_start3A_247 : memref<128xf32, #tpu.memory_space<vmem>>) offsets(%dma_start3A_250 : memref<128xi32, #tpu.memory_space<vmem>>) semaphore(%arg29 : memref<!tpu.dma_semaphore, #tpu.memory_space<semaphore_mem>>)
      %dma_start3A_253 = arith.constant 0 : i32
      %dma_start3A_254 = arith.constant 0 : i32
      %dma_start3A_255 = tpu.memref_slice %arg23[%dma_start3A_254] : memref<640xf32, #tpu.memory_space<vmem>> -> memref<128xf32, #tpu.memory_space<vmem>>
      %dma_start3A_256 = arith.constant 0 : i32
      %dma_start3A_257 = tpu.memref_slice %arg15[%dma_start3A_253, %dma_start3A_256] : memref<5x128xi32, #tpu.memory_space<vmem>> -> memref<1x128xi32, #tpu.memory_space<vmem>>
      %dma_start3A_258 = tpu.memref_squeeze %dma_start3A_257 : memref<1x128xi32, #tpu.memory_space<vmem>> -> memref<128xi32, #tpu.memory_space<vmem>>
      %dma_start3A_259 = arith.constant 0 : i32
      %dma_start3A_260 = tpu.memref_slice %arg4[%dma_start3A_259] : memref<100000xf32, #tpu.memory_space<hbm>> -> memref<100000xf32, #tpu.memory_space<hbm>>
      tpu.enqueue_indirect_dma source(%dma_start3A_260 : memref<100000xf32, #tpu.memory_space<hbm>>) target(%dma_start3A_255 : memref<128xf32, #tpu.memory_space<vmem>>) offsets(%dma_start3A_258 : memref<128xi32, #tpu.memory_space<vmem>>) semaphore(%arg29 : memref<!tpu.dma_semaphore, #tpu.memory_space<semaphore_mem>>)
      %dma_start3A_261 = arith.constant 1 : i32
      %dma_start3A_262 = arith.constant 128 : i32
      %dma_start3A_263 = arith.constant 0 : i32
      %dma_start3A_264 = tpu.memref_slice %arg19[%dma_start3A_262, %dma_start3A_263] : memref<640x16xf32, #tpu.memory_space<vmem>> -> memref<128x16xf32, #tpu.memory_space<vmem>>
      %dma_start3A_265 = arith.constant 0 : i32
      %dma_start3A_266 = tpu.memref_slice %arg13[%dma_start3A_261, %dma_start3A_265] : memref<5x128xi32, #tpu.memory_space<vmem>> -> memref<1x128xi32, #tpu.memory_space<vmem>>
      %dma_start3A_267 = tpu.memref_squeeze %dma_start3A_266 : memref<1x128xi32, #tpu.memory_space<vmem>> -> memref<128xi32, #tpu.memory_space<vmem>>
      %dma_start3A_268 = arith.constant 0 : i32
      %dma_start3A_269 = arith.constant 0 : i32
      %dma_start3A_270 = tpu.memref_slice %arg2[%dma_start3A_268, %dma_start3A_269] : memref<100000x16xf32, #tpu.memory_space<hbm>> -> memref<100000x16xf32, #tpu.memory_space<hbm>>
      tpu.enqueue_indirect_dma source(%dma_start3A_270 : memref<100000x16xf32, #tpu.memory_space<hbm>>) target(%dma_start3A_264 : memref<128x16xf32, #tpu.memory_space<vmem>>) offsets(%dma_start3A_267 : memref<128xi32, #tpu.memory_space<vmem>>) semaphore(%arg29 : memref<!tpu.dma_semaphore, #tpu.memory_space<semaphore_mem>>)
      %dma_start3A_271 = arith.constant 1 : i32
      %dma_start3A_272 = arith.constant 128 : i32
      %dma_start3A_273 = tpu.memref_slice %arg21[%dma_start3A_272] : memref<640xf32, #tpu.memory_space<vmem>> -> memref<128xf32, #tpu.memory_space<vmem>>
      %dma_start3A_274 = arith.constant 0 : i32
      %dma_start3A_275 = tpu.memref_slice %arg13[%dma_start3A_271, %dma_start3A_274] : memref<5x128xi32, #tpu.memory_space<vmem>> -> memref<1x128xi32, #tpu.memory_space<vmem>>
      %dma_start3A_276 = tpu.memref_squeeze %dma_start3A_275 : memref<1x128xi32, #tpu.memory_space<vmem>> -> memref<128xi32, #tpu.memory_space<vmem>>
      %dma_start3A_277 = arith.constant 0 : i32
      %dma_start3A_278 = tpu.memref_slice %arg3[%dma_start3A_277] : memref<100000xf32, #tpu.memory_space<hbm>> -> memref<100000xf32, #tpu.memory_space<hbm>>
      tpu.enqueue_indirect_dma source(%dma_start3A_278 : memref<100000xf32, #tpu.memory_space<hbm>>) target(%dma_start3A_273 : memref<128xf32, #tpu.memory_space<vmem>>) offsets(%dma_start3A_276 : memref<128xi32, #tpu.memory_space<vmem>>) semaphore(%arg29 : memref<!tpu.dma_semaphore, #tpu.memory_space<semaphore_mem>>)
      %dma_start3A_279 = arith.constant 1 : i32
      %dma_start3A_280 = arith.constant 128 : i32
      %dma_start3A_281 = tpu.memref_slice %arg23[%dma_start3A_280] : memref<640xf32, #tpu.memory_space<vmem>> -> memref<128xf32, #tpu.memory_space<vmem>>
      %dma_start3A_282 = arith.constant 0 : i32
      %dma_start3A_283 = tpu.memref_slice %arg15[%dma_start3A_279, %dma_start3A_282] : memref<5x128xi32, #tpu.memory_space<vmem>> -> memref<1x128xi32, #tpu.memory_space<vmem>>
      %dma_start3A_284 = tpu.memref_squeeze %dma_start3A_283 : memref<1x128xi32, #tpu.memory_space<vmem>> -> memref<128xi32, #tpu.memory_space<vmem>>
      %dma_start3A_285 = arith.constant 0 : i32
      %dma_start3A_286 = tpu.memref_slice %arg4[%dma_start3A_285] : memref<100000xf32, #tpu.memory_space<hbm>> -> memref<100000xf32, #tpu.memory_space<hbm>>
      tpu.enqueue_indirect_dma source(%dma_start3A_286 : memref<100000xf32, #tpu.memory_space<hbm>>) target(%dma_start3A_281 : memref<128xf32, #tpu.memory_space<vmem>>) offsets(%dma_start3A_284 : memref<128xi32, #tpu.memory_space<vmem>>) semaphore(%arg29 : memref<!tpu.dma_semaphore, #tpu.memory_space<semaphore_mem>>)
      %dma_start3A_287 = arith.constant 2 : i32
      %dma_start3A_288 = arith.constant 256 : i32
      %dma_start3A_289 = arith.constant 0 : i32
      %dma_start3A_290 = tpu.memref_slice %arg19[%dma_start3A_288, %dma_start3A_289] : memref<640x16xf32, #tpu.memory_space<vmem>> -> memref<128x16xf32, #tpu.memory_space<vmem>>
      %dma_start3A_291 = arith.constant 0 : i32
      %dma_start3A_292 = tpu.memref_slice %arg13[%dma_start3A_287, %dma_start3A_291] : memref<5x128xi32, #tpu.memory_space<vmem>> -> memref<1x128xi32, #tpu.memory_space<vmem>>
      %dma_start3A_293 = tpu.memref_squeeze %dma_start3A_292 : memref<1x128xi32, #tpu.memory_space<vmem>> -> memref<128xi32, #tpu.memory_space<vmem>>
      %dma_start3A_294 = arith.constant 0 : i32
      %dma_start3A_295 = arith.constant 0 : i32
      %dma_start3A_296 = tpu.memref_slice %arg2[%dma_start3A_294, %dma_start3A_295] : memref<100000x16xf32, #tpu.memory_space<hbm>> -> memref<100000x16xf32, #tpu.memory_space<hbm>>
      tpu.enqueue_indirect_dma source(%dma_start3A_296 : memref<100000x16xf32, #tpu.memory_space<hbm>>) target(%dma_start3A_290 : memref<128x16xf32, #tpu.memory_space<vmem>>) offsets(%dma_start3A_293 : memref<128xi32, #tpu.memory_space<vmem>>) semaphore(%arg29 : memref<!tpu.dma_semaphore, #tpu.memory_space<semaphore_mem>>)
      %dma_start3A_297 = arith.constant 2 : i32
      %dma_start3A_298 = arith.constant 256 : i32
      %dma_start3A_299 = tpu.memref_slice %arg21[%dma_start3A_298] : memref<640xf32, #tpu.memory_space<vmem>> -> memref<128xf32, #tpu.memory_space<vmem>>
      %dma_start3A_300 = arith.constant 0 : i32
      %dma_start3A_301 = tpu.memref_slice %arg13[%dma_start3A_297, %dma_start3A_300] : memref<5x128xi32, #tpu.memory_space<vmem>> -> memref<1x128xi32, #tpu.memory_space<vmem>>
      %dma_start3A_302 = tpu.memref_squeeze %dma_start3A_301 : memref<1x128xi32, #tpu.memory_space<vmem>> -> memref<128xi32, #tpu.memory_space<vmem>>
      %dma_start3A_303 = arith.constant 0 : i32
      %dma_start3A_304 = tpu.memref_slice %arg3[%dma_start3A_303] : memref<100000xf32, #tpu.memory_space<hbm>> -> memref<100000xf32, #tpu.memory_space<hbm>>
      tpu.enqueue_indirect_dma source(%dma_start3A_304 : memref<100000xf32, #tpu.memory_space<hbm>>) target(%dma_start3A_299 : memref<128xf32, #tpu.memory_space<vmem>>) offsets(%dma_start3A_302 : memref<128xi32, #tpu.memory_space<vmem>>) semaphore(%arg29 : memref<!tpu.dma_semaphore, #tpu.memory_space<semaphore_mem>>)
      %dma_start3A_305 = arith.constant 2 : i32
      %dma_start3A_306 = arith.constant 256 : i32
      %dma_start3A_307 = tpu.memref_slice %arg23[%dma_start3A_306] : memref<640xf32, #tpu.memory_space<vmem>> -> memref<128xf32, #tpu.memory_space<vmem>>
      %dma_start3A_308 = arith.constant 0 : i32
      %dma_start3A_309 = tpu.memref_slice %arg15[%dma_start3A_305, %dma_start3A_308] : memref<5x128xi32, #tpu.memory_space<vmem>> -> memref<1x128xi32, #tpu.memory_space<vmem>>
      %dma_start3A_310 = tpu.memref_squeeze %dma_start3A_309 : memref<1x128xi32, #tpu.memory_space<vmem>> -> memref<128xi32, #tpu.memory_space<vmem>>
      %dma_start3A_311 = arith.constant 0 : i32
      %dma_start3A_312 = tpu.memref_slice %arg4[%dma_start3A_311] : memref<100000xf32, #tpu.memory_space<hbm>> -> memref<100000xf32, #tpu.memory_space<hbm>>
      tpu.enqueue_indirect_dma source(%dma_start3A_312 : memref<100000xf32, #tpu.memory_space<hbm>>) target(%dma_start3A_307 : memref<128xf32, #tpu.memory_space<vmem>>) offsets(%dma_start3A_310 : memref<128xi32, #tpu.memory_space<vmem>>) semaphore(%arg29 : memref<!tpu.dma_semaphore, #tpu.memory_space<semaphore_mem>>)
      %dma_start3A_313 = arith.constant 3 : i32
      %dma_start3A_314 = arith.constant 384 : i32
      %dma_start3A_315 = arith.constant 0 : i32
      %dma_start3A_316 = tpu.memref_slice %arg19[%dma_start3A_314, %dma_start3A_315] : memref<640x16xf32, #tpu.memory_space<vmem>> -> memref<128x16xf32, #tpu.memory_space<vmem>>
      %dma_start3A_317 = arith.constant 0 : i32
      %dma_start3A_318 = tpu.memref_slice %arg13[%dma_start3A_313, %dma_start3A_317] : memref<5x128xi32, #tpu.memory_space<vmem>> -> memref<1x128xi32, #tpu.memory_space<vmem>>
      %dma_start3A_319 = tpu.memref_squeeze %dma_start3A_318 : memref<1x128xi32, #tpu.memory_space<vmem>> -> memref<128xi32, #tpu.memory_space<vmem>>
      %dma_start3A_320 = arith.constant 0 : i32
      %dma_start3A_321 = arith.constant 0 : i32
      %dma_start3A_322 = tpu.memref_slice %arg2[%dma_start3A_320, %dma_start3A_321] : memref<100000x16xf32, #tpu.memory_space<hbm>> -> memref<100000x16xf32, #tpu.memory_space<hbm>>
      tpu.enqueue_indirect_dma source(%dma_start3A_322 : memref<100000x16xf32, #tpu.memory_space<hbm>>) target(%dma_start3A_316 : memref<128x16xf32, #tpu.memory_space<vmem>>) offsets(%dma_start3A_319 : memref<128xi32, #tpu.memory_space<vmem>>) semaphore(%arg29 : memref<!tpu.dma_semaphore, #tpu.memory_space<semaphore_mem>>)
      %dma_start3A_323 = arith.constant 3 : i32
      %dma_start3A_324 = arith.constant 384 : i32
      %dma_start3A_325 = tpu.memref_slice %arg21[%dma_start3A_324] : memref<640xf32, #tpu.memory_space<vmem>> -> memref<128xf32, #tpu.memory_space<vmem>>
      %dma_start3A_326 = arith.constant 0 : i32
      %dma_start3A_327 = tpu.memref_slice %arg13[%dma_start3A_323, %dma_start3A_326] : memref<5x128xi32, #tpu.memory_space<vmem>> -> memref<1x128xi32, #tpu.memory_space<vmem>>
      %dma_start3A_328 = tpu.memref_squeeze %dma_start3A_327 : memref<1x128xi32, #tpu.memory_space<vmem>> -> memref<128xi32, #tpu.memory_space<vmem>>
      %dma_start3A_329 = arith.constant 0 : i32
      %dma_start3A_330 = tpu.memref_slice %arg3[%dma_start3A_329] : memref<100000xf32, #tpu.memory_space<hbm>> -> memref<100000xf32, #tpu.memory_space<hbm>>
      tpu.enqueue_indirect_dma source(%dma_start3A_330 : memref<100000xf32, #tpu.memory_space<hbm>>) target(%dma_start3A_325 : memref<128xf32, #tpu.memory_space<vmem>>) offsets(%dma_start3A_328 : memref<128xi32, #tpu.memory_space<vmem>>) semaphore(%arg29 : memref<!tpu.dma_semaphore, #tpu.memory_space<semaphore_mem>>)
      %dma_start3A_331 = arith.constant 3 : i32
      %dma_start3A_332 = arith.constant 384 : i32
      %dma_start3A_333 = tpu.memref_slice %arg23[%dma_start3A_332] : memref<640xf32, #tpu.memory_space<vmem>> -> memref<128xf32, #tpu.memory_space<vmem>>
      %dma_start3A_334 = arith.constant 0 : i32
      %dma_start3A_335 = tpu.memref_slice %arg15[%dma_start3A_331, %dma_start3A_334] : memref<5x128xi32, #tpu.memory_space<vmem>> -> memref<1x128xi32, #tpu.memory_space<vmem>>
      %dma_start3A_336 = tpu.memref_squeeze %dma_start3A_335 : memref<1x128xi32, #tpu.memory_space<vmem>> -> memref<128xi32, #tpu.memory_space<vmem>>
      %dma_start3A_337 = arith.constant 0 : i32
      %dma_start3A_338 = tpu.memref_slice %arg4[%dma_start3A_337] : memref<100000xf32, #tpu.memory_space<hbm>> -> memref<100000xf32, #tpu.memory_space<hbm>>
      tpu.enqueue_indirect_dma source(%dma_start3A_338 : memref<100000xf32, #tpu.memory_space<hbm>>) target(%dma_start3A_333 : memref<128xf32, #tpu.memory_space<vmem>>) offsets(%dma_start3A_336 : memref<128xi32, #tpu.memory_space<vmem>>) semaphore(%arg29 : memref<!tpu.dma_semaphore, #tpu.memory_space<semaphore_mem>>)
      %dma_start3A_339 = arith.constant 4 : i32
      %dma_start3A_340 = arith.constant 512 : i32
      %dma_start3A_341 = arith.constant 0 : i32
      %dma_start3A_342 = tpu.memref_slice %arg19[%dma_start3A_340, %dma_start3A_341] : memref<640x16xf32, #tpu.memory_space<vmem>> -> memref<128x16xf32, #tpu.memory_space<vmem>>
      %dma_start3A_343 = arith.constant 0 : i32
      %dma_start3A_344 = tpu.memref_slice %arg13[%dma_start3A_339, %dma_start3A_343] : memref<5x128xi32, #tpu.memory_space<vmem>> -> memref<1x128xi32, #tpu.memory_space<vmem>>
      %dma_start3A_345 = tpu.memref_squeeze %dma_start3A_344 : memref<1x128xi32, #tpu.memory_space<vmem>> -> memref<128xi32, #tpu.memory_space<vmem>>
      %dma_start3A_346 = arith.constant 0 : i32
      %dma_start3A_347 = arith.constant 0 : i32
      %dma_start3A_348 = tpu.memref_slice %arg2[%dma_start3A_346, %dma_start3A_347] : memref<100000x16xf32, #tpu.memory_space<hbm>> -> memref<100000x16xf32, #tpu.memory_space<hbm>>
      tpu.enqueue_indirect_dma source(%dma_start3A_348 : memref<100000x16xf32, #tpu.memory_space<hbm>>) target(%dma_start3A_342 : memref<128x16xf32, #tpu.memory_space<vmem>>) offsets(%dma_start3A_345 : memref<128xi32, #tpu.memory_space<vmem>>) semaphore(%arg29 : memref<!tpu.dma_semaphore, #tpu.memory_space<semaphore_mem>>)
      %dma_start3A_349 = arith.constant 4 : i32
      %dma_start3A_350 = arith.constant 512 : i32
      %dma_start3A_351 = tpu.memref_slice %arg21[%dma_start3A_350] : memref<640xf32, #tpu.memory_space<vmem>> -> memref<128xf32, #tpu.memory_space<vmem>>
      %dma_start3A_352 = arith.constant 0 : i32
      %dma_start3A_353 = tpu.memref_slice %arg13[%dma_start3A_349, %dma_start3A_352] : memref<5x128xi32, #tpu.memory_space<vmem>> -> memref<1x128xi32, #tpu.memory_space<vmem>>
      %dma_start3A_354 = tpu.memref_squeeze %dma_start3A_353 : memref<1x128xi32, #tpu.memory_space<vmem>> -> memref<128xi32, #tpu.memory_space<vmem>>
      %dma_start3A_355 = arith.constant 0 : i32
      %dma_start3A_356 = tpu.memref_slice %arg3[%dma_start3A_355] : memref<100000xf32, #tpu.memory_space<hbm>> -> memref<100000xf32, #tpu.memory_space<hbm>>
      tpu.enqueue_indirect_dma source(%dma_start3A_356 : memref<100000xf32, #tpu.memory_space<hbm>>) target(%dma_start3A_351 : memref<128xf32, #tpu.memory_space<vmem>>) offsets(%dma_start3A_354 : memref<128xi32, #tpu.memory_space<vmem>>) semaphore(%arg29 : memref<!tpu.dma_semaphore, #tpu.memory_space<semaphore_mem>>)
      %dma_start3A_357 = arith.constant 4 : i32
      %dma_start3A_358 = arith.constant 512 : i32
      %dma_start3A_359 = tpu.memref_slice %arg23[%dma_start3A_358] : memref<640xf32, #tpu.memory_space<vmem>> -> memref<128xf32, #tpu.memory_space<vmem>>
      %dma_start3A_360 = arith.constant 0 : i32
      %dma_start3A_361 = tpu.memref_slice %arg15[%dma_start3A_357, %dma_start3A_360] : memref<5x128xi32, #tpu.memory_space<vmem>> -> memref<1x128xi32, #tpu.memory_space<vmem>>
      %dma_start3A_362 = tpu.memref_squeeze %dma_start3A_361 : memref<1x128xi32, #tpu.memory_space<vmem>> -> memref<128xi32, #tpu.memory_space<vmem>>
      %dma_start3A_363 = arith.constant 0 : i32
      %dma_start3A_364 = tpu.memref_slice %arg4[%dma_start3A_363] : memref<100000xf32, #tpu.memory_space<hbm>> -> memref<100000xf32, #tpu.memory_space<hbm>>
      tpu.enqueue_indirect_dma source(%dma_start3A_364 : memref<100000xf32, #tpu.memory_space<hbm>>) target(%dma_start3A_359 : memref<128xf32, #tpu.memory_space<vmem>>) offsets(%dma_start3A_362 : memref<128xi32, #tpu.memory_space<vmem>>) semaphore(%arg29 : memref<!tpu.dma_semaphore, #tpu.memory_space<semaphore_mem>>)
      %dma_wait3A_365 = arith.constant 0 : i32
      %dma_wait3A_366 = arith.constant 0 : i32
      %dma_wait3A_367 = arith.constant 0 : i32
      %dma_wait3A_368 = tpu.memref_slice %arg18[%dma_wait3A_366, %dma_wait3A_367] : memref<640x16xf32, #tpu.memory_space<vmem>> -> memref<128x16xf32, #tpu.memory_space<vmem>>
      %dma_wait3A_369 = arith.constant 0 : i32
      %dma_wait3A_370 = tpu.memref_slice %arg12[%dma_wait3A_365, %dma_wait3A_369] : memref<5x128xi32, #tpu.memory_space<vmem>> -> memref<1x128xi32, #tpu.memory_space<vmem>>
      %dma_wait3A_371 = tpu.memref_squeeze %dma_wait3A_370 : memref<1x128xi32, #tpu.memory_space<vmem>> -> memref<128xi32, #tpu.memory_space<vmem>>
      %dma_wait3A_372 = arith.constant 0 : i32
      %dma_wait3A_373 = arith.constant 0 : i32
      %dma_wait3A_374 = tpu.memref_slice %arg2[%dma_wait3A_372, %dma_wait3A_373] : memref<100000x16xf32, #tpu.memory_space<hbm>> -> memref<100000x16xf32, #tpu.memory_space<hbm>>
      tpu.wait_indirect_dma semaphore(%arg28 : memref<!tpu.dma_semaphore, #tpu.memory_space<semaphore_mem>>) src(%dma_wait3A_374 : memref<100000x16xf32, #tpu.memory_space<hbm>>) dst(%dma_wait3A_368 : memref<128x16xf32, #tpu.memory_space<vmem>>)
      %dma_wait3A_375 = arith.constant 0 : i32
      %dma_wait3A_376 = arith.constant 0 : i32
      %dma_wait3A_377 = tpu.memref_slice %arg20[%dma_wait3A_376] : memref<640xf32, #tpu.memory_space<vmem>> -> memref<128xf32, #tpu.memory_space<vmem>>
      %dma_wait3A_378 = arith.constant 0 : i32
      %dma_wait3A_379 = tpu.memref_slice %arg12[%dma_wait3A_375, %dma_wait3A_378] : memref<5x128xi32, #tpu.memory_space<vmem>> -> memref<1x128xi32, #tpu.memory_space<vmem>>
      %dma_wait3A_380 = tpu.memref_squeeze %dma_wait3A_379 : memref<1x128xi32, #tpu.memory_space<vmem>> -> memref<128xi32, #tpu.memory_space<vmem>>
      %dma_wait3A_381 = arith.constant 0 : i32
      %dma_wait3A_382 = tpu.memref_slice %arg3[%dma_wait3A_381] : memref<100000xf32, #tpu.memory_space<hbm>> -> memref<100000xf32, #tpu.memory_space<hbm>>
      tpu.wait_indirect_dma semaphore(%arg28 : memref<!tpu.dma_semaphore, #tpu.memory_space<semaphore_mem>>) src(%dma_wait3A_382 : memref<100000xf32, #tpu.memory_space<hbm>>) dst(%dma_wait3A_377 : memref<128xf32, #tpu.memory_space<vmem>>)
      %dma_wait3A_383 = arith.constant 0 : i32
      %dma_wait3A_384 = arith.constant 0 : i32
      %dma_wait3A_385 = tpu.memref_slice %arg22[%dma_wait3A_384] : memref<640xf32, #tpu.memory_space<vmem>> -> memref<128xf32, #tpu.memory_space<vmem>>
      %dma_wait3A_386 = arith.constant 0 : i32
      %dma_wait3A_387 = tpu.memref_slice %arg14[%dma_wait3A_383, %dma_wait3A_386] : memref<5x128xi32, #tpu.memory_space<vmem>> -> memref<1x128xi32, #tpu.memory_space<vmem>>
      %dma_wait3A_388 = tpu.memref_squeeze %dma_wait3A_387 : memref<1x128xi32, #tpu.memory_space<vmem>> -> memref<128xi32, #tpu.memory_space<vmem>>
      %dma_wait3A_389 = arith.constant 0 : i32
      %dma_wait3A_390 = tpu.memref_slice %arg4[%dma_wait3A_389] : memref<100000xf32, #tpu.memory_space<hbm>> -> memref<100000xf32, #tpu.memory_space<hbm>>
      tpu.wait_indirect_dma semaphore(%arg28 : memref<!tpu.dma_semaphore, #tpu.memory_space<semaphore_mem>>) src(%dma_wait3A_390 : memref<100000xf32, #tpu.memory_space<hbm>>) dst(%dma_wait3A_385 : memref<128xf32, #tpu.memory_space<vmem>>)
      %dma_wait3A_391 = arith.constant 1 : i32
      %dma_wait3A_392 = arith.constant 128 : i32
      %dma_wait3A_393 = arith.constant 0 : i32
      %dma_wait3A_394 = tpu.memref_slice %arg18[%dma_wait3A_392, %dma_wait3A_393] : memref<640x16xf32, #tpu.memory_space<vmem>> -> memref<128x16xf32, #tpu.memory_space<vmem>>
      %dma_wait3A_395 = arith.constant 0 : i32
      %dma_wait3A_396 = tpu.memref_slice %arg12[%dma_wait3A_391, %dma_wait3A_395] : memref<5x128xi32, #tpu.memory_space<vmem>> -> memref<1x128xi32, #tpu.memory_space<vmem>>
      %dma_wait3A_397 = tpu.memref_squeeze %dma_wait3A_396 : memref<1x128xi32, #tpu.memory_space<vmem>> -> memref<128xi32, #tpu.memory_space<vmem>>
      %dma_wait3A_398 = arith.constant 0 : i32
      %dma_wait3A_399 = arith.constant 0 : i32
      %dma_wait3A_400 = tpu.memref_slice %arg2[%dma_wait3A_398, %dma_wait3A_399] : memref<100000x16xf32, #tpu.memory_space<hbm>> -> memref<100000x16xf32, #tpu.memory_space<hbm>>
      tpu.wait_indirect_dma semaphore(%arg28 : memref<!tpu.dma_semaphore, #tpu.memory_space<semaphore_mem>>) src(%dma_wait3A_400 : memref<100000x16xf32, #tpu.memory_space<hbm>>) dst(%dma_wait3A_394 : memref<128x16xf32, #tpu.memory_space<vmem>>)
      %dma_wait3A_401 = arith.constant 1 : i32
      %dma_wait3A_402 = arith.constant 128 : i32
      %dma_wait3A_403 = tpu.memref_slice %arg20[%dma_wait3A_402] : memref<640xf32, #tpu.memory_space<vmem>> -> memref<128xf32, #tpu.memory_space<vmem>>
      %dma_wait3A_404 = arith.constant 0 : i32
      %dma_wait3A_405 = tpu.memref_slice %arg12[%dma_wait3A_401, %dma_wait3A_404] : memref<5x128xi32, #tpu.memory_space<vmem>> -> memref<1x128xi32, #tpu.memory_space<vmem>>
      %dma_wait3A_406 = tpu.memref_squeeze %dma_wait3A_405 : memref<1x128xi32, #tpu.memory_space<vmem>> -> memref<128xi32, #tpu.memory_space<vmem>>
      %dma_wait3A_407 = arith.constant 0 : i32
      %dma_wait3A_408 = tpu.memref_slice %arg3[%dma_wait3A_407] : memref<100000xf32, #tpu.memory_space<hbm>> -> memref<100000xf32, #tpu.memory_space<hbm>>
      tpu.wait_indirect_dma semaphore(%arg28 : memref<!tpu.dma_semaphore, #tpu.memory_space<semaphore_mem>>) src(%dma_wait3A_408 : memref<100000xf32, #tpu.memory_space<hbm>>) dst(%dma_wait3A_403 : memref<128xf32, #tpu.memory_space<vmem>>)
      %dma_wait3A_409 = arith.constant 1 : i32
      %dma_wait3A_410 = arith.constant 128 : i32
      %dma_wait3A_411 = tpu.memref_slice %arg22[%dma_wait3A_410] : memref<640xf32, #tpu.memory_space<vmem>> -> memref<128xf32, #tpu.memory_space<vmem>>
      %dma_wait3A_412 = arith.constant 0 : i32
      %dma_wait3A_413 = tpu.memref_slice %arg14[%dma_wait3A_409, %dma_wait3A_412] : memref<5x128xi32, #tpu.memory_space<vmem>> -> memref<1x128xi32, #tpu.memory_space<vmem>>
      %dma_wait3A_414 = tpu.memref_squeeze %dma_wait3A_413 : memref<1x128xi32, #tpu.memory_space<vmem>> -> memref<128xi32, #tpu.memory_space<vmem>>
      %dma_wait3A_415 = arith.constant 0 : i32
      %dma_wait3A_416 = tpu.memref_slice %arg4[%dma_wait3A_415] : memref<100000xf32, #tpu.memory_space<hbm>> -> memref<100000xf32, #tpu.memory_space<hbm>>
      tpu.wait_indirect_dma semaphore(%arg28 : memref<!tpu.dma_semaphore, #tpu.memory_space<semaphore_mem>>) src(%dma_wait3A_416 : memref<100000xf32, #tpu.memory_space<hbm>>) dst(%dma_wait3A_411 : memref<128xf32, #tpu.memory_space<vmem>>)
      %dma_wait3A_417 = arith.constant 2 : i32
      %dma_wait3A_418 = arith.constant 256 : i32
      %dma_wait3A_419 = arith.constant 0 : i32
      %dma_wait3A_420 = tpu.memref_slice %arg18[%dma_wait3A_418, %dma_wait3A_419] : memref<640x16xf32, #tpu.memory_space<vmem>> -> memref<128x16xf32, #tpu.memory_space<vmem>>
      %dma_wait3A_421 = arith.constant 0 : i32
      %dma_wait3A_422 = tpu.memref_slice %arg12[%dma_wait3A_417, %dma_wait3A_421] : memref<5x128xi32, #tpu.memory_space<vmem>> -> memref<1x128xi32, #tpu.memory_space<vmem>>
      %dma_wait3A_423 = tpu.memref_squeeze %dma_wait3A_422 : memref<1x128xi32, #tpu.memory_space<vmem>> -> memref<128xi32, #tpu.memory_space<vmem>>
      %dma_wait3A_424 = arith.constant 0 : i32
      %dma_wait3A_425 = arith.constant 0 : i32
      %dma_wait3A_426 = tpu.memref_slice %arg2[%dma_wait3A_424, %dma_wait3A_425] : memref<100000x16xf32, #tpu.memory_space<hbm>> -> memref<100000x16xf32, #tpu.memory_space<hbm>>
      tpu.wait_indirect_dma semaphore(%arg28 : memref<!tpu.dma_semaphore, #tpu.memory_space<semaphore_mem>>) src(%dma_wait3A_426 : memref<100000x16xf32, #tpu.memory_space<hbm>>) dst(%dma_wait3A_420 : memref<128x16xf32, #tpu.memory_space<vmem>>)
      %dma_wait3A_427 = arith.constant 2 : i32
      %dma_wait3A_428 = arith.constant 256 : i32
      %dma_wait3A_429 = tpu.memref_slice %arg20[%dma_wait3A_428] : memref<640xf32, #tpu.memory_space<vmem>> -> memref<128xf32, #tpu.memory_space<vmem>>
      %dma_wait3A_430 = arith.constant 0 : i32
      %dma_wait3A_431 = tpu.memref_slice %arg12[%dma_wait3A_427, %dma_wait3A_430] : memref<5x128xi32, #tpu.memory_space<vmem>> -> memref<1x128xi32, #tpu.memory_space<vmem>>
      %dma_wait3A_432 = tpu.memref_squeeze %dma_wait3A_431 : memref<1x128xi32, #tpu.memory_space<vmem>> -> memref<128xi32, #tpu.memory_space<vmem>>
      %dma_wait3A_433 = arith.constant 0 : i32
      %dma_wait3A_434 = tpu.memref_slice %arg3[%dma_wait3A_433] : memref<100000xf32, #tpu.memory_space<hbm>> -> memref<100000xf32, #tpu.memory_space<hbm>>
      tpu.wait_indirect_dma semaphore(%arg28 : memref<!tpu.dma_semaphore, #tpu.memory_space<semaphore_mem>>) src(%dma_wait3A_434 : memref<100000xf32, #tpu.memory_space<hbm>>) dst(%dma_wait3A_429 : memref<128xf32, #tpu.memory_space<vmem>>)
      %dma_wait3A_435 = arith.constant 2 : i32
      %dma_wait3A_436 = arith.constant 256 : i32
      %dma_wait3A_437 = tpu.memref_slice %arg22[%dma_wait3A_436] : memref<640xf32, #tpu.memory_space<vmem>> -> memref<128xf32, #tpu.memory_space<vmem>>
      %dma_wait3A_438 = arith.constant 0 : i32
      %dma_wait3A_439 = tpu.memref_slice %arg14[%dma_wait3A_435, %dma_wait3A_438] : memref<5x128xi32, #tpu.memory_space<vmem>> -> memref<1x128xi32, #tpu.memory_space<vmem>>
      %dma_wait3A_440 = tpu.memref_squeeze %dma_wait3A_439 : memref<1x128xi32, #tpu.memory_space<vmem>> -> memref<128xi32, #tpu.memory_space<vmem>>
      %dma_wait3A_441 = arith.constant 0 : i32
      %dma_wait3A_442 = tpu.memref_slice %arg4[%dma_wait3A_441] : memref<100000xf32, #tpu.memory_space<hbm>> -> memref<100000xf32, #tpu.memory_space<hbm>>
      tpu.wait_indirect_dma semaphore(%arg28 : memref<!tpu.dma_semaphore, #tpu.memory_space<semaphore_mem>>) src(%dma_wait3A_442 : memref<100000xf32, #tpu.memory_space<hbm>>) dst(%dma_wait3A_437 : memref<128xf32, #tpu.memory_space<vmem>>)
      %dma_wait3A_443 = arith.constant 3 : i32
      %dma_wait3A_444 = arith.constant 384 : i32
      %dma_wait3A_445 = arith.constant 0 : i32
      %dma_wait3A_446 = tpu.memref_slice %arg18[%dma_wait3A_444, %dma_wait3A_445] : memref<640x16xf32, #tpu.memory_space<vmem>> -> memref<128x16xf32, #tpu.memory_space<vmem>>
      %dma_wait3A_447 = arith.constant 0 : i32
      %dma_wait3A_448 = tpu.memref_slice %arg12[%dma_wait3A_443, %dma_wait3A_447] : memref<5x128xi32, #tpu.memory_space<vmem>> -> memref<1x128xi32, #tpu.memory_space<vmem>>
      %dma_wait3A_449 = tpu.memref_squeeze %dma_wait3A_448 : memref<1x128xi32, #tpu.memory_space<vmem>> -> memref<128xi32, #tpu.memory_space<vmem>>
      %dma_wait3A_450 = arith.constant 0 : i32
      %dma_wait3A_451 = arith.constant 0 : i32
      %dma_wait3A_452 = tpu.memref_slice %arg2[%dma_wait3A_450, %dma_wait3A_451] : memref<100000x16xf32, #tpu.memory_space<hbm>> -> memref<100000x16xf32, #tpu.memory_space<hbm>>
      tpu.wait_indirect_dma semaphore(%arg28 : memref<!tpu.dma_semaphore, #tpu.memory_space<semaphore_mem>>) src(%dma_wait3A_452 : memref<100000x16xf32, #tpu.memory_space<hbm>>) dst(%dma_wait3A_446 : memref<128x16xf32, #tpu.memory_space<vmem>>)
      %dma_wait3A_453 = arith.constant 3 : i32
      %dma_wait3A_454 = arith.constant 384 : i32
      %dma_wait3A_455 = tpu.memref_slice %arg20[%dma_wait3A_454] : memref<640xf32, #tpu.memory_space<vmem>> -> memref<128xf32, #tpu.memory_space<vmem>>
      %dma_wait3A_456 = arith.constant 0 : i32
      %dma_wait3A_457 = tpu.memref_slice %arg12[%dma_wait3A_453, %dma_wait3A_456] : memref<5x128xi32, #tpu.memory_space<vmem>> -> memref<1x128xi32, #tpu.memory_space<vmem>>
      %dma_wait3A_458 = tpu.memref_squeeze %dma_wait3A_457 : memref<1x128xi32, #tpu.memory_space<vmem>> -> memref<128xi32, #tpu.memory_space<vmem>>
      %dma_wait3A_459 = arith.constant 0 : i32
      %dma_wait3A_460 = tpu.memref_slice %arg3[%dma_wait3A_459] : memref<100000xf32, #tpu.memory_space<hbm>> -> memref<100000xf32, #tpu.memory_space<hbm>>
      tpu.wait_indirect_dma semaphore(%arg28 : memref<!tpu.dma_semaphore, #tpu.memory_space<semaphore_mem>>) src(%dma_wait3A_460 : memref<100000xf32, #tpu.memory_space<hbm>>) dst(%dma_wait3A_455 : memref<128xf32, #tpu.memory_space<vmem>>)
      %dma_wait3A_461 = arith.constant 3 : i32
      %dma_wait3A_462 = arith.constant 384 : i32
      %dma_wait3A_463 = tpu.memref_slice %arg22[%dma_wait3A_462] : memref<640xf32, #tpu.memory_space<vmem>> -> memref<128xf32, #tpu.memory_space<vmem>>
      %dma_wait3A_464 = arith.constant 0 : i32
      %dma_wait3A_465 = tpu.memref_slice %arg14[%dma_wait3A_461, %dma_wait3A_464] : memref<5x128xi32, #tpu.memory_space<vmem>> -> memref<1x128xi32, #tpu.memory_space<vmem>>
      %dma_wait3A_466 = tpu.memref_squeeze %dma_wait3A_465 : memref<1x128xi32, #tpu.memory_space<vmem>> -> memref<128xi32, #tpu.memory_space<vmem>>
      %dma_wait3A_467 = arith.constant 0 : i32
      %dma_wait3A_468 = tpu.memref_slice %arg4[%dma_wait3A_467] : memref<100000xf32, #tpu.memory_space<hbm>> -> memref<100000xf32, #tpu.memory_space<hbm>>
      tpu.wait_indirect_dma semaphore(%arg28 : memref<!tpu.dma_semaphore, #tpu.memory_space<semaphore_mem>>) src(%dma_wait3A_468 : memref<100000xf32, #tpu.memory_space<hbm>>) dst(%dma_wait3A_463 : memref<128xf32, #tpu.memory_space<vmem>>)
      %dma_wait3A_469 = arith.constant 4 : i32
      %dma_wait3A_470 = arith.constant 512 : i32
      %dma_wait3A_471 = arith.constant 0 : i32
      %dma_wait3A_472 = tpu.memref_slice %arg18[%dma_wait3A_470, %dma_wait3A_471] : memref<640x16xf32, #tpu.memory_space<vmem>> -> memref<128x16xf32, #tpu.memory_space<vmem>>
      %dma_wait3A_473 = arith.constant 0 : i32
      %dma_wait3A_474 = tpu.memref_slice %arg12[%dma_wait3A_469, %dma_wait3A_473] : memref<5x128xi32, #tpu.memory_space<vmem>> -> memref<1x128xi32, #tpu.memory_space<vmem>>
      %dma_wait3A_475 = tpu.memref_squeeze %dma_wait3A_474 : memref<1x128xi32, #tpu.memory_space<vmem>> -> memref<128xi32, #tpu.memory_space<vmem>>
      %dma_wait3A_476 = arith.constant 0 : i32
      %dma_wait3A_477 = arith.constant 0 : i32
      %dma_wait3A_478 = tpu.memref_slice %arg2[%dma_wait3A_476, %dma_wait3A_477] : memref<100000x16xf32, #tpu.memory_space<hbm>> -> memref<100000x16xf32, #tpu.memory_space<hbm>>
      tpu.wait_indirect_dma semaphore(%arg28 : memref<!tpu.dma_semaphore, #tpu.memory_space<semaphore_mem>>) src(%dma_wait3A_478 : memref<100000x16xf32, #tpu.memory_space<hbm>>) dst(%dma_wait3A_472 : memref<128x16xf32, #tpu.memory_space<vmem>>)
      %dma_wait3A_479 = arith.constant 4 : i32
      %dma_wait3A_480 = arith.constant 512 : i32
      %dma_wait3A_481 = tpu.memref_slice %arg20[%dma_wait3A_480] : memref<640xf32, #tpu.memory_space<vmem>> -> memref<128xf32, #tpu.memory_space<vmem>>
      %dma_wait3A_482 = arith.constant 0 : i32
      %dma_wait3A_483 = tpu.memref_slice %arg12[%dma_wait3A_479, %dma_wait3A_482] : memref<5x128xi32, #tpu.memory_space<vmem>> -> memref<1x128xi32, #tpu.memory_space<vmem>>
      %dma_wait3A_484 = tpu.memref_squeeze %dma_wait3A_483 : memref<1x128xi32, #tpu.memory_space<vmem>> -> memref<128xi32, #tpu.memory_space<vmem>>
      %dma_wait3A_485 = arith.constant 0 : i32
      %dma_wait3A_486 = tpu.memref_slice %arg3[%dma_wait3A_485] : memref<100000xf32, #tpu.memory_space<hbm>> -> memref<100000xf32, #tpu.memory_space<hbm>>
      tpu.wait_indirect_dma semaphore(%arg28 : memref<!tpu.dma_semaphore, #tpu.memory_space<semaphore_mem>>) src(%dma_wait3A_486 : memref<100000xf32, #tpu.memory_space<hbm>>) dst(%dma_wait3A_481 : memref<128xf32, #tpu.memory_space<vmem>>)
      %dma_wait3A_487 = arith.constant 4 : i32
      %dma_wait3A_488 = arith.constant 512 : i32
      %dma_wait3A_489 = tpu.memref_slice %arg22[%dma_wait3A_488] : memref<640xf32, #tpu.memory_space<vmem>> -> memref<128xf32, #tpu.memory_space<vmem>>
      %dma_wait3A_490 = arith.constant 0 : i32
      %dma_wait3A_491 = tpu.memref_slice %arg14[%dma_wait3A_487, %dma_wait3A_490] : memref<5x128xi32, #tpu.memory_space<vmem>> -> memref<1x128xi32, #tpu.memory_space<vmem>>
      %dma_wait3A_492 = tpu.memref_squeeze %dma_wait3A_491 : memref<1x128xi32, #tpu.memory_space<vmem>> -> memref<128xi32, #tpu.memory_space<vmem>>
      %dma_wait3A_493 = arith.constant 0 : i32
      %dma_wait3A_494 = tpu.memref_slice %arg4[%dma_wait3A_493] : memref<100000xf32, #tpu.memory_space<hbm>> -> memref<100000xf32, #tpu.memory_space<hbm>>
      tpu.wait_indirect_dma semaphore(%arg28 : memref<!tpu.dma_semaphore, #tpu.memory_space<semaphore_mem>>) src(%dma_wait3A_494 : memref<100000xf32, #tpu.memory_space<hbm>>) dst(%dma_wait3A_489 : memref<128xf32, #tpu.memory_space<vmem>>)
      %broadcast_in_dim3A_495 = arith.constant 0.000000e+00 : f32
      %broadcast_in_dim3A_496 = vector.broadcast %broadcast_in_dim3A_495 : f32 to vector<16xf32>
      %parallel_loop3A = arith.constant 0 : i32
      %parallel_loop3A_497 = arith.constant 40 : i32
      %parallel_loop3A_498 = arith.constant 1 : i32
      %parallel_loop3A_499 = scf.for %parallel_loop3A_814 = %parallel_loop3A to %parallel_loop3A_497 step %parallel_loop3A_498 iter_args(%parallel_loop3A_815 = %broadcast_in_dim3A_496) -> (vector<16xf32>)  : i32 {
        %parallel_loop3A_816 = arith.constant 16 : i32
        %parallel_loop3A_817 = arith.muli %parallel_loop3A_814, %parallel_loop3A_816 : i32
        %parallel_loop3A_818 = arith.index_cast %parallel_loop3A_817 : i32 to index
        %parallel_loop3A_819 = tpu.vector_load %arg20[%parallel_loop3A_818] {strides = array<i32>} : memref<640xf32, #tpu.memory_space<vmem>>, vector<16xf32>,
        %parallel_loop3A_820 = vector.shape_cast %parallel_loop3A_819 : vector<16xf32> to vector<16xf32>
        %parallel_loop3A_821 = arith.index_cast %parallel_loop3A_817 : i32 to index
        %parallel_loop3A_822 = tpu.vector_load %arg22[%parallel_loop3A_821] {strides = array<i32>} : memref<640xf32, #tpu.memory_space<vmem>>, vector<16xf32>,
        %parallel_loop3A_823 = vector.shape_cast %parallel_loop3A_822 : vector<16xf32> to vector<16xf32>
        %parallel_loop3A_824 = arith.addf %parallel_loop3A_820, %parallel_loop3A_823 : vector<16xf32>
        %parallel_loop3A_825 = arith.index_cast %parallel_loop3A_817 : i32 to index
        %parallel_loop3A_826 = tpu.vector_load %arg16[%parallel_loop3A_825] {strides = array<i32>} : memref<640xf32, #tpu.memory_space<vmem>>, vector<16xf32>,
        %parallel_loop3A_827 = vector.shape_cast %parallel_loop3A_826 : vector<16xf32> to vector<16xf32>
        %parallel_loop3A_828 = arith.mulf %get3A_15, %parallel_loop3A_827 : vector<16xf32>
        %parallel_loop3A_829 = arith.addf %parallel_loop3A_824, %parallel_loop3A_828 : vector<16xf32>
        %parallel_loop3A_830 = arith.constant 0.000000e+00 : f32
        %parallel_loop3A_831 = vector.broadcast %parallel_loop3A_830 : f32 to vector<16xf32>
        %parallel_loop3A_832 = arith.cmpf ogt, %parallel_loop3A_829, %parallel_loop3A_831 : vector<16xf32>
        %parallel_loop3A_833 = arith.constant 2.000000e-01 : f32
        %parallel_loop3A_834 = vector.broadcast %parallel_loop3A_833 : f32 to vector<16xf32>
        %parallel_loop3A_835 = arith.mulf %parallel_loop3A_834, %parallel_loop3A_829 : vector<16xf32>
        %parallel_loop3A_836 = arith.select %parallel_loop3A_832, %parallel_loop3A_829, %parallel_loop3A_835 : vector<16xi1>, vector<16xf32>
        %parallel_loop3A_837 = arith.subf %parallel_loop3A_836, %get3A_10 : vector<16xf32>
        %parallel_loop3A_838 = math.exp %parallel_loop3A_837 : vector<16xf32>
        %parallel_loop3A_839 = arith.index_cast %parallel_loop3A_817 : i32 to index
        %parallel_loop3A_840 = tpu.vector_load %arg24[%parallel_loop3A_839] {strides = array<i32>} : memref<656xf32, #tpu.memory_space<vmem>>, vector<16xf32>,
        %parallel_loop3A_841 = vector.shape_cast %parallel_loop3A_840 : vector<16xf32> to vector<16xf32>
        %parallel_loop3A_842 = vector.shape_cast %parallel_loop3A_838 : vector<16xf32> to vector<16xf32>
        tpu.vector_store %arg24[%parallel_loop3A_839], %parallel_loop3A_842 {strides = array<i32>} : memref<656xf32, #tpu.memory_space<vmem>>, vector<16xf32>,
        %parallel_loop3A_843 = arith.index_cast %parallel_loop3A_817 : i32 to index
        %parallel_loop3A_844 = tpu.vector_load %arg16[%parallel_loop3A_843] {strides = array<i32>} : memref<640xf32, #tpu.memory_space<vmem>>, vector<16xf32>,
        %parallel_loop3A_845 = vector.shape_cast %parallel_loop3A_844 : vector<16xf32> to vector<16xf32>
        %parallel_loop3A_846 = arith.addf %parallel_loop3A_815, %parallel_loop3A_845 : vector<16xf32>
        scf.yield %parallel_loop3A_846 : vector<16xf32>
      } {sc.loop_unroll_factor = 4 : i64, sc.parallel_access}
      %get3A_500 = arith.constant 0 : index
      %get3A_501 = tpu.vector_load %arg26[%get3A_500] {strides = array<i32>} : memref<16xf32, #tpu.memory_space<vmem>>, vector<16xf32>,
      %get3A_502 = vector.shape_cast %get3A_501 : vector<16xf32> to vector<16xf32>
      %add3A_503 = arith.addf %get3A_502, %parallel_loop3A_499 : vector<16xf32>
      %swap3A_504 = arith.constant 0 : index
      %swap3A_505 = tpu.vector_load %arg26[%swap3A_504] {strides = array<i32>} : memref<16xf32, #tpu.memory_space<vmem>>, vector<16xf32>,
      %swap3A_506 = vector.shape_cast %swap3A_505 : vector<16xf32> to vector<16xf32>
      %swap3A_507 = vector.shape_cast %add3A_503 : vector<16xf32> to vector<16xf32>
      tpu.vector_store %arg26[%swap3A_504], %swap3A_507 {strides = array<i32>} : memref<16xf32, #tpu.memory_space<vmem>>, vector<16xf32>,
      %parallel_loop3A_508 = arith.constant 0 : i32
      %parallel_loop3A_509 = arith.constant 640 : i32
      %parallel_loop3A_510 = arith.constant 1 : i32
      scf.for %parallel_loop3A_814 = %parallel_loop3A_508 to %parallel_loop3A_509 step %parallel_loop3A_510  : i32 {
        %parallel_loop3A_815 = arith.index_cast %parallel_loop3A_814 : i32 to index
        %parallel_loop3A_816 = tpu.vector_load %arg24[%parallel_loop3A_815] {strides = array<i32>} : memref<656xf32, #tpu.memory_space<vmem>>, vector<16xf32>,
        %parallel_loop3A_817 = vector.shape_cast %parallel_loop3A_816 : vector<16xf32> to vector<16xf32>
        %parallel_loop3A_818 = vector.extract_strided_slice %parallel_loop3A_817 {offsets = [0], sizes = [1], strides = [1]} : vector<16xf32> to vector<1xf32>
        %parallel_loop3A_819 = vector.extract %parallel_loop3A_818[0] : f32 from vector<1xf32>
        %parallel_loop3A_820 = vector.broadcast %parallel_loop3A_819 : f32 to vector<16xf32>
        %parallel_loop3A_821 = arith.index_cast %parallel_loop3A_814 : i32 to index
        %parallel_loop3A_822 = arith.constant 0 : index
        %parallel_loop3A_823 = tpu.vector_load %arg18[%parallel_loop3A_821, %parallel_loop3A_822] {strides = array<i32>} : memref<640x16xf32, #tpu.memory_space<vmem>>, vector<1x16xf32>,
        %parallel_loop3A_824 = vector.shape_cast %parallel_loop3A_823 : vector<1x16xf32> to vector<16xf32>
        %parallel_loop3A_825 = arith.mulf %parallel_loop3A_824, %parallel_loop3A_820 : vector<16xf32>
        %parallel_loop3A_826 = arith.index_cast %parallel_loop3A_814 : i32 to index
        %parallel_loop3A_827 = arith.constant 0 : index
        %parallel_loop3A_828 = tpu.vector_load %arg18[%parallel_loop3A_826, %parallel_loop3A_827] {strides = array<i32>} : memref<640x16xf32, #tpu.memory_space<vmem>>, vector<1x16xf32>,
        %parallel_loop3A_829 = vector.shape_cast %parallel_loop3A_828 : vector<1x16xf32> to vector<16xf32>
        %parallel_loop3A_830 = vector.shape_cast %parallel_loop3A_825 : vector<16xf32> to vector<1x16xf32>
        tpu.vector_store %arg18[%parallel_loop3A_826, %parallel_loop3A_827], %parallel_loop3A_830 {strides = array<i32>} : memref<640x16xf32, #tpu.memory_space<vmem>>, vector<1x16xf32>,
      } {sc.loop_unroll_factor = 16 : i64, sc.parallel_access}
      %dma_start3A_511 = arith.constant 0 : i32
      %dma_start3A_512 = arith.constant 0 : i32
      %dma_start3A_513 = arith.constant 0 : i32
      %dma_start3A_514 = tpu.memref_slice %arg18[%dma_start3A_512, %dma_start3A_513] : memref<640x16xf32, #tpu.memory_space<vmem>> -> memref<128x16xf32, #tpu.memory_space<vmem>>
      %dma_start3A_515 = arith.constant 0 : i32
      %dma_start3A_516 = tpu.memref_slice %arg14[%dma_start3A_511, %dma_start3A_515] : memref<5x128xi32, #tpu.memory_space<vmem>> -> memref<1x128xi32, #tpu.memory_space<vmem>>
      %dma_start3A_517 = tpu.memref_squeeze %dma_start3A_516 : memref<1x128xi32, #tpu.memory_space<vmem>> -> memref<128xi32, #tpu.memory_space<vmem>>
      %dma_start3A_518 = arith.constant 0 : i32
      %dma_start3A_519 = arith.constant 0 : i32
      %dma_start3A_520 = tpu.memref_slice %arg27[%dma_start3A_518, %dma_start3A_519] : memref<100096x16xf32, #tpu.memory_space<vmem_shared>> -> memref<100096x16xf32, #tpu.memory_space<vmem_shared>>
      tpu.enqueue_indirect_dma source(%dma_start3A_514 : memref<128x16xf32, #tpu.memory_space<vmem>>) target(%dma_start3A_520 : memref<100096x16xf32, #tpu.memory_space<vmem_shared>>) offsets(%dma_start3A_517 : memref<128xi32, #tpu.memory_space<vmem>>) semaphore(%arg30 : memref<!tpu.dma_semaphore, #tpu.memory_space<semaphore_mem>>) {add = true}
      %dma_start3A_521 = arith.constant 1 : i32
      %dma_start3A_522 = arith.constant 128 : i32
      %dma_start3A_523 = arith.constant 0 : i32
      %dma_start3A_524 = tpu.memref_slice %arg18[%dma_start3A_522, %dma_start3A_523] : memref<640x16xf32, #tpu.memory_space<vmem>> -> memref<128x16xf32, #tpu.memory_space<vmem>>
      %dma_start3A_525 = arith.constant 0 : i32
      %dma_start3A_526 = tpu.memref_slice %arg14[%dma_start3A_521, %dma_start3A_525] : memref<5x128xi32, #tpu.memory_space<vmem>> -> memref<1x128xi32, #tpu.memory_space<vmem>>
      %dma_start3A_527 = tpu.memref_squeeze %dma_start3A_526 : memref<1x128xi32, #tpu.memory_space<vmem>> -> memref<128xi32, #tpu.memory_space<vmem>>
      %dma_start3A_528 = arith.constant 0 : i32
      %dma_start3A_529 = arith.constant 0 : i32
      %dma_start3A_530 = tpu.memref_slice %arg27[%dma_start3A_528, %dma_start3A_529] : memref<100096x16xf32, #tpu.memory_space<vmem_shared>> -> memref<100096x16xf32, #tpu.memory_space<vmem_shared>>
      tpu.enqueue_indirect_dma source(%dma_start3A_524 : memref<128x16xf32, #tpu.memory_space<vmem>>) target(%dma_start3A_530 : memref<100096x16xf32, #tpu.memory_space<vmem_shared>>) offsets(%dma_start3A_527 : memref<128xi32, #tpu.memory_space<vmem>>) semaphore(%arg30 : memref<!tpu.dma_semaphore, #tpu.memory_space<semaphore_mem>>) {add = true}
      %dma_start3A_531 = arith.constant 2 : i32
      %dma_start3A_532 = arith.constant 256 : i32
      %dma_start3A_533 = arith.constant 0 : i32
      %dma_start3A_534 = tpu.memref_slice %arg18[%dma_start3A_532, %dma_start3A_533] : memref<640x16xf32, #tpu.memory_space<vmem>> -> memref<128x16xf32, #tpu.memory_space<vmem>>
      %dma_start3A_535 = arith.constant 0 : i32
      %dma_start3A_536 = tpu.memref_slice %arg14[%dma_start3A_531, %dma_start3A_535] : memref<5x128xi32, #tpu.memory_space<vmem>> -> memref<1x128xi32, #tpu.memory_space<vmem>>
      %dma_start3A_537 = tpu.memref_squeeze %dma_start3A_536 : memref<1x128xi32, #tpu.memory_space<vmem>> -> memref<128xi32, #tpu.memory_space<vmem>>
      %dma_start3A_538 = arith.constant 0 : i32
      %dma_start3A_539 = arith.constant 0 : i32
      %dma_start3A_540 = tpu.memref_slice %arg27[%dma_start3A_538, %dma_start3A_539] : memref<100096x16xf32, #tpu.memory_space<vmem_shared>> -> memref<100096x16xf32, #tpu.memory_space<vmem_shared>>
      tpu.enqueue_indirect_dma source(%dma_start3A_534 : memref<128x16xf32, #tpu.memory_space<vmem>>) target(%dma_start3A_540 : memref<100096x16xf32, #tpu.memory_space<vmem_shared>>) offsets(%dma_start3A_537 : memref<128xi32, #tpu.memory_space<vmem>>) semaphore(%arg30 : memref<!tpu.dma_semaphore, #tpu.memory_space<semaphore_mem>>) {add = true}
      %dma_start3A_541 = arith.constant 3 : i32
      %dma_start3A_542 = arith.constant 384 : i32
      %dma_start3A_543 = arith.constant 0 : i32
      %dma_start3A_544 = tpu.memref_slice %arg18[%dma_start3A_542, %dma_start3A_543] : memref<640x16xf32, #tpu.memory_space<vmem>> -> memref<128x16xf32, #tpu.memory_space<vmem>>
      %dma_start3A_545 = arith.constant 0 : i32
      %dma_start3A_546 = tpu.memref_slice %arg14[%dma_start3A_541, %dma_start3A_545] : memref<5x128xi32, #tpu.memory_space<vmem>> -> memref<1x128xi32, #tpu.memory_space<vmem>>
      %dma_start3A_547 = tpu.memref_squeeze %dma_start3A_546 : memref<1x128xi32, #tpu.memory_space<vmem>> -> memref<128xi32, #tpu.memory_space<vmem>>
      %dma_start3A_548 = arith.constant 0 : i32
      %dma_start3A_549 = arith.constant 0 : i32
      %dma_start3A_550 = tpu.memref_slice %arg27[%dma_start3A_548, %dma_start3A_549] : memref<100096x16xf32, #tpu.memory_space<vmem_shared>> -> memref<100096x16xf32, #tpu.memory_space<vmem_shared>>
      tpu.enqueue_indirect_dma source(%dma_start3A_544 : memref<128x16xf32, #tpu.memory_space<vmem>>) target(%dma_start3A_550 : memref<100096x16xf32, #tpu.memory_space<vmem_shared>>) offsets(%dma_start3A_547 : memref<128xi32, #tpu.memory_space<vmem>>) semaphore(%arg30 : memref<!tpu.dma_semaphore, #tpu.memory_space<semaphore_mem>>) {add = true}
      %dma_start3A_551 = arith.constant 4 : i32
      %dma_start3A_552 = arith.constant 512 : i32
      %dma_start3A_553 = arith.constant 0 : i32
      %dma_start3A_554 = tpu.memref_slice %arg18[%dma_start3A_552, %dma_start3A_553] : memref<640x16xf32, #tpu.memory_space<vmem>> -> memref<128x16xf32, #tpu.memory_space<vmem>>
      %dma_start3A_555 = arith.constant 0 : i32
      %dma_start3A_556 = tpu.memref_slice %arg14[%dma_start3A_551, %dma_start3A_555] : memref<5x128xi32, #tpu.memory_space<vmem>> -> memref<1x128xi32, #tpu.memory_space<vmem>>
      %dma_start3A_557 = tpu.memref_squeeze %dma_start3A_556 : memref<1x128xi32, #tpu.memory_space<vmem>> -> memref<128xi32, #tpu.memory_space<vmem>>
      %dma_start3A_558 = arith.constant 0 : i32
      %dma_start3A_559 = arith.constant 0 : i32
      %dma_start3A_560 = tpu.memref_slice %arg27[%dma_start3A_558, %dma_start3A_559] : memref<100096x16xf32, #tpu.memory_space<vmem_shared>> -> memref<100096x16xf32, #tpu.memory_space<vmem_shared>>
      tpu.enqueue_indirect_dma source(%dma_start3A_554 : memref<128x16xf32, #tpu.memory_space<vmem>>) target(%dma_start3A_560 : memref<100096x16xf32, #tpu.memory_space<vmem_shared>>) offsets(%dma_start3A_557 : memref<128xi32, #tpu.memory_space<vmem>>) semaphore(%arg30 : memref<!tpu.dma_semaphore, #tpu.memory_space<semaphore_mem>>) {add = true}
      %dma_wait3A_561 = arith.constant 0 : i32
      %dma_wait3A_562 = arith.constant 0 : i32
      %dma_wait3A_563 = arith.constant 0 : i32
      %dma_wait3A_564 = tpu.memref_slice %arg18[%dma_wait3A_562, %dma_wait3A_563] : memref<640x16xf32, #tpu.memory_space<vmem>> -> memref<128x16xf32, #tpu.memory_space<vmem>>
      %dma_wait3A_565 = arith.constant 0 : i32
      %dma_wait3A_566 = tpu.memref_slice %arg14[%dma_wait3A_561, %dma_wait3A_565] : memref<5x128xi32, #tpu.memory_space<vmem>> -> memref<1x128xi32, #tpu.memory_space<vmem>>
      %dma_wait3A_567 = tpu.memref_squeeze %dma_wait3A_566 : memref<1x128xi32, #tpu.memory_space<vmem>> -> memref<128xi32, #tpu.memory_space<vmem>>
      %dma_wait3A_568 = arith.constant 0 : i32
      %dma_wait3A_569 = arith.constant 0 : i32
      %dma_wait3A_570 = tpu.memref_slice %arg27[%dma_wait3A_568, %dma_wait3A_569] : memref<100096x16xf32, #tpu.memory_space<vmem_shared>> -> memref<100096x16xf32, #tpu.memory_space<vmem_shared>>
      tpu.wait_indirect_dma semaphore(%arg30 : memref<!tpu.dma_semaphore, #tpu.memory_space<semaphore_mem>>) src(%dma_wait3A_564 : memref<128x16xf32, #tpu.memory_space<vmem>>) dst(%dma_wait3A_570 : memref<100096x16xf32, #tpu.memory_space<vmem_shared>>)
      %dma_wait3A_571 = arith.constant 1 : i32
      %dma_wait3A_572 = arith.constant 128 : i32
      %dma_wait3A_573 = arith.constant 0 : i32
      %dma_wait3A_574 = tpu.memref_slice %arg18[%dma_wait3A_572, %dma_wait3A_573] : memref<640x16xf32, #tpu.memory_space<vmem>> -> memref<128x16xf32, #tpu.memory_space<vmem>>
      %dma_wait3A_575 = arith.constant 0 : i32
      %dma_wait3A_576 = tpu.memref_slice %arg14[%dma_wait3A_571, %dma_wait3A_575] : memref<5x128xi32, #tpu.memory_space<vmem>> -> memref<1x128xi32, #tpu.memory_space<vmem>>
      %dma_wait3A_577 = tpu.memref_squeeze %dma_wait3A_576 : memref<1x128xi32, #tpu.memory_space<vmem>> -> memref<128xi32, #tpu.memory_space<vmem>>
      %dma_wait3A_578 = arith.constant 0 : i32
      %dma_wait3A_579 = arith.constant 0 : i32
      %dma_wait3A_580 = tpu.memref_slice %arg27[%dma_wait3A_578, %dma_wait3A_579] : memref<100096x16xf32, #tpu.memory_space<vmem_shared>> -> memref<100096x16xf32, #tpu.memory_space<vmem_shared>>
      tpu.wait_indirect_dma semaphore(%arg30 : memref<!tpu.dma_semaphore, #tpu.memory_space<semaphore_mem>>) src(%dma_wait3A_574 : memref<128x16xf32, #tpu.memory_space<vmem>>) dst(%dma_wait3A_580 : memref<100096x16xf32, #tpu.memory_space<vmem_shared>>)
      %dma_wait3A_581 = arith.constant 2 : i32
      %dma_wait3A_582 = arith.constant 256 : i32
      %dma_wait3A_583 = arith.constant 0 : i32
      %dma_wait3A_584 = tpu.memref_slice %arg18[%dma_wait3A_582, %dma_wait3A_583] : memref<640x16xf32, #tpu.memory_space<vmem>> -> memref<128x16xf32, #tpu.memory_space<vmem>>
      %dma_wait3A_585 = arith.constant 0 : i32
      %dma_wait3A_586 = tpu.memref_slice %arg14[%dma_wait3A_581, %dma_wait3A_585] : memref<5x128xi32, #tpu.memory_space<vmem>> -> memref<1x128xi32, #tpu.memory_space<vmem>>
      %dma_wait3A_587 = tpu.memref_squeeze %dma_wait3A_586 : memref<1x128xi32, #tpu.memory_space<vmem>> -> memref<128xi32, #tpu.memory_space<vmem>>
      %dma_wait3A_588 = arith.constant 0 : i32
      %dma_wait3A_589 = arith.constant 0 : i32
      %dma_wait3A_590 = tpu.memref_slice %arg27[%dma_wait3A_588, %dma_wait3A_589] : memref<100096x16xf32, #tpu.memory_space<vmem_shared>> -> memref<100096x16xf32, #tpu.memory_space<vmem_shared>>
      tpu.wait_indirect_dma semaphore(%arg30 : memref<!tpu.dma_semaphore, #tpu.memory_space<semaphore_mem>>) src(%dma_wait3A_584 : memref<128x16xf32, #tpu.memory_space<vmem>>) dst(%dma_wait3A_590 : memref<100096x16xf32, #tpu.memory_space<vmem_shared>>)
      %dma_wait3A_591 = arith.constant 3 : i32
      %dma_wait3A_592 = arith.constant 384 : i32
      %dma_wait3A_593 = arith.constant 0 : i32
      %dma_wait3A_594 = tpu.memref_slice %arg18[%dma_wait3A_592, %dma_wait3A_593] : memref<640x16xf32, #tpu.memory_space<vmem>> -> memref<128x16xf32, #tpu.memory_space<vmem>>
      %dma_wait3A_595 = arith.constant 0 : i32
      %dma_wait3A_596 = tpu.memref_slice %arg14[%dma_wait3A_591, %dma_wait3A_595] : memref<5x128xi32, #tpu.memory_space<vmem>> -> memref<1x128xi32, #tpu.memory_space<vmem>>
      %dma_wait3A_597 = tpu.memref_squeeze %dma_wait3A_596 : memref<1x128xi32, #tpu.memory_space<vmem>> -> memref<128xi32, #tpu.memory_space<vmem>>
      %dma_wait3A_598 = arith.constant 0 : i32
      %dma_wait3A_599 = arith.constant 0 : i32
      %dma_wait3A_600 = tpu.memref_slice %arg27[%dma_wait3A_598, %dma_wait3A_599] : memref<100096x16xf32, #tpu.memory_space<vmem_shared>> -> memref<100096x16xf32, #tpu.memory_space<vmem_shared>>
      tpu.wait_indirect_dma semaphore(%arg30 : memref<!tpu.dma_semaphore, #tpu.memory_space<semaphore_mem>>) src(%dma_wait3A_594 : memref<128x16xf32, #tpu.memory_space<vmem>>) dst(%dma_wait3A_600 : memref<100096x16xf32, #tpu.memory_space<vmem_shared>>)
      %dma_wait3A_601 = arith.constant 4 : i32
      %dma_wait3A_602 = arith.constant 512 : i32
      %dma_wait3A_603 = arith.constant 0 : i32
      %dma_wait3A_604 = tpu.memref_slice %arg18[%dma_wait3A_602, %dma_wait3A_603] : memref<640x16xf32, #tpu.memory_space<vmem>> -> memref<128x16xf32, #tpu.memory_space<vmem>>
      %dma_wait3A_605 = arith.constant 0 : i32
      %dma_wait3A_606 = tpu.memref_slice %arg14[%dma_wait3A_601, %dma_wait3A_605] : memref<5x128xi32, #tpu.memory_space<vmem>> -> memref<1x128xi32, #tpu.memory_space<vmem>>
      %dma_wait3A_607 = tpu.memref_squeeze %dma_wait3A_606 : memref<1x128xi32, #tpu.memory_space<vmem>> -> memref<128xi32, #tpu.memory_space<vmem>>
      %dma_wait3A_608 = arith.constant 0 : i32
      %dma_wait3A_609 = arith.constant 0 : i32
      %dma_wait3A_610 = tpu.memref_slice %arg27[%dma_wait3A_608, %dma_wait3A_609] : memref<100096x16xf32, #tpu.memory_space<vmem_shared>> -> memref<100096x16xf32, #tpu.memory_space<vmem_shared>>
      tpu.wait_indirect_dma semaphore(%arg30 : memref<!tpu.dma_semaphore, #tpu.memory_space<semaphore_mem>>) src(%dma_wait3A_604 : memref<128x16xf32, #tpu.memory_space<vmem>>) dst(%dma_wait3A_610 : memref<100096x16xf32, #tpu.memory_space<vmem_shared>>)
      %add3A_611 = arith.constant 2 : i32
      %add3A_612 = arith.addi %add3A_226, %add3A_611 : i32
      %lt3A_613 = arith.cmpi slt, %add3A_612, %add3A_28 : i32
      %convert_element_type3A_614 = arith.extui %lt3A_613 : i1 to i32
      %cond3A_615 = arith.constant 0 : i32
      %cond3A_616 = arith.cmpi ne, %convert_element_type3A_614, %cond3A_615 : i32
      scf.if %cond3A_616 {
        %add3A_814 = arith.constant 2 : i32
        %add3A_815 = arith.addi %add3A_226, %add3A_814 : i32
        %mul3A_816 = arith.constant 5 : i32
        %mul3A_817 = arith.muli %add3A_815, %mul3A_816 : i32
        %mul3A_818 = arith.constant 640 : i32
        %mul3A_819 = arith.muli %add3A_815, %mul3A_818 : i32
        "tpu.region"() ({
          %run_scoped3A = tpu.sem_alloc : memref<!tpu.dma_semaphore, #tpu.memory_space<semaphore_mem>>
          %dma_start3A_950 = arith.constant 0 : i32
          %dma_start3A_951 = tpu.memref_slice %arg5[%mul3A_817, %dma_start3A_950] : memref<25000x128xi32, #tpu.memory_space<hbm>> -> memref<5x128xi32, #tpu.memory_space<hbm>>
          %dma_start3A_952 = arith.constant 0 : i32
          %dma_start3A_953 = tpu.memref_slice %arg5[%mul3A_817, %dma_start3A_952] : memref<25000x128xi32, #tpu.memory_space<hbm>> -> memref<5x128xi32, #tpu.memory_space<hbm>>
          tpu.enqueue_dma source(%dma_start3A_953 : memref<5x128xi32, #tpu.memory_space<hbm>>) target(%arg12 : memref<5x128xi32, #tpu.memory_space<vmem>>) target_semaphore(%run_scoped3A : memref<!tpu.dma_semaphore, #tpu.memory_space<semaphore_mem>>)
          %dma_wait3A_954 = arith.constant 0 : i32
          %dma_wait3A_955 = tpu.memref_slice %arg5[%mul3A_817, %dma_wait3A_954] : memref<25000x128xi32, #tpu.memory_space<hbm>> -> memref<5x128xi32, #tpu.memory_space<hbm>>
          %dma_wait3A_956 = arith.constant 0 : i32
          %dma_wait3A_957 = tpu.memref_slice %arg5[%mul3A_817, %dma_wait3A_956] : memref<25000x128xi32, #tpu.memory_space<hbm>> -> memref<5x128xi32, #tpu.memory_space<hbm>>
          tpu.wait_dma2 semaphore(%run_scoped3A : memref<!tpu.dma_semaphore, #tpu.memory_space<semaphore_mem>>) src(%dma_wait3A_957 : memref<5x128xi32, #tpu.memory_space<hbm>>) dst(%arg12 : memref<5x128xi32, #tpu.memory_space<vmem>>)
          tpu.yield
        }) : () -> ()
        "tpu.region"() ({
          %run_scoped3A = tpu.sem_alloc : memref<!tpu.dma_semaphore, #tpu.memory_space<semaphore_mem>>
          %dma_start3A_950 = arith.constant 0 : i32
          %dma_start3A_951 = tpu.memref_slice %arg6[%mul3A_817, %dma_start3A_950] : memref<25000x128xi32, #tpu.memory_space<hbm>> -> memref<5x128xi32, #tpu.memory_space<hbm>>
          %dma_start3A_952 = arith.constant 0 : i32
          %dma_start3A_953 = tpu.memref_slice %arg6[%mul3A_817, %dma_start3A_952] : memref<25000x128xi32, #tpu.memory_space<hbm>> -> memref<5x128xi32, #tpu.memory_space<hbm>>
          tpu.enqueue_dma source(%dma_start3A_953 : memref<5x128xi32, #tpu.memory_space<hbm>>) target(%arg14 : memref<5x128xi32, #tpu.memory_space<vmem>>) target_semaphore(%run_scoped3A : memref<!tpu.dma_semaphore, #tpu.memory_space<semaphore_mem>>)
          %dma_wait3A_954 = arith.constant 0 : i32
          %dma_wait3A_955 = tpu.memref_slice %arg6[%mul3A_817, %dma_wait3A_954] : memref<25000x128xi32, #tpu.memory_space<hbm>> -> memref<5x128xi32, #tpu.memory_space<hbm>>
          %dma_wait3A_956 = arith.constant 0 : i32
          %dma_wait3A_957 = tpu.memref_slice %arg6[%mul3A_817, %dma_wait3A_956] : memref<25000x128xi32, #tpu.memory_space<hbm>> -> memref<5x128xi32, #tpu.memory_space<hbm>>
          tpu.wait_dma2 semaphore(%run_scoped3A : memref<!tpu.dma_semaphore, #tpu.memory_space<semaphore_mem>>) src(%dma_wait3A_957 : memref<5x128xi32, #tpu.memory_space<hbm>>) dst(%arg14 : memref<5x128xi32, #tpu.memory_space<vmem>>)
          tpu.yield
        }) : () -> ()
        "tpu.region"() ({
          %run_scoped3A = tpu.sem_alloc : memref<!tpu.dma_semaphore, #tpu.memory_space<semaphore_mem>>
          %dma_start3A_950 = tpu.memref_slice %arg7[%mul3A_819] : memref<3200000xf32, #tpu.memory_space<hbm>> -> memref<640xf32, #tpu.memory_space<hbm>>
          %dma_start3A_951 = tpu.memref_slice %arg7[%mul3A_819] : memref<3200000xf32, #tpu.memory_space<hbm>> -> memref<640xf32, #tpu.memory_space<hbm>>
          tpu.enqueue_dma source(%dma_start3A_951 : memref<640xf32, #tpu.memory_space<hbm>>) target(%arg16 : memref<640xf32, #tpu.memory_space<vmem>>) target_semaphore(%run_scoped3A : memref<!tpu.dma_semaphore, #tpu.memory_space<semaphore_mem>>)
          %dma_wait3A_952 = tpu.memref_slice %arg7[%mul3A_819] : memref<3200000xf32, #tpu.memory_space<hbm>> -> memref<640xf32, #tpu.memory_space<hbm>>
          %dma_wait3A_953 = tpu.memref_slice %arg7[%mul3A_819] : memref<3200000xf32, #tpu.memory_space<hbm>> -> memref<640xf32, #tpu.memory_space<hbm>>
          tpu.wait_dma2 semaphore(%run_scoped3A : memref<!tpu.dma_semaphore, #tpu.memory_space<semaphore_mem>>) src(%dma_wait3A_953 : memref<640xf32, #tpu.memory_space<hbm>>) dst(%arg16 : memref<640xf32, #tpu.memory_space<vmem>>)
          tpu.yield
        }) : () -> ()
        %dma_start3A_820 = arith.constant 0 : i32
        %dma_start3A_821 = arith.constant 0 : i32
        %dma_start3A_822 = arith.constant 0 : i32
        %dma_start3A_823 = tpu.memref_slice %arg18[%dma_start3A_821, %dma_start3A_822] : memref<640x16xf32, #tpu.memory_space<vmem>> -> memref<128x16xf32, #tpu.memory_space<vmem>>
        %dma_start3A_824 = arith.constant 0 : i32
        %dma_start3A_825 = tpu.memref_slice %arg12[%dma_start3A_820, %dma_start3A_824] : memref<5x128xi32, #tpu.memory_space<vmem>> -> memref<1x128xi32, #tpu.memory_space<vmem>>
        %dma_start3A_826 = tpu.memref_squeeze %dma_start3A_825 : memref<1x128xi32, #tpu.memory_space<vmem>> -> memref<128xi32, #tpu.memory_space<vmem>>
        %dma_start3A_827 = arith.constant 0 : i32
        %dma_start3A_828 = arith.constant 0 : i32
        %dma_start3A_829 = tpu.memref_slice %arg2[%dma_start3A_827, %dma_start3A_828] : memref<100000x16xf32, #tpu.memory_space<hbm>> -> memref<100000x16xf32, #tpu.memory_space<hbm>>
        tpu.enqueue_indirect_dma source(%dma_start3A_829 : memref<100000x16xf32, #tpu.memory_space<hbm>>) target(%dma_start3A_823 : memref<128x16xf32, #tpu.memory_space<vmem>>) offsets(%dma_start3A_826 : memref<128xi32, #tpu.memory_space<vmem>>) semaphore(%arg28 : memref<!tpu.dma_semaphore, #tpu.memory_space<semaphore_mem>>)
        %dma_start3A_830 = arith.constant 0 : i32
        %dma_start3A_831 = arith.constant 0 : i32
        %dma_start3A_832 = tpu.memref_slice %arg20[%dma_start3A_831] : memref<640xf32, #tpu.memory_space<vmem>> -> memref<128xf32, #tpu.memory_space<vmem>>
        %dma_start3A_833 = arith.constant 0 : i32
        %dma_start3A_834 = tpu.memref_slice %arg12[%dma_start3A_830, %dma_start3A_833] : memref<5x128xi32, #tpu.memory_space<vmem>> -> memref<1x128xi32, #tpu.memory_space<vmem>>
        %dma_start3A_835 = tpu.memref_squeeze %dma_start3A_834 : memref<1x128xi32, #tpu.memory_space<vmem>> -> memref<128xi32, #tpu.memory_space<vmem>>
        %dma_start3A_836 = arith.constant 0 : i32
        %dma_start3A_837 = tpu.memref_slice %arg3[%dma_start3A_836] : memref<100000xf32, #tpu.memory_space<hbm>> -> memref<100000xf32, #tpu.memory_space<hbm>>
        tpu.enqueue_indirect_dma source(%dma_start3A_837 : memref<100000xf32, #tpu.memory_space<hbm>>) target(%dma_start3A_832 : memref<128xf32, #tpu.memory_space<vmem>>) offsets(%dma_start3A_835 : memref<128xi32, #tpu.memory_space<vmem>>) semaphore(%arg28 : memref<!tpu.dma_semaphore, #tpu.memory_space<semaphore_mem>>)
        %dma_start3A_838 = arith.constant 0 : i32
        %dma_start3A_839 = arith.constant 0 : i32
        %dma_start3A_840 = tpu.memref_slice %arg22[%dma_start3A_839] : memref<640xf32, #tpu.memory_space<vmem>> -> memref<128xf32, #tpu.memory_space<vmem>>
        %dma_start3A_841 = arith.constant 0 : i32
        %dma_start3A_842 = tpu.memref_slice %arg14[%dma_start3A_838, %dma_start3A_841] : memref<5x128xi32, #tpu.memory_space<vmem>> -> memref<1x128xi32, #tpu.memory_space<vmem>>
        %dma_start3A_843 = tpu.memref_squeeze %dma_start3A_842 : memref<1x128xi32, #tpu.memory_space<vmem>> -> memref<128xi32, #tpu.memory_space<vmem>>
        %dma_start3A_844 = arith.constant 0 : i32
        %dma_start3A_845 = tpu.memref_slice %arg4[%dma_start3A_844] : memref<100000xf32, #tpu.memory_space<hbm>> -> memref<100000xf32, #tpu.memory_space<hbm>>
        tpu.enqueue_indirect_dma source(%dma_start3A_845 : memref<100000xf32, #tpu.memory_space<hbm>>) target(%dma_start3A_840 : memref<128xf32, #tpu.memory_space<vmem>>) offsets(%dma_start3A_843 : memref<128xi32, #tpu.memory_space<vmem>>) semaphore(%arg28 : memref<!tpu.dma_semaphore, #tpu.memory_space<semaphore_mem>>)
        %dma_start3A_846 = arith.constant 1 : i32
        %dma_start3A_847 = arith.constant 128 : i32
        %dma_start3A_848 = arith.constant 0 : i32
        %dma_start3A_849 = tpu.memref_slice %arg18[%dma_start3A_847, %dma_start3A_848] : memref<640x16xf32, #tpu.memory_space<vmem>> -> memref<128x16xf32, #tpu.memory_space<vmem>>
        %dma_start3A_850 = arith.constant 0 : i32
        %dma_start3A_851 = tpu.memref_slice %arg12[%dma_start3A_846, %dma_start3A_850] : memref<5x128xi32, #tpu.memory_space<vmem>> -> memref<1x128xi32, #tpu.memory_space<vmem>>
        %dma_start3A_852 = tpu.memref_squeeze %dma_start3A_851 : memref<1x128xi32, #tpu.memory_space<vmem>> -> memref<128xi32, #tpu.memory_space<vmem>>
        %dma_start3A_853 = arith.constant 0 : i32
        %dma_start3A_854 = arith.constant 0 : i32
        %dma_start3A_855 = tpu.memref_slice %arg2[%dma_start3A_853, %dma_start3A_854] : memref<100000x16xf32, #tpu.memory_space<hbm>> -> memref<100000x16xf32, #tpu.memory_space<hbm>>
        tpu.enqueue_indirect_dma source(%dma_start3A_855 : memref<100000x16xf32, #tpu.memory_space<hbm>>) target(%dma_start3A_849 : memref<128x16xf32, #tpu.memory_space<vmem>>) offsets(%dma_start3A_852 : memref<128xi32, #tpu.memory_space<vmem>>) semaphore(%arg28 : memref<!tpu.dma_semaphore, #tpu.memory_space<semaphore_mem>>)
        %dma_start3A_856 = arith.constant 1 : i32
        %dma_start3A_857 = arith.constant 128 : i32
        %dma_start3A_858 = tpu.memref_slice %arg20[%dma_start3A_857] : memref<640xf32, #tpu.memory_space<vmem>> -> memref<128xf32, #tpu.memory_space<vmem>>
        %dma_start3A_859 = arith.constant 0 : i32
        %dma_start3A_860 = tpu.memref_slice %arg12[%dma_start3A_856, %dma_start3A_859] : memref<5x128xi32, #tpu.memory_space<vmem>> -> memref<1x128xi32, #tpu.memory_space<vmem>>
        %dma_start3A_861 = tpu.memref_squeeze %dma_start3A_860 : memref<1x128xi32, #tpu.memory_space<vmem>> -> memref<128xi32, #tpu.memory_space<vmem>>
        %dma_start3A_862 = arith.constant 0 : i32
        %dma_start3A_863 = tpu.memref_slice %arg3[%dma_start3A_862] : memref<100000xf32, #tpu.memory_space<hbm>> -> memref<100000xf32, #tpu.memory_space<hbm>>
        tpu.enqueue_indirect_dma source(%dma_start3A_863 : memref<100000xf32, #tpu.memory_space<hbm>>) target(%dma_start3A_858 : memref<128xf32, #tpu.memory_space<vmem>>) offsets(%dma_start3A_861 : memref<128xi32, #tpu.memory_space<vmem>>) semaphore(%arg28 : memref<!tpu.dma_semaphore, #tpu.memory_space<semaphore_mem>>)
        %dma_start3A_864 = arith.constant 1 : i32
        %dma_start3A_865 = arith.constant 128 : i32
        %dma_start3A_866 = tpu.memref_slice %arg22[%dma_start3A_865] : memref<640xf32, #tpu.memory_space<vmem>> -> memref<128xf32, #tpu.memory_space<vmem>>
        %dma_start3A_867 = arith.constant 0 : i32
        %dma_start3A_868 = tpu.memref_slice %arg14[%dma_start3A_864, %dma_start3A_867] : memref<5x128xi32, #tpu.memory_space<vmem>> -> memref<1x128xi32, #tpu.memory_space<vmem>>
        %dma_start3A_869 = tpu.memref_squeeze %dma_start3A_868 : memref<1x128xi32, #tpu.memory_space<vmem>> -> memref<128xi32, #tpu.memory_space<vmem>>
        %dma_start3A_870 = arith.constant 0 : i32
        %dma_start3A_871 = tpu.memref_slice %arg4[%dma_start3A_870] : memref<100000xf32, #tpu.memory_space<hbm>> -> memref<100000xf32, #tpu.memory_space<hbm>>
        tpu.enqueue_indirect_dma source(%dma_start3A_871 : memref<100000xf32, #tpu.memory_space<hbm>>) target(%dma_start3A_866 : memref<128xf32, #tpu.memory_space<vmem>>) offsets(%dma_start3A_869 : memref<128xi32, #tpu.memory_space<vmem>>) semaphore(%arg28 : memref<!tpu.dma_semaphore, #tpu.memory_space<semaphore_mem>>)
        %dma_start3A_872 = arith.constant 2 : i32
        %dma_start3A_873 = arith.constant 256 : i32
        %dma_start3A_874 = arith.constant 0 : i32
        %dma_start3A_875 = tpu.memref_slice %arg18[%dma_start3A_873, %dma_start3A_874] : memref<640x16xf32, #tpu.memory_space<vmem>> -> memref<128x16xf32, #tpu.memory_space<vmem>>
        %dma_start3A_876 = arith.constant 0 : i32
        %dma_start3A_877 = tpu.memref_slice %arg12[%dma_start3A_872, %dma_start3A_876] : memref<5x128xi32, #tpu.memory_space<vmem>> -> memref<1x128xi32, #tpu.memory_space<vmem>>
        %dma_start3A_878 = tpu.memref_squeeze %dma_start3A_877 : memref<1x128xi32, #tpu.memory_space<vmem>> -> memref<128xi32, #tpu.memory_space<vmem>>
        %dma_start3A_879 = arith.constant 0 : i32
        %dma_start3A_880 = arith.constant 0 : i32
        %dma_start3A_881 = tpu.memref_slice %arg2[%dma_start3A_879, %dma_start3A_880] : memref<100000x16xf32, #tpu.memory_space<hbm>> -> memref<100000x16xf32, #tpu.memory_space<hbm>>
        tpu.enqueue_indirect_dma source(%dma_start3A_881 : memref<100000x16xf32, #tpu.memory_space<hbm>>) target(%dma_start3A_875 : memref<128x16xf32, #tpu.memory_space<vmem>>) offsets(%dma_start3A_878 : memref<128xi32, #tpu.memory_space<vmem>>) semaphore(%arg28 : memref<!tpu.dma_semaphore, #tpu.memory_space<semaphore_mem>>)
        %dma_start3A_882 = arith.constant 2 : i32
        %dma_start3A_883 = arith.constant 256 : i32
        %dma_start3A_884 = tpu.memref_slice %arg20[%dma_start3A_883] : memref<640xf32, #tpu.memory_space<vmem>> -> memref<128xf32, #tpu.memory_space<vmem>>
        %dma_start3A_885 = arith.constant 0 : i32
        %dma_start3A_886 = tpu.memref_slice %arg12[%dma_start3A_882, %dma_start3A_885] : memref<5x128xi32, #tpu.memory_space<vmem>> -> memref<1x128xi32, #tpu.memory_space<vmem>>
        %dma_start3A_887 = tpu.memref_squeeze %dma_start3A_886 : memref<1x128xi32, #tpu.memory_space<vmem>> -> memref<128xi32, #tpu.memory_space<vmem>>
        %dma_start3A_888 = arith.constant 0 : i32
        %dma_start3A_889 = tpu.memref_slice %arg3[%dma_start3A_888] : memref<100000xf32, #tpu.memory_space<hbm>> -> memref<100000xf32, #tpu.memory_space<hbm>>
        tpu.enqueue_indirect_dma source(%dma_start3A_889 : memref<100000xf32, #tpu.memory_space<hbm>>) target(%dma_start3A_884 : memref<128xf32, #tpu.memory_space<vmem>>) offsets(%dma_start3A_887 : memref<128xi32, #tpu.memory_space<vmem>>) semaphore(%arg28 : memref<!tpu.dma_semaphore, #tpu.memory_space<semaphore_mem>>)
        %dma_start3A_890 = arith.constant 2 : i32
        %dma_start3A_891 = arith.constant 256 : i32
        %dma_start3A_892 = tpu.memref_slice %arg22[%dma_start3A_891] : memref<640xf32, #tpu.memory_space<vmem>> -> memref<128xf32, #tpu.memory_space<vmem>>
        %dma_start3A_893 = arith.constant 0 : i32
        %dma_start3A_894 = tpu.memref_slice %arg14[%dma_start3A_890, %dma_start3A_893] : memref<5x128xi32, #tpu.memory_space<vmem>> -> memref<1x128xi32, #tpu.memory_space<vmem>>
        %dma_start3A_895 = tpu.memref_squeeze %dma_start3A_894 : memref<1x128xi32, #tpu.memory_space<vmem>> -> memref<128xi32, #tpu.memory_space<vmem>>
        %dma_start3A_896 = arith.constant 0 : i32
        %dma_start3A_897 = tpu.memref_slice %arg4[%dma_start3A_896] : memref<100000xf32, #tpu.memory_space<hbm>> -> memref<100000xf32, #tpu.memory_space<hbm>>
        tpu.enqueue_indirect_dma source(%dma_start3A_897 : memref<100000xf32, #tpu.memory_space<hbm>>) target(%dma_start3A_892 : memref<128xf32, #tpu.memory_space<vmem>>) offsets(%dma_start3A_895 : memref<128xi32, #tpu.memory_space<vmem>>) semaphore(%arg28 : memref<!tpu.dma_semaphore, #tpu.memory_space<semaphore_mem>>)
        %dma_start3A_898 = arith.constant 3 : i32
        %dma_start3A_899 = arith.constant 384 : i32
        %dma_start3A_900 = arith.constant 0 : i32
        %dma_start3A_901 = tpu.memref_slice %arg18[%dma_start3A_899, %dma_start3A_900] : memref<640x16xf32, #tpu.memory_space<vmem>> -> memref<128x16xf32, #tpu.memory_space<vmem>>
        %dma_start3A_902 = arith.constant 0 : i32
        %dma_start3A_903 = tpu.memref_slice %arg12[%dma_start3A_898, %dma_start3A_902] : memref<5x128xi32, #tpu.memory_space<vmem>> -> memref<1x128xi32, #tpu.memory_space<vmem>>
        %dma_start3A_904 = tpu.memref_squeeze %dma_start3A_903 : memref<1x128xi32, #tpu.memory_space<vmem>> -> memref<128xi32, #tpu.memory_space<vmem>>
        %dma_start3A_905 = arith.constant 0 : i32
        %dma_start3A_906 = arith.constant 0 : i32
        %dma_start3A_907 = tpu.memref_slice %arg2[%dma_start3A_905, %dma_start3A_906] : memref<100000x16xf32, #tpu.memory_space<hbm>> -> memref<100000x16xf32, #tpu.memory_space<hbm>>
        tpu.enqueue_indirect_dma source(%dma_start3A_907 : memref<100000x16xf32, #tpu.memory_space<hbm>>) target(%dma_start3A_901 : memref<128x16xf32, #tpu.memory_space<vmem>>) offsets(%dma_start3A_904 : memref<128xi32, #tpu.memory_space<vmem>>) semaphore(%arg28 : memref<!tpu.dma_semaphore, #tpu.memory_space<semaphore_mem>>)
        %dma_start3A_908 = arith.constant 3 : i32
        %dma_start3A_909 = arith.constant 384 : i32
        %dma_start3A_910 = tpu.memref_slice %arg20[%dma_start3A_909] : memref<640xf32, #tpu.memory_space<vmem>> -> memref<128xf32, #tpu.memory_space<vmem>>
        %dma_start3A_911 = arith.constant 0 : i32
        %dma_start3A_912 = tpu.memref_slice %arg12[%dma_start3A_908, %dma_start3A_911] : memref<5x128xi32, #tpu.memory_space<vmem>> -> memref<1x128xi32, #tpu.memory_space<vmem>>
        %dma_start3A_913 = tpu.memref_squeeze %dma_start3A_912 : memref<1x128xi32, #tpu.memory_space<vmem>> -> memref<128xi32, #tpu.memory_space<vmem>>
        %dma_start3A_914 = arith.constant 0 : i32
        %dma_start3A_915 = tpu.memref_slice %arg3[%dma_start3A_914] : memref<100000xf32, #tpu.memory_space<hbm>> -> memref<100000xf32, #tpu.memory_space<hbm>>
        tpu.enqueue_indirect_dma source(%dma_start3A_915 : memref<100000xf32, #tpu.memory_space<hbm>>) target(%dma_start3A_910 : memref<128xf32, #tpu.memory_space<vmem>>) offsets(%dma_start3A_913 : memref<128xi32, #tpu.memory_space<vmem>>) semaphore(%arg28 : memref<!tpu.dma_semaphore, #tpu.memory_space<semaphore_mem>>)
        %dma_start3A_916 = arith.constant 3 : i32
        %dma_start3A_917 = arith.constant 384 : i32
        %dma_start3A_918 = tpu.memref_slice %arg22[%dma_start3A_917] : memref<640xf32, #tpu.memory_space<vmem>> -> memref<128xf32, #tpu.memory_space<vmem>>
        %dma_start3A_919 = arith.constant 0 : i32
        %dma_start3A_920 = tpu.memref_slice %arg14[%dma_start3A_916, %dma_start3A_919] : memref<5x128xi32, #tpu.memory_space<vmem>> -> memref<1x128xi32, #tpu.memory_space<vmem>>
        %dma_start3A_921 = tpu.memref_squeeze %dma_start3A_920 : memref<1x128xi32, #tpu.memory_space<vmem>> -> memref<128xi32, #tpu.memory_space<vmem>>
        %dma_start3A_922 = arith.constant 0 : i32
        %dma_start3A_923 = tpu.memref_slice %arg4[%dma_start3A_922] : memref<100000xf32, #tpu.memory_space<hbm>> -> memref<100000xf32, #tpu.memory_space<hbm>>
        tpu.enqueue_indirect_dma source(%dma_start3A_923 : memref<100000xf32, #tpu.memory_space<hbm>>) target(%dma_start3A_918 : memref<128xf32, #tpu.memory_space<vmem>>) offsets(%dma_start3A_921 : memref<128xi32, #tpu.memory_space<vmem>>) semaphore(%arg28 : memref<!tpu.dma_semaphore, #tpu.memory_space<semaphore_mem>>)
        %dma_start3A_924 = arith.constant 4 : i32
        %dma_start3A_925 = arith.constant 512 : i32
        %dma_start3A_926 = arith.constant 0 : i32
        %dma_start3A_927 = tpu.memref_slice %arg18[%dma_start3A_925, %dma_start3A_926] : memref<640x16xf32, #tpu.memory_space<vmem>> -> memref<128x16xf32, #tpu.memory_space<vmem>>
        %dma_start3A_928 = arith.constant 0 : i32
        %dma_start3A_929 = tpu.memref_slice %arg12[%dma_start3A_924, %dma_start3A_928] : memref<5x128xi32, #tpu.memory_space<vmem>> -> memref<1x128xi32, #tpu.memory_space<vmem>>
        %dma_start3A_930 = tpu.memref_squeeze %dma_start3A_929 : memref<1x128xi32, #tpu.memory_space<vmem>> -> memref<128xi32, #tpu.memory_space<vmem>>
        %dma_start3A_931 = arith.constant 0 : i32
        %dma_start3A_932 = arith.constant 0 : i32
        %dma_start3A_933 = tpu.memref_slice %arg2[%dma_start3A_931, %dma_start3A_932] : memref<100000x16xf32, #tpu.memory_space<hbm>> -> memref<100000x16xf32, #tpu.memory_space<hbm>>
        tpu.enqueue_indirect_dma source(%dma_start3A_933 : memref<100000x16xf32, #tpu.memory_space<hbm>>) target(%dma_start3A_927 : memref<128x16xf32, #tpu.memory_space<vmem>>) offsets(%dma_start3A_930 : memref<128xi32, #tpu.memory_space<vmem>>) semaphore(%arg28 : memref<!tpu.dma_semaphore, #tpu.memory_space<semaphore_mem>>)
        %dma_start3A_934 = arith.constant 4 : i32
        %dma_start3A_935 = arith.constant 512 : i32
        %dma_start3A_936 = tpu.memref_slice %arg20[%dma_start3A_935] : memref<640xf32, #tpu.memory_space<vmem>> -> memref<128xf32, #tpu.memory_space<vmem>>
        %dma_start3A_937 = arith.constant 0 : i32
        %dma_start3A_938 = tpu.memref_slice %arg12[%dma_start3A_934, %dma_start3A_937] : memref<5x128xi32, #tpu.memory_space<vmem>> -> memref<1x128xi32, #tpu.memory_space<vmem>>
        %dma_start3A_939 = tpu.memref_squeeze %dma_start3A_938 : memref<1x128xi32, #tpu.memory_space<vmem>> -> memref<128xi32, #tpu.memory_space<vmem>>
        %dma_start3A_940 = arith.constant 0 : i32
        %dma_start3A_941 = tpu.memref_slice %arg3[%dma_start3A_940] : memref<100000xf32, #tpu.memory_space<hbm>> -> memref<100000xf32, #tpu.memory_space<hbm>>
        tpu.enqueue_indirect_dma source(%dma_start3A_941 : memref<100000xf32, #tpu.memory_space<hbm>>) target(%dma_start3A_936 : memref<128xf32, #tpu.memory_space<vmem>>) offsets(%dma_start3A_939 : memref<128xi32, #tpu.memory_space<vmem>>) semaphore(%arg28 : memref<!tpu.dma_semaphore, #tpu.memory_space<semaphore_mem>>)
        %dma_start3A_942 = arith.constant 4 : i32
        %dma_start3A_943 = arith.constant 512 : i32
        %dma_start3A_944 = tpu.memref_slice %arg22[%dma_start3A_943] : memref<640xf32, #tpu.memory_space<vmem>> -> memref<128xf32, #tpu.memory_space<vmem>>
        %dma_start3A_945 = arith.constant 0 : i32
        %dma_start3A_946 = tpu.memref_slice %arg14[%dma_start3A_942, %dma_start3A_945] : memref<5x128xi32, #tpu.memory_space<vmem>> -> memref<1x128xi32, #tpu.memory_space<vmem>>
        %dma_start3A_947 = tpu.memref_squeeze %dma_start3A_946 : memref<1x128xi32, #tpu.memory_space<vmem>> -> memref<128xi32, #tpu.memory_space<vmem>>
        %dma_start3A_948 = arith.constant 0 : i32
        %dma_start3A_949 = tpu.memref_slice %arg4[%dma_start3A_948] : memref<100000xf32, #tpu.memory_space<hbm>> -> memref<100000xf32, #tpu.memory_space<hbm>>
        tpu.enqueue_indirect_dma source(%dma_start3A_949 : memref<100000xf32, #tpu.memory_space<hbm>>) target(%dma_start3A_944 : memref<128xf32, #tpu.memory_space<vmem>>) offsets(%dma_start3A_947 : memref<128xi32, #tpu.memory_space<vmem>>) semaphore(%arg28 : memref<!tpu.dma_semaphore, #tpu.memory_space<semaphore_mem>>)
      } else {
      }
      %dma_wait3A_617 = arith.constant 0 : i32
      %dma_wait3A_618 = arith.constant 0 : i32
      %dma_wait3A_619 = arith.constant 0 : i32
      %dma_wait3A_620 = tpu.memref_slice %arg19[%dma_wait3A_618, %dma_wait3A_619] : memref<640x16xf32, #tpu.memory_space<vmem>> -> memref<128x16xf32, #tpu.memory_space<vmem>>
      %dma_wait3A_621 = arith.constant 0 : i32
      %dma_wait3A_622 = tpu.memref_slice %arg13[%dma_wait3A_617, %dma_wait3A_621] : memref<5x128xi32, #tpu.memory_space<vmem>> -> memref<1x128xi32, #tpu.memory_space<vmem>>
      %dma_wait3A_623 = tpu.memref_squeeze %dma_wait3A_622 : memref<1x128xi32, #tpu.memory_space<vmem>> -> memref<128xi32, #tpu.memory_space<vmem>>
      %dma_wait3A_624 = arith.constant 0 : i32
      %dma_wait3A_625 = arith.constant 0 : i32
      %dma_wait3A_626 = tpu.memref_slice %arg2[%dma_wait3A_624, %dma_wait3A_625] : memref<100000x16xf32, #tpu.memory_space<hbm>> -> memref<100000x16xf32, #tpu.memory_space<hbm>>
      tpu.wait_indirect_dma semaphore(%arg29 : memref<!tpu.dma_semaphore, #tpu.memory_space<semaphore_mem>>) src(%dma_wait3A_626 : memref<100000x16xf32, #tpu.memory_space<hbm>>) dst(%dma_wait3A_620 : memref<128x16xf32, #tpu.memory_space<vmem>>)
      %dma_wait3A_627 = arith.constant 0 : i32
      %dma_wait3A_628 = arith.constant 0 : i32
      %dma_wait3A_629 = tpu.memref_slice %arg21[%dma_wait3A_628] : memref<640xf32, #tpu.memory_space<vmem>> -> memref<128xf32, #tpu.memory_space<vmem>>
      %dma_wait3A_630 = arith.constant 0 : i32
      %dma_wait3A_631 = tpu.memref_slice %arg13[%dma_wait3A_627, %dma_wait3A_630] : memref<5x128xi32, #tpu.memory_space<vmem>> -> memref<1x128xi32, #tpu.memory_space<vmem>>
      %dma_wait3A_632 = tpu.memref_squeeze %dma_wait3A_631 : memref<1x128xi32, #tpu.memory_space<vmem>> -> memref<128xi32, #tpu.memory_space<vmem>>
      %dma_wait3A_633 = arith.constant 0 : i32
      %dma_wait3A_634 = tpu.memref_slice %arg3[%dma_wait3A_633] : memref<100000xf32, #tpu.memory_space<hbm>> -> memref<100000xf32, #tpu.memory_space<hbm>>
      tpu.wait_indirect_dma semaphore(%arg29 : memref<!tpu.dma_semaphore, #tpu.memory_space<semaphore_mem>>) src(%dma_wait3A_634 : memref<100000xf32, #tpu.memory_space<hbm>>) dst(%dma_wait3A_629 : memref<128xf32, #tpu.memory_space<vmem>>)
      %dma_wait3A_635 = arith.constant 0 : i32
      %dma_wait3A_636 = arith.constant 0 : i32
      %dma_wait3A_637 = tpu.memref_slice %arg23[%dma_wait3A_636] : memref<640xf32, #tpu.memory_space<vmem>> -> memref<128xf32, #tpu.memory_space<vmem>>
      %dma_wait3A_638 = arith.constant 0 : i32
      %dma_wait3A_639 = tpu.memref_slice %arg15[%dma_wait3A_635, %dma_wait3A_638] : memref<5x128xi32, #tpu.memory_space<vmem>> -> memref<1x128xi32, #tpu.memory_space<vmem>>
      %dma_wait3A_640 = tpu.memref_squeeze %dma_wait3A_639 : memref<1x128xi32, #tpu.memory_space<vmem>> -> memref<128xi32, #tpu.memory_space<vmem>>
      %dma_wait3A_641 = arith.constant 0 : i32
      %dma_wait3A_642 = tpu.memref_slice %arg4[%dma_wait3A_641] : memref<100000xf32, #tpu.memory_space<hbm>> -> memref<100000xf32, #tpu.memory_space<hbm>>
      tpu.wait_indirect_dma semaphore(%arg29 : memref<!tpu.dma_semaphore, #tpu.memory_space<semaphore_mem>>) src(%dma_wait3A_642 : memref<100000xf32, #tpu.memory_space<hbm>>) dst(%dma_wait3A_637 : memref<128xf32, #tpu.memory_space<vmem>>)
      %dma_wait3A_643 = arith.constant 1 : i32
      %dma_wait3A_644 = arith.constant 128 : i32
      %dma_wait3A_645 = arith.constant 0 : i32
      %dma_wait3A_646 = tpu.memref_slice %arg19[%dma_wait3A_644, %dma_wait3A_645] : memref<640x16xf32, #tpu.memory_space<vmem>> -> memref<128x16xf32, #tpu.memory_space<vmem>>
      %dma_wait3A_647 = arith.constant 0 : i32
      %dma_wait3A_648 = tpu.memref_slice %arg13[%dma_wait3A_643, %dma_wait3A_647] : memref<5x128xi32, #tpu.memory_space<vmem>> -> memref<1x128xi32, #tpu.memory_space<vmem>>
      %dma_wait3A_649 = tpu.memref_squeeze %dma_wait3A_648 : memref<1x128xi32, #tpu.memory_space<vmem>> -> memref<128xi32, #tpu.memory_space<vmem>>
      %dma_wait3A_650 = arith.constant 0 : i32
      %dma_wait3A_651 = arith.constant 0 : i32
      %dma_wait3A_652 = tpu.memref_slice %arg2[%dma_wait3A_650, %dma_wait3A_651] : memref<100000x16xf32, #tpu.memory_space<hbm>> -> memref<100000x16xf32, #tpu.memory_space<hbm>>
      tpu.wait_indirect_dma semaphore(%arg29 : memref<!tpu.dma_semaphore, #tpu.memory_space<semaphore_mem>>) src(%dma_wait3A_652 : memref<100000x16xf32, #tpu.memory_space<hbm>>) dst(%dma_wait3A_646 : memref<128x16xf32, #tpu.memory_space<vmem>>)
      %dma_wait3A_653 = arith.constant 1 : i32
      %dma_wait3A_654 = arith.constant 128 : i32
      %dma_wait3A_655 = tpu.memref_slice %arg21[%dma_wait3A_654] : memref<640xf32, #tpu.memory_space<vmem>> -> memref<128xf32, #tpu.memory_space<vmem>>
      %dma_wait3A_656 = arith.constant 0 : i32
      %dma_wait3A_657 = tpu.memref_slice %arg13[%dma_wait3A_653, %dma_wait3A_656] : memref<5x128xi32, #tpu.memory_space<vmem>> -> memref<1x128xi32, #tpu.memory_space<vmem>>
      %dma_wait3A_658 = tpu.memref_squeeze %dma_wait3A_657 : memref<1x128xi32, #tpu.memory_space<vmem>> -> memref<128xi32, #tpu.memory_space<vmem>>
      %dma_wait3A_659 = arith.constant 0 : i32
      %dma_wait3A_660 = tpu.memref_slice %arg3[%dma_wait3A_659] : memref<100000xf32, #tpu.memory_space<hbm>> -> memref<100000xf32, #tpu.memory_space<hbm>>
      tpu.wait_indirect_dma semaphore(%arg29 : memref<!tpu.dma_semaphore, #tpu.memory_space<semaphore_mem>>) src(%dma_wait3A_660 : memref<100000xf32, #tpu.memory_space<hbm>>) dst(%dma_wait3A_655 : memref<128xf32, #tpu.memory_space<vmem>>)
      %dma_wait3A_661 = arith.constant 1 : i32
      %dma_wait3A_662 = arith.constant 128 : i32
      %dma_wait3A_663 = tpu.memref_slice %arg23[%dma_wait3A_662] : memref<640xf32, #tpu.memory_space<vmem>> -> memref<128xf32, #tpu.memory_space<vmem>>
      %dma_wait3A_664 = arith.constant 0 : i32
      %dma_wait3A_665 = tpu.memref_slice %arg15[%dma_wait3A_661, %dma_wait3A_664] : memref<5x128xi32, #tpu.memory_space<vmem>> -> memref<1x128xi32, #tpu.memory_space<vmem>>
      %dma_wait3A_666 = tpu.memref_squeeze %dma_wait3A_665 : memref<1x128xi32, #tpu.memory_space<vmem>> -> memref<128xi32, #tpu.memory_space<vmem>>
      %dma_wait3A_667 = arith.constant 0 : i32
      %dma_wait3A_668 = tpu.memref_slice %arg4[%dma_wait3A_667] : memref<100000xf32, #tpu.memory_space<hbm>> -> memref<100000xf32, #tpu.memory_space<hbm>>
      tpu.wait_indirect_dma semaphore(%arg29 : memref<!tpu.dma_semaphore, #tpu.memory_space<semaphore_mem>>) src(%dma_wait3A_668 : memref<100000xf32, #tpu.memory_space<hbm>>) dst(%dma_wait3A_663 : memref<128xf32, #tpu.memory_space<vmem>>)
      %dma_wait3A_669 = arith.constant 2 : i32
      %dma_wait3A_670 = arith.constant 256 : i32
      %dma_wait3A_671 = arith.constant 0 : i32
      %dma_wait3A_672 = tpu.memref_slice %arg19[%dma_wait3A_670, %dma_wait3A_671] : memref<640x16xf32, #tpu.memory_space<vmem>> -> memref<128x16xf32, #tpu.memory_space<vmem>>
      %dma_wait3A_673 = arith.constant 0 : i32
      %dma_wait3A_674 = tpu.memref_slice %arg13[%dma_wait3A_669, %dma_wait3A_673] : memref<5x128xi32, #tpu.memory_space<vmem>> -> memref<1x128xi32, #tpu.memory_space<vmem>>
      %dma_wait3A_675 = tpu.memref_squeeze %dma_wait3A_674 : memref<1x128xi32, #tpu.memory_space<vmem>> -> memref<128xi32, #tpu.memory_space<vmem>>
      %dma_wait3A_676 = arith.constant 0 : i32
      %dma_wait3A_677 = arith.constant 0 : i32
      %dma_wait3A_678 = tpu.memref_slice %arg2[%dma_wait3A_676, %dma_wait3A_677] : memref<100000x16xf32, #tpu.memory_space<hbm>> -> memref<100000x16xf32, #tpu.memory_space<hbm>>
      tpu.wait_indirect_dma semaphore(%arg29 : memref<!tpu.dma_semaphore, #tpu.memory_space<semaphore_mem>>) src(%dma_wait3A_678 : memref<100000x16xf32, #tpu.memory_space<hbm>>) dst(%dma_wait3A_672 : memref<128x16xf32, #tpu.memory_space<vmem>>)
      %dma_wait3A_679 = arith.constant 2 : i32
      %dma_wait3A_680 = arith.constant 256 : i32
      %dma_wait3A_681 = tpu.memref_slice %arg21[%dma_wait3A_680] : memref<640xf32, #tpu.memory_space<vmem>> -> memref<128xf32, #tpu.memory_space<vmem>>
      %dma_wait3A_682 = arith.constant 0 : i32
      %dma_wait3A_683 = tpu.memref_slice %arg13[%dma_wait3A_679, %dma_wait3A_682] : memref<5x128xi32, #tpu.memory_space<vmem>> -> memref<1x128xi32, #tpu.memory_space<vmem>>
      %dma_wait3A_684 = tpu.memref_squeeze %dma_wait3A_683 : memref<1x128xi32, #tpu.memory_space<vmem>> -> memref<128xi32, #tpu.memory_space<vmem>>
      %dma_wait3A_685 = arith.constant 0 : i32
      %dma_wait3A_686 = tpu.memref_slice %arg3[%dma_wait3A_685] : memref<100000xf32, #tpu.memory_space<hbm>> -> memref<100000xf32, #tpu.memory_space<hbm>>
      tpu.wait_indirect_dma semaphore(%arg29 : memref<!tpu.dma_semaphore, #tpu.memory_space<semaphore_mem>>) src(%dma_wait3A_686 : memref<100000xf32, #tpu.memory_space<hbm>>) dst(%dma_wait3A_681 : memref<128xf32, #tpu.memory_space<vmem>>)
      %dma_wait3A_687 = arith.constant 2 : i32
      %dma_wait3A_688 = arith.constant 256 : i32
      %dma_wait3A_689 = tpu.memref_slice %arg23[%dma_wait3A_688] : memref<640xf32, #tpu.memory_space<vmem>> -> memref<128xf32, #tpu.memory_space<vmem>>
      %dma_wait3A_690 = arith.constant 0 : i32
      %dma_wait3A_691 = tpu.memref_slice %arg15[%dma_wait3A_687, %dma_wait3A_690] : memref<5x128xi32, #tpu.memory_space<vmem>> -> memref<1x128xi32, #tpu.memory_space<vmem>>
      %dma_wait3A_692 = tpu.memref_squeeze %dma_wait3A_691 : memref<1x128xi32, #tpu.memory_space<vmem>> -> memref<128xi32, #tpu.memory_space<vmem>>
      %dma_wait3A_693 = arith.constant 0 : i32
      %dma_wait3A_694 = tpu.memref_slice %arg4[%dma_wait3A_693] : memref<100000xf32, #tpu.memory_space<hbm>> -> memref<100000xf32, #tpu.memory_space<hbm>>
      tpu.wait_indirect_dma semaphore(%arg29 : memref<!tpu.dma_semaphore, #tpu.memory_space<semaphore_mem>>) src(%dma_wait3A_694 : memref<100000xf32, #tpu.memory_space<hbm>>) dst(%dma_wait3A_689 : memref<128xf32, #tpu.memory_space<vmem>>)
      %dma_wait3A_695 = arith.constant 3 : i32
      %dma_wait3A_696 = arith.constant 384 : i32
      %dma_wait3A_697 = arith.constant 0 : i32
      %dma_wait3A_698 = tpu.memref_slice %arg19[%dma_wait3A_696, %dma_wait3A_697] : memref<640x16xf32, #tpu.memory_space<vmem>> -> memref<128x16xf32, #tpu.memory_space<vmem>>
      %dma_wait3A_699 = arith.constant 0 : i32
      %dma_wait3A_700 = tpu.memref_slice %arg13[%dma_wait3A_695, %dma_wait3A_699] : memref<5x128xi32, #tpu.memory_space<vmem>> -> memref<1x128xi32, #tpu.memory_space<vmem>>
      %dma_wait3A_701 = tpu.memref_squeeze %dma_wait3A_700 : memref<1x128xi32, #tpu.memory_space<vmem>> -> memref<128xi32, #tpu.memory_space<vmem>>
      %dma_wait3A_702 = arith.constant 0 : i32
      %dma_wait3A_703 = arith.constant 0 : i32
      %dma_wait3A_704 = tpu.memref_slice %arg2[%dma_wait3A_702, %dma_wait3A_703] : memref<100000x16xf32, #tpu.memory_space<hbm>> -> memref<100000x16xf32, #tpu.memory_space<hbm>>
      tpu.wait_indirect_dma semaphore(%arg29 : memref<!tpu.dma_semaphore, #tpu.memory_space<semaphore_mem>>) src(%dma_wait3A_704 : memref<100000x16xf32, #tpu.memory_space<hbm>>) dst(%dma_wait3A_698 : memref<128x16xf32, #tpu.memory_space<vmem>>)
      %dma_wait3A_705 = arith.constant 3 : i32
      %dma_wait3A_706 = arith.constant 384 : i32
      %dma_wait3A_707 = tpu.memref_slice %arg21[%dma_wait3A_706] : memref<640xf32, #tpu.memory_space<vmem>> -> memref<128xf32, #tpu.memory_space<vmem>>
      %dma_wait3A_708 = arith.constant 0 : i32
      %dma_wait3A_709 = tpu.memref_slice %arg13[%dma_wait3A_705, %dma_wait3A_708] : memref<5x128xi32, #tpu.memory_space<vmem>> -> memref<1x128xi32, #tpu.memory_space<vmem>>
      %dma_wait3A_710 = tpu.memref_squeeze %dma_wait3A_709 : memref<1x128xi32, #tpu.memory_space<vmem>> -> memref<128xi32, #tpu.memory_space<vmem>>
      %dma_wait3A_711 = arith.constant 0 : i32
      %dma_wait3A_712 = tpu.memref_slice %arg3[%dma_wait3A_711] : memref<100000xf32, #tpu.memory_space<hbm>> -> memref<100000xf32, #tpu.memory_space<hbm>>
      tpu.wait_indirect_dma semaphore(%arg29 : memref<!tpu.dma_semaphore, #tpu.memory_space<semaphore_mem>>) src(%dma_wait3A_712 : memref<100000xf32, #tpu.memory_space<hbm>>) dst(%dma_wait3A_707 : memref<128xf32, #tpu.memory_space<vmem>>)
      %dma_wait3A_713 = arith.constant 3 : i32
      %dma_wait3A_714 = arith.constant 384 : i32
      %dma_wait3A_715 = tpu.memref_slice %arg23[%dma_wait3A_714] : memref<640xf32, #tpu.memory_space<vmem>> -> memref<128xf32, #tpu.memory_space<vmem>>
      %dma_wait3A_716 = arith.constant 0 : i32
      %dma_wait3A_717 = tpu.memref_slice %arg15[%dma_wait3A_713, %dma_wait3A_716] : memref<5x128xi32, #tpu.memory_space<vmem>> -> memref<1x128xi32, #tpu.memory_space<vmem>>
      %dma_wait3A_718 = tpu.memref_squeeze %dma_wait3A_717 : memref<1x128xi32, #tpu.memory_space<vmem>> -> memref<128xi32, #tpu.memory_space<vmem>>
      %dma_wait3A_719 = arith.constant 0 : i32
      %dma_wait3A_720 = tpu.memref_slice %arg4[%dma_wait3A_719] : memref<100000xf32, #tpu.memory_space<hbm>> -> memref<100000xf32, #tpu.memory_space<hbm>>
      tpu.wait_indirect_dma semaphore(%arg29 : memref<!tpu.dma_semaphore, #tpu.memory_space<semaphore_mem>>) src(%dma_wait3A_720 : memref<100000xf32, #tpu.memory_space<hbm>>) dst(%dma_wait3A_715 : memref<128xf32, #tpu.memory_space<vmem>>)
      %dma_wait3A_721 = arith.constant 4 : i32
      %dma_wait3A_722 = arith.constant 512 : i32
      %dma_wait3A_723 = arith.constant 0 : i32
      %dma_wait3A_724 = tpu.memref_slice %arg19[%dma_wait3A_722, %dma_wait3A_723] : memref<640x16xf32, #tpu.memory_space<vmem>> -> memref<128x16xf32, #tpu.memory_space<vmem>>
      %dma_wait3A_725 = arith.constant 0 : i32
      %dma_wait3A_726 = tpu.memref_slice %arg13[%dma_wait3A_721, %dma_wait3A_725] : memref<5x128xi32, #tpu.memory_space<vmem>> -> memref<1x128xi32, #tpu.memory_space<vmem>>
      %dma_wait3A_727 = tpu.memref_squeeze %dma_wait3A_726 : memref<1x128xi32, #tpu.memory_space<vmem>> -> memref<128xi32, #tpu.memory_space<vmem>>
      %dma_wait3A_728 = arith.constant 0 : i32
      %dma_wait3A_729 = arith.constant 0 : i32
      %dma_wait3A_730 = tpu.memref_slice %arg2[%dma_wait3A_728, %dma_wait3A_729] : memref<100000x16xf32, #tpu.memory_space<hbm>> -> memref<100000x16xf32, #tpu.memory_space<hbm>>
      tpu.wait_indirect_dma semaphore(%arg29 : memref<!tpu.dma_semaphore, #tpu.memory_space<semaphore_mem>>) src(%dma_wait3A_730 : memref<100000x16xf32, #tpu.memory_space<hbm>>) dst(%dma_wait3A_724 : memref<128x16xf32, #tpu.memory_space<vmem>>)
      %dma_wait3A_731 = arith.constant 4 : i32
      %dma_wait3A_732 = arith.constant 512 : i32
      %dma_wait3A_733 = tpu.memref_slice %arg21[%dma_wait3A_732] : memref<640xf32, #tpu.memory_space<vmem>> -> memref<128xf32, #tpu.memory_space<vmem>>
      %dma_wait3A_734 = arith.constant 0 : i32
      %dma_wait3A_735 = tpu.memref_slice %arg13[%dma_wait3A_731, %dma_wait3A_734] : memref<5x128xi32, #tpu.memory_space<vmem>> -> memref<1x128xi32, #tpu.memory_space<vmem>>
      %dma_wait3A_736 = tpu.memref_squeeze %dma_wait3A_735 : memref<1x128xi32, #tpu.memory_space<vmem>> -> memref<128xi32, #tpu.memory_space<vmem>>
      %dma_wait3A_737 = arith.constant 0 : i32
      %dma_wait3A_738 = tpu.memref_slice %arg3[%dma_wait3A_737] : memref<100000xf32, #tpu.memory_space<hbm>> -> memref<100000xf32, #tpu.memory_space<hbm>>
      tpu.wait_indirect_dma semaphore(%arg29 : memref<!tpu.dma_semaphore, #tpu.memory_space<semaphore_mem>>) src(%dma_wait3A_738 : memref<100000xf32, #tpu.memory_space<hbm>>) dst(%dma_wait3A_733 : memref<128xf32, #tpu.memory_space<vmem>>)
      %dma_wait3A_739 = arith.constant 4 : i32
      %dma_wait3A_740 = arith.constant 512 : i32
      %dma_wait3A_741 = tpu.memref_slice %arg23[%dma_wait3A_740] : memref<640xf32, #tpu.memory_space<vmem>> -> memref<128xf32, #tpu.memory_space<vmem>>
      %dma_wait3A_742 = arith.constant 0 : i32
      %dma_wait3A_743 = tpu.memref_slice %arg15[%dma_wait3A_739, %dma_wait3A_742] : memref<5x128xi32, #tpu.memory_space<vmem>> -> memref<1x128xi32, #tpu.memory_space<vmem>>
      %dma_wait3A_744 = tpu.memref_squeeze %dma_wait3A_743 : memref<1x128xi32, #tpu.memory_space<vmem>> -> memref<128xi32, #tpu.memory_space<vmem>>
      %dma_wait3A_745 = arith.constant 0 : i32
      %dma_wait3A_746 = tpu.memref_slice %arg4[%dma_wait3A_745] : memref<100000xf32, #tpu.memory_space<hbm>> -> memref<100000xf32, #tpu.memory_space<hbm>>
      tpu.wait_indirect_dma semaphore(%arg29 : memref<!tpu.dma_semaphore, #tpu.memory_space<semaphore_mem>>) src(%dma_wait3A_746 : memref<100000xf32, #tpu.memory_space<hbm>>) dst(%dma_wait3A_741 : memref<128xf32, #tpu.memory_space<vmem>>)
      %broadcast_in_dim3A_747 = arith.constant 0.000000e+00 : f32
      %broadcast_in_dim3A_748 = vector.broadcast %broadcast_in_dim3A_747 : f32 to vector<16xf32>
      %parallel_loop3A_749 = arith.constant 0 : i32
      %parallel_loop3A_750 = arith.constant 40 : i32
      %parallel_loop3A_751 = arith.constant 1 : i32
      %parallel_loop3A_752 = scf.for %parallel_loop3A_814 = %parallel_loop3A_749 to %parallel_loop3A_750 step %parallel_loop3A_751 iter_args(%parallel_loop3A_815 = %broadcast_in_dim3A_748) -> (vector<16xf32>)  : i32 {
        %parallel_loop3A_816 = arith.constant 16 : i32
        %parallel_loop3A_817 = arith.muli %parallel_loop3A_814, %parallel_loop3A_816 : i32
        %parallel_loop3A_818 = arith.index_cast %parallel_loop3A_817 : i32 to index
        %parallel_loop3A_819 = tpu.vector_load %arg21[%parallel_loop3A_818] {strides = array<i32>} : memref<640xf32, #tpu.memory_space<vmem>>, vector<16xf32>,
        %parallel_loop3A_820 = vector.shape_cast %parallel_loop3A_819 : vector<16xf32> to vector<16xf32>
        %parallel_loop3A_821 = arith.index_cast %parallel_loop3A_817 : i32 to index
        %parallel_loop3A_822 = tpu.vector_load %arg23[%parallel_loop3A_821] {strides = array<i32>} : memref<640xf32, #tpu.memory_space<vmem>>, vector<16xf32>,
        %parallel_loop3A_823 = vector.shape_cast %parallel_loop3A_822 : vector<16xf32> to vector<16xf32>
        %parallel_loop3A_824 = arith.addf %parallel_loop3A_820, %parallel_loop3A_823 : vector<16xf32>
        %parallel_loop3A_825 = arith.index_cast %parallel_loop3A_817 : i32 to index
        %parallel_loop3A_826 = tpu.vector_load %arg17[%parallel_loop3A_825] {strides = array<i32>} : memref<640xf32, #tpu.memory_space<vmem>>, vector<16xf32>,
        %parallel_loop3A_827 = vector.shape_cast %parallel_loop3A_826 : vector<16xf32> to vector<16xf32>
        %parallel_loop3A_828 = arith.mulf %get3A_15, %parallel_loop3A_827 : vector<16xf32>
        %parallel_loop3A_829 = arith.addf %parallel_loop3A_824, %parallel_loop3A_828 : vector<16xf32>
        %parallel_loop3A_830 = arith.constant 0.000000e+00 : f32
        %parallel_loop3A_831 = vector.broadcast %parallel_loop3A_830 : f32 to vector<16xf32>
        %parallel_loop3A_832 = arith.cmpf ogt, %parallel_loop3A_829, %parallel_loop3A_831 : vector<16xf32>
        %parallel_loop3A_833 = arith.constant 2.000000e-01 : f32
        %parallel_loop3A_834 = vector.broadcast %parallel_loop3A_833 : f32 to vector<16xf32>
        %parallel_loop3A_835 = arith.mulf %parallel_loop3A_834, %parallel_loop3A_829 : vector<16xf32>
        %parallel_loop3A_836 = arith.select %parallel_loop3A_832, %parallel_loop3A_829, %parallel_loop3A_835 : vector<16xi1>, vector<16xf32>
        %parallel_loop3A_837 = arith.subf %parallel_loop3A_836, %get3A_10 : vector<16xf32>
        %parallel_loop3A_838 = math.exp %parallel_loop3A_837 : vector<16xf32>
        %parallel_loop3A_839 = arith.index_cast %parallel_loop3A_817 : i32 to index
        %parallel_loop3A_840 = tpu.vector_load %arg24[%parallel_loop3A_839] {strides = array<i32>} : memref<656xf32, #tpu.memory_space<vmem>>, vector<16xf32>,
        %parallel_loop3A_841 = vector.shape_cast %parallel_loop3A_840 : vector<16xf32> to vector<16xf32>
        %parallel_loop3A_842 = vector.shape_cast %parallel_loop3A_838 : vector<16xf32> to vector<16xf32>
        tpu.vector_store %arg24[%parallel_loop3A_839], %parallel_loop3A_842 {strides = array<i32>} : memref<656xf32, #tpu.memory_space<vmem>>, vector<16xf32>,
        %parallel_loop3A_843 = arith.index_cast %parallel_loop3A_817 : i32 to index
        %parallel_loop3A_844 = tpu.vector_load %arg17[%parallel_loop3A_843] {strides = array<i32>} : memref<640xf32, #tpu.memory_space<vmem>>, vector<16xf32>,
        %parallel_loop3A_845 = vector.shape_cast %parallel_loop3A_844 : vector<16xf32> to vector<16xf32>
        %parallel_loop3A_846 = arith.addf %parallel_loop3A_815, %parallel_loop3A_845 : vector<16xf32>
        scf.yield %parallel_loop3A_846 : vector<16xf32>
      } {sc.loop_unroll_factor = 4 : i64, sc.parallel_access}
      %get3A_753 = arith.constant 0 : index
      %get3A_754 = tpu.vector_load %arg26[%get3A_753] {strides = array<i32>} : memref<16xf32, #tpu.memory_space<vmem>>, vector<16xf32>,
      %get3A_755 = vector.shape_cast %get3A_754 : vector<16xf32> to vector<16xf32>
      %add3A_756 = arith.addf %get3A_755, %parallel_loop3A_752 : vector<16xf32>
      %swap3A_757 = arith.constant 0 : index
      %swap3A_758 = tpu.vector_load %arg26[%swap3A_757] {strides = array<i32>} : memref<16xf32, #tpu.memory_space<vmem>>, vector<16xf32>,
      %swap3A_759 = vector.shape_cast %swap3A_758 : vector<16xf32> to vector<16xf32>
      %swap3A_760 = vector.shape_cast %add3A_756 : vector<16xf32> to vector<16xf32>
      tpu.vector_store %arg26[%swap3A_757], %swap3A_760 {strides = array<i32>} : memref<16xf32, #tpu.memory_space<vmem>>, vector<16xf32>,
      %parallel_loop3A_761 = arith.constant 0 : i32
      %parallel_loop3A_762 = arith.constant 640 : i32
      %parallel_loop3A_763 = arith.constant 1 : i32
      scf.for %parallel_loop3A_814 = %parallel_loop3A_761 to %parallel_loop3A_762 step %parallel_loop3A_763  : i32 {
        %parallel_loop3A_815 = arith.index_cast %parallel_loop3A_814 : i32 to index
        %parallel_loop3A_816 = tpu.vector_load %arg24[%parallel_loop3A_815] {strides = array<i32>} : memref<656xf32, #tpu.memory_space<vmem>>, vector<16xf32>,
        %parallel_loop3A_817 = vector.shape_cast %parallel_loop3A_816 : vector<16xf32> to vector<16xf32>
        %parallel_loop3A_818 = vector.extract_strided_slice %parallel_loop3A_817 {offsets = [0], sizes = [1], strides = [1]} : vector<16xf32> to vector<1xf32>
        %parallel_loop3A_819 = vector.extract %parallel_loop3A_818[0] : f32 from vector<1xf32>
        %parallel_loop3A_820 = vector.broadcast %parallel_loop3A_819 : f32 to vector<16xf32>
        %parallel_loop3A_821 = arith.index_cast %parallel_loop3A_814 : i32 to index
        %parallel_loop3A_822 = arith.constant 0 : index
        %parallel_loop3A_823 = tpu.vector_load %arg19[%parallel_loop3A_821, %parallel_loop3A_822] {strides = array<i32>} : memref<640x16xf32, #tpu.memory_space<vmem>>, vector<1x16xf32>,
        %parallel_loop3A_824 = vector.shape_cast %parallel_loop3A_823 : vector<1x16xf32> to vector<16xf32>
        %parallel_loop3A_825 = arith.mulf %parallel_loop3A_824, %parallel_loop3A_820 : vector<16xf32>
        %parallel_loop3A_826 = arith.index_cast %parallel_loop3A_814 : i32 to index
        %parallel_loop3A_827 = arith.constant 0 : index
        %parallel_loop3A_828 = tpu.vector_load %arg19[%parallel_loop3A_826, %parallel_loop3A_827] {strides = array<i32>} : memref<640x16xf32, #tpu.memory_space<vmem>>, vector<1x16xf32>,
        %parallel_loop3A_829 = vector.shape_cast %parallel_loop3A_828 : vector<1x16xf32> to vector<16xf32>
        %parallel_loop3A_830 = vector.shape_cast %parallel_loop3A_825 : vector<16xf32> to vector<1x16xf32>
        tpu.vector_store %arg19[%parallel_loop3A_826, %parallel_loop3A_827], %parallel_loop3A_830 {strides = array<i32>} : memref<640x16xf32, #tpu.memory_space<vmem>>, vector<1x16xf32>,
      } {sc.loop_unroll_factor = 16 : i64, sc.parallel_access}
      %dma_start3A_764 = arith.constant 0 : i32
      %dma_start3A_765 = arith.constant 0 : i32
      %dma_start3A_766 = arith.constant 0 : i32
      %dma_start3A_767 = tpu.memref_slice %arg19[%dma_start3A_765, %dma_start3A_766] : memref<640x16xf32, #tpu.memory_space<vmem>> -> memref<128x16xf32, #tpu.memory_space<vmem>>
      %dma_start3A_768 = arith.constant 0 : i32
      %dma_start3A_769 = tpu.memref_slice %arg15[%dma_start3A_764, %dma_start3A_768] : memref<5x128xi32, #tpu.memory_space<vmem>> -> memref<1x128xi32, #tpu.memory_space<vmem>>
      %dma_start3A_770 = tpu.memref_squeeze %dma_start3A_769 : memref<1x128xi32, #tpu.memory_space<vmem>> -> memref<128xi32, #tpu.memory_space<vmem>>
      %dma_start3A_771 = arith.constant 0 : i32
      %dma_start3A_772 = arith.constant 0 : i32
      %dma_start3A_773 = tpu.memref_slice %arg27[%dma_start3A_771, %dma_start3A_772] : memref<100096x16xf32, #tpu.memory_space<vmem_shared>> -> memref<100096x16xf32, #tpu.memory_space<vmem_shared>>
      tpu.enqueue_indirect_dma source(%dma_start3A_767 : memref<128x16xf32, #tpu.memory_space<vmem>>) target(%dma_start3A_773 : memref<100096x16xf32, #tpu.memory_space<vmem_shared>>) offsets(%dma_start3A_770 : memref<128xi32, #tpu.memory_space<vmem>>) semaphore(%arg31 : memref<!tpu.dma_semaphore, #tpu.memory_space<semaphore_mem>>) {add = true}
      %dma_start3A_774 = arith.constant 1 : i32
      %dma_start3A_775 = arith.constant 128 : i32
      %dma_start3A_776 = arith.constant 0 : i32
      %dma_start3A_777 = tpu.memref_slice %arg19[%dma_start3A_775, %dma_start3A_776] : memref<640x16xf32, #tpu.memory_space<vmem>> -> memref<128x16xf32, #tpu.memory_space<vmem>>
      %dma_start3A_778 = arith.constant 0 : i32
      %dma_start3A_779 = tpu.memref_slice %arg15[%dma_start3A_774, %dma_start3A_778] : memref<5x128xi32, #tpu.memory_space<vmem>> -> memref<1x128xi32, #tpu.memory_space<vmem>>
      %dma_start3A_780 = tpu.memref_squeeze %dma_start3A_779 : memref<1x128xi32, #tpu.memory_space<vmem>> -> memref<128xi32, #tpu.memory_space<vmem>>
      %dma_start3A_781 = arith.constant 0 : i32
      %dma_start3A_782 = arith.constant 0 : i32
      %dma_start3A_783 = tpu.memref_slice %arg27[%dma_start3A_781, %dma_start3A_782] : memref<100096x16xf32, #tpu.memory_space<vmem_shared>> -> memref<100096x16xf32, #tpu.memory_space<vmem_shared>>
      tpu.enqueue_indirect_dma source(%dma_start3A_777 : memref<128x16xf32, #tpu.memory_space<vmem>>) target(%dma_start3A_783 : memref<100096x16xf32, #tpu.memory_space<vmem_shared>>) offsets(%dma_start3A_780 : memref<128xi32, #tpu.memory_space<vmem>>) semaphore(%arg31 : memref<!tpu.dma_semaphore, #tpu.memory_space<semaphore_mem>>) {add = true}
      %dma_start3A_784 = arith.constant 2 : i32
      %dma_start3A_785 = arith.constant 256 : i32
      %dma_start3A_786 = arith.constant 0 : i32
      %dma_start3A_787 = tpu.memref_slice %arg19[%dma_start3A_785, %dma_start3A_786] : memref<640x16xf32, #tpu.memory_space<vmem>> -> memref<128x16xf32, #tpu.memory_space<vmem>>
      %dma_start3A_788 = arith.constant 0 : i32
      %dma_start3A_789 = tpu.memref_slice %arg15[%dma_start3A_784, %dma_start3A_788] : memref<5x128xi32, #tpu.memory_space<vmem>> -> memref<1x128xi32, #tpu.memory_space<vmem>>
      %dma_start3A_790 = tpu.memref_squeeze %dma_start3A_789 : memref<1x128xi32, #tpu.memory_space<vmem>> -> memref<128xi32, #tpu.memory_space<vmem>>
      %dma_start3A_791 = arith.constant 0 : i32
      %dma_start3A_792 = arith.constant 0 : i32
      %dma_start3A_793 = tpu.memref_slice %arg27[%dma_start3A_791, %dma_start3A_792] : memref<100096x16xf32, #tpu.memory_space<vmem_shared>> -> memref<100096x16xf32, #tpu.memory_space<vmem_shared>>
      tpu.enqueue_indirect_dma source(%dma_start3A_787 : memref<128x16xf32, #tpu.memory_space<vmem>>) target(%dma_start3A_793 : memref<100096x16xf32, #tpu.memory_space<vmem_shared>>) offsets(%dma_start3A_790 : memref<128xi32, #tpu.memory_space<vmem>>) semaphore(%arg31 : memref<!tpu.dma_semaphore, #tpu.memory_space<semaphore_mem>>) {add = true}
      %dma_start3A_794 = arith.constant 3 : i32
      %dma_start3A_795 = arith.constant 384 : i32
      %dma_start3A_796 = arith.constant 0 : i32
      %dma_start3A_797 = tpu.memref_slice %arg19[%dma_start3A_795, %dma_start3A_796] : memref<640x16xf32, #tpu.memory_space<vmem>> -> memref<128x16xf32, #tpu.memory_space<vmem>>
      %dma_start3A_798 = arith.constant 0 : i32
      %dma_start3A_799 = tpu.memref_slice %arg15[%dma_start3A_794, %dma_start3A_798] : memref<5x128xi32, #tpu.memory_space<vmem>> -> memref<1x128xi32, #tpu.memory_space<vmem>>
      %dma_start3A_800 = tpu.memref_squeeze %dma_start3A_799 : memref<1x128xi32, #tpu.memory_space<vmem>> -> memref<128xi32, #tpu.memory_space<vmem>>
      %dma_start3A_801 = arith.constant 0 : i32
      %dma_start3A_802 = arith.constant 0 : i32
      %dma_start3A_803 = tpu.memref_slice %arg27[%dma_start3A_801, %dma_start3A_802] : memref<100096x16xf32, #tpu.memory_space<vmem_shared>> -> memref<100096x16xf32, #tpu.memory_space<vmem_shared>>
      tpu.enqueue_indirect_dma source(%dma_start3A_797 : memref<128x16xf32, #tpu.memory_space<vmem>>) target(%dma_start3A_803 : memref<100096x16xf32, #tpu.memory_space<vmem_shared>>) offsets(%dma_start3A_800 : memref<128xi32, #tpu.memory_space<vmem>>) semaphore(%arg31 : memref<!tpu.dma_semaphore, #tpu.memory_space<semaphore_mem>>) {add = true}
      %dma_start3A_804 = arith.constant 4 : i32
      %dma_start3A_805 = arith.constant 512 : i32
      %dma_start3A_806 = arith.constant 0 : i32
      %dma_start3A_807 = tpu.memref_slice %arg19[%dma_start3A_805, %dma_start3A_806] : memref<640x16xf32, #tpu.memory_space<vmem>> -> memref<128x16xf32, #tpu.memory_space<vmem>>
      %dma_start3A_808 = arith.constant 0 : i32
      %dma_start3A_809 = tpu.memref_slice %arg15[%dma_start3A_804, %dma_start3A_808] : memref<5x128xi32, #tpu.memory_space<vmem>> -> memref<1x128xi32, #tpu.memory_space<vmem>>
      %dma_start3A_810 = tpu.memref_squeeze %dma_start3A_809 : memref<1x128xi32, #tpu.memory_space<vmem>> -> memref<128xi32, #tpu.memory_space<vmem>>
      %dma_start3A_811 = arith.constant 0 : i32
      %dma_start3A_812 = arith.constant 0 : i32
      %dma_start3A_813 = tpu.memref_slice %arg27[%dma_start3A_811, %dma_start3A_812] : memref<100096x16xf32, #tpu.memory_space<vmem_shared>> -> memref<100096x16xf32, #tpu.memory_space<vmem_shared>>
      tpu.enqueue_indirect_dma source(%dma_start3A_807 : memref<128x16xf32, #tpu.memory_space<vmem>>) target(%dma_start3A_813 : memref<100096x16xf32, #tpu.memory_space<vmem_shared>>) offsets(%dma_start3A_810 : memref<128xi32, #tpu.memory_space<vmem>>) semaphore(%arg31 : memref<!tpu.dma_semaphore, #tpu.memory_space<semaphore_mem>>) {add = true}
    }
    %while3A_170 = arith.constant 1 : i32
    scf.for %while3A_223 = %while3A_168 to %while3A_164 step %while3A_170  : i32 {
      %mul3A_224 = arith.constant 2 : i32
      %mul3A_225 = arith.muli %mul3A_224, %while3A_223 : i32
      %add3A_226 = arith.addi %mul3A_25, %mul3A_225 : i32
      %gt3A = arith.constant 0 : i32
      %gt3A_227 = arith.cmpi sgt, %while3A_223, %gt3A : i32
      %convert_element_type3A = arith.extui %gt3A_227 : i1 to i32
      %cond3A = arith.constant 0 : i32
      %cond3A_228 = arith.cmpi ne, %convert_element_type3A, %cond3A : i32
      scf.if %cond3A_228 {
        %dma_wait3A_814 = arith.constant 0 : i32
        %dma_wait3A_815 = arith.constant 0 : i32
        %dma_wait3A_816 = arith.constant 0 : i32
        %dma_wait3A_817 = tpu.memref_slice %arg19[%dma_wait3A_815, %dma_wait3A_816] : memref<640x16xf32, #tpu.memory_space<vmem>> -> memref<128x16xf32, #tpu.memory_space<vmem>>
        %dma_wait3A_818 = arith.constant 0 : i32
        %dma_wait3A_819 = tpu.memref_slice %arg15[%dma_wait3A_814, %dma_wait3A_818] : memref<5x128xi32, #tpu.memory_space<vmem>> -> memref<1x128xi32, #tpu.memory_space<vmem>>
        %dma_wait3A_820 = tpu.memref_squeeze %dma_wait3A_819 : memref<1x128xi32, #tpu.memory_space<vmem>> -> memref<128xi32, #tpu.memory_space<vmem>>
        %dma_wait3A_821 = arith.constant 0 : i32
        %dma_wait3A_822 = arith.constant 0 : i32
        %dma_wait3A_823 = tpu.memref_slice %arg27[%dma_wait3A_821, %dma_wait3A_822] : memref<100096x16xf32, #tpu.memory_space<vmem_shared>> -> memref<100096x16xf32, #tpu.memory_space<vmem_shared>>
        tpu.wait_indirect_dma semaphore(%arg31 : memref<!tpu.dma_semaphore, #tpu.memory_space<semaphore_mem>>) src(%dma_wait3A_817 : memref<128x16xf32, #tpu.memory_space<vmem>>) dst(%dma_wait3A_823 : memref<100096x16xf32, #tpu.memory_space<vmem_shared>>)
        %dma_wait3A_824 = arith.constant 1 : i32
        %dma_wait3A_825 = arith.constant 128 : i32
        %dma_wait3A_826 = arith.constant 0 : i32
        %dma_wait3A_827 = tpu.memref_slice %arg19[%dma_wait3A_825, %dma_wait3A_826] : memref<640x16xf32, #tpu.memory_space<vmem>> -> memref<128x16xf32, #tpu.memory_space<vmem>>
        %dma_wait3A_828 = arith.constant 0 : i32
        %dma_wait3A_829 = tpu.memref_slice %arg15[%dma_wait3A_824, %dma_wait3A_828] : memref<5x128xi32, #tpu.memory_space<vmem>> -> memref<1x128xi32, #tpu.memory_space<vmem>>
        %dma_wait3A_830 = tpu.memref_squeeze %dma_wait3A_829 : memref<1x128xi32, #tpu.memory_space<vmem>> -> memref<128xi32, #tpu.memory_space<vmem>>
        %dma_wait3A_831 = arith.constant 0 : i32
        %dma_wait3A_832 = arith.constant 0 : i32
        %dma_wait3A_833 = tpu.memref_slice %arg27[%dma_wait3A_831, %dma_wait3A_832] : memref<100096x16xf32, #tpu.memory_space<vmem_shared>> -> memref<100096x16xf32, #tpu.memory_space<vmem_shared>>
        tpu.wait_indirect_dma semaphore(%arg31 : memref<!tpu.dma_semaphore, #tpu.memory_space<semaphore_mem>>) src(%dma_wait3A_827 : memref<128x16xf32, #tpu.memory_space<vmem>>) dst(%dma_wait3A_833 : memref<100096x16xf32, #tpu.memory_space<vmem_shared>>)
        %dma_wait3A_834 = arith.constant 2 : i32
        %dma_wait3A_835 = arith.constant 256 : i32
        %dma_wait3A_836 = arith.constant 0 : i32
        %dma_wait3A_837 = tpu.memref_slice %arg19[%dma_wait3A_835, %dma_wait3A_836] : memref<640x16xf32, #tpu.memory_space<vmem>> -> memref<128x16xf32, #tpu.memory_space<vmem>>
        %dma_wait3A_838 = arith.constant 0 : i32
        %dma_wait3A_839 = tpu.memref_slice %arg15[%dma_wait3A_834, %dma_wait3A_838] : memref<5x128xi32, #tpu.memory_space<vmem>> -> memref<1x128xi32, #tpu.memory_space<vmem>>
        %dma_wait3A_840 = tpu.memref_squeeze %dma_wait3A_839 : memref<1x128xi32, #tpu.memory_space<vmem>> -> memref<128xi32, #tpu.memory_space<vmem>>
        %dma_wait3A_841 = arith.constant 0 : i32
        %dma_wait3A_842 = arith.constant 0 : i32
        %dma_wait3A_843 = tpu.memref_slice %arg27[%dma_wait3A_841, %dma_wait3A_842] : memref<100096x16xf32, #tpu.memory_space<vmem_shared>> -> memref<100096x16xf32, #tpu.memory_space<vmem_shared>>
        tpu.wait_indirect_dma semaphore(%arg31 : memref<!tpu.dma_semaphore, #tpu.memory_space<semaphore_mem>>) src(%dma_wait3A_837 : memref<128x16xf32, #tpu.memory_space<vmem>>) dst(%dma_wait3A_843 : memref<100096x16xf32, #tpu.memory_space<vmem_shared>>)
        %dma_wait3A_844 = arith.constant 3 : i32
        %dma_wait3A_845 = arith.constant 384 : i32
        %dma_wait3A_846 = arith.constant 0 : i32
        %dma_wait3A_847 = tpu.memref_slice %arg19[%dma_wait3A_845, %dma_wait3A_846] : memref<640x16xf32, #tpu.memory_space<vmem>> -> memref<128x16xf32, #tpu.memory_space<vmem>>
        %dma_wait3A_848 = arith.constant 0 : i32
        %dma_wait3A_849 = tpu.memref_slice %arg15[%dma_wait3A_844, %dma_wait3A_848] : memref<5x128xi32, #tpu.memory_space<vmem>> -> memref<1x128xi32, #tpu.memory_space<vmem>>
        %dma_wait3A_850 = tpu.memref_squeeze %dma_wait3A_849 : memref<1x128xi32, #tpu.memory_space<vmem>> -> memref<128xi32, #tpu.memory_space<vmem>>
        %dma_wait3A_851 = arith.constant 0 : i32
        %dma_wait3A_852 = arith.constant 0 : i32
        %dma_wait3A_853 = tpu.memref_slice %arg27[%dma_wait3A_851, %dma_wait3A_852] : memref<100096x16xf32, #tpu.memory_space<vmem_shared>> -> memref<100096x16xf32, #tpu.memory_space<vmem_shared>>
        tpu.wait_indirect_dma semaphore(%arg31 : memref<!tpu.dma_semaphore, #tpu.memory_space<semaphore_mem>>) src(%dma_wait3A_847 : memref<128x16xf32, #tpu.memory_space<vmem>>) dst(%dma_wait3A_853 : memref<100096x16xf32, #tpu.memory_space<vmem_shared>>)
        %dma_wait3A_854 = arith.constant 4 : i32
        %dma_wait3A_855 = arith.constant 512 : i32
        %dma_wait3A_856 = arith.constant 0 : i32
        %dma_wait3A_857 = tpu.memref_slice %arg19[%dma_wait3A_855, %dma_wait3A_856] : memref<640x16xf32, #tpu.memory_space<vmem>> -> memref<128x16xf32, #tpu.memory_space<vmem>>
        %dma_wait3A_858 = arith.constant 0 : i32
        %dma_wait3A_859 = tpu.memref_slice %arg15[%dma_wait3A_854, %dma_wait3A_858] : memref<5x128xi32, #tpu.memory_space<vmem>> -> memref<1x128xi32, #tpu.memory_space<vmem>>
        %dma_wait3A_860 = tpu.memref_squeeze %dma_wait3A_859 : memref<1x128xi32, #tpu.memory_space<vmem>> -> memref<128xi32, #tpu.memory_space<vmem>>
        %dma_wait3A_861 = arith.constant 0 : i32
        %dma_wait3A_862 = arith.constant 0 : i32
        %dma_wait3A_863 = tpu.memref_slice %arg27[%dma_wait3A_861, %dma_wait3A_862] : memref<100096x16xf32, #tpu.memory_space<vmem_shared>> -> memref<100096x16xf32, #tpu.memory_space<vmem_shared>>
        tpu.wait_indirect_dma semaphore(%arg31 : memref<!tpu.dma_semaphore, #tpu.memory_space<semaphore_mem>>) src(%dma_wait3A_857 : memref<128x16xf32, #tpu.memory_space<vmem>>) dst(%dma_wait3A_863 : memref<100096x16xf32, #tpu.memory_space<vmem_shared>>)
      } else {
      }
      %add3A_229 = arith.constant 1 : i32
      %add3A_230 = arith.addi %add3A_226, %add3A_229 : i32
      %mul3A_231 = arith.constant 5 : i32
      %mul3A_232 = arith.muli %add3A_230, %mul3A_231 : i32
      %mul3A_233 = arith.constant 640 : i32
      %mul3A_234 = arith.muli %add3A_230, %mul3A_233 : i32
      "tpu.region"() ({
        %run_scoped3A = tpu.sem_alloc : memref<!tpu.dma_semaphore, #tpu.memory_space<semaphore_mem>>
        %dma_start3A_814 = arith.constant 0 : i32
        %dma_start3A_815 = tpu.memref_slice %arg5[%mul3A_232, %dma_start3A_814] : memref<25000x128xi32, #tpu.memory_space<hbm>> -> memref<5x128xi32, #tpu.memory_space<hbm>>
        %dma_start3A_816 = arith.constant 0 : i32
        %dma_start3A_817 = tpu.memref_slice %arg5[%mul3A_232, %dma_start3A_816] : memref<25000x128xi32, #tpu.memory_space<hbm>> -> memref<5x128xi32, #tpu.memory_space<hbm>>
        tpu.enqueue_dma source(%dma_start3A_817 : memref<5x128xi32, #tpu.memory_space<hbm>>) target(%arg13 : memref<5x128xi32, #tpu.memory_space<vmem>>) target_semaphore(%run_scoped3A : memref<!tpu.dma_semaphore, #tpu.memory_space<semaphore_mem>>)
        %dma_wait3A_818 = arith.constant 0 : i32
        %dma_wait3A_819 = tpu.memref_slice %arg5[%mul3A_232, %dma_wait3A_818] : memref<25000x128xi32, #tpu.memory_space<hbm>> -> memref<5x128xi32, #tpu.memory_space<hbm>>
        %dma_wait3A_820 = arith.constant 0 : i32
        %dma_wait3A_821 = tpu.memref_slice %arg5[%mul3A_232, %dma_wait3A_820] : memref<25000x128xi32, #tpu.memory_space<hbm>> -> memref<5x128xi32, #tpu.memory_space<hbm>>
        tpu.wait_dma2 semaphore(%run_scoped3A : memref<!tpu.dma_semaphore, #tpu.memory_space<semaphore_mem>>) src(%dma_wait3A_821 : memref<5x128xi32, #tpu.memory_space<hbm>>) dst(%arg13 : memref<5x128xi32, #tpu.memory_space<vmem>>)
        tpu.yield
      }) : () -> ()
      "tpu.region"() ({
        %run_scoped3A = tpu.sem_alloc : memref<!tpu.dma_semaphore, #tpu.memory_space<semaphore_mem>>
        %dma_start3A_814 = arith.constant 0 : i32
        %dma_start3A_815 = tpu.memref_slice %arg6[%mul3A_232, %dma_start3A_814] : memref<25000x128xi32, #tpu.memory_space<hbm>> -> memref<5x128xi32, #tpu.memory_space<hbm>>
        %dma_start3A_816 = arith.constant 0 : i32
        %dma_start3A_817 = tpu.memref_slice %arg6[%mul3A_232, %dma_start3A_816] : memref<25000x128xi32, #tpu.memory_space<hbm>> -> memref<5x128xi32, #tpu.memory_space<hbm>>
        tpu.enqueue_dma source(%dma_start3A_817 : memref<5x128xi32, #tpu.memory_space<hbm>>) target(%arg15 : memref<5x128xi32, #tpu.memory_space<vmem>>) target_semaphore(%run_scoped3A : memref<!tpu.dma_semaphore, #tpu.memory_space<semaphore_mem>>)
        %dma_wait3A_818 = arith.constant 0 : i32
        %dma_wait3A_819 = tpu.memref_slice %arg6[%mul3A_232, %dma_wait3A_818] : memref<25000x128xi32, #tpu.memory_space<hbm>> -> memref<5x128xi32, #tpu.memory_space<hbm>>
        %dma_wait3A_820 = arith.constant 0 : i32
        %dma_wait3A_821 = tpu.memref_slice %arg6[%mul3A_232, %dma_wait3A_820] : memref<25000x128xi32, #tpu.memory_space<hbm>> -> memref<5x128xi32, #tpu.memory_space<hbm>>
        tpu.wait_dma2 semaphore(%run_scoped3A : memref<!tpu.dma_semaphore, #tpu.memory_space<semaphore_mem>>) src(%dma_wait3A_821 : memref<5x128xi32, #tpu.memory_space<hbm>>) dst(%arg15 : memref<5x128xi32, #tpu.memory_space<vmem>>)
        tpu.yield
      }) : () -> ()
      "tpu.region"() ({
        %run_scoped3A = tpu.sem_alloc : memref<!tpu.dma_semaphore, #tpu.memory_space<semaphore_mem>>
        %dma_start3A_814 = tpu.memref_slice %arg7[%mul3A_234] : memref<3200000xf32, #tpu.memory_space<hbm>> -> memref<640xf32, #tpu.memory_space<hbm>>
        %dma_start3A_815 = tpu.memref_slice %arg7[%mul3A_234] : memref<3200000xf32, #tpu.memory_space<hbm>> -> memref<640xf32, #tpu.memory_space<hbm>>
        tpu.enqueue_dma source(%dma_start3A_815 : memref<640xf32, #tpu.memory_space<hbm>>) target(%arg17 : memref<640xf32, #tpu.memory_space<vmem>>) target_semaphore(%run_scoped3A : memref<!tpu.dma_semaphore, #tpu.memory_space<semaphore_mem>>)
        %dma_wait3A_816 = tpu.memref_slice %arg7[%mul3A_234] : memref<3200000xf32, #tpu.memory_space<hbm>> -> memref<640xf32, #tpu.memory_space<hbm>>
        %dma_wait3A_817 = tpu.memref_slice %arg7[%mul3A_234] : memref<3200000xf32, #tpu.memory_space<hbm>> -> memref<640xf32, #tpu.memory_space<hbm>>
        tpu.wait_dma2 semaphore(%run_scoped3A : memref<!tpu.dma_semaphore, #tpu.memory_space<semaphore_mem>>) src(%dma_wait3A_817 : memref<640xf32, #tpu.memory_space<hbm>>) dst(%arg17 : memref<640xf32, #tpu.memory_space<vmem>>)
        tpu.yield
      }) : () -> ()
      %dma_start3A_235 = arith.constant 0 : i32
      %dma_start3A_236 = arith.constant 0 : i32
      %dma_start3A_237 = arith.constant 0 : i32
      %dma_start3A_238 = tpu.memref_slice %arg19[%dma_start3A_236, %dma_start3A_237] : memref<640x16xf32, #tpu.memory_space<vmem>> -> memref<128x16xf32, #tpu.memory_space<vmem>>
      %dma_start3A_239 = arith.constant 0 : i32
      %dma_start3A_240 = tpu.memref_slice %arg13[%dma_start3A_235, %dma_start3A_239] : memref<5x128xi32, #tpu.memory_space<vmem>> -> memref<1x128xi32, #tpu.memory_space<vmem>>
      %dma_start3A_241 = tpu.memref_squeeze %dma_start3A_240 : memref<1x128xi32, #tpu.memory_space<vmem>> -> memref<128xi32, #tpu.memory_space<vmem>>
      %dma_start3A_242 = arith.constant 0 : i32
      %dma_start3A_243 = arith.constant 0 : i32
      %dma_start3A_244 = tpu.memref_slice %arg2[%dma_start3A_242, %dma_start3A_243] : memref<100000x16xf32, #tpu.memory_space<hbm>> -> memref<100000x16xf32, #tpu.memory_space<hbm>>
      tpu.enqueue_indirect_dma source(%dma_start3A_244 : memref<100000x16xf32, #tpu.memory_space<hbm>>) target(%dma_start3A_238 : memref<128x16xf32, #tpu.memory_space<vmem>>) offsets(%dma_start3A_241 : memref<128xi32, #tpu.memory_space<vmem>>) semaphore(%arg29 : memref<!tpu.dma_semaphore, #tpu.memory_space<semaphore_mem>>)
      %dma_start3A_245 = arith.constant 0 : i32
      %dma_start3A_246 = arith.constant 0 : i32
      %dma_start3A_247 = tpu.memref_slice %arg21[%dma_start3A_246] : memref<640xf32, #tpu.memory_space<vmem>> -> memref<128xf32, #tpu.memory_space<vmem>>
      %dma_start3A_248 = arith.constant 0 : i32
      %dma_start3A_249 = tpu.memref_slice %arg13[%dma_start3A_245, %dma_start3A_248] : memref<5x128xi32, #tpu.memory_space<vmem>> -> memref<1x128xi32, #tpu.memory_space<vmem>>
      %dma_start3A_250 = tpu.memref_squeeze %dma_start3A_249 : memref<1x128xi32, #tpu.memory_space<vmem>> -> memref<128xi32, #tpu.memory_space<vmem>>
      %dma_start3A_251 = arith.constant 0 : i32
      %dma_start3A_252 = tpu.memref_slice %arg3[%dma_start3A_251] : memref<100000xf32, #tpu.memory_space<hbm>> -> memref<100000xf32, #tpu.memory_space<hbm>>
      tpu.enqueue_indirect_dma source(%dma_start3A_252 : memref<100000xf32, #tpu.memory_space<hbm>>) target(%dma_start3A_247 : memref<128xf32, #tpu.memory_space<vmem>>) offsets(%dma_start3A_250 : memref<128xi32, #tpu.memory_space<vmem>>) semaphore(%arg29 : memref<!tpu.dma_semaphore, #tpu.memory_space<semaphore_mem>>)
      %dma_start3A_253 = arith.constant 0 : i32
      %dma_start3A_254 = arith.constant 0 : i32
      %dma_start3A_255 = tpu.memref_slice %arg23[%dma_start3A_254] : memref<640xf32, #tpu.memory_space<vmem>> -> memref<128xf32, #tpu.memory_space<vmem>>
      %dma_start3A_256 = arith.constant 0 : i32
      %dma_start3A_257 = tpu.memref_slice %arg15[%dma_start3A_253, %dma_start3A_256] : memref<5x128xi32, #tpu.memory_space<vmem>> -> memref<1x128xi32, #tpu.memory_space<vmem>>
      %dma_start3A_258 = tpu.memref_squeeze %dma_start3A_257 : memref<1x128xi32, #tpu.memory_space<vmem>> -> memref<128xi32, #tpu.memory_space<vmem>>
      %dma_start3A_259 = arith.constant 0 : i32
      %dma_start3A_260 = tpu.memref_slice %arg4[%dma_start3A_259] : memref<100000xf32, #tpu.memory_space<hbm>> -> memref<100000xf32, #tpu.memory_space<hbm>>
      tpu.enqueue_indirect_dma source(%dma_start3A_260 : memref<100000xf32, #tpu.memory_space<hbm>>) target(%dma_start3A_255 : memref<128xf32, #tpu.memory_space<vmem>>) offsets(%dma_start3A_258 : memref<128xi32, #tpu.memory_space<vmem>>) semaphore(%arg29 : memref<!tpu.dma_semaphore, #tpu.memory_space<semaphore_mem>>)
      %dma_start3A_261 = arith.constant 1 : i32
      %dma_start3A_262 = arith.constant 128 : i32
      %dma_start3A_263 = arith.constant 0 : i32
      %dma_start3A_264 = tpu.memref_slice %arg19[%dma_start3A_262, %dma_start3A_263] : memref<640x16xf32, #tpu.memory_space<vmem>> -> memref<128x16xf32, #tpu.memory_space<vmem>>
      %dma_start3A_265 = arith.constant 0 : i32
      %dma_start3A_266 = tpu.memref_slice %arg13[%dma_start3A_261, %dma_start3A_265] : memref<5x128xi32, #tpu.memory_space<vmem>> -> memref<1x128xi32, #tpu.memory_space<vmem>>
      %dma_start3A_267 = tpu.memref_squeeze %dma_start3A_266 : memref<1x128xi32, #tpu.memory_space<vmem>> -> memref<128xi32, #tpu.memory_space<vmem>>
      %dma_start3A_268 = arith.constant 0 : i32
      %dma_start3A_269 = arith.constant 0 : i32
      %dma_start3A_270 = tpu.memref_slice %arg2[%dma_start3A_268, %dma_start3A_269] : memref<100000x16xf32, #tpu.memory_space<hbm>> -> memref<100000x16xf32, #tpu.memory_space<hbm>>
      tpu.enqueue_indirect_dma source(%dma_start3A_270 : memref<100000x16xf32, #tpu.memory_space<hbm>>) target(%dma_start3A_264 : memref<128x16xf32, #tpu.memory_space<vmem>>) offsets(%dma_start3A_267 : memref<128xi32, #tpu.memory_space<vmem>>) semaphore(%arg29 : memref<!tpu.dma_semaphore, #tpu.memory_space<semaphore_mem>>)
      %dma_start3A_271 = arith.constant 1 : i32
      %dma_start3A_272 = arith.constant 128 : i32
      %dma_start3A_273 = tpu.memref_slice %arg21[%dma_start3A_272] : memref<640xf32, #tpu.memory_space<vmem>> -> memref<128xf32, #tpu.memory_space<vmem>>
      %dma_start3A_274 = arith.constant 0 : i32
      %dma_start3A_275 = tpu.memref_slice %arg13[%dma_start3A_271, %dma_start3A_274] : memref<5x128xi32, #tpu.memory_space<vmem>> -> memref<1x128xi32, #tpu.memory_space<vmem>>
      %dma_start3A_276 = tpu.memref_squeeze %dma_start3A_275 : memref<1x128xi32, #tpu.memory_space<vmem>> -> memref<128xi32, #tpu.memory_space<vmem>>
      %dma_start3A_277 = arith.constant 0 : i32
      %dma_start3A_278 = tpu.memref_slice %arg3[%dma_start3A_277] : memref<100000xf32, #tpu.memory_space<hbm>> -> memref<100000xf32, #tpu.memory_space<hbm>>
      tpu.enqueue_indirect_dma source(%dma_start3A_278 : memref<100000xf32, #tpu.memory_space<hbm>>) target(%dma_start3A_273 : memref<128xf32, #tpu.memory_space<vmem>>) offsets(%dma_start3A_276 : memref<128xi32, #tpu.memory_space<vmem>>) semaphore(%arg29 : memref<!tpu.dma_semaphore, #tpu.memory_space<semaphore_mem>>)
      %dma_start3A_279 = arith.constant 1 : i32
      %dma_start3A_280 = arith.constant 128 : i32
      %dma_start3A_281 = tpu.memref_slice %arg23[%dma_start3A_280] : memref<640xf32, #tpu.memory_space<vmem>> -> memref<128xf32, #tpu.memory_space<vmem>>
      %dma_start3A_282 = arith.constant 0 : i32
      %dma_start3A_283 = tpu.memref_slice %arg15[%dma_start3A_279, %dma_start3A_282] : memref<5x128xi32, #tpu.memory_space<vmem>> -> memref<1x128xi32, #tpu.memory_space<vmem>>
      %dma_start3A_284 = tpu.memref_squeeze %dma_start3A_283 : memref<1x128xi32, #tpu.memory_space<vmem>> -> memref<128xi32, #tpu.memory_space<vmem>>
      %dma_start3A_285 = arith.constant 0 : i32
      %dma_start3A_286 = tpu.memref_slice %arg4[%dma_start3A_285] : memref<100000xf32, #tpu.memory_space<hbm>> -> memref<100000xf32, #tpu.memory_space<hbm>>
      tpu.enqueue_indirect_dma source(%dma_start3A_286 : memref<100000xf32, #tpu.memory_space<hbm>>) target(%dma_start3A_281 : memref<128xf32, #tpu.memory_space<vmem>>) offsets(%dma_start3A_284 : memref<128xi32, #tpu.memory_space<vmem>>) semaphore(%arg29 : memref<!tpu.dma_semaphore, #tpu.memory_space<semaphore_mem>>)
      %dma_start3A_287 = arith.constant 2 : i32
      %dma_start3A_288 = arith.constant 256 : i32
      %dma_start3A_289 = arith.constant 0 : i32
      %dma_start3A_290 = tpu.memref_slice %arg19[%dma_start3A_288, %dma_start3A_289] : memref<640x16xf32, #tpu.memory_space<vmem>> -> memref<128x16xf32, #tpu.memory_space<vmem>>
      %dma_start3A_291 = arith.constant 0 : i32
      %dma_start3A_292 = tpu.memref_slice %arg13[%dma_start3A_287, %dma_start3A_291] : memref<5x128xi32, #tpu.memory_space<vmem>> -> memref<1x128xi32, #tpu.memory_space<vmem>>
      %dma_start3A_293 = tpu.memref_squeeze %dma_start3A_292 : memref<1x128xi32, #tpu.memory_space<vmem>> -> memref<128xi32, #tpu.memory_space<vmem>>
      %dma_start3A_294 = arith.constant 0 : i32
      %dma_start3A_295 = arith.constant 0 : i32
      %dma_start3A_296 = tpu.memref_slice %arg2[%dma_start3A_294, %dma_start3A_295] : memref<100000x16xf32, #tpu.memory_space<hbm>> -> memref<100000x16xf32, #tpu.memory_space<hbm>>
      tpu.enqueue_indirect_dma source(%dma_start3A_296 : memref<100000x16xf32, #tpu.memory_space<hbm>>) target(%dma_start3A_290 : memref<128x16xf32, #tpu.memory_space<vmem>>) offsets(%dma_start3A_293 : memref<128xi32, #tpu.memory_space<vmem>>) semaphore(%arg29 : memref<!tpu.dma_semaphore, #tpu.memory_space<semaphore_mem>>)
      %dma_start3A_297 = arith.constant 2 : i32
      %dma_start3A_298 = arith.constant 256 : i32
      %dma_start3A_299 = tpu.memref_slice %arg21[%dma_start3A_298] : memref<640xf32, #tpu.memory_space<vmem>> -> memref<128xf32, #tpu.memory_space<vmem>>
      %dma_start3A_300 = arith.constant 0 : i32
      %dma_start3A_301 = tpu.memref_slice %arg13[%dma_start3A_297, %dma_start3A_300] : memref<5x128xi32, #tpu.memory_space<vmem>> -> memref<1x128xi32, #tpu.memory_space<vmem>>
      %dma_start3A_302 = tpu.memref_squeeze %dma_start3A_301 : memref<1x128xi32, #tpu.memory_space<vmem>> -> memref<128xi32, #tpu.memory_space<vmem>>
      %dma_start3A_303 = arith.constant 0 : i32
      %dma_start3A_304 = tpu.memref_slice %arg3[%dma_start3A_303] : memref<100000xf32, #tpu.memory_space<hbm>> -> memref<100000xf32, #tpu.memory_space<hbm>>
      tpu.enqueue_indirect_dma source(%dma_start3A_304 : memref<100000xf32, #tpu.memory_space<hbm>>) target(%dma_start3A_299 : memref<128xf32, #tpu.memory_space<vmem>>) offsets(%dma_start3A_302 : memref<128xi32, #tpu.memory_space<vmem>>) semaphore(%arg29 : memref<!tpu.dma_semaphore, #tpu.memory_space<semaphore_mem>>)
      %dma_start3A_305 = arith.constant 2 : i32
      %dma_start3A_306 = arith.constant 256 : i32
      %dma_start3A_307 = tpu.memref_slice %arg23[%dma_start3A_306] : memref<640xf32, #tpu.memory_space<vmem>> -> memref<128xf32, #tpu.memory_space<vmem>>
      %dma_start3A_308 = arith.constant 0 : i32
      %dma_start3A_309 = tpu.memref_slice %arg15[%dma_start3A_305, %dma_start3A_308] : memref<5x128xi32, #tpu.memory_space<vmem>> -> memref<1x128xi32, #tpu.memory_space<vmem>>
      %dma_start3A_310 = tpu.memref_squeeze %dma_start3A_309 : memref<1x128xi32, #tpu.memory_space<vmem>> -> memref<128xi32, #tpu.memory_space<vmem>>
      %dma_start3A_311 = arith.constant 0 : i32
      %dma_start3A_312 = tpu.memref_slice %arg4[%dma_start3A_311] : memref<100000xf32, #tpu.memory_space<hbm>> -> memref<100000xf32, #tpu.memory_space<hbm>>
      tpu.enqueue_indirect_dma source(%dma_start3A_312 : memref<100000xf32, #tpu.memory_space<hbm>>) target(%dma_start3A_307 : memref<128xf32, #tpu.memory_space<vmem>>) offsets(%dma_start3A_310 : memref<128xi32, #tpu.memory_space<vmem>>) semaphore(%arg29 : memref<!tpu.dma_semaphore, #tpu.memory_space<semaphore_mem>>)
      %dma_start3A_313 = arith.constant 3 : i32
      %dma_start3A_314 = arith.constant 384 : i32
      %dma_start3A_315 = arith.constant 0 : i32
      %dma_start3A_316 = tpu.memref_slice %arg19[%dma_start3A_314, %dma_start3A_315] : memref<640x16xf32, #tpu.memory_space<vmem>> -> memref<128x16xf32, #tpu.memory_space<vmem>>
      %dma_start3A_317 = arith.constant 0 : i32
      %dma_start3A_318 = tpu.memref_slice %arg13[%dma_start3A_313, %dma_start3A_317] : memref<5x128xi32, #tpu.memory_space<vmem>> -> memref<1x128xi32, #tpu.memory_space<vmem>>
      %dma_start3A_319 = tpu.memref_squeeze %dma_start3A_318 : memref<1x128xi32, #tpu.memory_space<vmem>> -> memref<128xi32, #tpu.memory_space<vmem>>
      %dma_start3A_320 = arith.constant 0 : i32
      %dma_start3A_321 = arith.constant 0 : i32
      %dma_start3A_322 = tpu.memref_slice %arg2[%dma_start3A_320, %dma_start3A_321] : memref<100000x16xf32, #tpu.memory_space<hbm>> -> memref<100000x16xf32, #tpu.memory_space<hbm>>
      tpu.enqueue_indirect_dma source(%dma_start3A_322 : memref<100000x16xf32, #tpu.memory_space<hbm>>) target(%dma_start3A_316 : memref<128x16xf32, #tpu.memory_space<vmem>>) offsets(%dma_start3A_319 : memref<128xi32, #tpu.memory_space<vmem>>) semaphore(%arg29 : memref<!tpu.dma_semaphore, #tpu.memory_space<semaphore_mem>>)
      %dma_start3A_323 = arith.constant 3 : i32
      %dma_start3A_324 = arith.constant 384 : i32
      %dma_start3A_325 = tpu.memref_slice %arg21[%dma_start3A_324] : memref<640xf32, #tpu.memory_space<vmem>> -> memref<128xf32, #tpu.memory_space<vmem>>
      %dma_start3A_326 = arith.constant 0 : i32
      %dma_start3A_327 = tpu.memref_slice %arg13[%dma_start3A_323, %dma_start3A_326] : memref<5x128xi32, #tpu.memory_space<vmem>> -> memref<1x128xi32, #tpu.memory_space<vmem>>
      %dma_start3A_328 = tpu.memref_squeeze %dma_start3A_327 : memref<1x128xi32, #tpu.memory_space<vmem>> -> memref<128xi32, #tpu.memory_space<vmem>>
      %dma_start3A_329 = arith.constant 0 : i32
      %dma_start3A_330 = tpu.memref_slice %arg3[%dma_start3A_329] : memref<100000xf32, #tpu.memory_space<hbm>> -> memref<100000xf32, #tpu.memory_space<hbm>>
      tpu.enqueue_indirect_dma source(%dma_start3A_330 : memref<100000xf32, #tpu.memory_space<hbm>>) target(%dma_start3A_325 : memref<128xf32, #tpu.memory_space<vmem>>) offsets(%dma_start3A_328 : memref<128xi32, #tpu.memory_space<vmem>>) semaphore(%arg29 : memref<!tpu.dma_semaphore, #tpu.memory_space<semaphore_mem>>)
      %dma_start3A_331 = arith.constant 3 : i32
      %dma_start3A_332 = arith.constant 384 : i32
      %dma_start3A_333 = tpu.memref_slice %arg23[%dma_start3A_332] : memref<640xf32, #tpu.memory_space<vmem>> -> memref<128xf32, #tpu.memory_space<vmem>>
      %dma_start3A_334 = arith.constant 0 : i32
      %dma_start3A_335 = tpu.memref_slice %arg15[%dma_start3A_331, %dma_start3A_334] : memref<5x128xi32, #tpu.memory_space<vmem>> -> memref<1x128xi32, #tpu.memory_space<vmem>>
      %dma_start3A_336 = tpu.memref_squeeze %dma_start3A_335 : memref<1x128xi32, #tpu.memory_space<vmem>> -> memref<128xi32, #tpu.memory_space<vmem>>
      %dma_start3A_337 = arith.constant 0 : i32
      %dma_start3A_338 = tpu.memref_slice %arg4[%dma_start3A_337] : memref<100000xf32, #tpu.memory_space<hbm>> -> memref<100000xf32, #tpu.memory_space<hbm>>
      tpu.enqueue_indirect_dma source(%dma_start3A_338 : memref<100000xf32, #tpu.memory_space<hbm>>) target(%dma_start3A_333 : memref<128xf32, #tpu.memory_space<vmem>>) offsets(%dma_start3A_336 : memref<128xi32, #tpu.memory_space<vmem>>) semaphore(%arg29 : memref<!tpu.dma_semaphore, #tpu.memory_space<semaphore_mem>>)
      %dma_start3A_339 = arith.constant 4 : i32
      %dma_start3A_340 = arith.constant 512 : i32
      %dma_start3A_341 = arith.constant 0 : i32
      %dma_start3A_342 = tpu.memref_slice %arg19[%dma_start3A_340, %dma_start3A_341] : memref<640x16xf32, #tpu.memory_space<vmem>> -> memref<128x16xf32, #tpu.memory_space<vmem>>
      %dma_start3A_343 = arith.constant 0 : i32
      %dma_start3A_344 = tpu.memref_slice %arg13[%dma_start3A_339, %dma_start3A_343] : memref<5x128xi32, #tpu.memory_space<vmem>> -> memref<1x128xi32, #tpu.memory_space<vmem>>
      %dma_start3A_345 = tpu.memref_squeeze %dma_start3A_344 : memref<1x128xi32, #tpu.memory_space<vmem>> -> memref<128xi32, #tpu.memory_space<vmem>>
      %dma_start3A_346 = arith.constant 0 : i32
      %dma_start3A_347 = arith.constant 0 : i32
      %dma_start3A_348 = tpu.memref_slice %arg2[%dma_start3A_346, %dma_start3A_347] : memref<100000x16xf32, #tpu.memory_space<hbm>> -> memref<100000x16xf32, #tpu.memory_space<hbm>>
      tpu.enqueue_indirect_dma source(%dma_start3A_348 : memref<100000x16xf32, #tpu.memory_space<hbm>>) target(%dma_start3A_342 : memref<128x16xf32, #tpu.memory_space<vmem>>) offsets(%dma_start3A_345 : memref<128xi32, #tpu.memory_space<vmem>>) semaphore(%arg29 : memref<!tpu.dma_semaphore, #tpu.memory_space<semaphore_mem>>)
      %dma_start3A_349 = arith.constant 4 : i32
      %dma_start3A_350 = arith.constant 512 : i32
      %dma_start3A_351 = tpu.memref_slice %arg21[%dma_start3A_350] : memref<640xf32, #tpu.memory_space<vmem>> -> memref<128xf32, #tpu.memory_space<vmem>>
      %dma_start3A_352 = arith.constant 0 : i32
      %dma_start3A_353 = tpu.memref_slice %arg13[%dma_start3A_349, %dma_start3A_352] : memref<5x128xi32, #tpu.memory_space<vmem>> -> memref<1x128xi32, #tpu.memory_space<vmem>>
      %dma_start3A_354 = tpu.memref_squeeze %dma_start3A_353 : memref<1x128xi32, #tpu.memory_space<vmem>> -> memref<128xi32, #tpu.memory_space<vmem>>
      %dma_start3A_355 = arith.constant 0 : i32
      %dma_start3A_356 = tpu.memref_slice %arg3[%dma_start3A_355] : memref<100000xf32, #tpu.memory_space<hbm>> -> memref<100000xf32, #tpu.memory_space<hbm>>
      tpu.enqueue_indirect_dma source(%dma_start3A_356 : memref<100000xf32, #tpu.memory_space<hbm>>) target(%dma_start3A_351 : memref<128xf32, #tpu.memory_space<vmem>>) offsets(%dma_start3A_354 : memref<128xi32, #tpu.memory_space<vmem>>) semaphore(%arg29 : memref<!tpu.dma_semaphore, #tpu.memory_space<semaphore_mem>>)
      %dma_start3A_357 = arith.constant 4 : i32
      %dma_start3A_358 = arith.constant 512 : i32
      %dma_start3A_359 = tpu.memref_slice %arg23[%dma_start3A_358] : memref<640xf32, #tpu.memory_space<vmem>> -> memref<128xf32, #tpu.memory_space<vmem>>
      %dma_start3A_360 = arith.constant 0 : i32
      %dma_start3A_361 = tpu.memref_slice %arg15[%dma_start3A_357, %dma_start3A_360] : memref<5x128xi32, #tpu.memory_space<vmem>> -> memref<1x128xi32, #tpu.memory_space<vmem>>
      %dma_start3A_362 = tpu.memref_squeeze %dma_start3A_361 : memref<1x128xi32, #tpu.memory_space<vmem>> -> memref<128xi32, #tpu.memory_space<vmem>>
      %dma_start3A_363 = arith.constant 0 : i32
      %dma_start3A_364 = tpu.memref_slice %arg4[%dma_start3A_363] : memref<100000xf32, #tpu.memory_space<hbm>> -> memref<100000xf32, #tpu.memory_space<hbm>>
      tpu.enqueue_indirect_dma source(%dma_start3A_364 : memref<100000xf32, #tpu.memory_space<hbm>>) target(%dma_start3A_359 : memref<128xf32, #tpu.memory_space<vmem>>) offsets(%dma_start3A_362 : memref<128xi32, #tpu.memory_space<vmem>>) semaphore(%arg29 : memref<!tpu.dma_semaphore, #tpu.memory_space<semaphore_mem>>)
      %dma_wait3A_365 = arith.constant 0 : i32
      %dma_wait3A_366 = arith.constant 0 : i32
      %dma_wait3A_367 = arith.constant 0 : i32
      %dma_wait3A_368 = tpu.memref_slice %arg18[%dma_wait3A_366, %dma_wait3A_367] : memref<640x16xf32, #tpu.memory_space<vmem>> -> memref<128x16xf32, #tpu.memory_space<vmem>>
      %dma_wait3A_369 = arith.constant 0 : i32
      %dma_wait3A_370 = tpu.memref_slice %arg12[%dma_wait3A_365, %dma_wait3A_369] : memref<5x128xi32, #tpu.memory_space<vmem>> -> memref<1x128xi32, #tpu.memory_space<vmem>>
      %dma_wait3A_371 = tpu.memref_squeeze %dma_wait3A_370 : memref<1x128xi32, #tpu.memory_space<vmem>> -> memref<128xi32, #tpu.memory_space<vmem>>
      %dma_wait3A_372 = arith.constant 0 : i32
      %dma_wait3A_373 = arith.constant 0 : i32
      %dma_wait3A_374 = tpu.memref_slice %arg2[%dma_wait3A_372, %dma_wait3A_373] : memref<100000x16xf32, #tpu.memory_space<hbm>> -> memref<100000x16xf32, #tpu.memory_space<hbm>>
      tpu.wait_indirect_dma semaphore(%arg28 : memref<!tpu.dma_semaphore, #tpu.memory_space<semaphore_mem>>) src(%dma_wait3A_374 : memref<100000x16xf32, #tpu.memory_space<hbm>>) dst(%dma_wait3A_368 : memref<128x16xf32, #tpu.memory_space<vmem>>)
      %dma_wait3A_375 = arith.constant 0 : i32
      %dma_wait3A_376 = arith.constant 0 : i32
      %dma_wait3A_377 = tpu.memref_slice %arg20[%dma_wait3A_376] : memref<640xf32, #tpu.memory_space<vmem>> -> memref<128xf32, #tpu.memory_space<vmem>>
      %dma_wait3A_378 = arith.constant 0 : i32
      %dma_wait3A_379 = tpu.memref_slice %arg12[%dma_wait3A_375, %dma_wait3A_378] : memref<5x128xi32, #tpu.memory_space<vmem>> -> memref<1x128xi32, #tpu.memory_space<vmem>>
      %dma_wait3A_380 = tpu.memref_squeeze %dma_wait3A_379 : memref<1x128xi32, #tpu.memory_space<vmem>> -> memref<128xi32, #tpu.memory_space<vmem>>
      %dma_wait3A_381 = arith.constant 0 : i32
      %dma_wait3A_382 = tpu.memref_slice %arg3[%dma_wait3A_381] : memref<100000xf32, #tpu.memory_space<hbm>> -> memref<100000xf32, #tpu.memory_space<hbm>>
      tpu.wait_indirect_dma semaphore(%arg28 : memref<!tpu.dma_semaphore, #tpu.memory_space<semaphore_mem>>) src(%dma_wait3A_382 : memref<100000xf32, #tpu.memory_space<hbm>>) dst(%dma_wait3A_377 : memref<128xf32, #tpu.memory_space<vmem>>)
      %dma_wait3A_383 = arith.constant 0 : i32
      %dma_wait3A_384 = arith.constant 0 : i32
      %dma_wait3A_385 = tpu.memref_slice %arg22[%dma_wait3A_384] : memref<640xf32, #tpu.memory_space<vmem>> -> memref<128xf32, #tpu.memory_space<vmem>>
      %dma_wait3A_386 = arith.constant 0 : i32
      %dma_wait3A_387 = tpu.memref_slice %arg14[%dma_wait3A_383, %dma_wait3A_386] : memref<5x128xi32, #tpu.memory_space<vmem>> -> memref<1x128xi32, #tpu.memory_space<vmem>>
      %dma_wait3A_388 = tpu.memref_squeeze %dma_wait3A_387 : memref<1x128xi32, #tpu.memory_space<vmem>> -> memref<128xi32, #tpu.memory_space<vmem>>
      %dma_wait3A_389 = arith.constant 0 : i32
      %dma_wait3A_390 = tpu.memref_slice %arg4[%dma_wait3A_389] : memref<100000xf32, #tpu.memory_space<hbm>> -> memref<100000xf32, #tpu.memory_space<hbm>>
      tpu.wait_indirect_dma semaphore(%arg28 : memref<!tpu.dma_semaphore, #tpu.memory_space<semaphore_mem>>) src(%dma_wait3A_390 : memref<100000xf32, #tpu.memory_space<hbm>>) dst(%dma_wait3A_385 : memref<128xf32, #tpu.memory_space<vmem>>)
      %dma_wait3A_391 = arith.constant 1 : i32
      %dma_wait3A_392 = arith.constant 128 : i32
      %dma_wait3A_393 = arith.constant 0 : i32
      %dma_wait3A_394 = tpu.memref_slice %arg18[%dma_wait3A_392, %dma_wait3A_393] : memref<640x16xf32, #tpu.memory_space<vmem>> -> memref<128x16xf32, #tpu.memory_space<vmem>>
      %dma_wait3A_395 = arith.constant 0 : i32
      %dma_wait3A_396 = tpu.memref_slice %arg12[%dma_wait3A_391, %dma_wait3A_395] : memref<5x128xi32, #tpu.memory_space<vmem>> -> memref<1x128xi32, #tpu.memory_space<vmem>>
      %dma_wait3A_397 = tpu.memref_squeeze %dma_wait3A_396 : memref<1x128xi32, #tpu.memory_space<vmem>> -> memref<128xi32, #tpu.memory_space<vmem>>
      %dma_wait3A_398 = arith.constant 0 : i32
      %dma_wait3A_399 = arith.constant 0 : i32
      %dma_wait3A_400 = tpu.memref_slice %arg2[%dma_wait3A_398, %dma_wait3A_399] : memref<100000x16xf32, #tpu.memory_space<hbm>> -> memref<100000x16xf32, #tpu.memory_space<hbm>>
      tpu.wait_indirect_dma semaphore(%arg28 : memref<!tpu.dma_semaphore, #tpu.memory_space<semaphore_mem>>) src(%dma_wait3A_400 : memref<100000x16xf32, #tpu.memory_space<hbm>>) dst(%dma_wait3A_394 : memref<128x16xf32, #tpu.memory_space<vmem>>)
      %dma_wait3A_401 = arith.constant 1 : i32
      %dma_wait3A_402 = arith.constant 128 : i32
      %dma_wait3A_403 = tpu.memref_slice %arg20[%dma_wait3A_402] : memref<640xf32, #tpu.memory_space<vmem>> -> memref<128xf32, #tpu.memory_space<vmem>>
      %dma_wait3A_404 = arith.constant 0 : i32
      %dma_wait3A_405 = tpu.memref_slice %arg12[%dma_wait3A_401, %dma_wait3A_404] : memref<5x128xi32, #tpu.memory_space<vmem>> -> memref<1x128xi32, #tpu.memory_space<vmem>>
      %dma_wait3A_406 = tpu.memref_squeeze %dma_wait3A_405 : memref<1x128xi32, #tpu.memory_space<vmem>> -> memref<128xi32, #tpu.memory_space<vmem>>
      %dma_wait3A_407 = arith.constant 0 : i32
      %dma_wait3A_408 = tpu.memref_slice %arg3[%dma_wait3A_407] : memref<100000xf32, #tpu.memory_space<hbm>> -> memref<100000xf32, #tpu.memory_space<hbm>>
      tpu.wait_indirect_dma semaphore(%arg28 : memref<!tpu.dma_semaphore, #tpu.memory_space<semaphore_mem>>) src(%dma_wait3A_408 : memref<100000xf32, #tpu.memory_space<hbm>>) dst(%dma_wait3A_403 : memref<128xf32, #tpu.memory_space<vmem>>)
      %dma_wait3A_409 = arith.constant 1 : i32
      %dma_wait3A_410 = arith.constant 128 : i32
      %dma_wait3A_411 = tpu.memref_slice %arg22[%dma_wait3A_410] : memref<640xf32, #tpu.memory_space<vmem>> -> memref<128xf32, #tpu.memory_space<vmem>>
      %dma_wait3A_412 = arith.constant 0 : i32
      %dma_wait3A_413 = tpu.memref_slice %arg14[%dma_wait3A_409, %dma_wait3A_412] : memref<5x128xi32, #tpu.memory_space<vmem>> -> memref<1x128xi32, #tpu.memory_space<vmem>>
      %dma_wait3A_414 = tpu.memref_squeeze %dma_wait3A_413 : memref<1x128xi32, #tpu.memory_space<vmem>> -> memref<128xi32, #tpu.memory_space<vmem>>
      %dma_wait3A_415 = arith.constant 0 : i32
      %dma_wait3A_416 = tpu.memref_slice %arg4[%dma_wait3A_415] : memref<100000xf32, #tpu.memory_space<hbm>> -> memref<100000xf32, #tpu.memory_space<hbm>>
      tpu.wait_indirect_dma semaphore(%arg28 : memref<!tpu.dma_semaphore, #tpu.memory_space<semaphore_mem>>) src(%dma_wait3A_416 : memref<100000xf32, #tpu.memory_space<hbm>>) dst(%dma_wait3A_411 : memref<128xf32, #tpu.memory_space<vmem>>)
      %dma_wait3A_417 = arith.constant 2 : i32
      %dma_wait3A_418 = arith.constant 256 : i32
      %dma_wait3A_419 = arith.constant 0 : i32
      %dma_wait3A_420 = tpu.memref_slice %arg18[%dma_wait3A_418, %dma_wait3A_419] : memref<640x16xf32, #tpu.memory_space<vmem>> -> memref<128x16xf32, #tpu.memory_space<vmem>>
      %dma_wait3A_421 = arith.constant 0 : i32
      %dma_wait3A_422 = tpu.memref_slice %arg12[%dma_wait3A_417, %dma_wait3A_421] : memref<5x128xi32, #tpu.memory_space<vmem>> -> memref<1x128xi32, #tpu.memory_space<vmem>>
      %dma_wait3A_423 = tpu.memref_squeeze %dma_wait3A_422 : memref<1x128xi32, #tpu.memory_space<vmem>> -> memref<128xi32, #tpu.memory_space<vmem>>
      %dma_wait3A_424 = arith.constant 0 : i32
      %dma_wait3A_425 = arith.constant 0 : i32
      %dma_wait3A_426 = tpu.memref_slice %arg2[%dma_wait3A_424, %dma_wait3A_425] : memref<100000x16xf32, #tpu.memory_space<hbm>> -> memref<100000x16xf32, #tpu.memory_space<hbm>>
      tpu.wait_indirect_dma semaphore(%arg28 : memref<!tpu.dma_semaphore, #tpu.memory_space<semaphore_mem>>) src(%dma_wait3A_426 : memref<100000x16xf32, #tpu.memory_space<hbm>>) dst(%dma_wait3A_420 : memref<128x16xf32, #tpu.memory_space<vmem>>)
      %dma_wait3A_427 = arith.constant 2 : i32
      %dma_wait3A_428 = arith.constant 256 : i32
      %dma_wait3A_429 = tpu.memref_slice %arg20[%dma_wait3A_428] : memref<640xf32, #tpu.memory_space<vmem>> -> memref<128xf32, #tpu.memory_space<vmem>>
      %dma_wait3A_430 = arith.constant 0 : i32
      %dma_wait3A_431 = tpu.memref_slice %arg12[%dma_wait3A_427, %dma_wait3A_430] : memref<5x128xi32, #tpu.memory_space<vmem>> -> memref<1x128xi32, #tpu.memory_space<vmem>>
      %dma_wait3A_432 = tpu.memref_squeeze %dma_wait3A_431 : memref<1x128xi32, #tpu.memory_space<vmem>> -> memref<128xi32, #tpu.memory_space<vmem>>
      %dma_wait3A_433 = arith.constant 0 : i32
      %dma_wait3A_434 = tpu.memref_slice %arg3[%dma_wait3A_433] : memref<100000xf32, #tpu.memory_space<hbm>> -> memref<100000xf32, #tpu.memory_space<hbm>>
      tpu.wait_indirect_dma semaphore(%arg28 : memref<!tpu.dma_semaphore, #tpu.memory_space<semaphore_mem>>) src(%dma_wait3A_434 : memref<100000xf32, #tpu.memory_space<hbm>>) dst(%dma_wait3A_429 : memref<128xf32, #tpu.memory_space<vmem>>)
      %dma_wait3A_435 = arith.constant 2 : i32
      %dma_wait3A_436 = arith.constant 256 : i32
      %dma_wait3A_437 = tpu.memref_slice %arg22[%dma_wait3A_436] : memref<640xf32, #tpu.memory_space<vmem>> -> memref<128xf32, #tpu.memory_space<vmem>>
      %dma_wait3A_438 = arith.constant 0 : i32
      %dma_wait3A_439 = tpu.memref_slice %arg14[%dma_wait3A_435, %dma_wait3A_438] : memref<5x128xi32, #tpu.memory_space<vmem>> -> memref<1x128xi32, #tpu.memory_space<vmem>>
      %dma_wait3A_440 = tpu.memref_squeeze %dma_wait3A_439 : memref<1x128xi32, #tpu.memory_space<vmem>> -> memref<128xi32, #tpu.memory_space<vmem>>
      %dma_wait3A_441 = arith.constant 0 : i32
      %dma_wait3A_442 = tpu.memref_slice %arg4[%dma_wait3A_441] : memref<100000xf32, #tpu.memory_space<hbm>> -> memref<100000xf32, #tpu.memory_space<hbm>>
      tpu.wait_indirect_dma semaphore(%arg28 : memref<!tpu.dma_semaphore, #tpu.memory_space<semaphore_mem>>) src(%dma_wait3A_442 : memref<100000xf32, #tpu.memory_space<hbm>>) dst(%dma_wait3A_437 : memref<128xf32, #tpu.memory_space<vmem>>)
      %dma_wait3A_443 = arith.constant 3 : i32
      %dma_wait3A_444 = arith.constant 384 : i32
      %dma_wait3A_445 = arith.constant 0 : i32
      %dma_wait3A_446 = tpu.memref_slice %arg18[%dma_wait3A_444, %dma_wait3A_445] : memref<640x16xf32, #tpu.memory_space<vmem>> -> memref<128x16xf32, #tpu.memory_space<vmem>>
      %dma_wait3A_447 = arith.constant 0 : i32
      %dma_wait3A_448 = tpu.memref_slice %arg12[%dma_wait3A_443, %dma_wait3A_447] : memref<5x128xi32, #tpu.memory_space<vmem>> -> memref<1x128xi32, #tpu.memory_space<vmem>>
      %dma_wait3A_449 = tpu.memref_squeeze %dma_wait3A_448 : memref<1x128xi32, #tpu.memory_space<vmem>> -> memref<128xi32, #tpu.memory_space<vmem>>
      %dma_wait3A_450 = arith.constant 0 : i32
      %dma_wait3A_451 = arith.constant 0 : i32
      %dma_wait3A_452 = tpu.memref_slice %arg2[%dma_wait3A_450, %dma_wait3A_451] : memref<100000x16xf32, #tpu.memory_space<hbm>> -> memref<100000x16xf32, #tpu.memory_space<hbm>>
      tpu.wait_indirect_dma semaphore(%arg28 : memref<!tpu.dma_semaphore, #tpu.memory_space<semaphore_mem>>) src(%dma_wait3A_452 : memref<100000x16xf32, #tpu.memory_space<hbm>>) dst(%dma_wait3A_446 : memref<128x16xf32, #tpu.memory_space<vmem>>)
      %dma_wait3A_453 = arith.constant 3 : i32
      %dma_wait3A_454 = arith.constant 384 : i32
      %dma_wait3A_455 = tpu.memref_slice %arg20[%dma_wait3A_454] : memref<640xf32, #tpu.memory_space<vmem>> -> memref<128xf32, #tpu.memory_space<vmem>>
      %dma_wait3A_456 = arith.constant 0 : i32
      %dma_wait3A_457 = tpu.memref_slice %arg12[%dma_wait3A_453, %dma_wait3A_456] : memref<5x128xi32, #tpu.memory_space<vmem>> -> memref<1x128xi32, #tpu.memory_space<vmem>>
      %dma_wait3A_458 = tpu.memref_squeeze %dma_wait3A_457 : memref<1x128xi32, #tpu.memory_space<vmem>> -> memref<128xi32, #tpu.memory_space<vmem>>
      %dma_wait3A_459 = arith.constant 0 : i32
      %dma_wait3A_460 = tpu.memref_slice %arg3[%dma_wait3A_459] : memref<100000xf32, #tpu.memory_space<hbm>> -> memref<100000xf32, #tpu.memory_space<hbm>>
      tpu.wait_indirect_dma semaphore(%arg28 : memref<!tpu.dma_semaphore, #tpu.memory_space<semaphore_mem>>) src(%dma_wait3A_460 : memref<100000xf32, #tpu.memory_space<hbm>>) dst(%dma_wait3A_455 : memref<128xf32, #tpu.memory_space<vmem>>)
      %dma_wait3A_461 = arith.constant 3 : i32
      %dma_wait3A_462 = arith.constant 384 : i32
      %dma_wait3A_463 = tpu.memref_slice %arg22[%dma_wait3A_462] : memref<640xf32, #tpu.memory_space<vmem>> -> memref<128xf32, #tpu.memory_space<vmem>>
      %dma_wait3A_464 = arith.constant 0 : i32
      %dma_wait3A_465 = tpu.memref_slice %arg14[%dma_wait3A_461, %dma_wait3A_464] : memref<5x128xi32, #tpu.memory_space<vmem>> -> memref<1x128xi32, #tpu.memory_space<vmem>>
      %dma_wait3A_466 = tpu.memref_squeeze %dma_wait3A_465 : memref<1x128xi32, #tpu.memory_space<vmem>> -> memref<128xi32, #tpu.memory_space<vmem>>
      %dma_wait3A_467 = arith.constant 0 : i32
      %dma_wait3A_468 = tpu.memref_slice %arg4[%dma_wait3A_467] : memref<100000xf32, #tpu.memory_space<hbm>> -> memref<100000xf32, #tpu.memory_space<hbm>>
      tpu.wait_indirect_dma semaphore(%arg28 : memref<!tpu.dma_semaphore, #tpu.memory_space<semaphore_mem>>) src(%dma_wait3A_468 : memref<100000xf32, #tpu.memory_space<hbm>>) dst(%dma_wait3A_463 : memref<128xf32, #tpu.memory_space<vmem>>)
      %dma_wait3A_469 = arith.constant 4 : i32
      %dma_wait3A_470 = arith.constant 512 : i32
      %dma_wait3A_471 = arith.constant 0 : i32
      %dma_wait3A_472 = tpu.memref_slice %arg18[%dma_wait3A_470, %dma_wait3A_471] : memref<640x16xf32, #tpu.memory_space<vmem>> -> memref<128x16xf32, #tpu.memory_space<vmem>>
      %dma_wait3A_473 = arith.constant 0 : i32
      %dma_wait3A_474 = tpu.memref_slice %arg12[%dma_wait3A_469, %dma_wait3A_473] : memref<5x128xi32, #tpu.memory_space<vmem>> -> memref<1x128xi32, #tpu.memory_space<vmem>>
      %dma_wait3A_475 = tpu.memref_squeeze %dma_wait3A_474 : memref<1x128xi32, #tpu.memory_space<vmem>> -> memref<128xi32, #tpu.memory_space<vmem>>
      %dma_wait3A_476 = arith.constant 0 : i32
      %dma_wait3A_477 = arith.constant 0 : i32
      %dma_wait3A_478 = tpu.memref_slice %arg2[%dma_wait3A_476, %dma_wait3A_477] : memref<100000x16xf32, #tpu.memory_space<hbm>> -> memref<100000x16xf32, #tpu.memory_space<hbm>>
      tpu.wait_indirect_dma semaphore(%arg28 : memref<!tpu.dma_semaphore, #tpu.memory_space<semaphore_mem>>) src(%dma_wait3A_478 : memref<100000x16xf32, #tpu.memory_space<hbm>>) dst(%dma_wait3A_472 : memref<128x16xf32, #tpu.memory_space<vmem>>)
      %dma_wait3A_479 = arith.constant 4 : i32
      %dma_wait3A_480 = arith.constant 512 : i32
      %dma_wait3A_481 = tpu.memref_slice %arg20[%dma_wait3A_480] : memref<640xf32, #tpu.memory_space<vmem>> -> memref<128xf32, #tpu.memory_space<vmem>>
      %dma_wait3A_482 = arith.constant 0 : i32
      %dma_wait3A_483 = tpu.memref_slice %arg12[%dma_wait3A_479, %dma_wait3A_482] : memref<5x128xi32, #tpu.memory_space<vmem>> -> memref<1x128xi32, #tpu.memory_space<vmem>>
      %dma_wait3A_484 = tpu.memref_squeeze %dma_wait3A_483 : memref<1x128xi32, #tpu.memory_space<vmem>> -> memref<128xi32, #tpu.memory_space<vmem>>
      %dma_wait3A_485 = arith.constant 0 : i32
      %dma_wait3A_486 = tpu.memref_slice %arg3[%dma_wait3A_485] : memref<100000xf32, #tpu.memory_space<hbm>> -> memref<100000xf32, #tpu.memory_space<hbm>>
      tpu.wait_indirect_dma semaphore(%arg28 : memref<!tpu.dma_semaphore, #tpu.memory_space<semaphore_mem>>) src(%dma_wait3A_486 : memref<100000xf32, #tpu.memory_space<hbm>>) dst(%dma_wait3A_481 : memref<128xf32, #tpu.memory_space<vmem>>)
      %dma_wait3A_487 = arith.constant 4 : i32
      %dma_wait3A_488 = arith.constant 512 : i32
      %dma_wait3A_489 = tpu.memref_slice %arg22[%dma_wait3A_488] : memref<640xf32, #tpu.memory_space<vmem>> -> memref<128xf32, #tpu.memory_space<vmem>>
      %dma_wait3A_490 = arith.constant 0 : i32
      %dma_wait3A_491 = tpu.memref_slice %arg14[%dma_wait3A_487, %dma_wait3A_490] : memref<5x128xi32, #tpu.memory_space<vmem>> -> memref<1x128xi32, #tpu.memory_space<vmem>>
      %dma_wait3A_492 = tpu.memref_squeeze %dma_wait3A_491 : memref<1x128xi32, #tpu.memory_space<vmem>> -> memref<128xi32, #tpu.memory_space<vmem>>
      %dma_wait3A_493 = arith.constant 0 : i32
      %dma_wait3A_494 = tpu.memref_slice %arg4[%dma_wait3A_493] : memref<100000xf32, #tpu.memory_space<hbm>> -> memref<100000xf32, #tpu.memory_space<hbm>>
      tpu.wait_indirect_dma semaphore(%arg28 : memref<!tpu.dma_semaphore, #tpu.memory_space<semaphore_mem>>) src(%dma_wait3A_494 : memref<100000xf32, #tpu.memory_space<hbm>>) dst(%dma_wait3A_489 : memref<128xf32, #tpu.memory_space<vmem>>)
      %broadcast_in_dim3A_495 = arith.constant 0.000000e+00 : f32
      %broadcast_in_dim3A_496 = vector.broadcast %broadcast_in_dim3A_495 : f32 to vector<16xf32>
      %parallel_loop3A = arith.constant 0 : i32
      %parallel_loop3A_497 = arith.constant 40 : i32
      %parallel_loop3A_498 = arith.constant 1 : i32
      %parallel_loop3A_499 = scf.for %parallel_loop3A_814 = %parallel_loop3A to %parallel_loop3A_497 step %parallel_loop3A_498 iter_args(%parallel_loop3A_815 = %broadcast_in_dim3A_496) -> (vector<16xf32>)  : i32 {
        %parallel_loop3A_816 = arith.constant 16 : i32
        %parallel_loop3A_817 = arith.muli %parallel_loop3A_814, %parallel_loop3A_816 : i32
        %parallel_loop3A_818 = arith.index_cast %parallel_loop3A_817 : i32 to index
        %parallel_loop3A_819 = tpu.vector_load %arg20[%parallel_loop3A_818] {strides = array<i32>} : memref<640xf32, #tpu.memory_space<vmem>>, vector<16xf32>,
        %parallel_loop3A_820 = vector.shape_cast %parallel_loop3A_819 : vector<16xf32> to vector<16xf32>
        %parallel_loop3A_821 = arith.index_cast %parallel_loop3A_817 : i32 to index
        %parallel_loop3A_822 = tpu.vector_load %arg22[%parallel_loop3A_821] {strides = array<i32>} : memref<640xf32, #tpu.memory_space<vmem>>, vector<16xf32>,
        %parallel_loop3A_823 = vector.shape_cast %parallel_loop3A_822 : vector<16xf32> to vector<16xf32>
        %parallel_loop3A_824 = arith.addf %parallel_loop3A_820, %parallel_loop3A_823 : vector<16xf32>
        %parallel_loop3A_825 = arith.index_cast %parallel_loop3A_817 : i32 to index
        %parallel_loop3A_826 = tpu.vector_load %arg16[%parallel_loop3A_825] {strides = array<i32>} : memref<640xf32, #tpu.memory_space<vmem>>, vector<16xf32>,
        %parallel_loop3A_827 = vector.shape_cast %parallel_loop3A_826 : vector<16xf32> to vector<16xf32>
        %parallel_loop3A_828 = arith.mulf %get3A_15, %parallel_loop3A_827 : vector<16xf32>
        %parallel_loop3A_829 = arith.addf %parallel_loop3A_824, %parallel_loop3A_828 : vector<16xf32>
        %parallel_loop3A_830 = arith.constant 0.000000e+00 : f32
        %parallel_loop3A_831 = vector.broadcast %parallel_loop3A_830 : f32 to vector<16xf32>
        %parallel_loop3A_832 = arith.cmpf ogt, %parallel_loop3A_829, %parallel_loop3A_831 : vector<16xf32>
        %parallel_loop3A_833 = arith.constant 2.000000e-01 : f32
        %parallel_loop3A_834 = vector.broadcast %parallel_loop3A_833 : f32 to vector<16xf32>
        %parallel_loop3A_835 = arith.mulf %parallel_loop3A_834, %parallel_loop3A_829 : vector<16xf32>
        %parallel_loop3A_836 = arith.select %parallel_loop3A_832, %parallel_loop3A_829, %parallel_loop3A_835 : vector<16xi1>, vector<16xf32>
        %parallel_loop3A_837 = arith.subf %parallel_loop3A_836, %get3A_10 : vector<16xf32>
        %parallel_loop3A_838 = math.exp %parallel_loop3A_837 : vector<16xf32>
        %parallel_loop3A_839 = arith.index_cast %parallel_loop3A_817 : i32 to index
        %parallel_loop3A_840 = tpu.vector_load %arg24[%parallel_loop3A_839] {strides = array<i32>} : memref<656xf32, #tpu.memory_space<vmem>>, vector<16xf32>,
        %parallel_loop3A_841 = vector.shape_cast %parallel_loop3A_840 : vector<16xf32> to vector<16xf32>
        %parallel_loop3A_842 = vector.shape_cast %parallel_loop3A_838 : vector<16xf32> to vector<16xf32>
        tpu.vector_store %arg24[%parallel_loop3A_839], %parallel_loop3A_842 {strides = array<i32>} : memref<656xf32, #tpu.memory_space<vmem>>, vector<16xf32>,
        %parallel_loop3A_843 = arith.index_cast %parallel_loop3A_817 : i32 to index
        %parallel_loop3A_844 = tpu.vector_load %arg16[%parallel_loop3A_843] {strides = array<i32>} : memref<640xf32, #tpu.memory_space<vmem>>, vector<16xf32>,
        %parallel_loop3A_845 = vector.shape_cast %parallel_loop3A_844 : vector<16xf32> to vector<16xf32>
        %parallel_loop3A_846 = arith.addf %parallel_loop3A_815, %parallel_loop3A_845 : vector<16xf32>
        scf.yield %parallel_loop3A_846 : vector<16xf32>
      } {sc.loop_unroll_factor = 4 : i64, sc.parallel_access}
      %get3A_500 = arith.constant 0 : index
      %get3A_501 = tpu.vector_load %arg26[%get3A_500] {strides = array<i32>} : memref<16xf32, #tpu.memory_space<vmem>>, vector<16xf32>,
      %get3A_502 = vector.shape_cast %get3A_501 : vector<16xf32> to vector<16xf32>
      %add3A_503 = arith.addf %get3A_502, %parallel_loop3A_499 : vector<16xf32>
      %swap3A_504 = arith.constant 0 : index
      %swap3A_505 = tpu.vector_load %arg26[%swap3A_504] {strides = array<i32>} : memref<16xf32, #tpu.memory_space<vmem>>, vector<16xf32>,
      %swap3A_506 = vector.shape_cast %swap3A_505 : vector<16xf32> to vector<16xf32>
      %swap3A_507 = vector.shape_cast %add3A_503 : vector<16xf32> to vector<16xf32>
      tpu.vector_store %arg26[%swap3A_504], %swap3A_507 {strides = array<i32>} : memref<16xf32, #tpu.memory_space<vmem>>, vector<16xf32>,
      %parallel_loop3A_508 = arith.constant 0 : i32
      %parallel_loop3A_509 = arith.constant 640 : i32
      %parallel_loop3A_510 = arith.constant 1 : i32
      scf.for %parallel_loop3A_814 = %parallel_loop3A_508 to %parallel_loop3A_509 step %parallel_loop3A_510  : i32 {
        %parallel_loop3A_815 = arith.index_cast %parallel_loop3A_814 : i32 to index
        %parallel_loop3A_816 = tpu.vector_load %arg24[%parallel_loop3A_815] {strides = array<i32>} : memref<656xf32, #tpu.memory_space<vmem>>, vector<16xf32>,
        %parallel_loop3A_817 = vector.shape_cast %parallel_loop3A_816 : vector<16xf32> to vector<16xf32>
        %parallel_loop3A_818 = vector.extract_strided_slice %parallel_loop3A_817 {offsets = [0], sizes = [1], strides = [1]} : vector<16xf32> to vector<1xf32>
        %parallel_loop3A_819 = vector.extract %parallel_loop3A_818[0] : f32 from vector<1xf32>
        %parallel_loop3A_820 = vector.broadcast %parallel_loop3A_819 : f32 to vector<16xf32>
        %parallel_loop3A_821 = arith.index_cast %parallel_loop3A_814 : i32 to index
        %parallel_loop3A_822 = arith.constant 0 : index
        %parallel_loop3A_823 = tpu.vector_load %arg18[%parallel_loop3A_821, %parallel_loop3A_822] {strides = array<i32>} : memref<640x16xf32, #tpu.memory_space<vmem>>, vector<1x16xf32>,
        %parallel_loop3A_824 = vector.shape_cast %parallel_loop3A_823 : vector<1x16xf32> to vector<16xf32>
        %parallel_loop3A_825 = arith.mulf %parallel_loop3A_824, %parallel_loop3A_820 : vector<16xf32>
        %parallel_loop3A_826 = arith.index_cast %parallel_loop3A_814 : i32 to index
        %parallel_loop3A_827 = arith.constant 0 : index
        %parallel_loop3A_828 = tpu.vector_load %arg18[%parallel_loop3A_826, %parallel_loop3A_827] {strides = array<i32>} : memref<640x16xf32, #tpu.memory_space<vmem>>, vector<1x16xf32>,
        %parallel_loop3A_829 = vector.shape_cast %parallel_loop3A_828 : vector<1x16xf32> to vector<16xf32>
        %parallel_loop3A_830 = vector.shape_cast %parallel_loop3A_825 : vector<16xf32> to vector<1x16xf32>
        tpu.vector_store %arg18[%parallel_loop3A_826, %parallel_loop3A_827], %parallel_loop3A_830 {strides = array<i32>} : memref<640x16xf32, #tpu.memory_space<vmem>>, vector<1x16xf32>,
      } {sc.loop_unroll_factor = 16 : i64, sc.parallel_access}
      %dma_start3A_511 = arith.constant 0 : i32
      %dma_start3A_512 = arith.constant 0 : i32
      %dma_start3A_513 = arith.constant 0 : i32
      %dma_start3A_514 = tpu.memref_slice %arg18[%dma_start3A_512, %dma_start3A_513] : memref<640x16xf32, #tpu.memory_space<vmem>> -> memref<128x16xf32, #tpu.memory_space<vmem>>
      %dma_start3A_515 = arith.constant 0 : i32
      %dma_start3A_516 = tpu.memref_slice %arg14[%dma_start3A_511, %dma_start3A_515] : memref<5x128xi32, #tpu.memory_space<vmem>> -> memref<1x128xi32, #tpu.memory_space<vmem>>
      %dma_start3A_517 = tpu.memref_squeeze %dma_start3A_516 : memref<1x128xi32, #tpu.memory_space<vmem>> -> memref<128xi32, #tpu.memory_space<vmem>>
      %dma_start3A_518 = arith.constant 0 : i32
      %dma_start3A_519 = arith.constant 0 : i32
      %dma_start3A_520 = tpu.memref_slice %arg27[%dma_start3A_518, %dma_start3A_519] : memref<100096x16xf32, #tpu.memory_space<vmem_shared>> -> memref<100096x16xf32, #tpu.memory_space<vmem_shared>>
      tpu.enqueue_indirect_dma source(%dma_start3A_514 : memref<128x16xf32, #tpu.memory_space<vmem>>) target(%dma_start3A_520 : memref<100096x16xf32, #tpu.memory_space<vmem_shared>>) offsets(%dma_start3A_517 : memref<128xi32, #tpu.memory_space<vmem>>) semaphore(%arg30 : memref<!tpu.dma_semaphore, #tpu.memory_space<semaphore_mem>>) {add = true}
      %dma_start3A_521 = arith.constant 1 : i32
      %dma_start3A_522 = arith.constant 128 : i32
      %dma_start3A_523 = arith.constant 0 : i32
      %dma_start3A_524 = tpu.memref_slice %arg18[%dma_start3A_522, %dma_start3A_523] : memref<640x16xf32, #tpu.memory_space<vmem>> -> memref<128x16xf32, #tpu.memory_space<vmem>>
      %dma_start3A_525 = arith.constant 0 : i32
      %dma_start3A_526 = tpu.memref_slice %arg14[%dma_start3A_521, %dma_start3A_525] : memref<5x128xi32, #tpu.memory_space<vmem>> -> memref<1x128xi32, #tpu.memory_space<vmem>>
      %dma_start3A_527 = tpu.memref_squeeze %dma_start3A_526 : memref<1x128xi32, #tpu.memory_space<vmem>> -> memref<128xi32, #tpu.memory_space<vmem>>
      %dma_start3A_528 = arith.constant 0 : i32
      %dma_start3A_529 = arith.constant 0 : i32
      %dma_start3A_530 = tpu.memref_slice %arg27[%dma_start3A_528, %dma_start3A_529] : memref<100096x16xf32, #tpu.memory_space<vmem_shared>> -> memref<100096x16xf32, #tpu.memory_space<vmem_shared>>
      tpu.enqueue_indirect_dma source(%dma_start3A_524 : memref<128x16xf32, #tpu.memory_space<vmem>>) target(%dma_start3A_530 : memref<100096x16xf32, #tpu.memory_space<vmem_shared>>) offsets(%dma_start3A_527 : memref<128xi32, #tpu.memory_space<vmem>>) semaphore(%arg30 : memref<!tpu.dma_semaphore, #tpu.memory_space<semaphore_mem>>) {add = true}
      %dma_start3A_531 = arith.constant 2 : i32
      %dma_start3A_532 = arith.constant 256 : i32
      %dma_start3A_533 = arith.constant 0 : i32
      %dma_start3A_534 = tpu.memref_slice %arg18[%dma_start3A_532, %dma_start3A_533] : memref<640x16xf32, #tpu.memory_space<vmem>> -> memref<128x16xf32, #tpu.memory_space<vmem>>
      %dma_start3A_535 = arith.constant 0 : i32
      %dma_start3A_536 = tpu.memref_slice %arg14[%dma_start3A_531, %dma_start3A_535] : memref<5x128xi32, #tpu.memory_space<vmem>> -> memref<1x128xi32, #tpu.memory_space<vmem>>
      %dma_start3A_537 = tpu.memref_squeeze %dma_start3A_536 : memref<1x128xi32, #tpu.memory_space<vmem>> -> memref<128xi32, #tpu.memory_space<vmem>>
      %dma_start3A_538 = arith.constant 0 : i32
      %dma_start3A_539 = arith.constant 0 : i32
      %dma_start3A_540 = tpu.memref_slice %arg27[%dma_start3A_538, %dma_start3A_539] : memref<100096x16xf32, #tpu.memory_space<vmem_shared>> -> memref<100096x16xf32, #tpu.memory_space<vmem_shared>>
      tpu.enqueue_indirect_dma source(%dma_start3A_534 : memref<128x16xf32, #tpu.memory_space<vmem>>) target(%dma_start3A_540 : memref<100096x16xf32, #tpu.memory_space<vmem_shared>>) offsets(%dma_start3A_537 : memref<128xi32, #tpu.memory_space<vmem>>) semaphore(%arg30 : memref<!tpu.dma_semaphore, #tpu.memory_space<semaphore_mem>>) {add = true}
      %dma_start3A_541 = arith.constant 3 : i32
      %dma_start3A_542 = arith.constant 384 : i32
      %dma_start3A_543 = arith.constant 0 : i32
      %dma_start3A_544 = tpu.memref_slice %arg18[%dma_start3A_542, %dma_start3A_543] : memref<640x16xf32, #tpu.memory_space<vmem>> -> memref<128x16xf32, #tpu.memory_space<vmem>>
      %dma_start3A_545 = arith.constant 0 : i32
      %dma_start3A_546 = tpu.memref_slice %arg14[%dma_start3A_541, %dma_start3A_545] : memref<5x128xi32, #tpu.memory_space<vmem>> -> memref<1x128xi32, #tpu.memory_space<vmem>>
      %dma_start3A_547 = tpu.memref_squeeze %dma_start3A_546 : memref<1x128xi32, #tpu.memory_space<vmem>> -> memref<128xi32, #tpu.memory_space<vmem>>
      %dma_start3A_548 = arith.constant 0 : i32
      %dma_start3A_549 = arith.constant 0 : i32
      %dma_start3A_550 = tpu.memref_slice %arg27[%dma_start3A_548, %dma_start3A_549] : memref<100096x16xf32, #tpu.memory_space<vmem_shared>> -> memref<100096x16xf32, #tpu.memory_space<vmem_shared>>
      tpu.enqueue_indirect_dma source(%dma_start3A_544 : memref<128x16xf32, #tpu.memory_space<vmem>>) target(%dma_start3A_550 : memref<100096x16xf32, #tpu.memory_space<vmem_shared>>) offsets(%dma_start3A_547 : memref<128xi32, #tpu.memory_space<vmem>>) semaphore(%arg30 : memref<!tpu.dma_semaphore, #tpu.memory_space<semaphore_mem>>) {add = true}
      %dma_start3A_551 = arith.constant 4 : i32
      %dma_start3A_552 = arith.constant 512 : i32
      %dma_start3A_553 = arith.constant 0 : i32
      %dma_start3A_554 = tpu.memref_slice %arg18[%dma_start3A_552, %dma_start3A_553] : memref<640x16xf32, #tpu.memory_space<vmem>> -> memref<128x16xf32, #tpu.memory_space<vmem>>
      %dma_start3A_555 = arith.constant 0 : i32
      %dma_start3A_556 = tpu.memref_slice %arg14[%dma_start3A_551, %dma_start3A_555] : memref<5x128xi32, #tpu.memory_space<vmem>> -> memref<1x128xi32, #tpu.memory_space<vmem>>
      %dma_start3A_557 = tpu.memref_squeeze %dma_start3A_556 : memref<1x128xi32, #tpu.memory_space<vmem>> -> memref<128xi32, #tpu.memory_space<vmem>>
      %dma_start3A_558 = arith.constant 0 : i32
      %dma_start3A_559 = arith.constant 0 : i32
      %dma_start3A_560 = tpu.memref_slice %arg27[%dma_start3A_558, %dma_start3A_559] : memref<100096x16xf32, #tpu.memory_space<vmem_shared>> -> memref<100096x16xf32, #tpu.memory_space<vmem_shared>>
      tpu.enqueue_indirect_dma source(%dma_start3A_554 : memref<128x16xf32, #tpu.memory_space<vmem>>) target(%dma_start3A_560 : memref<100096x16xf32, #tpu.memory_space<vmem_shared>>) offsets(%dma_start3A_557 : memref<128xi32, #tpu.memory_space<vmem>>) semaphore(%arg30 : memref<!tpu.dma_semaphore, #tpu.memory_space<semaphore_mem>>) {add = true}
      %dma_wait3A_561 = arith.constant 0 : i32
      %dma_wait3A_562 = arith.constant 0 : i32
      %dma_wait3A_563 = arith.constant 0 : i32
      %dma_wait3A_564 = tpu.memref_slice %arg18[%dma_wait3A_562, %dma_wait3A_563] : memref<640x16xf32, #tpu.memory_space<vmem>> -> memref<128x16xf32, #tpu.memory_space<vmem>>
      %dma_wait3A_565 = arith.constant 0 : i32
      %dma_wait3A_566 = tpu.memref_slice %arg14[%dma_wait3A_561, %dma_wait3A_565] : memref<5x128xi32, #tpu.memory_space<vmem>> -> memref<1x128xi32, #tpu.memory_space<vmem>>
      %dma_wait3A_567 = tpu.memref_squeeze %dma_wait3A_566 : memref<1x128xi32, #tpu.memory_space<vmem>> -> memref<128xi32, #tpu.memory_space<vmem>>
      %dma_wait3A_568 = arith.constant 0 : i32
      %dma_wait3A_569 = arith.constant 0 : i32
      %dma_wait3A_570 = tpu.memref_slice %arg27[%dma_wait3A_568, %dma_wait3A_569] : memref<100096x16xf32, #tpu.memory_space<vmem_shared>> -> memref<100096x16xf32, #tpu.memory_space<vmem_shared>>
      tpu.wait_indirect_dma semaphore(%arg30 : memref<!tpu.dma_semaphore, #tpu.memory_space<semaphore_mem>>) src(%dma_wait3A_564 : memref<128x16xf32, #tpu.memory_space<vmem>>) dst(%dma_wait3A_570 : memref<100096x16xf32, #tpu.memory_space<vmem_shared>>)
      %dma_wait3A_571 = arith.constant 1 : i32
      %dma_wait3A_572 = arith.constant 128 : i32
      %dma_wait3A_573 = arith.constant 0 : i32
      %dma_wait3A_574 = tpu.memref_slice %arg18[%dma_wait3A_572, %dma_wait3A_573] : memref<640x16xf32, #tpu.memory_space<vmem>> -> memref<128x16xf32, #tpu.memory_space<vmem>>
      %dma_wait3A_575 = arith.constant 0 : i32
      %dma_wait3A_576 = tpu.memref_slice %arg14[%dma_wait3A_571, %dma_wait3A_575] : memref<5x128xi32, #tpu.memory_space<vmem>> -> memref<1x128xi32, #tpu.memory_space<vmem>>
      %dma_wait3A_577 = tpu.memref_squeeze %dma_wait3A_576 : memref<1x128xi32, #tpu.memory_space<vmem>> -> memref<128xi32, #tpu.memory_space<vmem>>
      %dma_wait3A_578 = arith.constant 0 : i32
      %dma_wait3A_579 = arith.constant 0 : i32
      %dma_wait3A_580 = tpu.memref_slice %arg27[%dma_wait3A_578, %dma_wait3A_579] : memref<100096x16xf32, #tpu.memory_space<vmem_shared>> -> memref<100096x16xf32, #tpu.memory_space<vmem_shared>>
      tpu.wait_indirect_dma semaphore(%arg30 : memref<!tpu.dma_semaphore, #tpu.memory_space<semaphore_mem>>) src(%dma_wait3A_574 : memref<128x16xf32, #tpu.memory_space<vmem>>) dst(%dma_wait3A_580 : memref<100096x16xf32, #tpu.memory_space<vmem_shared>>)
      %dma_wait3A_581 = arith.constant 2 : i32
      %dma_wait3A_582 = arith.constant 256 : i32
      %dma_wait3A_583 = arith.constant 0 : i32
      %dma_wait3A_584 = tpu.memref_slice %arg18[%dma_wait3A_582, %dma_wait3A_583] : memref<640x16xf32, #tpu.memory_space<vmem>> -> memref<128x16xf32, #tpu.memory_space<vmem>>
      %dma_wait3A_585 = arith.constant 0 : i32
      %dma_wait3A_586 = tpu.memref_slice %arg14[%dma_wait3A_581, %dma_wait3A_585] : memref<5x128xi32, #tpu.memory_space<vmem>> -> memref<1x128xi32, #tpu.memory_space<vmem>>
      %dma_wait3A_587 = tpu.memref_squeeze %dma_wait3A_586 : memref<1x128xi32, #tpu.memory_space<vmem>> -> memref<128xi32, #tpu.memory_space<vmem>>
      %dma_wait3A_588 = arith.constant 0 : i32
      %dma_wait3A_589 = arith.constant 0 : i32
      %dma_wait3A_590 = tpu.memref_slice %arg27[%dma_wait3A_588, %dma_wait3A_589] : memref<100096x16xf32, #tpu.memory_space<vmem_shared>> -> memref<100096x16xf32, #tpu.memory_space<vmem_shared>>
      tpu.wait_indirect_dma semaphore(%arg30 : memref<!tpu.dma_semaphore, #tpu.memory_space<semaphore_mem>>) src(%dma_wait3A_584 : memref<128x16xf32, #tpu.memory_space<vmem>>) dst(%dma_wait3A_590 : memref<100096x16xf32, #tpu.memory_space<vmem_shared>>)
      %dma_wait3A_591 = arith.constant 3 : i32
      %dma_wait3A_592 = arith.constant 384 : i32
      %dma_wait3A_593 = arith.constant 0 : i32
      %dma_wait3A_594 = tpu.memref_slice %arg18[%dma_wait3A_592, %dma_wait3A_593] : memref<640x16xf32, #tpu.memory_space<vmem>> -> memref<128x16xf32, #tpu.memory_space<vmem>>
      %dma_wait3A_595 = arith.constant 0 : i32
      %dma_wait3A_596 = tpu.memref_slice %arg14[%dma_wait3A_591, %dma_wait3A_595] : memref<5x128xi32, #tpu.memory_space<vmem>> -> memref<1x128xi32, #tpu.memory_space<vmem>>
      %dma_wait3A_597 = tpu.memref_squeeze %dma_wait3A_596 : memref<1x128xi32, #tpu.memory_space<vmem>> -> memref<128xi32, #tpu.memory_space<vmem>>
      %dma_wait3A_598 = arith.constant 0 : i32
      %dma_wait3A_599 = arith.constant 0 : i32
      %dma_wait3A_600 = tpu.memref_slice %arg27[%dma_wait3A_598, %dma_wait3A_599] : memref<100096x16xf32, #tpu.memory_space<vmem_shared>> -> memref<100096x16xf32, #tpu.memory_space<vmem_shared>>
      tpu.wait_indirect_dma semaphore(%arg30 : memref<!tpu.dma_semaphore, #tpu.memory_space<semaphore_mem>>) src(%dma_wait3A_594 : memref<128x16xf32, #tpu.memory_space<vmem>>) dst(%dma_wait3A_600 : memref<100096x16xf32, #tpu.memory_space<vmem_shared>>)
      %dma_wait3A_601 = arith.constant 4 : i32
      %dma_wait3A_602 = arith.constant 512 : i32
      %dma_wait3A_603 = arith.constant 0 : i32
      %dma_wait3A_604 = tpu.memref_slice %arg18[%dma_wait3A_602, %dma_wait3A_603] : memref<640x16xf32, #tpu.memory_space<vmem>> -> memref<128x16xf32, #tpu.memory_space<vmem>>
      %dma_wait3A_605 = arith.constant 0 : i32
      %dma_wait3A_606 = tpu.memref_slice %arg14[%dma_wait3A_601, %dma_wait3A_605] : memref<5x128xi32, #tpu.memory_space<vmem>> -> memref<1x128xi32, #tpu.memory_space<vmem>>
      %dma_wait3A_607 = tpu.memref_squeeze %dma_wait3A_606 : memref<1x128xi32, #tpu.memory_space<vmem>> -> memref<128xi32, #tpu.memory_space<vmem>>
      %dma_wait3A_608 = arith.constant 0 : i32
      %dma_wait3A_609 = arith.constant 0 : i32
      %dma_wait3A_610 = tpu.memref_slice %arg27[%dma_wait3A_608, %dma_wait3A_609] : memref<100096x16xf32, #tpu.memory_space<vmem_shared>> -> memref<100096x16xf32, #tpu.memory_space<vmem_shared>>
      tpu.wait_indirect_dma semaphore(%arg30 : memref<!tpu.dma_semaphore, #tpu.memory_space<semaphore_mem>>) src(%dma_wait3A_604 : memref<128x16xf32, #tpu.memory_space<vmem>>) dst(%dma_wait3A_610 : memref<100096x16xf32, #tpu.memory_space<vmem_shared>>)
      %add3A_611 = arith.constant 2 : i32
      %add3A_612 = arith.addi %add3A_226, %add3A_611 : i32
      %lt3A_613 = arith.cmpi slt, %add3A_612, %add3A_28 : i32
      %convert_element_type3A_614 = arith.extui %lt3A_613 : i1 to i32
      %cond3A_615 = arith.constant 0 : i32
      %cond3A_616 = arith.cmpi ne, %convert_element_type3A_614, %cond3A_615 : i32
      scf.if %cond3A_616 {
        %add3A_814 = arith.constant 2 : i32
        %add3A_815 = arith.addi %add3A_226, %add3A_814 : i32
        %mul3A_816 = arith.constant 5 : i32
        %mul3A_817 = arith.muli %add3A_815, %mul3A_816 : i32
        %mul3A_818 = arith.constant 640 : i32
        %mul3A_819 = arith.muli %add3A_815, %mul3A_818 : i32
        "tpu.region"() ({
          %run_scoped3A = tpu.sem_alloc : memref<!tpu.dma_semaphore, #tpu.memory_space<semaphore_mem>>
          %dma_start3A_950 = arith.constant 0 : i32
          %dma_start3A_951 = tpu.memref_slice %arg5[%mul3A_817, %dma_start3A_950] : memref<25000x128xi32, #tpu.memory_space<hbm>> -> memref<5x128xi32, #tpu.memory_space<hbm>>
          %dma_start3A_952 = arith.constant 0 : i32
          %dma_start3A_953 = tpu.memref_slice %arg5[%mul3A_817, %dma_start3A_952] : memref<25000x128xi32, #tpu.memory_space<hbm>> -> memref<5x128xi32, #tpu.memory_space<hbm>>
          tpu.enqueue_dma source(%dma_start3A_953 : memref<5x128xi32, #tpu.memory_space<hbm>>) target(%arg12 : memref<5x128xi32, #tpu.memory_space<vmem>>) target_semaphore(%run_scoped3A : memref<!tpu.dma_semaphore, #tpu.memory_space<semaphore_mem>>)
          %dma_wait3A_954 = arith.constant 0 : i32
          %dma_wait3A_955 = tpu.memref_slice %arg5[%mul3A_817, %dma_wait3A_954] : memref<25000x128xi32, #tpu.memory_space<hbm>> -> memref<5x128xi32, #tpu.memory_space<hbm>>
          %dma_wait3A_956 = arith.constant 0 : i32
          %dma_wait3A_957 = tpu.memref_slice %arg5[%mul3A_817, %dma_wait3A_956] : memref<25000x128xi32, #tpu.memory_space<hbm>> -> memref<5x128xi32, #tpu.memory_space<hbm>>
          tpu.wait_dma2 semaphore(%run_scoped3A : memref<!tpu.dma_semaphore, #tpu.memory_space<semaphore_mem>>) src(%dma_wait3A_957 : memref<5x128xi32, #tpu.memory_space<hbm>>) dst(%arg12 : memref<5x128xi32, #tpu.memory_space<vmem>>)
          tpu.yield
        }) : () -> ()
        "tpu.region"() ({
          %run_scoped3A = tpu.sem_alloc : memref<!tpu.dma_semaphore, #tpu.memory_space<semaphore_mem>>
          %dma_start3A_950 = arith.constant 0 : i32
          %dma_start3A_951 = tpu.memref_slice %arg6[%mul3A_817, %dma_start3A_950] : memref<25000x128xi32, #tpu.memory_space<hbm>> -> memref<5x128xi32, #tpu.memory_space<hbm>>
          %dma_start3A_952 = arith.constant 0 : i32
          %dma_start3A_953 = tpu.memref_slice %arg6[%mul3A_817, %dma_start3A_952] : memref<25000x128xi32, #tpu.memory_space<hbm>> -> memref<5x128xi32, #tpu.memory_space<hbm>>
          tpu.enqueue_dma source(%dma_start3A_953 : memref<5x128xi32, #tpu.memory_space<hbm>>) target(%arg14 : memref<5x128xi32, #tpu.memory_space<vmem>>) target_semaphore(%run_scoped3A : memref<!tpu.dma_semaphore, #tpu.memory_space<semaphore_mem>>)
          %dma_wait3A_954 = arith.constant 0 : i32
          %dma_wait3A_955 = tpu.memref_slice %arg6[%mul3A_817, %dma_wait3A_954] : memref<25000x128xi32, #tpu.memory_space<hbm>> -> memref<5x128xi32, #tpu.memory_space<hbm>>
          %dma_wait3A_956 = arith.constant 0 : i32
          %dma_wait3A_957 = tpu.memref_slice %arg6[%mul3A_817, %dma_wait3A_956] : memref<25000x128xi32, #tpu.memory_space<hbm>> -> memref<5x128xi32, #tpu.memory_space<hbm>>
          tpu.wait_dma2 semaphore(%run_scoped3A : memref<!tpu.dma_semaphore, #tpu.memory_space<semaphore_mem>>) src(%dma_wait3A_957 : memref<5x128xi32, #tpu.memory_space<hbm>>) dst(%arg14 : memref<5x128xi32, #tpu.memory_space<vmem>>)
          tpu.yield
        }) : () -> ()
        "tpu.region"() ({
          %run_scoped3A = tpu.sem_alloc : memref<!tpu.dma_semaphore, #tpu.memory_space<semaphore_mem>>
          %dma_start3A_950 = tpu.memref_slice %arg7[%mul3A_819] : memref<3200000xf32, #tpu.memory_space<hbm>> -> memref<640xf32, #tpu.memory_space<hbm>>
          %dma_start3A_951 = tpu.memref_slice %arg7[%mul3A_819] : memref<3200000xf32, #tpu.memory_space<hbm>> -> memref<640xf32, #tpu.memory_space<hbm>>
          tpu.enqueue_dma source(%dma_start3A_951 : memref<640xf32, #tpu.memory_space<hbm>>) target(%arg16 : memref<640xf32, #tpu.memory_space<vmem>>) target_semaphore(%run_scoped3A : memref<!tpu.dma_semaphore, #tpu.memory_space<semaphore_mem>>)
          %dma_wait3A_952 = tpu.memref_slice %arg7[%mul3A_819] : memref<3200000xf32, #tpu.memory_space<hbm>> -> memref<640xf32, #tpu.memory_space<hbm>>
          %dma_wait3A_953 = tpu.memref_slice %arg7[%mul3A_819] : memref<3200000xf32, #tpu.memory_space<hbm>> -> memref<640xf32, #tpu.memory_space<hbm>>
          tpu.wait_dma2 semaphore(%run_scoped3A : memref<!tpu.dma_semaphore, #tpu.memory_space<semaphore_mem>>) src(%dma_wait3A_953 : memref<640xf32, #tpu.memory_space<hbm>>) dst(%arg16 : memref<640xf32, #tpu.memory_space<vmem>>)
          tpu.yield
        }) : () -> ()
        %dma_start3A_820 = arith.constant 0 : i32
        %dma_start3A_821 = arith.constant 0 : i32
        %dma_start3A_822 = arith.constant 0 : i32
        %dma_start3A_823 = tpu.memref_slice %arg18[%dma_start3A_821, %dma_start3A_822] : memref<640x16xf32, #tpu.memory_space<vmem>> -> memref<128x16xf32, #tpu.memory_space<vmem>>
        %dma_start3A_824 = arith.constant 0 : i32
        %dma_start3A_825 = tpu.memref_slice %arg12[%dma_start3A_820, %dma_start3A_824] : memref<5x128xi32, #tpu.memory_space<vmem>> -> memref<1x128xi32, #tpu.memory_space<vmem>>
        %dma_start3A_826 = tpu.memref_squeeze %dma_start3A_825 : memref<1x128xi32, #tpu.memory_space<vmem>> -> memref<128xi32, #tpu.memory_space<vmem>>
        %dma_start3A_827 = arith.constant 0 : i32
        %dma_start3A_828 = arith.constant 0 : i32
        %dma_start3A_829 = tpu.memref_slice %arg2[%dma_start3A_827, %dma_start3A_828] : memref<100000x16xf32, #tpu.memory_space<hbm>> -> memref<100000x16xf32, #tpu.memory_space<hbm>>
        tpu.enqueue_indirect_dma source(%dma_start3A_829 : memref<100000x16xf32, #tpu.memory_space<hbm>>) target(%dma_start3A_823 : memref<128x16xf32, #tpu.memory_space<vmem>>) offsets(%dma_start3A_826 : memref<128xi32, #tpu.memory_space<vmem>>) semaphore(%arg28 : memref<!tpu.dma_semaphore, #tpu.memory_space<semaphore_mem>>)
        %dma_start3A_830 = arith.constant 0 : i32
        %dma_start3A_831 = arith.constant 0 : i32
        %dma_start3A_832 = tpu.memref_slice %arg20[%dma_start3A_831] : memref<640xf32, #tpu.memory_space<vmem>> -> memref<128xf32, #tpu.memory_space<vmem>>
        %dma_start3A_833 = arith.constant 0 : i32
        %dma_start3A_834 = tpu.memref_slice %arg12[%dma_start3A_830, %dma_start3A_833] : memref<5x128xi32, #tpu.memory_space<vmem>> -> memref<1x128xi32, #tpu.memory_space<vmem>>
        %dma_start3A_835 = tpu.memref_squeeze %dma_start3A_834 : memref<1x128xi32, #tpu.memory_space<vmem>> -> memref<128xi32, #tpu.memory_space<vmem>>
        %dma_start3A_836 = arith.constant 0 : i32
        %dma_start3A_837 = tpu.memref_slice %arg3[%dma_start3A_836] : memref<100000xf32, #tpu.memory_space<hbm>> -> memref<100000xf32, #tpu.memory_space<hbm>>
        tpu.enqueue_indirect_dma source(%dma_start3A_837 : memref<100000xf32, #tpu.memory_space<hbm>>) target(%dma_start3A_832 : memref<128xf32, #tpu.memory_space<vmem>>) offsets(%dma_start3A_835 : memref<128xi32, #tpu.memory_space<vmem>>) semaphore(%arg28 : memref<!tpu.dma_semaphore, #tpu.memory_space<semaphore_mem>>)
        %dma_start3A_838 = arith.constant 0 : i32
        %dma_start3A_839 = arith.constant 0 : i32
        %dma_start3A_840 = tpu.memref_slice %arg22[%dma_start3A_839] : memref<640xf32, #tpu.memory_space<vmem>> -> memref<128xf32, #tpu.memory_space<vmem>>
        %dma_start3A_841 = arith.constant 0 : i32
        %dma_start3A_842 = tpu.memref_slice %arg14[%dma_start3A_838, %dma_start3A_841] : memref<5x128xi32, #tpu.memory_space<vmem>> -> memref<1x128xi32, #tpu.memory_space<vmem>>
        %dma_start3A_843 = tpu.memref_squeeze %dma_start3A_842 : memref<1x128xi32, #tpu.memory_space<vmem>> -> memref<128xi32, #tpu.memory_space<vmem>>
        %dma_start3A_844 = arith.constant 0 : i32
        %dma_start3A_845 = tpu.memref_slice %arg4[%dma_start3A_844] : memref<100000xf32, #tpu.memory_space<hbm>> -> memref<100000xf32, #tpu.memory_space<hbm>>
        tpu.enqueue_indirect_dma source(%dma_start3A_845 : memref<100000xf32, #tpu.memory_space<hbm>>) target(%dma_start3A_840 : memref<128xf32, #tpu.memory_space<vmem>>) offsets(%dma_start3A_843 : memref<128xi32, #tpu.memory_space<vmem>>) semaphore(%arg28 : memref<!tpu.dma_semaphore, #tpu.memory_space<semaphore_mem>>)
        %dma_start3A_846 = arith.constant 1 : i32
        %dma_start3A_847 = arith.constant 128 : i32
        %dma_start3A_848 = arith.constant 0 : i32
        %dma_start3A_849 = tpu.memref_slice %arg18[%dma_start3A_847, %dma_start3A_848] : memref<640x16xf32, #tpu.memory_space<vmem>> -> memref<128x16xf32, #tpu.memory_space<vmem>>
        %dma_start3A_850 = arith.constant 0 : i32
        %dma_start3A_851 = tpu.memref_slice %arg12[%dma_start3A_846, %dma_start3A_850] : memref<5x128xi32, #tpu.memory_space<vmem>> -> memref<1x128xi32, #tpu.memory_space<vmem>>
        %dma_start3A_852 = tpu.memref_squeeze %dma_start3A_851 : memref<1x128xi32, #tpu.memory_space<vmem>> -> memref<128xi32, #tpu.memory_space<vmem>>
        %dma_start3A_853 = arith.constant 0 : i32
        %dma_start3A_854 = arith.constant 0 : i32
        %dma_start3A_855 = tpu.memref_slice %arg2[%dma_start3A_853, %dma_start3A_854] : memref<100000x16xf32, #tpu.memory_space<hbm>> -> memref<100000x16xf32, #tpu.memory_space<hbm>>
        tpu.enqueue_indirect_dma source(%dma_start3A_855 : memref<100000x16xf32, #tpu.memory_space<hbm>>) target(%dma_start3A_849 : memref<128x16xf32, #tpu.memory_space<vmem>>) offsets(%dma_start3A_852 : memref<128xi32, #tpu.memory_space<vmem>>) semaphore(%arg28 : memref<!tpu.dma_semaphore, #tpu.memory_space<semaphore_mem>>)
        %dma_start3A_856 = arith.constant 1 : i32
        %dma_start3A_857 = arith.constant 128 : i32
        %dma_start3A_858 = tpu.memref_slice %arg20[%dma_start3A_857] : memref<640xf32, #tpu.memory_space<vmem>> -> memref<128xf32, #tpu.memory_space<vmem>>
        %dma_start3A_859 = arith.constant 0 : i32
        %dma_start3A_860 = tpu.memref_slice %arg12[%dma_start3A_856, %dma_start3A_859] : memref<5x128xi32, #tpu.memory_space<vmem>> -> memref<1x128xi32, #tpu.memory_space<vmem>>
        %dma_start3A_861 = tpu.memref_squeeze %dma_start3A_860 : memref<1x128xi32, #tpu.memory_space<vmem>> -> memref<128xi32, #tpu.memory_space<vmem>>
        %dma_start3A_862 = arith.constant 0 : i32
        %dma_start3A_863 = tpu.memref_slice %arg3[%dma_start3A_862] : memref<100000xf32, #tpu.memory_space<hbm>> -> memref<100000xf32, #tpu.memory_space<hbm>>
        tpu.enqueue_indirect_dma source(%dma_start3A_863 : memref<100000xf32, #tpu.memory_space<hbm>>) target(%dma_start3A_858 : memref<128xf32, #tpu.memory_space<vmem>>) offsets(%dma_start3A_861 : memref<128xi32, #tpu.memory_space<vmem>>) semaphore(%arg28 : memref<!tpu.dma_semaphore, #tpu.memory_space<semaphore_mem>>)
        %dma_start3A_864 = arith.constant 1 : i32
        %dma_start3A_865 = arith.constant 128 : i32
        %dma_start3A_866 = tpu.memref_slice %arg22[%dma_start3A_865] : memref<640xf32, #tpu.memory_space<vmem>> -> memref<128xf32, #tpu.memory_space<vmem>>
        %dma_start3A_867 = arith.constant 0 : i32
        %dma_start3A_868 = tpu.memref_slice %arg14[%dma_start3A_864, %dma_start3A_867] : memref<5x128xi32, #tpu.memory_space<vmem>> -> memref<1x128xi32, #tpu.memory_space<vmem>>
        %dma_start3A_869 = tpu.memref_squeeze %dma_start3A_868 : memref<1x128xi32, #tpu.memory_space<vmem>> -> memref<128xi32, #tpu.memory_space<vmem>>
        %dma_start3A_870 = arith.constant 0 : i32
        %dma_start3A_871 = tpu.memref_slice %arg4[%dma_start3A_870] : memref<100000xf32, #tpu.memory_space<hbm>> -> memref<100000xf32, #tpu.memory_space<hbm>>
        tpu.enqueue_indirect_dma source(%dma_start3A_871 : memref<100000xf32, #tpu.memory_space<hbm>>) target(%dma_start3A_866 : memref<128xf32, #tpu.memory_space<vmem>>) offsets(%dma_start3A_869 : memref<128xi32, #tpu.memory_space<vmem>>) semaphore(%arg28 : memref<!tpu.dma_semaphore, #tpu.memory_space<semaphore_mem>>)
        %dma_start3A_872 = arith.constant 2 : i32
        %dma_start3A_873 = arith.constant 256 : i32
        %dma_start3A_874 = arith.constant 0 : i32
        %dma_start3A_875 = tpu.memref_slice %arg18[%dma_start3A_873, %dma_start3A_874] : memref<640x16xf32, #tpu.memory_space<vmem>> -> memref<128x16xf32, #tpu.memory_space<vmem>>
        %dma_start3A_876 = arith.constant 0 : i32
        %dma_start3A_877 = tpu.memref_slice %arg12[%dma_start3A_872, %dma_start3A_876] : memref<5x128xi32, #tpu.memory_space<vmem>> -> memref<1x128xi32, #tpu.memory_space<vmem>>
        %dma_start3A_878 = tpu.memref_squeeze %dma_start3A_877 : memref<1x128xi32, #tpu.memory_space<vmem>> -> memref<128xi32, #tpu.memory_space<vmem>>
        %dma_start3A_879 = arith.constant 0 : i32
        %dma_start3A_880 = arith.constant 0 : i32
        %dma_start3A_881 = tpu.memref_slice %arg2[%dma_start3A_879, %dma_start3A_880] : memref<100000x16xf32, #tpu.memory_space<hbm>> -> memref<100000x16xf32, #tpu.memory_space<hbm>>
        tpu.enqueue_indirect_dma source(%dma_start3A_881 : memref<100000x16xf32, #tpu.memory_space<hbm>>) target(%dma_start3A_875 : memref<128x16xf32, #tpu.memory_space<vmem>>) offsets(%dma_start3A_878 : memref<128xi32, #tpu.memory_space<vmem>>) semaphore(%arg28 : memref<!tpu.dma_semaphore, #tpu.memory_space<semaphore_mem>>)
        %dma_start3A_882 = arith.constant 2 : i32
        %dma_start3A_883 = arith.constant 256 : i32
        %dma_start3A_884 = tpu.memref_slice %arg20[%dma_start3A_883] : memref<640xf32, #tpu.memory_space<vmem>> -> memref<128xf32, #tpu.memory_space<vmem>>
        %dma_start3A_885 = arith.constant 0 : i32
        %dma_start3A_886 = tpu.memref_slice %arg12[%dma_start3A_882, %dma_start3A_885] : memref<5x128xi32, #tpu.memory_space<vmem>> -> memref<1x128xi32, #tpu.memory_space<vmem>>
        %dma_start3A_887 = tpu.memref_squeeze %dma_start3A_886 : memref<1x128xi32, #tpu.memory_space<vmem>> -> memref<128xi32, #tpu.memory_space<vmem>>
        %dma_start3A_888 = arith.constant 0 : i32
        %dma_start3A_889 = tpu.memref_slice %arg3[%dma_start3A_888] : memref<100000xf32, #tpu.memory_space<hbm>> -> memref<100000xf32, #tpu.memory_space<hbm>>
        tpu.enqueue_indirect_dma source(%dma_start3A_889 : memref<100000xf32, #tpu.memory_space<hbm>>) target(%dma_start3A_884 : memref<128xf32, #tpu.memory_space<vmem>>) offsets(%dma_start3A_887 : memref<128xi32, #tpu.memory_space<vmem>>) semaphore(%arg28 : memref<!tpu.dma_semaphore, #tpu.memory_space<semaphore_mem>>)
        %dma_start3A_890 = arith.constant 2 : i32
        %dma_start3A_891 = arith.constant 256 : i32
        %dma_start3A_892 = tpu.memref_slice %arg22[%dma_start3A_891] : memref<640xf32, #tpu.memory_space<vmem>> -> memref<128xf32, #tpu.memory_space<vmem>>
        %dma_start3A_893 = arith.constant 0 : i32
        %dma_start3A_894 = tpu.memref_slice %arg14[%dma_start3A_890, %dma_start3A_893] : memref<5x128xi32, #tpu.memory_space<vmem>> -> memref<1x128xi32, #tpu.memory_space<vmem>>
        %dma_start3A_895 = tpu.memref_squeeze %dma_start3A_894 : memref<1x128xi32, #tpu.memory_space<vmem>> -> memref<128xi32, #tpu.memory_space<vmem>>
        %dma_start3A_896 = arith.constant 0 : i32
        %dma_start3A_897 = tpu.memref_slice %arg4[%dma_start3A_896] : memref<100000xf32, #tpu.memory_space<hbm>> -> memref<100000xf32, #tpu.memory_space<hbm>>
        tpu.enqueue_indirect_dma source(%dma_start3A_897 : memref<100000xf32, #tpu.memory_space<hbm>>) target(%dma_start3A_892 : memref<128xf32, #tpu.memory_space<vmem>>) offsets(%dma_start3A_895 : memref<128xi32, #tpu.memory_space<vmem>>) semaphore(%arg28 : memref<!tpu.dma_semaphore, #tpu.memory_space<semaphore_mem>>)
        %dma_start3A_898 = arith.constant 3 : i32
        %dma_start3A_899 = arith.constant 384 : i32
        %dma_start3A_900 = arith.constant 0 : i32
        %dma_start3A_901 = tpu.memref_slice %arg18[%dma_start3A_899, %dma_start3A_900] : memref<640x16xf32, #tpu.memory_space<vmem>> -> memref<128x16xf32, #tpu.memory_space<vmem>>
        %dma_start3A_902 = arith.constant 0 : i32
        %dma_start3A_903 = tpu.memref_slice %arg12[%dma_start3A_898, %dma_start3A_902] : memref<5x128xi32, #tpu.memory_space<vmem>> -> memref<1x128xi32, #tpu.memory_space<vmem>>
        %dma_start3A_904 = tpu.memref_squeeze %dma_start3A_903 : memref<1x128xi32, #tpu.memory_space<vmem>> -> memref<128xi32, #tpu.memory_space<vmem>>
        %dma_start3A_905 = arith.constant 0 : i32
        %dma_start3A_906 = arith.constant 0 : i32
        %dma_start3A_907 = tpu.memref_slice %arg2[%dma_start3A_905, %dma_start3A_906] : memref<100000x16xf32, #tpu.memory_space<hbm>> -> memref<100000x16xf32, #tpu.memory_space<hbm>>
        tpu.enqueue_indirect_dma source(%dma_start3A_907 : memref<100000x16xf32, #tpu.memory_space<hbm>>) target(%dma_start3A_901 : memref<128x16xf32, #tpu.memory_space<vmem>>) offsets(%dma_start3A_904 : memref<128xi32, #tpu.memory_space<vmem>>) semaphore(%arg28 : memref<!tpu.dma_semaphore, #tpu.memory_space<semaphore_mem>>)
        %dma_start3A_908 = arith.constant 3 : i32
        %dma_start3A_909 = arith.constant 384 : i32
        %dma_start3A_910 = tpu.memref_slice %arg20[%dma_start3A_909] : memref<640xf32, #tpu.memory_space<vmem>> -> memref<128xf32, #tpu.memory_space<vmem>>
        %dma_start3A_911 = arith.constant 0 : i32
        %dma_start3A_912 = tpu.memref_slice %arg12[%dma_start3A_908, %dma_start3A_911] : memref<5x128xi32, #tpu.memory_space<vmem>> -> memref<1x128xi32, #tpu.memory_space<vmem>>
        %dma_start3A_913 = tpu.memref_squeeze %dma_start3A_912 : memref<1x128xi32, #tpu.memory_space<vmem>> -> memref<128xi32, #tpu.memory_space<vmem>>
        %dma_start3A_914 = arith.constant 0 : i32
        %dma_start3A_915 = tpu.memref_slice %arg3[%dma_start3A_914] : memref<100000xf32, #tpu.memory_space<hbm>> -> memref<100000xf32, #tpu.memory_space<hbm>>
        tpu.enqueue_indirect_dma source(%dma_start3A_915 : memref<100000xf32, #tpu.memory_space<hbm>>) target(%dma_start3A_910 : memref<128xf32, #tpu.memory_space<vmem>>) offsets(%dma_start3A_913 : memref<128xi32, #tpu.memory_space<vmem>>) semaphore(%arg28 : memref<!tpu.dma_semaphore, #tpu.memory_space<semaphore_mem>>)
        %dma_start3A_916 = arith.constant 3 : i32
        %dma_start3A_917 = arith.constant 384 : i32
        %dma_start3A_918 = tpu.memref_slice %arg22[%dma_start3A_917] : memref<640xf32, #tpu.memory_space<vmem>> -> memref<128xf32, #tpu.memory_space<vmem>>
        %dma_start3A_919 = arith.constant 0 : i32
        %dma_start3A_920 = tpu.memref_slice %arg14[%dma_start3A_916, %dma_start3A_919] : memref<5x128xi32, #tpu.memory_space<vmem>> -> memref<1x128xi32, #tpu.memory_space<vmem>>
        %dma_start3A_921 = tpu.memref_squeeze %dma_start3A_920 : memref<1x128xi32, #tpu.memory_space<vmem>> -> memref<128xi32, #tpu.memory_space<vmem>>
        %dma_start3A_922 = arith.constant 0 : i32
        %dma_start3A_923 = tpu.memref_slice %arg4[%dma_start3A_922] : memref<100000xf32, #tpu.memory_space<hbm>> -> memref<100000xf32, #tpu.memory_space<hbm>>
        tpu.enqueue_indirect_dma source(%dma_start3A_923 : memref<100000xf32, #tpu.memory_space<hbm>>) target(%dma_start3A_918 : memref<128xf32, #tpu.memory_space<vmem>>) offsets(%dma_start3A_921 : memref<128xi32, #tpu.memory_space<vmem>>) semaphore(%arg28 : memref<!tpu.dma_semaphore, #tpu.memory_space<semaphore_mem>>)
        %dma_start3A_924 = arith.constant 4 : i32
        %dma_start3A_925 = arith.constant 512 : i32
        %dma_start3A_926 = arith.constant 0 : i32
        %dma_start3A_927 = tpu.memref_slice %arg18[%dma_start3A_925, %dma_start3A_926] : memref<640x16xf32, #tpu.memory_space<vmem>> -> memref<128x16xf32, #tpu.memory_space<vmem>>
        %dma_start3A_928 = arith.constant 0 : i32
        %dma_start3A_929 = tpu.memref_slice %arg12[%dma_start3A_924, %dma_start3A_928] : memref<5x128xi32, #tpu.memory_space<vmem>> -> memref<1x128xi32, #tpu.memory_space<vmem>>
        %dma_start3A_930 = tpu.memref_squeeze %dma_start3A_929 : memref<1x128xi32, #tpu.memory_space<vmem>> -> memref<128xi32, #tpu.memory_space<vmem>>
        %dma_start3A_931 = arith.constant 0 : i32
        %dma_start3A_932 = arith.constant 0 : i32
        %dma_start3A_933 = tpu.memref_slice %arg2[%dma_start3A_931, %dma_start3A_932] : memref<100000x16xf32, #tpu.memory_space<hbm>> -> memref<100000x16xf32, #tpu.memory_space<hbm>>
        tpu.enqueue_indirect_dma source(%dma_start3A_933 : memref<100000x16xf32, #tpu.memory_space<hbm>>) target(%dma_start3A_927 : memref<128x16xf32, #tpu.memory_space<vmem>>) offsets(%dma_start3A_930 : memref<128xi32, #tpu.memory_space<vmem>>) semaphore(%arg28 : memref<!tpu.dma_semaphore, #tpu.memory_space<semaphore_mem>>)
        %dma_start3A_934 = arith.constant 4 : i32
        %dma_start3A_935 = arith.constant 512 : i32
        %dma_start3A_936 = tpu.memref_slice %arg20[%dma_start3A_935] : memref<640xf32, #tpu.memory_space<vmem>> -> memref<128xf32, #tpu.memory_space<vmem>>
        %dma_start3A_937 = arith.constant 0 : i32
        %dma_start3A_938 = tpu.memref_slice %arg12[%dma_start3A_934, %dma_start3A_937] : memref<5x128xi32, #tpu.memory_space<vmem>> -> memref<1x128xi32, #tpu.memory_space<vmem>>
        %dma_start3A_939 = tpu.memref_squeeze %dma_start3A_938 : memref<1x128xi32, #tpu.memory_space<vmem>> -> memref<128xi32, #tpu.memory_space<vmem>>
        %dma_start3A_940 = arith.constant 0 : i32
        %dma_start3A_941 = tpu.memref_slice %arg3[%dma_start3A_940] : memref<100000xf32, #tpu.memory_space<hbm>> -> memref<100000xf32, #tpu.memory_space<hbm>>
        tpu.enqueue_indirect_dma source(%dma_start3A_941 : memref<100000xf32, #tpu.memory_space<hbm>>) target(%dma_start3A_936 : memref<128xf32, #tpu.memory_space<vmem>>) offsets(%dma_start3A_939 : memref<128xi32, #tpu.memory_space<vmem>>) semaphore(%arg28 : memref<!tpu.dma_semaphore, #tpu.memory_space<semaphore_mem>>)
        %dma_start3A_942 = arith.constant 4 : i32
        %dma_start3A_943 = arith.constant 512 : i32
        %dma_start3A_944 = tpu.memref_slice %arg22[%dma_start3A_943] : memref<640xf32, #tpu.memory_space<vmem>> -> memref<128xf32, #tpu.memory_space<vmem>>
        %dma_start3A_945 = arith.constant 0 : i32
        %dma_start3A_946 = tpu.memref_slice %arg14[%dma_start3A_942, %dma_start3A_945] : memref<5x128xi32, #tpu.memory_space<vmem>> -> memref<1x128xi32, #tpu.memory_space<vmem>>
        %dma_start3A_947 = tpu.memref_squeeze %dma_start3A_946 : memref<1x128xi32, #tpu.memory_space<vmem>> -> memref<128xi32, #tpu.memory_space<vmem>>
        %dma_start3A_948 = arith.constant 0 : i32
        %dma_start3A_949 = tpu.memref_slice %arg4[%dma_start3A_948] : memref<100000xf32, #tpu.memory_space<hbm>> -> memref<100000xf32, #tpu.memory_space<hbm>>
        tpu.enqueue_indirect_dma source(%dma_start3A_949 : memref<100000xf32, #tpu.memory_space<hbm>>) target(%dma_start3A_944 : memref<128xf32, #tpu.memory_space<vmem>>) offsets(%dma_start3A_947 : memref<128xi32, #tpu.memory_space<vmem>>) semaphore(%arg28 : memref<!tpu.dma_semaphore, #tpu.memory_space<semaphore_mem>>)
      } else {
      }
      %dma_wait3A_617 = arith.constant 0 : i32
      %dma_wait3A_618 = arith.constant 0 : i32
      %dma_wait3A_619 = arith.constant 0 : i32
      %dma_wait3A_620 = tpu.memref_slice %arg19[%dma_wait3A_618, %dma_wait3A_619] : memref<640x16xf32, #tpu.memory_space<vmem>> -> memref<128x16xf32, #tpu.memory_space<vmem>>
      %dma_wait3A_621 = arith.constant 0 : i32
      %dma_wait3A_622 = tpu.memref_slice %arg13[%dma_wait3A_617, %dma_wait3A_621] : memref<5x128xi32, #tpu.memory_space<vmem>> -> memref<1x128xi32, #tpu.memory_space<vmem>>
      %dma_wait3A_623 = tpu.memref_squeeze %dma_wait3A_622 : memref<1x128xi32, #tpu.memory_space<vmem>> -> memref<128xi32, #tpu.memory_space<vmem>>
      %dma_wait3A_624 = arith.constant 0 : i32
      %dma_wait3A_625 = arith.constant 0 : i32
      %dma_wait3A_626 = tpu.memref_slice %arg2[%dma_wait3A_624, %dma_wait3A_625] : memref<100000x16xf32, #tpu.memory_space<hbm>> -> memref<100000x16xf32, #tpu.memory_space<hbm>>
      tpu.wait_indirect_dma semaphore(%arg29 : memref<!tpu.dma_semaphore, #tpu.memory_space<semaphore_mem>>) src(%dma_wait3A_626 : memref<100000x16xf32, #tpu.memory_space<hbm>>) dst(%dma_wait3A_620 : memref<128x16xf32, #tpu.memory_space<vmem>>)
      %dma_wait3A_627 = arith.constant 0 : i32
      %dma_wait3A_628 = arith.constant 0 : i32
      %dma_wait3A_629 = tpu.memref_slice %arg21[%dma_wait3A_628] : memref<640xf32, #tpu.memory_space<vmem>> -> memref<128xf32, #tpu.memory_space<vmem>>
      %dma_wait3A_630 = arith.constant 0 : i32
      %dma_wait3A_631 = tpu.memref_slice %arg13[%dma_wait3A_627, %dma_wait3A_630] : memref<5x128xi32, #tpu.memory_space<vmem>> -> memref<1x128xi32, #tpu.memory_space<vmem>>
      %dma_wait3A_632 = tpu.memref_squeeze %dma_wait3A_631 : memref<1x128xi32, #tpu.memory_space<vmem>> -> memref<128xi32, #tpu.memory_space<vmem>>
      %dma_wait3A_633 = arith.constant 0 : i32
      %dma_wait3A_634 = tpu.memref_slice %arg3[%dma_wait3A_633] : memref<100000xf32, #tpu.memory_space<hbm>> -> memref<100000xf32, #tpu.memory_space<hbm>>
      tpu.wait_indirect_dma semaphore(%arg29 : memref<!tpu.dma_semaphore, #tpu.memory_space<semaphore_mem>>) src(%dma_wait3A_634 : memref<100000xf32, #tpu.memory_space<hbm>>) dst(%dma_wait3A_629 : memref<128xf32, #tpu.memory_space<vmem>>)
      %dma_wait3A_635 = arith.constant 0 : i32
      %dma_wait3A_636 = arith.constant 0 : i32
      %dma_wait3A_637 = tpu.memref_slice %arg23[%dma_wait3A_636] : memref<640xf32, #tpu.memory_space<vmem>> -> memref<128xf32, #tpu.memory_space<vmem>>
      %dma_wait3A_638 = arith.constant 0 : i32
      %dma_wait3A_639 = tpu.memref_slice %arg15[%dma_wait3A_635, %dma_wait3A_638] : memref<5x128xi32, #tpu.memory_space<vmem>> -> memref<1x128xi32, #tpu.memory_space<vmem>>
      %dma_wait3A_640 = tpu.memref_squeeze %dma_wait3A_639 : memref<1x128xi32, #tpu.memory_space<vmem>> -> memref<128xi32, #tpu.memory_space<vmem>>
      %dma_wait3A_641 = arith.constant 0 : i32
      %dma_wait3A_642 = tpu.memref_slice %arg4[%dma_wait3A_641] : memref<100000xf32, #tpu.memory_space<hbm>> -> memref<100000xf32, #tpu.memory_space<hbm>>
      tpu.wait_indirect_dma semaphore(%arg29 : memref<!tpu.dma_semaphore, #tpu.memory_space<semaphore_mem>>) src(%dma_wait3A_642 : memref<100000xf32, #tpu.memory_space<hbm>>) dst(%dma_wait3A_637 : memref<128xf32, #tpu.memory_space<vmem>>)
      %dma_wait3A_643 = arith.constant 1 : i32
      %dma_wait3A_644 = arith.constant 128 : i32
      %dma_wait3A_645 = arith.constant 0 : i32
      %dma_wait3A_646 = tpu.memref_slice %arg19[%dma_wait3A_644, %dma_wait3A_645] : memref<640x16xf32, #tpu.memory_space<vmem>> -> memref<128x16xf32, #tpu.memory_space<vmem>>
      %dma_wait3A_647 = arith.constant 0 : i32
      %dma_wait3A_648 = tpu.memref_slice %arg13[%dma_wait3A_643, %dma_wait3A_647] : memref<5x128xi32, #tpu.memory_space<vmem>> -> memref<1x128xi32, #tpu.memory_space<vmem>>
      %dma_wait3A_649 = tpu.memref_squeeze %dma_wait3A_648 : memref<1x128xi32, #tpu.memory_space<vmem>> -> memref<128xi32, #tpu.memory_space<vmem>>
      %dma_wait3A_650 = arith.constant 0 : i32
      %dma_wait3A_651 = arith.constant 0 : i32
      %dma_wait3A_652 = tpu.memref_slice %arg2[%dma_wait3A_650, %dma_wait3A_651] : memref<100000x16xf32, #tpu.memory_space<hbm>> -> memref<100000x16xf32, #tpu.memory_space<hbm>>
      tpu.wait_indirect_dma semaphore(%arg29 : memref<!tpu.dma_semaphore, #tpu.memory_space<semaphore_mem>>) src(%dma_wait3A_652 : memref<100000x16xf32, #tpu.memory_space<hbm>>) dst(%dma_wait3A_646 : memref<128x16xf32, #tpu.memory_space<vmem>>)
      %dma_wait3A_653 = arith.constant 1 : i32
      %dma_wait3A_654 = arith.constant 128 : i32
      %dma_wait3A_655 = tpu.memref_slice %arg21[%dma_wait3A_654] : memref<640xf32, #tpu.memory_space<vmem>> -> memref<128xf32, #tpu.memory_space<vmem>>
      %dma_wait3A_656 = arith.constant 0 : i32
      %dma_wait3A_657 = tpu.memref_slice %arg13[%dma_wait3A_653, %dma_wait3A_656] : memref<5x128xi32, #tpu.memory_space<vmem>> -> memref<1x128xi32, #tpu.memory_space<vmem>>
      %dma_wait3A_658 = tpu.memref_squeeze %dma_wait3A_657 : memref<1x128xi32, #tpu.memory_space<vmem>> -> memref<128xi32, #tpu.memory_space<vmem>>
      %dma_wait3A_659 = arith.constant 0 : i32
      %dma_wait3A_660 = tpu.memref_slice %arg3[%dma_wait3A_659] : memref<100000xf32, #tpu.memory_space<hbm>> -> memref<100000xf32, #tpu.memory_space<hbm>>
      tpu.wait_indirect_dma semaphore(%arg29 : memref<!tpu.dma_semaphore, #tpu.memory_space<semaphore_mem>>) src(%dma_wait3A_660 : memref<100000xf32, #tpu.memory_space<hbm>>) dst(%dma_wait3A_655 : memref<128xf32, #tpu.memory_space<vmem>>)
      %dma_wait3A_661 = arith.constant 1 : i32
      %dma_wait3A_662 = arith.constant 128 : i32
      %dma_wait3A_663 = tpu.memref_slice %arg23[%dma_wait3A_662] : memref<640xf32, #tpu.memory_space<vmem>> -> memref<128xf32, #tpu.memory_space<vmem>>
      %dma_wait3A_664 = arith.constant 0 : i32
      %dma_wait3A_665 = tpu.memref_slice %arg15[%dma_wait3A_661, %dma_wait3A_664] : memref<5x128xi32, #tpu.memory_space<vmem>> -> memref<1x128xi32, #tpu.memory_space<vmem>>
      %dma_wait3A_666 = tpu.memref_squeeze %dma_wait3A_665 : memref<1x128xi32, #tpu.memory_space<vmem>> -> memref<128xi32, #tpu.memory_space<vmem>>
      %dma_wait3A_667 = arith.constant 0 : i32
      %dma_wait3A_668 = tpu.memref_slice %arg4[%dma_wait3A_667] : memref<100000xf32, #tpu.memory_space<hbm>> -> memref<100000xf32, #tpu.memory_space<hbm>>
      tpu.wait_indirect_dma semaphore(%arg29 : memref<!tpu.dma_semaphore, #tpu.memory_space<semaphore_mem>>) src(%dma_wait3A_668 : memref<100000xf32, #tpu.memory_space<hbm>>) dst(%dma_wait3A_663 : memref<128xf32, #tpu.memory_space<vmem>>)
      %dma_wait3A_669 = arith.constant 2 : i32
      %dma_wait3A_670 = arith.constant 256 : i32
      %dma_wait3A_671 = arith.constant 0 : i32
      %dma_wait3A_672 = tpu.memref_slice %arg19[%dma_wait3A_670, %dma_wait3A_671] : memref<640x16xf32, #tpu.memory_space<vmem>> -> memref<128x16xf32, #tpu.memory_space<vmem>>
      %dma_wait3A_673 = arith.constant 0 : i32
      %dma_wait3A_674 = tpu.memref_slice %arg13[%dma_wait3A_669, %dma_wait3A_673] : memref<5x128xi32, #tpu.memory_space<vmem>> -> memref<1x128xi32, #tpu.memory_space<vmem>>
      %dma_wait3A_675 = tpu.memref_squeeze %dma_wait3A_674 : memref<1x128xi32, #tpu.memory_space<vmem>> -> memref<128xi32, #tpu.memory_space<vmem>>
      %dma_wait3A_676 = arith.constant 0 : i32
      %dma_wait3A_677 = arith.constant 0 : i32
      %dma_wait3A_678 = tpu.memref_slice %arg2[%dma_wait3A_676, %dma_wait3A_677] : memref<100000x16xf32, #tpu.memory_space<hbm>> -> memref<100000x16xf32, #tpu.memory_space<hbm>>
      tpu.wait_indirect_dma semaphore(%arg29 : memref<!tpu.dma_semaphore, #tpu.memory_space<semaphore_mem>>) src(%dma_wait3A_678 : memref<100000x16xf32, #tpu.memory_space<hbm>>) dst(%dma_wait3A_672 : memref<128x16xf32, #tpu.memory_space<vmem>>)
      %dma_wait3A_679 = arith.constant 2 : i32
      %dma_wait3A_680 = arith.constant 256 : i32
      %dma_wait3A_681 = tpu.memref_slice %arg21[%dma_wait3A_680] : memref<640xf32, #tpu.memory_space<vmem>> -> memref<128xf32, #tpu.memory_space<vmem>>
      %dma_wait3A_682 = arith.constant 0 : i32
      %dma_wait3A_683 = tpu.memref_slice %arg13[%dma_wait3A_679, %dma_wait3A_682] : memref<5x128xi32, #tpu.memory_space<vmem>> -> memref<1x128xi32, #tpu.memory_space<vmem>>
      %dma_wait3A_684 = tpu.memref_squeeze %dma_wait3A_683 : memref<1x128xi32, #tpu.memory_space<vmem>> -> memref<128xi32, #tpu.memory_space<vmem>>
      %dma_wait3A_685 = arith.constant 0 : i32
      %dma_wait3A_686 = tpu.memref_slice %arg3[%dma_wait3A_685] : memref<100000xf32, #tpu.memory_space<hbm>> -> memref<100000xf32, #tpu.memory_space<hbm>>
      tpu.wait_indirect_dma semaphore(%arg29 : memref<!tpu.dma_semaphore, #tpu.memory_space<semaphore_mem>>) src(%dma_wait3A_686 : memref<100000xf32, #tpu.memory_space<hbm>>) dst(%dma_wait3A_681 : memref<128xf32, #tpu.memory_space<vmem>>)
      %dma_wait3A_687 = arith.constant 2 : i32
      %dma_wait3A_688 = arith.constant 256 : i32
      %dma_wait3A_689 = tpu.memref_slice %arg23[%dma_wait3A_688] : memref<640xf32, #tpu.memory_space<vmem>> -> memref<128xf32, #tpu.memory_space<vmem>>
      %dma_wait3A_690 = arith.constant 0 : i32
      %dma_wait3A_691 = tpu.memref_slice %arg15[%dma_wait3A_687, %dma_wait3A_690] : memref<5x128xi32, #tpu.memory_space<vmem>> -> memref<1x128xi32, #tpu.memory_space<vmem>>
      %dma_wait3A_692 = tpu.memref_squeeze %dma_wait3A_691 : memref<1x128xi32, #tpu.memory_space<vmem>> -> memref<128xi32, #tpu.memory_space<vmem>>
      %dma_wait3A_693 = arith.constant 0 : i32
      %dma_wait3A_694 = tpu.memref_slice %arg4[%dma_wait3A_693] : memref<100000xf32, #tpu.memory_space<hbm>> -> memref<100000xf32, #tpu.memory_space<hbm>>
      tpu.wait_indirect_dma semaphore(%arg29 : memref<!tpu.dma_semaphore, #tpu.memory_space<semaphore_mem>>) src(%dma_wait3A_694 : memref<100000xf32, #tpu.memory_space<hbm>>) dst(%dma_wait3A_689 : memref<128xf32, #tpu.memory_space<vmem>>)
      %dma_wait3A_695 = arith.constant 3 : i32
      %dma_wait3A_696 = arith.constant 384 : i32
      %dma_wait3A_697 = arith.constant 0 : i32
      %dma_wait3A_698 = tpu.memref_slice %arg19[%dma_wait3A_696, %dma_wait3A_697] : memref<640x16xf32, #tpu.memory_space<vmem>> -> memref<128x16xf32, #tpu.memory_space<vmem>>
      %dma_wait3A_699 = arith.constant 0 : i32
      %dma_wait3A_700 = tpu.memref_slice %arg13[%dma_wait3A_695, %dma_wait3A_699] : memref<5x128xi32, #tpu.memory_space<vmem>> -> memref<1x128xi32, #tpu.memory_space<vmem>>
      %dma_wait3A_701 = tpu.memref_squeeze %dma_wait3A_700 : memref<1x128xi32, #tpu.memory_space<vmem>> -> memref<128xi32, #tpu.memory_space<vmem>>
      %dma_wait3A_702 = arith.constant 0 : i32
      %dma_wait3A_703 = arith.constant 0 : i32
      %dma_wait3A_704 = tpu.memref_slice %arg2[%dma_wait3A_702, %dma_wait3A_703] : memref<100000x16xf32, #tpu.memory_space<hbm>> -> memref<100000x16xf32, #tpu.memory_space<hbm>>
      tpu.wait_indirect_dma semaphore(%arg29 : memref<!tpu.dma_semaphore, #tpu.memory_space<semaphore_mem>>) src(%dma_wait3A_704 : memref<100000x16xf32, #tpu.memory_space<hbm>>) dst(%dma_wait3A_698 : memref<128x16xf32, #tpu.memory_space<vmem>>)
      %dma_wait3A_705 = arith.constant 3 : i32
      %dma_wait3A_706 = arith.constant 384 : i32
      %dma_wait3A_707 = tpu.memref_slice %arg21[%dma_wait3A_706] : memref<640xf32, #tpu.memory_space<vmem>> -> memref<128xf32, #tpu.memory_space<vmem>>
      %dma_wait3A_708 = arith.constant 0 : i32
      %dma_wait3A_709 = tpu.memref_slice %arg13[%dma_wait3A_705, %dma_wait3A_708] : memref<5x128xi32, #tpu.memory_space<vmem>> -> memref<1x128xi32, #tpu.memory_space<vmem>>
      %dma_wait3A_710 = tpu.memref_squeeze %dma_wait3A_709 : memref<1x128xi32, #tpu.memory_space<vmem>> -> memref<128xi32, #tpu.memory_space<vmem>>
      %dma_wait3A_711 = arith.constant 0 : i32
      %dma_wait3A_712 = tpu.memref_slice %arg3[%dma_wait3A_711] : memref<100000xf32, #tpu.memory_space<hbm>> -> memref<100000xf32, #tpu.memory_space<hbm>>
      tpu.wait_indirect_dma semaphore(%arg29 : memref<!tpu.dma_semaphore, #tpu.memory_space<semaphore_mem>>) src(%dma_wait3A_712 : memref<100000xf32, #tpu.memory_space<hbm>>) dst(%dma_wait3A_707 : memref<128xf32, #tpu.memory_space<vmem>>)
      %dma_wait3A_713 = arith.constant 3 : i32
      %dma_wait3A_714 = arith.constant 384 : i32
      %dma_wait3A_715 = tpu.memref_slice %arg23[%dma_wait3A_714] : memref<640xf32, #tpu.memory_space<vmem>> -> memref<128xf32, #tpu.memory_space<vmem>>
      %dma_wait3A_716 = arith.constant 0 : i32
      %dma_wait3A_717 = tpu.memref_slice %arg15[%dma_wait3A_713, %dma_wait3A_716] : memref<5x128xi32, #tpu.memory_space<vmem>> -> memref<1x128xi32, #tpu.memory_space<vmem>>
      %dma_wait3A_718 = tpu.memref_squeeze %dma_wait3A_717 : memref<1x128xi32, #tpu.memory_space<vmem>> -> memref<128xi32, #tpu.memory_space<vmem>>
      %dma_wait3A_719 = arith.constant 0 : i32
      %dma_wait3A_720 = tpu.memref_slice %arg4[%dma_wait3A_719] : memref<100000xf32, #tpu.memory_space<hbm>> -> memref<100000xf32, #tpu.memory_space<hbm>>
      tpu.wait_indirect_dma semaphore(%arg29 : memref<!tpu.dma_semaphore, #tpu.memory_space<semaphore_mem>>) src(%dma_wait3A_720 : memref<100000xf32, #tpu.memory_space<hbm>>) dst(%dma_wait3A_715 : memref<128xf32, #tpu.memory_space<vmem>>)
      %dma_wait3A_721 = arith.constant 4 : i32
      %dma_wait3A_722 = arith.constant 512 : i32
      %dma_wait3A_723 = arith.constant 0 : i32
      %dma_wait3A_724 = tpu.memref_slice %arg19[%dma_wait3A_722, %dma_wait3A_723] : memref<640x16xf32, #tpu.memory_space<vmem>> -> memref<128x16xf32, #tpu.memory_space<vmem>>
      %dma_wait3A_725 = arith.constant 0 : i32
      %dma_wait3A_726 = tpu.memref_slice %arg13[%dma_wait3A_721, %dma_wait3A_725] : memref<5x128xi32, #tpu.memory_space<vmem>> -> memref<1x128xi32, #tpu.memory_space<vmem>>
      %dma_wait3A_727 = tpu.memref_squeeze %dma_wait3A_726 : memref<1x128xi32, #tpu.memory_space<vmem>> -> memref<128xi32, #tpu.memory_space<vmem>>
      %dma_wait3A_728 = arith.constant 0 : i32
      %dma_wait3A_729 = arith.constant 0 : i32
      %dma_wait3A_730 = tpu.memref_slice %arg2[%dma_wait3A_728, %dma_wait3A_729] : memref<100000x16xf32, #tpu.memory_space<hbm>> -> memref<100000x16xf32, #tpu.memory_space<hbm>>
      tpu.wait_indirect_dma semaphore(%arg29 : memref<!tpu.dma_semaphore, #tpu.memory_space<semaphore_mem>>) src(%dma_wait3A_730 : memref<100000x16xf32, #tpu.memory_space<hbm>>) dst(%dma_wait3A_724 : memref<128x16xf32, #tpu.memory_space<vmem>>)
      %dma_wait3A_731 = arith.constant 4 : i32
      %dma_wait3A_732 = arith.constant 512 : i32
      %dma_wait3A_733 = tpu.memref_slice %arg21[%dma_wait3A_732] : memref<640xf32, #tpu.memory_space<vmem>> -> memref<128xf32, #tpu.memory_space<vmem>>
      %dma_wait3A_734 = arith.constant 0 : i32
      %dma_wait3A_735 = tpu.memref_slice %arg13[%dma_wait3A_731, %dma_wait3A_734] : memref<5x128xi32, #tpu.memory_space<vmem>> -> memref<1x128xi32, #tpu.memory_space<vmem>>
      %dma_wait3A_736 = tpu.memref_squeeze %dma_wait3A_735 : memref<1x128xi32, #tpu.memory_space<vmem>> -> memref<128xi32, #tpu.memory_space<vmem>>
      %dma_wait3A_737 = arith.constant 0 : i32
      %dma_wait3A_738 = tpu.memref_slice %arg3[%dma_wait3A_737] : memref<100000xf32, #tpu.memory_space<hbm>> -> memref<100000xf32, #tpu.memory_space<hbm>>
      tpu.wait_indirect_dma semaphore(%arg29 : memref<!tpu.dma_semaphore, #tpu.memory_space<semaphore_mem>>) src(%dma_wait3A_738 : memref<100000xf32, #tpu.memory_space<hbm>>) dst(%dma_wait3A_733 : memref<128xf32, #tpu.memory_space<vmem>>)
      %dma_wait3A_739 = arith.constant 4 : i32
      %dma_wait3A_740 = arith.constant 512 : i32
      %dma_wait3A_741 = tpu.memref_slice %arg23[%dma_wait3A_740] : memref<640xf32, #tpu.memory_space<vmem>> -> memref<128xf32, #tpu.memory_space<vmem>>
      %dma_wait3A_742 = arith.constant 0 : i32
      %dma_wait3A_743 = tpu.memref_slice %arg15[%dma_wait3A_739, %dma_wait3A_742] : memref<5x128xi32, #tpu.memory_space<vmem>> -> memref<1x128xi32, #tpu.memory_space<vmem>>
      %dma_wait3A_744 = tpu.memref_squeeze %dma_wait3A_743 : memref<1x128xi32, #tpu.memory_space<vmem>> -> memref<128xi32, #tpu.memory_space<vmem>>
      %dma_wait3A_745 = arith.constant 0 : i32
      %dma_wait3A_746 = tpu.memref_slice %arg4[%dma_wait3A_745] : memref<100000xf32, #tpu.memory_space<hbm>> -> memref<100000xf32, #tpu.memory_space<hbm>>
      tpu.wait_indirect_dma semaphore(%arg29 : memref<!tpu.dma_semaphore, #tpu.memory_space<semaphore_mem>>) src(%dma_wait3A_746 : memref<100000xf32, #tpu.memory_space<hbm>>) dst(%dma_wait3A_741 : memref<128xf32, #tpu.memory_space<vmem>>)
      %broadcast_in_dim3A_747 = arith.constant 0.000000e+00 : f32
      %broadcast_in_dim3A_748 = vector.broadcast %broadcast_in_dim3A_747 : f32 to vector<16xf32>
      %parallel_loop3A_749 = arith.constant 0 : i32
      %parallel_loop3A_750 = arith.constant 40 : i32
      %parallel_loop3A_751 = arith.constant 1 : i32
      %parallel_loop3A_752 = scf.for %parallel_loop3A_814 = %parallel_loop3A_749 to %parallel_loop3A_750 step %parallel_loop3A_751 iter_args(%parallel_loop3A_815 = %broadcast_in_dim3A_748) -> (vector<16xf32>)  : i32 {
        %parallel_loop3A_816 = arith.constant 16 : i32
        %parallel_loop3A_817 = arith.muli %parallel_loop3A_814, %parallel_loop3A_816 : i32
        %parallel_loop3A_818 = arith.index_cast %parallel_loop3A_817 : i32 to index
        %parallel_loop3A_819 = tpu.vector_load %arg21[%parallel_loop3A_818] {strides = array<i32>} : memref<640xf32, #tpu.memory_space<vmem>>, vector<16xf32>,
        %parallel_loop3A_820 = vector.shape_cast %parallel_loop3A_819 : vector<16xf32> to vector<16xf32>
        %parallel_loop3A_821 = arith.index_cast %parallel_loop3A_817 : i32 to index
        %parallel_loop3A_822 = tpu.vector_load %arg23[%parallel_loop3A_821] {strides = array<i32>} : memref<640xf32, #tpu.memory_space<vmem>>, vector<16xf32>,
        %parallel_loop3A_823 = vector.shape_cast %parallel_loop3A_822 : vector<16xf32> to vector<16xf32>
        %parallel_loop3A_824 = arith.addf %parallel_loop3A_820, %parallel_loop3A_823 : vector<16xf32>
        %parallel_loop3A_825 = arith.index_cast %parallel_loop3A_817 : i32 to index
        %parallel_loop3A_826 = tpu.vector_load %arg17[%parallel_loop3A_825] {strides = array<i32>} : memref<640xf32, #tpu.memory_space<vmem>>, vector<16xf32>,
        %parallel_loop3A_827 = vector.shape_cast %parallel_loop3A_826 : vector<16xf32> to vector<16xf32>
        %parallel_loop3A_828 = arith.mulf %get3A_15, %parallel_loop3A_827 : vector<16xf32>
        %parallel_loop3A_829 = arith.addf %parallel_loop3A_824, %parallel_loop3A_828 : vector<16xf32>
        %parallel_loop3A_830 = arith.constant 0.000000e+00 : f32
        %parallel_loop3A_831 = vector.broadcast %parallel_loop3A_830 : f32 to vector<16xf32>
        %parallel_loop3A_832 = arith.cmpf ogt, %parallel_loop3A_829, %parallel_loop3A_831 : vector<16xf32>
        %parallel_loop3A_833 = arith.constant 2.000000e-01 : f32
        %parallel_loop3A_834 = vector.broadcast %parallel_loop3A_833 : f32 to vector<16xf32>
        %parallel_loop3A_835 = arith.mulf %parallel_loop3A_834, %parallel_loop3A_829 : vector<16xf32>
        %parallel_loop3A_836 = arith.select %parallel_loop3A_832, %parallel_loop3A_829, %parallel_loop3A_835 : vector<16xi1>, vector<16xf32>
        %parallel_loop3A_837 = arith.subf %parallel_loop3A_836, %get3A_10 : vector<16xf32>
        %parallel_loop3A_838 = math.exp %parallel_loop3A_837 : vector<16xf32>
        %parallel_loop3A_839 = arith.index_cast %parallel_loop3A_817 : i32 to index
        %parallel_loop3A_840 = tpu.vector_load %arg24[%parallel_loop3A_839] {strides = array<i32>} : memref<656xf32, #tpu.memory_space<vmem>>, vector<16xf32>,
        %parallel_loop3A_841 = vector.shape_cast %parallel_loop3A_840 : vector<16xf32> to vector<16xf32>
        %parallel_loop3A_842 = vector.shape_cast %parallel_loop3A_838 : vector<16xf32> to vector<16xf32>
        tpu.vector_store %arg24[%parallel_loop3A_839], %parallel_loop3A_842 {strides = array<i32>} : memref<656xf32, #tpu.memory_space<vmem>>, vector<16xf32>,
        %parallel_loop3A_843 = arith.index_cast %parallel_loop3A_817 : i32 to index
        %parallel_loop3A_844 = tpu.vector_load %arg17[%parallel_loop3A_843] {strides = array<i32>} : memref<640xf32, #tpu.memory_space<vmem>>, vector<16xf32>,
        %parallel_loop3A_845 = vector.shape_cast %parallel_loop3A_844 : vector<16xf32> to vector<16xf32>
        %parallel_loop3A_846 = arith.addf %parallel_loop3A_815, %parallel_loop3A_845 : vector<16xf32>
        scf.yield %parallel_loop3A_846 : vector<16xf32>
      } {sc.loop_unroll_factor = 4 : i64, sc.parallel_access}
      %get3A_753 = arith.constant 0 : index
      %get3A_754 = tpu.vector_load %arg26[%get3A_753] {strides = array<i32>} : memref<16xf32, #tpu.memory_space<vmem>>, vector<16xf32>,
      %get3A_755 = vector.shape_cast %get3A_754 : vector<16xf32> to vector<16xf32>
      %add3A_756 = arith.addf %get3A_755, %parallel_loop3A_752 : vector<16xf32>
      %swap3A_757 = arith.constant 0 : index
      %swap3A_758 = tpu.vector_load %arg26[%swap3A_757] {strides = array<i32>} : memref<16xf32, #tpu.memory_space<vmem>>, vector<16xf32>,
      %swap3A_759 = vector.shape_cast %swap3A_758 : vector<16xf32> to vector<16xf32>
      %swap3A_760 = vector.shape_cast %add3A_756 : vector<16xf32> to vector<16xf32>
      tpu.vector_store %arg26[%swap3A_757], %swap3A_760 {strides = array<i32>} : memref<16xf32, #tpu.memory_space<vmem>>, vector<16xf32>,
      %parallel_loop3A_761 = arith.constant 0 : i32
      %parallel_loop3A_762 = arith.constant 640 : i32
      %parallel_loop3A_763 = arith.constant 1 : i32
      scf.for %parallel_loop3A_814 = %parallel_loop3A_761 to %parallel_loop3A_762 step %parallel_loop3A_763  : i32 {
        %parallel_loop3A_815 = arith.index_cast %parallel_loop3A_814 : i32 to index
        %parallel_loop3A_816 = tpu.vector_load %arg24[%parallel_loop3A_815] {strides = array<i32>} : memref<656xf32, #tpu.memory_space<vmem>>, vector<16xf32>,
        %parallel_loop3A_817 = vector.shape_cast %parallel_loop3A_816 : vector<16xf32> to vector<16xf32>
        %parallel_loop3A_818 = vector.extract_strided_slice %parallel_loop3A_817 {offsets = [0], sizes = [1], strides = [1]} : vector<16xf32> to vector<1xf32>
        %parallel_loop3A_819 = vector.extract %parallel_loop3A_818[0] : f32 from vector<1xf32>
        %parallel_loop3A_820 = vector.broadcast %parallel_loop3A_819 : f32 to vector<16xf32>
        %parallel_loop3A_821 = arith.index_cast %parallel_loop3A_814 : i32 to index
        %parallel_loop3A_822 = arith.constant 0 : index
        %parallel_loop3A_823 = tpu.vector_load %arg19[%parallel_loop3A_821, %parallel_loop3A_822] {strides = array<i32>} : memref<640x16xf32, #tpu.memory_space<vmem>>, vector<1x16xf32>,
        %parallel_loop3A_824 = vector.shape_cast %parallel_loop3A_823 : vector<1x16xf32> to vector<16xf32>
        %parallel_loop3A_825 = arith.mulf %parallel_loop3A_824, %parallel_loop3A_820 : vector<16xf32>
        %parallel_loop3A_826 = arith.index_cast %parallel_loop3A_814 : i32 to index
        %parallel_loop3A_827 = arith.constant 0 : index
        %parallel_loop3A_828 = tpu.vector_load %arg19[%parallel_loop3A_826, %parallel_loop3A_827] {strides = array<i32>} : memref<640x16xf32, #tpu.memory_space<vmem>>, vector<1x16xf32>,
        %parallel_loop3A_829 = vector.shape_cast %parallel_loop3A_828 : vector<1x16xf32> to vector<16xf32>
        %parallel_loop3A_830 = vector.shape_cast %parallel_loop3A_825 : vector<16xf32> to vector<1x16xf32>
        tpu.vector_store %arg19[%parallel_loop3A_826, %parallel_loop3A_827], %parallel_loop3A_830 {strides = array<i32>} : memref<640x16xf32, #tpu.memory_space<vmem>>, vector<1x16xf32>,
      } {sc.loop_unroll_factor = 16 : i64, sc.parallel_access}
      %dma_start3A_764 = arith.constant 0 : i32
      %dma_start3A_765 = arith.constant 0 : i32
      %dma_start3A_766 = arith.constant 0 : i32
      %dma_start3A_767 = tpu.memref_slice %arg19[%dma_start3A_765, %dma_start3A_766] : memref<640x16xf32, #tpu.memory_space<vmem>> -> memref<128x16xf32, #tpu.memory_space<vmem>>
      %dma_start3A_768 = arith.constant 0 : i32
      %dma_start3A_769 = tpu.memref_slice %arg15[%dma_start3A_764, %dma_start3A_768] : memref<5x128xi32, #tpu.memory_space<vmem>> -> memref<1x128xi32, #tpu.memory_space<vmem>>
      %dma_start3A_770 = tpu.memref_squeeze %dma_start3A_769 : memref<1x128xi32, #tpu.memory_space<vmem>> -> memref<128xi32, #tpu.memory_space<vmem>>
      %dma_start3A_771 = arith.constant 0 : i32
      %dma_start3A_772 = arith.constant 0 : i32
      %dma_start3A_773 = tpu.memref_slice %arg27[%dma_start3A_771, %dma_start3A_772] : memref<100096x16xf32, #tpu.memory_space<vmem_shared>> -> memref<100096x16xf32, #tpu.memory_space<vmem_shared>>
      tpu.enqueue_indirect_dma source(%dma_start3A_767 : memref<128x16xf32, #tpu.memory_space<vmem>>) target(%dma_start3A_773 : memref<100096x16xf32, #tpu.memory_space<vmem_shared>>) offsets(%dma_start3A_770 : memref<128xi32, #tpu.memory_space<vmem>>) semaphore(%arg31 : memref<!tpu.dma_semaphore, #tpu.memory_space<semaphore_mem>>) {add = true}
      %dma_start3A_774 = arith.constant 1 : i32
      %dma_start3A_775 = arith.constant 128 : i32
      %dma_start3A_776 = arith.constant 0 : i32
      %dma_start3A_777 = tpu.memref_slice %arg19[%dma_start3A_775, %dma_start3A_776] : memref<640x16xf32, #tpu.memory_space<vmem>> -> memref<128x16xf32, #tpu.memory_space<vmem>>
      %dma_start3A_778 = arith.constant 0 : i32
      %dma_start3A_779 = tpu.memref_slice %arg15[%dma_start3A_774, %dma_start3A_778] : memref<5x128xi32, #tpu.memory_space<vmem>> -> memref<1x128xi32, #tpu.memory_space<vmem>>
      %dma_start3A_780 = tpu.memref_squeeze %dma_start3A_779 : memref<1x128xi32, #tpu.memory_space<vmem>> -> memref<128xi32, #tpu.memory_space<vmem>>
      %dma_start3A_781 = arith.constant 0 : i32
      %dma_start3A_782 = arith.constant 0 : i32
      %dma_start3A_783 = tpu.memref_slice %arg27[%dma_start3A_781, %dma_start3A_782] : memref<100096x16xf32, #tpu.memory_space<vmem_shared>> -> memref<100096x16xf32, #tpu.memory_space<vmem_shared>>
      tpu.enqueue_indirect_dma source(%dma_start3A_777 : memref<128x16xf32, #tpu.memory_space<vmem>>) target(%dma_start3A_783 : memref<100096x16xf32, #tpu.memory_space<vmem_shared>>) offsets(%dma_start3A_780 : memref<128xi32, #tpu.memory_space<vmem>>) semaphore(%arg31 : memref<!tpu.dma_semaphore, #tpu.memory_space<semaphore_mem>>) {add = true}
      %dma_start3A_784 = arith.constant 2 : i32
      %dma_start3A_785 = arith.constant 256 : i32
      %dma_start3A_786 = arith.constant 0 : i32
      %dma_start3A_787 = tpu.memref_slice %arg19[%dma_start3A_785, %dma_start3A_786] : memref<640x16xf32, #tpu.memory_space<vmem>> -> memref<128x16xf32, #tpu.memory_space<vmem>>
      %dma_start3A_788 = arith.constant 0 : i32
      %dma_start3A_789 = tpu.memref_slice %arg15[%dma_start3A_784, %dma_start3A_788] : memref<5x128xi32, #tpu.memory_space<vmem>> -> memref<1x128xi32, #tpu.memory_space<vmem>>
      %dma_start3A_790 = tpu.memref_squeeze %dma_start3A_789 : memref<1x128xi32, #tpu.memory_space<vmem>> -> memref<128xi32, #tpu.memory_space<vmem>>
      %dma_start3A_791 = arith.constant 0 : i32
      %dma_start3A_792 = arith.constant 0 : i32
      %dma_start3A_793 = tpu.memref_slice %arg27[%dma_start3A_791, %dma_start3A_792] : memref<100096x16xf32, #tpu.memory_space<vmem_shared>> -> memref<100096x16xf32, #tpu.memory_space<vmem_shared>>
      tpu.enqueue_indirect_dma source(%dma_start3A_787 : memref<128x16xf32, #tpu.memory_space<vmem>>) target(%dma_start3A_793 : memref<100096x16xf32, #tpu.memory_space<vmem_shared>>) offsets(%dma_start3A_790 : memref<128xi32, #tpu.memory_space<vmem>>) semaphore(%arg31 : memref<!tpu.dma_semaphore, #tpu.memory_space<semaphore_mem>>) {add = true}
      %dma_start3A_794 = arith.constant 3 : i32
      %dma_start3A_795 = arith.constant 384 : i32
      %dma_start3A_796 = arith.constant 0 : i32
      %dma_start3A_797 = tpu.memref_slice %arg19[%dma_start3A_795, %dma_start3A_796] : memref<640x16xf32, #tpu.memory_space<vmem>> -> memref<128x16xf32, #tpu.memory_space<vmem>>
      %dma_start3A_798 = arith.constant 0 : i32
      %dma_start3A_799 = tpu.memref_slice %arg15[%dma_start3A_794, %dma_start3A_798] : memref<5x128xi32, #tpu.memory_space<vmem>> -> memref<1x128xi32, #tpu.memory_space<vmem>>
      %dma_start3A_800 = tpu.memref_squeeze %dma_start3A_799 : memref<1x128xi32, #tpu.memory_space<vmem>> -> memref<128xi32, #tpu.memory_space<vmem>>
      %dma_start3A_801 = arith.constant 0 : i32
      %dma_start3A_802 = arith.constant 0 : i32
      %dma_start3A_803 = tpu.memref_slice %arg27[%dma_start3A_801, %dma_start3A_802] : memref<100096x16xf32, #tpu.memory_space<vmem_shared>> -> memref<100096x16xf32, #tpu.memory_space<vmem_shared>>
      tpu.enqueue_indirect_dma source(%dma_start3A_797 : memref<128x16xf32, #tpu.memory_space<vmem>>) target(%dma_start3A_803 : memref<100096x16xf32, #tpu.memory_space<vmem_shared>>) offsets(%dma_start3A_800 : memref<128xi32, #tpu.memory_space<vmem>>) semaphore(%arg31 : memref<!tpu.dma_semaphore, #tpu.memory_space<semaphore_mem>>) {add = true}
      %dma_start3A_804 = arith.constant 4 : i32
      %dma_start3A_805 = arith.constant 512 : i32
      %dma_start3A_806 = arith.constant 0 : i32
      %dma_start3A_807 = tpu.memref_slice %arg19[%dma_start3A_805, %dma_start3A_806] : memref<640x16xf32, #tpu.memory_space<vmem>> -> memref<128x16xf32, #tpu.memory_space<vmem>>
      %dma_start3A_808 = arith.constant 0 : i32
      %dma_start3A_809 = tpu.memref_slice %arg15[%dma_start3A_804, %dma_start3A_808] : memref<5x128xi32, #tpu.memory_space<vmem>> -> memref<1x128xi32, #tpu.memory_space<vmem>>
      %dma_start3A_810 = tpu.memref_squeeze %dma_start3A_809 : memref<1x128xi32, #tpu.memory_space<vmem>> -> memref<128xi32, #tpu.memory_space<vmem>>
      %dma_start3A_811 = arith.constant 0 : i32
      %dma_start3A_812 = arith.constant 0 : i32
      %dma_start3A_813 = tpu.memref_slice %arg27[%dma_start3A_811, %dma_start3A_812] : memref<100096x16xf32, #tpu.memory_space<vmem_shared>> -> memref<100096x16xf32, #tpu.memory_space<vmem_shared>>
      tpu.enqueue_indirect_dma source(%dma_start3A_807 : memref<128x16xf32, #tpu.memory_space<vmem>>) target(%dma_start3A_813 : memref<100096x16xf32, #tpu.memory_space<vmem_shared>>) offsets(%dma_start3A_810 : memref<128xi32, #tpu.memory_space<vmem>>) semaphore(%arg31 : memref<!tpu.dma_semaphore, #tpu.memory_space<semaphore_mem>>) {add = true}
    }
    %dma_wait3A = arith.constant 0 : i32
    %dma_wait3A_171 = arith.constant 0 : i32
    %dma_wait3A_172 = arith.constant 0 : i32
    %dma_wait3A_173 = tpu.memref_slice %arg19[%dma_wait3A_171, %dma_wait3A_172] : memref<640x16xf32, #tpu.memory_space<vmem>> -> memref<128x16xf32, #tpu.memory_space<vmem>>
    %dma_wait3A_174 = arith.constant 0 : i32
    %dma_wait3A_175 = tpu.memref_slice %arg15[%dma_wait3A, %dma_wait3A_174] : memref<5x128xi32, #tpu.memory_space<vmem>> -> memref<1x128xi32, #tpu.memory_space<vmem>>
    %dma_wait3A_176 = tpu.memref_squeeze %dma_wait3A_175 : memref<1x128xi32, #tpu.memory_space<vmem>> -> memref<128xi32, #tpu.memory_space<vmem>>
    %dma_wait3A_177 = arith.constant 0 : i32
    %dma_wait3A_178 = arith.constant 0 : i32
    %dma_wait3A_179 = tpu.memref_slice %arg27[%dma_wait3A_177, %dma_wait3A_178] : memref<100096x16xf32, #tpu.memory_space<vmem_shared>> -> memref<100096x16xf32, #tpu.memory_space<vmem_shared>>
    tpu.wait_indirect_dma semaphore(%arg31 : memref<!tpu.dma_semaphore, #tpu.memory_space<semaphore_mem>>) src(%dma_wait3A_173 : memref<128x16xf32, #tpu.memory_space<vmem>>) dst(%dma_wait3A_179 : memref<100096x16xf32, #tpu.memory_space<vmem_shared>>)
    %dma_wait3A_180 = arith.constant 1 : i32
    %dma_wait3A_181 = arith.constant 128 : i32
    %dma_wait3A_182 = arith.constant 0 : i32
    %dma_wait3A_183 = tpu.memref_slice %arg19[%dma_wait3A_181, %dma_wait3A_182] : memref<640x16xf32, #tpu.memory_space<vmem>> -> memref<128x16xf32, #tpu.memory_space<vmem>>
    %dma_wait3A_184 = arith.constant 0 : i32
    %dma_wait3A_185 = tpu.memref_slice %arg15[%dma_wait3A_180, %dma_wait3A_184] : memref<5x128xi32, #tpu.memory_space<vmem>> -> memref<1x128xi32, #tpu.memory_space<vmem>>
    %dma_wait3A_186 = tpu.memref_squeeze %dma_wait3A_185 : memref<1x128xi32, #tpu.memory_space<vmem>> -> memref<128xi32, #tpu.memory_space<vmem>>
    %dma_wait3A_187 = arith.constant 0 : i32
    %dma_wait3A_188 = arith.constant 0 : i32
    %dma_wait3A_189 = tpu.memref_slice %arg27[%dma_wait3A_187, %dma_wait3A_188] : memref<100096x16xf32, #tpu.memory_space<vmem_shared>> -> memref<100096x16xf32, #tpu.memory_space<vmem_shared>>
    tpu.wait_indirect_dma semaphore(%arg31 : memref<!tpu.dma_semaphore, #tpu.memory_space<semaphore_mem>>) src(%dma_wait3A_183 : memref<128x16xf32, #tpu.memory_space<vmem>>) dst(%dma_wait3A_189 : memref<100096x16xf32, #tpu.memory_space<vmem_shared>>)
    %dma_wait3A_190 = arith.constant 2 : i32
    %dma_wait3A_191 = arith.constant 256 : i32
    %dma_wait3A_192 = arith.constant 0 : i32
    %dma_wait3A_193 = tpu.memref_slice %arg19[%dma_wait3A_191, %dma_wait3A_192] : memref<640x16xf32, #tpu.memory_space<vmem>> -> memref<128x16xf32, #tpu.memory_space<vmem>>
    %dma_wait3A_194 = arith.constant 0 : i32
    %dma_wait3A_195 = tpu.memref_slice %arg15[%dma_wait3A_190, %dma_wait3A_194] : memref<5x128xi32, #tpu.memory_space<vmem>> -> memref<1x128xi32, #tpu.memory_space<vmem>>
    %dma_wait3A_196 = tpu.memref_squeeze %dma_wait3A_195 : memref<1x128xi32, #tpu.memory_space<vmem>> -> memref<128xi32, #tpu.memory_space<vmem>>
    %dma_wait3A_197 = arith.constant 0 : i32
    %dma_wait3A_198 = arith.constant 0 : i32
    %dma_wait3A_199 = tpu.memref_slice %arg27[%dma_wait3A_197, %dma_wait3A_198] : memref<100096x16xf32, #tpu.memory_space<vmem_shared>> -> memref<100096x16xf32, #tpu.memory_space<vmem_shared>>
    tpu.wait_indirect_dma semaphore(%arg31 : memref<!tpu.dma_semaphore, #tpu.memory_space<semaphore_mem>>) src(%dma_wait3A_193 : memref<128x16xf32, #tpu.memory_space<vmem>>) dst(%dma_wait3A_199 : memref<100096x16xf32, #tpu.memory_space<vmem_shared>>)
    %dma_wait3A_200 = arith.constant 3 : i32
    %dma_wait3A_201 = arith.constant 384 : i32
    %dma_wait3A_202 = arith.constant 0 : i32
    %dma_wait3A_203 = tpu.memref_slice %arg19[%dma_wait3A_201, %dma_wait3A_202] : memref<640x16xf32, #tpu.memory_space<vmem>> -> memref<128x16xf32, #tpu.memory_space<vmem>>
    %dma_wait3A_204 = arith.constant 0 : i32
    %dma_wait3A_205 = tpu.memref_slice %arg15[%dma_wait3A_200, %dma_wait3A_204] : memref<5x128xi32, #tpu.memory_space<vmem>> -> memref<1x128xi32, #tpu.memory_space<vmem>>
    %dma_wait3A_206 = tpu.memref_squeeze %dma_wait3A_205 : memref<1x128xi32, #tpu.memory_space<vmem>> -> memref<128xi32, #tpu.memory_space<vmem>>
    %dma_wait3A_207 = arith.constant 0 : i32
    %dma_wait3A_208 = arith.constant 0 : i32
    %dma_wait3A_209 = tpu.memref_slice %arg27[%dma_wait3A_207, %dma_wait3A_208] : memref<100096x16xf32, #tpu.memory_space<vmem_shared>> -> memref<100096x16xf32, #tpu.memory_space<vmem_shared>>
    tpu.wait_indirect_dma semaphore(%arg31 : memref<!tpu.dma_semaphore, #tpu.memory_space<semaphore_mem>>) src(%dma_wait3A_203 : memref<128x16xf32, #tpu.memory_space<vmem>>) dst(%dma_wait3A_209 : memref<100096x16xf32, #tpu.memory_space<vmem_shared>>)
    %dma_wait3A_210 = arith.constant 4 : i32
    %dma_wait3A_211 = arith.constant 512 : i32
    %dma_wait3A_212 = arith.constant 0 : i32
    %dma_wait3A_213 = tpu.memref_slice %arg19[%dma_wait3A_211, %dma_wait3A_212] : memref<640x16xf32, #tpu.memory_space<vmem>> -> memref<128x16xf32, #tpu.memory_space<vmem>>
    %dma_wait3A_214 = arith.constant 0 : i32
    %dma_wait3A_215 = tpu.memref_slice %arg15[%dma_wait3A_210, %dma_wait3A_214] : memref<5x128xi32, #tpu.memory_space<vmem>> -> memref<1x128xi32, #tpu.memory_space<vmem>>
    %dma_wait3A_216 = tpu.memref_squeeze %dma_wait3A_215 : memref<1x128xi32, #tpu.memory_space<vmem>> -> memref<128xi32, #tpu.memory_space<vmem>>
    %dma_wait3A_217 = arith.constant 0 : i32
    %dma_wait3A_218 = arith.constant 0 : i32
    %dma_wait3A_219 = tpu.memref_slice %arg27[%dma_wait3A_217, %dma_wait3A_218] : memref<100096x16xf32, #tpu.memory_space<vmem_shared>> -> memref<100096x16xf32, #tpu.memory_space<vmem_shared>>
    tpu.wait_indirect_dma semaphore(%arg31 : memref<!tpu.dma_semaphore, #tpu.memory_space<semaphore_mem>>) src(%dma_wait3A_213 : memref<128x16xf32, #tpu.memory_space<vmem>>) dst(%dma_wait3A_219 : memref<100096x16xf32, #tpu.memory_space<vmem_shared>>)
    %barrier3A_220 = arith.constant 0 : index
    tpu.barrier barrier_id(%barrier3A_220)
    %mul3A_221 = arith.constant 6256 : i32
    %mul3A_222 = arith.muli %arg1, %mul3A_221 : i32
    "tpu.region"() ({
      %run_scoped3A = tpu.sem_alloc : memref<!tpu.dma_semaphore, #tpu.memory_space<semaphore_mem>>
      %dma_start3A_223 = arith.constant 0 : i32
      %dma_start3A_224 = tpu.memref_slice %arg10[%arg0, %mul3A_222, %dma_start3A_223] : memref<2x100096x16xf32, #tpu.memory_space<hbm>> -> memref<1x6256x16xf32, #tpu.memory_space<hbm>>
      %dma_start3A_225 = tpu.memref_squeeze %dma_start3A_224 : memref<1x6256x16xf32, #tpu.memory_space<hbm>> -> memref<6256x16xf32, #tpu.memory_space<hbm>>
      %dma_start3A_226 = arith.constant 0 : i32
      %dma_start3A_227 = tpu.memref_slice %arg27[%mul3A_222, %dma_start3A_226] : memref<100096x16xf32, #tpu.memory_space<vmem_shared>> -> memref<6256x16xf32, #tpu.memory_space<vmem_shared>>
      tpu.enqueue_dma source(%dma_start3A_227 : memref<6256x16xf32, #tpu.memory_space<vmem_shared>>) target(%dma_start3A_225 : memref<6256x16xf32, #tpu.memory_space<hbm>>) target_semaphore(%run_scoped3A : memref<!tpu.dma_semaphore, #tpu.memory_space<semaphore_mem>>)
      %dma_wait3A_228 = arith.constant 0 : i32
      %dma_wait3A_229 = tpu.memref_slice %arg10[%arg0, %mul3A_222, %dma_wait3A_228] : memref<2x100096x16xf32, #tpu.memory_space<hbm>> -> memref<1x6256x16xf32, #tpu.memory_space<hbm>>
      %dma_wait3A_230 = tpu.memref_squeeze %dma_wait3A_229 : memref<1x6256x16xf32, #tpu.memory_space<hbm>> -> memref<6256x16xf32, #tpu.memory_space<hbm>>
      %dma_wait3A_231 = arith.constant 0 : i32
      %dma_wait3A_232 = tpu.memref_slice %arg27[%mul3A_222, %dma_wait3A_231] : memref<100096x16xf32, #tpu.memory_space<vmem_shared>> -> memref<6256x16xf32, #tpu.memory_space<vmem_shared>>
      tpu.wait_dma2 semaphore(%run_scoped3A : memref<!tpu.dma_semaphore, #tpu.memory_space<semaphore_mem>>) src(%dma_wait3A_232 : memref<6256x16xf32, #tpu.memory_space<vmem_shared>>) dst(%dma_wait3A_230 : memref<6256x16xf32, #tpu.memory_space<hbm>>)
      tpu.yield
    }) : () -> ()
    "tpu.region"() ({
      %run_scoped3A = tpu.sem_alloc : memref<!tpu.dma_semaphore, #tpu.memory_space<semaphore_mem>>
      %dma_start3A_223 = arith.constant 0 : i32
      %dma_start3A_224 = tpu.memref_slice %arg11[%add3A, %dma_start3A_223] : memref<32x16xf32, #tpu.memory_space<hbm>> -> memref<1x16xf32, #tpu.memory_space<hbm>>
      %dma_start3A_225 = tpu.memref_squeeze %dma_start3A_224 : memref<1x16xf32, #tpu.memory_space<hbm>> -> memref<16xf32, #tpu.memory_space<hbm>>
      %dma_start3A_226 = arith.constant 0 : i32
      %dma_start3A_227 = tpu.memref_slice %arg11[%add3A, %dma_start3A_226] : memref<32x16xf32, #tpu.memory_space<hbm>> -> memref<1x16xf32, #tpu.memory_space<hbm>>
      %dma_start3A_228 = tpu.memref_squeeze %dma_start3A_227 : memref<1x16xf32, #tpu.memory_space<hbm>> -> memref<16xf32, #tpu.memory_space<hbm>>
      tpu.enqueue_dma source(%arg26 : memref<16xf32, #tpu.memory_space<vmem>>) target(%dma_start3A_228 : memref<16xf32, #tpu.memory_space<hbm>>) target_semaphore(%run_scoped3A : memref<!tpu.dma_semaphore, #tpu.memory_space<semaphore_mem>>)
      %dma_wait3A_229 = arith.constant 0 : i32
      %dma_wait3A_230 = tpu.memref_slice %arg11[%add3A, %dma_wait3A_229] : memref<32x16xf32, #tpu.memory_space<hbm>> -> memref<1x16xf32, #tpu.memory_space<hbm>>
      %dma_wait3A_231 = tpu.memref_squeeze %dma_wait3A_230 : memref<1x16xf32, #tpu.memory_space<hbm>> -> memref<16xf32, #tpu.memory_space<hbm>>
      %dma_wait3A_232 = arith.constant 0 : i32
      %dma_wait3A_233 = tpu.memref_slice %arg11[%add3A, %dma_wait3A_232] : memref<32x16xf32, #tpu.memory_space<hbm>> -> memref<1x16xf32, #tpu.memory_space<hbm>>
      %dma_wait3A_234 = tpu.memref_squeeze %dma_wait3A_233 : memref<1x16xf32, #tpu.memory_space<hbm>> -> memref<16xf32, #tpu.memory_space<hbm>>
      tpu.wait_dma2 semaphore(%run_scoped3A : memref<!tpu.dma_semaphore, #tpu.memory_space<semaphore_mem>>) src(%arg26 : memref<16xf32, #tpu.memory_space<vmem>>) dst(%dma_wait3A_234 : memref<16xf32, #tpu.memory_space<hbm>>)
      tpu.yield
    }) : () -> ()
    return
  }
}

module attributes {stable_mosaic.version = 14 : i64} {
  func.func @_stats_body(%arg0: i32, %arg1: memref<2000x20xf32, #tpu.memory_space<vmem>>, %arg2: memref<1x20xf32, #tpu.memory_space<vmem>>, %arg3: memref<1x20xf32, #tpu.memory_space<vmem>>, %arg4: memref<1x20xf32, #tpu.memory_space<vmem>>, %arg5: memref<1x20xf32, #tpu.memory_space<vmem>>) attributes {dimension_semantics = [#tpu.dimension_semantics<arbitrary>], iteration_bounds = array<i64: 50>, scalar_prefetch = 0 : i64, scratch_operands = 2 : i64, tpu.core_type = #tpu.core_type<tc>, window_params = [{transform_indices = @transform_0, window_bounds = array<i64: 2000, 20>}, {pipeline_mode = #tpu.pipeline_mode<synchronous>, transform_indices = @transform_1, window_bounds = array<i64: 1, 20>}, {pipeline_mode = #tpu.pipeline_mode<synchronous>, transform_indices = @transform_2, window_bounds = array<i64: 1, 20>}]} {
    %eq3A = arith.constant 0 : i32
    %eq3A_0 = arith.cmpi eq, %arg0, %eq3A : i32
    %convert_element_type3A = arith.extui %eq3A_0 : i1 to i32
    %cond3A = arith.constant 0 : i32
    %cond3A_1 = arith.cmpi ne, %convert_element_type3A, %cond3A : i32
    scf.if %cond3A_1 {
      %broadcast_in_dim3A_25 = arith.constant 0.000000e+00 : f32
      %broadcast_in_dim3A_26 = vector.broadcast %broadcast_in_dim3A_25 : f32 to vector<1x20xf32>
      %swap3A_27 = arith.constant 0 : index
      %swap3A_28 = arith.constant 0 : index
      %swap3A_29 = vector.load %arg4[%swap3A_27, %swap3A_28] : memref<1x20xf32, #tpu.memory_space<vmem>>, vector<1x20xf32>
      tpu.vector_store %arg4[%swap3A_27, %swap3A_28], %broadcast_in_dim3A_26 {strides = array<i32>} : memref<1x20xf32, #tpu.memory_space<vmem>>, vector<1x20xf32>,
      %broadcast_in_dim3A_30 = arith.constant 0.000000e+00 : f32
      %broadcast_in_dim3A_31 = vector.broadcast %broadcast_in_dim3A_30 : f32 to vector<1x20xf32>
      %swap3A_32 = arith.constant 0 : index
      %swap3A_33 = arith.constant 0 : index
      %swap3A_34 = vector.load %arg5[%swap3A_32, %swap3A_33] : memref<1x20xf32, #tpu.memory_space<vmem>>, vector<1x20xf32>
      tpu.vector_store %arg5[%swap3A_32, %swap3A_33], %broadcast_in_dim3A_31 {strides = array<i32>} : memref<1x20xf32, #tpu.memory_space<vmem>>, vector<1x20xf32>,
    } else {
    }
    %get3A = arith.constant 0 : index
    %get3A_2 = arith.constant 0 : index
    %get3A_3 = vector.load %arg1[%get3A, %get3A_2] : memref<2000x20xf32, #tpu.memory_space<vmem>>, vector<2000x20xf32>
    %get3A_4 = arith.constant 0 : index
    %get3A_5 = arith.constant 0 : index
    %get3A_6 = vector.load %arg4[%get3A_4, %get3A_5] : memref<1x20xf32, #tpu.memory_space<vmem>>, vector<1x20xf32>
    %reduce_sum3A = arith.constant dense<0.000000e+00> : vector<20xf32>
    %reduce_sum3A_7 = vector.multi_reduction <add>, %get3A_3, %reduce_sum3A [0] : vector<2000x20xf32> to vector<20xf32>
    %broadcast_in_dim3A = vector.shape_cast %reduce_sum3A_7 : vector<20xf32> to vector<1x20xf32>
    %add3A = arith.addf %get3A_6, %broadcast_in_dim3A : vector<1x20xf32>
    %swap3A = arith.constant 0 : index
    %swap3A_8 = arith.constant 0 : index
    %swap3A_9 = vector.load %arg4[%swap3A, %swap3A_8] : memref<1x20xf32, #tpu.memory_space<vmem>>, vector<1x20xf32>
    tpu.vector_store %arg4[%swap3A, %swap3A_8], %add3A {strides = array<i32>} : memref<1x20xf32, #tpu.memory_space<vmem>>, vector<1x20xf32>,
    %get3A_10 = arith.constant 0 : index
    %get3A_11 = arith.constant 0 : index
    %get3A_12 = vector.load %arg5[%get3A_10, %get3A_11] : memref<1x20xf32, #tpu.memory_space<vmem>>, vector<1x20xf32>
    %mul3A = arith.mulf %get3A_3, %get3A_3 : vector<2000x20xf32>
    %reduce_sum3A_13 = arith.constant dense<0.000000e+00> : vector<20xf32>
    %reduce_sum3A_14 = vector.multi_reduction <add>, %mul3A, %reduce_sum3A_13 [0] : vector<2000x20xf32> to vector<20xf32>
    %broadcast_in_dim3A_15 = vector.shape_cast %reduce_sum3A_14 : vector<20xf32> to vector<1x20xf32>
    %add3A_16 = arith.addf %get3A_12, %broadcast_in_dim3A_15 : vector<1x20xf32>
    %swap3A_17 = arith.constant 0 : index
    %swap3A_18 = arith.constant 0 : index
    %swap3A_19 = vector.load %arg5[%swap3A_17, %swap3A_18] : memref<1x20xf32, #tpu.memory_space<vmem>>, vector<1x20xf32>
    tpu.vector_store %arg5[%swap3A_17, %swap3A_18], %add3A_16 {strides = array<i32>} : memref<1x20xf32, #tpu.memory_space<vmem>>, vector<1x20xf32>,
    %eq3A_20 = arith.constant 49 : i32
    %eq3A_21 = arith.cmpi eq, %arg0, %eq3A_20 : i32
    %convert_element_type3A_22 = arith.extui %eq3A_21 : i1 to i32
    %cond3A_23 = arith.constant 0 : i32
    %cond3A_24 = arith.cmpi ne, %convert_element_type3A_22, %cond3A_23 : i32
    scf.if %cond3A_24 {
      %get3A_25 = arith.constant 0 : index
      %get3A_26 = arith.constant 0 : index
      %get3A_27 = vector.load %arg4[%get3A_25, %get3A_26] : memref<1x20xf32, #tpu.memory_space<vmem>>, vector<1x20xf32>
      %swap3A_28 = arith.constant 0 : index
      %swap3A_29 = arith.constant 0 : index
      %swap3A_30 = vector.load %arg2[%swap3A_28, %swap3A_29] : memref<1x20xf32, #tpu.memory_space<vmem>>, vector<1x20xf32>
      tpu.vector_store %arg2[%swap3A_28, %swap3A_29], %get3A_27 {strides = array<i32>} : memref<1x20xf32, #tpu.memory_space<vmem>>, vector<1x20xf32>,
      %get3A_31 = arith.constant 0 : index
      %get3A_32 = arith.constant 0 : index
      %get3A_33 = vector.load %arg5[%get3A_31, %get3A_32] : memref<1x20xf32, #tpu.memory_space<vmem>>, vector<1x20xf32>
      %swap3A_34 = arith.constant 0 : index
      %swap3A_35 = arith.constant 0 : index
      %swap3A_36 = vector.load %arg3[%swap3A_34, %swap3A_35] : memref<1x20xf32, #tpu.memory_space<vmem>>, vector<1x20xf32>
      tpu.vector_store %arg3[%swap3A_34, %swap3A_35], %get3A_33 {strides = array<i32>} : memref<1x20xf32, #tpu.memory_space<vmem>>, vector<1x20xf32>,
    } else {
    }
    return
  }
  func.func @transform_0(%arg0: i32) -> (i32, i32) {
    %c0_i32 = arith.constant 0 : i32
    %c0_i32_0 = arith.constant 0 : i32
    return %arg0, %c0_i32 : i32, i32
  }
  func.func @transform_1(%arg0: i32) -> (i32, i32) {
    %c0_i32 = arith.constant 0 : i32
    %c0_i32_0 = arith.constant 0 : i32
    %c0_i32_1 = arith.constant 0 : i32
    return %c0_i32, %c0_i32_0 : i32, i32
  }
  func.func @transform_2(%arg0: i32) -> (i32, i32) {
    %c0_i32 = arith.constant 0 : i32
    %c0_i32_0 = arith.constant 0 : i32
    %c0_i32_1 = arith.constant 0 : i32
    return %c0_i32, %c0_i32_0 : i32, i32
  }
}

module attributes {stable_mosaic.version = 14 : i64} {
  func.func @_proj_body(%arg0: i32, %arg1: memref<2000x20xf32, #tpu.memory_space<vmem>>, %arg2: memref<20x16xf32, #tpu.memory_space<vmem>>, %arg3: memref<1x16xf32, #tpu.memory_space<vmem>>, %arg4: memref<20x1xf32, #tpu.memory_space<vmem>>, %arg5: memref<20x1xf32, #tpu.memory_space<vmem>>, %arg6: memref<1x2xf32, #tpu.memory_space<smem>>, %arg7: memref<2000x16xf32, #tpu.memory_space<vmem>>, %arg8: memref<2000x1xf32, #tpu.memory_space<vmem>>, %arg9: memref<2000x1xf32, #tpu.memory_space<vmem>>) attributes {dimension_semantics = [#tpu.dimension_semantics<arbitrary>], iteration_bounds = array<i64: 50>, scalar_prefetch = 0 : i64, scratch_operands = 0 : i64, tpu.core_type = #tpu.core_type<tc>, window_params = [{transform_indices = @transform_0, window_bounds = array<i64: 2000, 20>}, {pipeline_mode = #tpu.pipeline_mode<synchronous>, transform_indices = @transform_1, window_bounds = array<i64: 20, 16>}, {pipeline_mode = #tpu.pipeline_mode<synchronous>, transform_indices = @transform_2, window_bounds = array<i64: 1, 16>}, {pipeline_mode = #tpu.pipeline_mode<synchronous>, transform_indices = @transform_3, window_bounds = array<i64: 20, 1>}, {pipeline_mode = #tpu.pipeline_mode<synchronous>, transform_indices = @transform_4, window_bounds = array<i64: 20, 1>}, {transform_indices = @transform_5, window_bounds = array<i64: 1, 2>}, {transform_indices = @transform_6, window_bounds = array<i64: 2000, 16>}, {transform_indices = @transform_7, window_bounds = array<i64: 2000, 1>}, {transform_indices = @transform_8, window_bounds = array<i64: 2000, 1>}]} {
    %get3A = arith.constant 0 : index
    %get3A_0 = arith.constant 0 : index
    %get3A_1 = vector.load %arg1[%get3A, %get3A_0] : memref<2000x20xf32, #tpu.memory_space<vmem>>, vector<2000x20xf32>
    %get3A_2 = arith.constant 0 : index
    %get3A_3 = arith.constant 0 : index
    %get3A_4 = vector.load %arg2[%get3A_2, %get3A_3] : memref<20x16xf32, #tpu.memory_space<vmem>>, vector<20x16xf32>
    %dot_general3A = arith.constant dense<0.000000e+00> : vector<2000x16xf32>
    %dot_general3A_5 = tpu.matmul %get3A_1, %get3A_4, %dot_general3A {dimension_numbers = #tpu.dot_dimension_numbers<[1], [0], [0], [1], [0, 0, 1, 1], [], []>, transpose_lhs_hint = false} : vector<2000x20xf32>, vector<20x16xf32>, vector<2000x16xf32> -> vector<2000x16xf32>
    %get3A_6 = arith.constant 0 : index
    %get3A_7 = arith.constant 0 : index
    %get3A_8 = vector.load %arg3[%get3A_6, %get3A_7] : memref<1x16xf32, #tpu.memory_space<vmem>>, vector<1x16xf32>
    %add3A = vector.broadcast %get3A_8 : vector<1x16xf32> to vector<2000x16xf32>
    %add3A_9 = arith.addf %dot_general3A_5, %add3A : vector<2000x16xf32>
    %swap3A = arith.constant 0 : index
    %swap3A_10 = arith.constant 0 : index
    %swap3A_11 = vector.load %arg7[%swap3A, %swap3A_10] : memref<2000x16xf32, #tpu.memory_space<vmem>>, vector<2000x16xf32>
    tpu.vector_store %arg7[%swap3A, %swap3A_10], %add3A_9 {strides = array<i32>} : memref<2000x16xf32, #tpu.memory_space<vmem>>, vector<2000x16xf32>,
    %get3A_12 = arith.constant 0 : index
    %get3A_13 = arith.constant 0 : index
    %get3A_14 = vector.load %arg4[%get3A_12, %get3A_13] : memref<20x1xf32, #tpu.memory_space<vmem>>, vector<20x1xf32>
    %dot_general3A_15 = arith.constant dense<0.000000e+00> : vector<2000x1xf32>
    %dot_general3A_16 = tpu.matmul %get3A_1, %get3A_14, %dot_general3A_15 {dimension_numbers = #tpu.dot_dimension_numbers<[1], [0], [0], [1], [0, 0, 1, 1], [], []>, transpose_lhs_hint = false} : vector<2000x20xf32>, vector<20x1xf32>, vector<2000x1xf32> -> vector<2000x1xf32>
    %get3A_17 = arith.constant 0 : index
    %get3A_18 = arith.constant 0 : index
    %get3A_19 = memref.load %arg6[%get3A_17, %get3A_18] : memref<1x2xf32, #tpu.memory_space<smem>>
    %add3A_20 = vector.broadcast %get3A_19 : f32 to vector<2000x1xf32>
    %add3A_21 = arith.addf %dot_general3A_16, %add3A_20 : vector<2000x1xf32>
    %swap3A_22 = arith.constant 0 : index
    %swap3A_23 = arith.constant 0 : index
    %swap3A_24 = vector.load %arg8[%swap3A_22, %swap3A_23] : memref<2000x1xf32, #tpu.memory_space<vmem>>, vector<2000x1xf32>
    tpu.vector_store %arg8[%swap3A_22, %swap3A_23], %add3A_21 {strides = array<i32>} : memref<2000x1xf32, #tpu.memory_space<vmem>>, vector<2000x1xf32>,
    %get3A_25 = arith.constant 0 : index
    %get3A_26 = arith.constant 0 : index
    %get3A_27 = vector.load %arg5[%get3A_25, %get3A_26] : memref<20x1xf32, #tpu.memory_space<vmem>>, vector<20x1xf32>
    %dot_general3A_28 = arith.constant dense<0.000000e+00> : vector<2000x1xf32>
    %dot_general3A_29 = tpu.matmul %get3A_1, %get3A_27, %dot_general3A_28 {dimension_numbers = #tpu.dot_dimension_numbers<[1], [0], [0], [1], [0, 0, 1, 1], [], []>, transpose_lhs_hint = false} : vector<2000x20xf32>, vector<20x1xf32>, vector<2000x1xf32> -> vector<2000x1xf32>
    %get3A_30 = arith.constant 0 : index
    %get3A_31 = arith.constant 1 : index
    %get3A_32 = memref.load %arg6[%get3A_30, %get3A_31] : memref<1x2xf32, #tpu.memory_space<smem>>
    %add3A_33 = vector.broadcast %get3A_32 : f32 to vector<2000x1xf32>
    %add3A_34 = arith.addf %dot_general3A_29, %add3A_33 : vector<2000x1xf32>
    %swap3A_35 = arith.constant 0 : index
    %swap3A_36 = arith.constant 0 : index
    %swap3A_37 = vector.load %arg9[%swap3A_35, %swap3A_36] : memref<2000x1xf32, #tpu.memory_space<vmem>>, vector<2000x1xf32>
    tpu.vector_store %arg9[%swap3A_35, %swap3A_36], %add3A_34 {strides = array<i32>} : memref<2000x1xf32, #tpu.memory_space<vmem>>, vector<2000x1xf32>,
    return
  }
  func.func @transform_0(%arg0: i32) -> (i32, i32) {
    %c0_i32 = arith.constant 0 : i32
    %c0_i32_0 = arith.constant 0 : i32
    return %arg0, %c0_i32 : i32, i32
  }
  func.func @transform_1(%arg0: i32) -> (i32, i32) {
    %c0_i32 = arith.constant 0 : i32
    %c0_i32_0 = arith.constant 0 : i32
    %c0_i32_1 = arith.constant 0 : i32
    return %c0_i32, %c0_i32_0 : i32, i32
  }
  func.func @transform_2(%arg0: i32) -> (i32, i32) {
    %c0_i32 = arith.constant 0 : i32
    %c0_i32_0 = arith.constant 0 : i32
    %c0_i32_1 = arith.constant 0 : i32
    return %c0_i32, %c0_i32_0 : i32, i32
  }
  func.func @transform_3(%arg0: i32) -> (i32, i32) {
    %c0_i32 = arith.constant 0 : i32
    %c0_i32_0 = arith.constant 0 : i32
    %c0_i32_1 = arith.constant 0 : i32
    return %c0_i32, %c0_i32_0 : i32, i32
  }
  func.func @transform_4(%arg0: i32) -> (i32, i32) {
    %c0_i32 = arith.constant 0 : i32
    %c0_i32_0 = arith.constant 0 : i32
    %c0_i32_1 = arith.constant 0 : i32
    return %c0_i32, %c0_i32_0 : i32, i32
  }
  func.func @transform_5(%arg0: i32) -> (i32, i32) {
    %c0_i32 = arith.constant 0 : i32
    %c0_i32_0 = arith.constant 0 : i32
    %c0_i32_1 = arith.constant 0 : i32
    return %c0_i32, %c0_i32_0 : i32, i32
  }
  func.func @transform_6(%arg0: i32) -> (i32, i32) {
    %c0_i32 = arith.constant 0 : i32
    %c0_i32_0 = arith.constant 0 : i32
    return %arg0, %c0_i32 : i32, i32
  }
  func.func @transform_7(%arg0: i32) -> (i32, i32) {
    %c0_i32 = arith.constant 0 : i32
    %c0_i32_0 = arith.constant 0 : i32
    return %arg0, %c0_i32 : i32, i32
  }
  func.func @transform_8(%arg0: i32) -> (i32, i32) {
    %c0_i32 = arith.constant 0 : i32
    %c0_i32_0 = arith.constant 0 : i32
    return %arg0, %c0_i32 : i32, i32
  }
}

module attributes {stable_mosaic.version = 14 : i64} {
  func.func @_fin_body(%arg0: i32, %arg1: memref<2x2000x16xf32, #tpu.memory_space<vmem>>, %arg2: memref<2000x16xf32, #tpu.memory_space<vmem>>, %arg3: memref<1x8xf32, #tpu.memory_space<smem>>, %arg4: memref<16x10xf32, #tpu.memory_space<vmem>>, %arg5: memref<16x1xf32, #tpu.memory_space<vmem>>, %arg6: memref<16x1xf32, #tpu.memory_space<vmem>>, %arg7: memref<16x1xf32, #tpu.memory_space<vmem>>, %arg8: memref<1x10xf32, #tpu.memory_space<vmem>>, %arg9: memref<10x10xf32, #tpu.memory_space<vmem>>, %arg10: memref<1x10xf32, #tpu.memory_space<vmem>>, %arg11: memref<10x10xf32, #tpu.memory_space<vmem>>, %arg12: memref<1x10xf32, #tpu.memory_space<vmem>>, %arg13: memref<10x10xf32, #tpu.memory_space<vmem>>, %arg14: memref<1x10xf32, #tpu.memory_space<vmem>>, %arg15: memref<2000x10xf32, #tpu.memory_space<vmem>>, %arg16: memref<2000x10xf32, #tpu.memory_space<vmem>>) attributes {dimension_semantics = [#tpu.dimension_semantics<arbitrary>], iteration_bounds = array<i64: 50>, scalar_prefetch = 0 : i64, scratch_operands = 0 : i64, tpu.core_type = #tpu.core_type<tc>, window_params = [{transform_indices = @transform_0, window_bounds = array<i64: 2, 2000, 16>}, {transform_indices = @transform_1, window_bounds = array<i64: 2000, 16>}, {transform_indices = @transform_2, window_bounds = array<i64: 1, 8>}, {pipeline_mode = #tpu.pipeline_mode<synchronous>, transform_indices = @transform_3, window_bounds = array<i64: 16, 10>}, {pipeline_mode = #tpu.pipeline_mode<synchronous>, transform_indices = @transform_4, window_bounds = array<i64: 16, 1>}, {pipeline_mode = #tpu.pipeline_mode<synchronous>, transform_indices = @transform_5, window_bounds = array<i64: 16, 1>}, {pipeline_mode = #tpu.pipeline_mode<synchronous>, transform_indices = @transform_6, window_bounds = array<i64: 16, 1>}, {pipeline_mode = #tpu.pipeline_mode<synchronous>, transform_indices = @transform_7, window_bounds = array<i64: 1, 10>}, {pipeline_mode = #tpu.pipeline_mode<synchronous>, transform_indices = @transform_8, window_bounds = array<i64: 10, 10>}, {pipeline_mode = #tpu.pipeline_mode<synchronous>, transform_indices = @transform_9, window_bounds = array<i64: 1, 10>}, {pipeline_mode = #tpu.pipeline_mode<synchronous>, transform_indices = @transform_10, window_bounds = array<i64: 10, 10>}, {pipeline_mode = #tpu.pipeline_mode<synchronous>, transform_indices = @transform_11, window_bounds = array<i64: 1, 10>}, {pipeline_mode = #tpu.pipeline_mode<synchronous>, transform_indices = @transform_12, window_bounds = array<i64: 10, 10>}, {pipeline_mode = #tpu.pipeline_mode<synchronous>, transform_indices = @transform_13, window_bounds = array<i64: 1, 10>}, {transform_indices = @transform_14, window_bounds = array<i64: 2000, 10>}, {transform_indices = @transform_15, window_bounds = array<i64: 2000, 10>}]} {
    %get3A = arith.constant 0 : index
    %get3A_0 = arith.constant 0 : index
    %get3A_1 = arith.constant 0 : index
    %get3A_2 = vector.load %arg1[%get3A, %get3A_0, %get3A_1] : memref<2x2000x16xf32, #tpu.memory_space<vmem>>, vector<1x2000x16xf32>
    %get3A_3 = vector.shape_cast %get3A_2 : vector<1x2000x16xf32> to vector<2000x16xf32>
    %get3A_4 = arith.constant 1 : index
    %get3A_5 = arith.constant 0 : index
    %get3A_6 = arith.constant 0 : index
    %get3A_7 = vector.load %arg1[%get3A_4, %get3A_5, %get3A_6] : memref<2x2000x16xf32, #tpu.memory_space<vmem>>, vector<1x2000x16xf32>
    %get3A_8 = vector.shape_cast %get3A_7 : vector<1x2000x16xf32> to vector<2000x16xf32>
    %add3A = arith.addf %get3A_3, %get3A_8 : vector<2000x16xf32>
    %get3A_9 = arith.constant 0 : index
    %get3A_10 = arith.constant 0 : index
    %get3A_11 = vector.load %arg4[%get3A_9, %get3A_10] : memref<16x10xf32, #tpu.memory_space<vmem>>, vector<16x10xf32>
    %dot_general3A = arith.constant dense<0.000000e+00> : vector<2000x10xf32>
    %dot_general3A_12 = tpu.matmul %add3A, %get3A_11, %dot_general3A {dimension_numbers = #tpu.dot_dimension_numbers<[1], [0], [0], [1], [0, 0, 1, 1], [], []>, transpose_lhs_hint = false} : vector<2000x16xf32>, vector<16x10xf32>, vector<2000x10xf32> -> vector<2000x10xf32>
    %get3A_13 = arith.constant 0 : index
    %get3A_14 = arith.constant 0 : index
    %get3A_15 = vector.load %arg5[%get3A_13, %get3A_14] : memref<16x1xf32, #tpu.memory_space<vmem>>, vector<16x1xf32>
    %dot_general3A_16 = arith.constant dense<0.000000e+00> : vector<2000x1xf32>
    %dot_general3A_17 = tpu.matmul %add3A, %get3A_15, %dot_general3A_16 {dimension_numbers = #tpu.dot_dimension_numbers<[1], [0], [0], [1], [0, 0, 1, 1], [], []>, transpose_lhs_hint = false} : vector<2000x16xf32>, vector<16x1xf32>, vector<2000x1xf32> -> vector<2000x1xf32>
    %get3A_18 = arith.constant 0 : index
    %get3A_19 = arith.constant 0 : index
    %get3A_20 = vector.load %arg2[%get3A_18, %get3A_19] : memref<2000x16xf32, #tpu.memory_space<vmem>>, vector<2000x16xf32>
    %dot_general3A_21 = arith.constant dense<0.000000e+00> : vector<2000x10xf32>
    %dot_general3A_22 = tpu.matmul %get3A_20, %get3A_11, %dot_general3A_21 {dimension_numbers = #tpu.dot_dimension_numbers<[1], [0], [0], [1], [0, 0, 1, 1], [], []>, transpose_lhs_hint = false} : vector<2000x16xf32>, vector<16x10xf32>, vector<2000x10xf32> -> vector<2000x10xf32>
    %get3A_23 = arith.constant 0 : index
    %get3A_24 = arith.constant 0 : index
    %get3A_25 = vector.load %arg6[%get3A_23, %get3A_24] : memref<16x1xf32, #tpu.memory_space<vmem>>, vector<16x1xf32>
    %dot_general3A_26 = arith.constant dense<0.000000e+00> : vector<2000x1xf32>
    %dot_general3A_27 = tpu.matmul %get3A_20, %get3A_25, %dot_general3A_26 {dimension_numbers = #tpu.dot_dimension_numbers<[1], [0], [0], [1], [0, 0, 1, 1], [], []>, transpose_lhs_hint = false} : vector<2000x16xf32>, vector<16x1xf32>, vector<2000x1xf32> -> vector<2000x1xf32>
    %get3A_28 = arith.constant 0 : index
    %get3A_29 = arith.constant 0 : index
    %get3A_30 = vector.load %arg7[%get3A_28, %get3A_29] : memref<16x1xf32, #tpu.memory_space<vmem>>, vector<16x1xf32>
    %dot_general3A_31 = arith.constant dense<0.000000e+00> : vector<2000x1xf32>
    %dot_general3A_32 = tpu.matmul %get3A_20, %get3A_30, %dot_general3A_31 {dimension_numbers = #tpu.dot_dimension_numbers<[1], [0], [0], [1], [0, 0, 1, 1], [], []>, transpose_lhs_hint = false} : vector<2000x16xf32>, vector<16x1xf32>, vector<2000x1xf32> -> vector<2000x1xf32>
    %get3A_33 = arith.constant 0 : index
    %get3A_34 = arith.constant 0 : index
    %get3A_35 = memref.load %arg3[%get3A_33, %get3A_34] : memref<1x8xf32, #tpu.memory_space<smem>>
    %get3A_36 = arith.constant 0 : index
    %get3A_37 = arith.constant 1 : index
    %get3A_38 = memref.load %arg3[%get3A_36, %get3A_37] : memref<1x8xf32, #tpu.memory_space<smem>>
    %get3A_39 = arith.constant 0 : index
    %get3A_40 = arith.constant 2 : index
    %get3A_41 = memref.load %arg3[%get3A_39, %get3A_40] : memref<1x8xf32, #tpu.memory_space<smem>>
    %add3A_42 = arith.addf %dot_general3A_27, %dot_general3A_32 : vector<2000x1xf32>
    %mul3A = arith.mulf %get3A_38, %get3A_41 : f32
    %add3A_43 = vector.broadcast %mul3A : f32 to vector<2000x1xf32>
    %add3A_44 = arith.addf %add3A_42, %add3A_43 : vector<2000x1xf32>
    %gt3A = arith.constant 0.000000e+00 : f32
    %gt3A_45 = vector.broadcast %gt3A : f32 to vector<2000x1xf32>
    %gt3A_46 = arith.cmpf ogt, %add3A_44, %gt3A_45 : vector<2000x1xf32>
    %mul3A_47 = arith.constant 2.000000e-01 : f32
    %mul3A_48 = vector.broadcast %mul3A_47 : f32 to vector<2000x1xf32>
    %mul3A_49 = arith.mulf %mul3A_48, %add3A_44 : vector<2000x1xf32>
    %select_n3A = arith.select %gt3A_46, %add3A_44, %mul3A_49 : vector<2000x1xi1>, vector<2000x1xf32>
    %sub3A = vector.broadcast %get3A_35 : f32 to vector<2000x1xf32>
    %sub3A_50 = arith.subf %select_n3A, %sub3A : vector<2000x1xf32>
    %exp3A = math.exp %sub3A_50 : vector<2000x1xf32>
    %mul3A_51 = vector.broadcast %exp3A : vector<2000x1xf32> to vector<2000x10xf32>
    %mul3A_52 = arith.mulf %mul3A_51, %dot_general3A_22 : vector<2000x10xf32>
    %add3A_53 = arith.addf %dot_general3A_12, %mul3A_52 : vector<2000x10xf32>
    %add3A_54 = arith.addf %dot_general3A_17, %exp3A : vector<2000x1xf32>
    %add3A_55 = arith.constant 1.000000e-16 : f32
    %add3A_56 = vector.broadcast %add3A_55 : f32 to vector<2000x1xf32>
    %add3A_57 = arith.addf %add3A_54, %add3A_56 : vector<2000x1xf32>
    %div3A = vector.broadcast %add3A_57 : vector<2000x1xf32> to vector<2000x10xf32>
    %div3A_58 = arith.divf %add3A_53, %div3A : vector<2000x10xf32>
    %get3A_59 = arith.constant 0 : index
    %get3A_60 = arith.constant 0 : index
    %get3A_61 = vector.load %arg8[%get3A_59, %get3A_60] : memref<1x10xf32, #tpu.memory_space<vmem>>, vector<1x10xf32>
    %add3A_62 = vector.broadcast %get3A_61 : vector<1x10xf32> to vector<2000x10xf32>
    %add3A_63 = arith.addf %div3A_58, %add3A_62 : vector<2000x10xf32>
    %max3A = arith.constant 0.000000e+00 : f32
    %max3A_64 = vector.broadcast %max3A : f32 to vector<2000x10xf32>
    %max3A_65 = arith.maximumf %add3A_63, %max3A_64 : vector<2000x10xf32>
    %swap3A = arith.constant 0 : index
    %swap3A_66 = arith.constant 0 : index
    %swap3A_67 = vector.load %arg15[%swap3A, %swap3A_66] : memref<2000x10xf32, #tpu.memory_space<vmem>>, vector<2000x10xf32>
    tpu.vector_store %arg15[%swap3A, %swap3A_66], %max3A_65 {strides = array<i32>} : memref<2000x10xf32, #tpu.memory_space<vmem>>, vector<2000x10xf32>,
    %get3A_68 = arith.constant 0 : index
    %get3A_69 = arith.constant 0 : index
    %get3A_70 = vector.load %arg9[%get3A_68, %get3A_69] : memref<10x10xf32, #tpu.memory_space<vmem>>, vector<10x10xf32>
    %dot_general3A_71 = arith.constant dense<0.000000e+00> : vector<2000x10xf32>
    %dot_general3A_72 = tpu.matmul %add3A_63, %get3A_70, %dot_general3A_71 {dimension_numbers = #tpu.dot_dimension_numbers<[1], [0], [0], [1], [0, 0, 1, 1], [], []>, transpose_lhs_hint = false} : vector<2000x10xf32>, vector<10x10xf32>, vector<2000x10xf32> -> vector<2000x10xf32>
    %get3A_73 = arith.constant 0 : index
    %get3A_74 = arith.constant 0 : index
    %get3A_75 = vector.load %arg10[%get3A_73, %get3A_74] : memref<1x10xf32, #tpu.memory_space<vmem>>, vector<1x10xf32>
    %add3A_76 = vector.broadcast %get3A_75 : vector<1x10xf32> to vector<2000x10xf32>
    %add3A_77 = arith.addf %dot_general3A_72, %add3A_76 : vector<2000x10xf32>
    %max3A_78 = arith.constant 0.000000e+00 : f32
    %max3A_79 = vector.broadcast %max3A_78 : f32 to vector<2000x10xf32>
    %max3A_80 = arith.maximumf %add3A_77, %max3A_79 : vector<2000x10xf32>
    %get3A_81 = arith.constant 0 : index
    %get3A_82 = arith.constant 0 : index
    %get3A_83 = vector.load %arg11[%get3A_81, %get3A_82] : memref<10x10xf32, #tpu.memory_space<vmem>>, vector<10x10xf32>
    %dot_general3A_84 = arith.constant dense<0.000000e+00> : vector<2000x10xf32>
    %dot_general3A_85 = tpu.matmul %max3A_80, %get3A_83, %dot_general3A_84 {dimension_numbers = #tpu.dot_dimension_numbers<[1], [0], [0], [1], [0, 0, 1, 1], [], []>, transpose_lhs_hint = false} : vector<2000x10xf32>, vector<10x10xf32>, vector<2000x10xf32> -> vector<2000x10xf32>
    %get3A_86 = arith.constant 0 : index
    %get3A_87 = arith.constant 0 : index
    %get3A_88 = vector.load %arg12[%get3A_86, %get3A_87] : memref<1x10xf32, #tpu.memory_space<vmem>>, vector<1x10xf32>
    %add3A_89 = vector.broadcast %get3A_88 : vector<1x10xf32> to vector<2000x10xf32>
    %add3A_90 = arith.addf %dot_general3A_85, %add3A_89 : vector<2000x10xf32>
    %max3A_91 = arith.constant 0.000000e+00 : f32
    %max3A_92 = vector.broadcast %max3A_91 : f32 to vector<2000x10xf32>
    %max3A_93 = arith.maximumf %add3A_90, %max3A_92 : vector<2000x10xf32>
    %get3A_94 = arith.constant 0 : index
    %get3A_95 = arith.constant 0 : index
    %get3A_96 = vector.load %arg13[%get3A_94, %get3A_95] : memref<10x10xf32, #tpu.memory_space<vmem>>, vector<10x10xf32>
    %dot_general3A_97 = arith.constant dense<0.000000e+00> : vector<2000x10xf32>
    %dot_general3A_98 = tpu.matmul %max3A_93, %get3A_96, %dot_general3A_97 {dimension_numbers = #tpu.dot_dimension_numbers<[1], [0], [0], [1], [0, 0, 1, 1], [], []>, transpose_lhs_hint = false} : vector<2000x10xf32>, vector<10x10xf32>, vector<2000x10xf32> -> vector<2000x10xf32>
    %get3A_99 = arith.constant 0 : index
    %get3A_100 = arith.constant 0 : index
    %get3A_101 = vector.load %arg14[%get3A_99, %get3A_100] : memref<1x10xf32, #tpu.memory_space<vmem>>, vector<1x10xf32>
    %add3A_102 = vector.broadcast %get3A_101 : vector<1x10xf32> to vector<2000x10xf32>
    %add3A_103 = arith.addf %dot_general3A_98, %add3A_102 : vector<2000x10xf32>
    %swap3A_104 = arith.constant 0 : index
    %swap3A_105 = arith.constant 0 : index
    %swap3A_106 = vector.load %arg16[%swap3A_104, %swap3A_105] : memref<2000x10xf32, #tpu.memory_space<vmem>>, vector<2000x10xf32>
    tpu.vector_store %arg16[%swap3A_104, %swap3A_105], %add3A_103 {strides = array<i32>} : memref<2000x10xf32, #tpu.memory_space<vmem>>, vector<2000x10xf32>,
    return
  }
  func.func @transform_0(%arg0: i32) -> (i32, i32, i32) {
    %c0_i32 = arith.constant 0 : i32
    %c0_i32_0 = arith.constant 0 : i32
    %c0_i32_1 = arith.constant 0 : i32
    return %c0_i32, %arg0, %c0_i32_0 : i32, i32, i32
  }
  func.func @transform_1(%arg0: i32) -> (i32, i32) {
    %c0_i32 = arith.constant 0 : i32
    %c0_i32_0 = arith.constant 0 : i32
    return %arg0, %c0_i32 : i32, i32
  }
  func.func @transform_2(%arg0: i32) -> (i32, i32) {
    %c0_i32 = arith.constant 0 : i32
    %c0_i32_0 = arith.constant 0 : i32
    %c0_i32_1 = arith.constant 0 : i32
    return %c0_i32, %c0_i32_0 : i32, i32
  }
  func.func @transform_3(%arg0: i32) -> (i32, i32) {
    %c0_i32 = arith.constant 0 : i32
    %c0_i32_0 = arith.constant 0 : i32
    %c0_i32_1 = arith.constant 0 : i32
    return %c0_i32, %c0_i32_0 : i32, i32
  }
  func.func @transform_4(%arg0: i32) -> (i32, i32) {
    %c0_i32 = arith.constant 0 : i32
    %c0_i32_0 = arith.constant 0 : i32
    %c0_i32_1 = arith.constant 0 : i32
    return %c0_i32, %c0_i32_0 : i32, i32
  }
  func.func @transform_5(%arg0: i32) -> (i32, i32) {
    %c0_i32 = arith.constant 0 : i32
    %c0_i32_0 = arith.constant 0 : i32
    %c0_i32_1 = arith.constant 0 : i32
    return %c0_i32, %c0_i32_0 : i32, i32
  }
  func.func @transform_6(%arg0: i32) -> (i32, i32) {
    %c0_i32 = arith.constant 0 : i32
    %c0_i32_0 = arith.constant 0 : i32
    %c0_i32_1 = arith.constant 0 : i32
    return %c0_i32, %c0_i32_0 : i32, i32
  }
  func.func @transform_7(%arg0: i32) -> (i32, i32) {
    %c0_i32 = arith.constant 0 : i32
    %c0_i32_0 = arith.constant 0 : i32
    %c0_i32_1 = arith.constant 0 : i32
    return %c0_i32, %c0_i32_0 : i32, i32
  }
  func.func @transform_8(%arg0: i32) -> (i32, i32) {
    %c0_i32 = arith.constant 0 : i32
    %c0_i32_0 = arith.constant 0 : i32
    %c0_i32_1 = arith.constant 0 : i32
    return %c0_i32, %c0_i32_0 : i32, i32
  }
  func.func @transform_9(%arg0: i32) -> (i32, i32) {
    %c0_i32 = arith.constant 0 : i32
    %c0_i32_0 = arith.constant 0 : i32
    %c0_i32_1 = arith.constant 0 : i32
    return %c0_i32, %c0_i32_0 : i32, i32
  }
  func.func @transform_10(%arg0: i32) -> (i32, i32) {
    %c0_i32 = arith.constant 0 : i32
    %c0_i32_0 = arith.constant 0 : i32
    %c0_i32_1 = arith.constant 0 : i32
    return %c0_i32, %c0_i32_0 : i32, i32
  }
  func.func @transform_11(%arg0: i32) -> (i32, i32) {
    %c0_i32 = arith.constant 0 : i32
    %c0_i32_0 = arith.constant 0 : i32
    %c0_i32_1 = arith.constant 0 : i32
    return %c0_i32, %c0_i32_0 : i32, i32
  }
  func.func @transform_12(%arg0: i32) -> (i32, i32) {
    %c0_i32 = arith.constant 0 : i32
    %c0_i32_0 = arith.constant 0 : i32
    %c0_i32_1 = arith.constant 0 : i32
    return %c0_i32, %c0_i32_0 : i32, i32
  }
  func.func @transform_13(%arg0: i32) -> (i32, i32) {
    %c0_i32 = arith.constant 0 : i32
    %c0_i32_0 = arith.constant 0 : i32
    %c0_i32_1 = arith.constant 0 : i32
    return %c0_i32, %c0_i32_0 : i32, i32
  }
  func.func @transform_14(%arg0: i32) -> (i32, i32) {
    %c0_i32 = arith.constant 0 : i32
    %c0_i32_0 = arith.constant 0 : i32
    return %arg0, %c0_i32 : i32, i32
  }
  func.func @transform_15(%arg0: i32) -> (i32, i32) {
    %c0_i32 = arith.constant 0 : i32
    %c0_i32_0 = arith.constant 0 : i32
    return %arg0, %c0_i32 : i32, i32
  }
}

</mosaic_0001>

<sc_bundles>
// kernel: kernel.6.cloned.1.call-start
scs
__scs_entry_jumppad:
0x0: {  	(pc) =	sbr.rel $0x88, $3  }
0x1: {  	(tag) =	ssettag $0x0;
	lr =	simm.s32 $0x1  }
0x2: {  	[smem:$0x3F90] =	sst lr;
	_ =	strace $0xD0000000  }
0x3: {  	_ = 	snop  }
0x4: {  	_ = 	snop  }
0x5: {  	_ = 	snop  }
0x6: {  	_ = 	snop  }
0x7: {  	_ = 	snop  }
__scs_overlays_trampoline_lowered:
0x8: {  	[smem:$0x3F9F] =	sst s0  }
0x9: {  	[smem:$0x3FA0] =	sst s1  }
0xa: {  	[smem:$0x3FA1] =	sst s2  }
0xb: {  	[smem:$0x3FA2] =	sst s3  }
0xc: {  	[smem:$0x3FA3] =	sst s4  }
0xd: {  	[smem:$0x3FA4] =	sst s5  }
0xe: {  	[smem:$0x3FA5] =	sst s6  }
0xf: {  	[smem:$0x3FA6] =	sst s7  }
0x10: {  	[smem:$0x3FA7] =	sst s8  }
0x11: {  	[smem:$0x3FA8] =	sst s9;
	s0 =	simm.s32 @!p0 $0x0  }
0x12: {  	s1 =	sld [smem:$0x3F8E];
	s0 =	simm.s32 @p0 $0x1  }
0x13: {  	[smem:$0x3FA9] =	sst s0;
	s0 =	simm.s32 @!p1 $0x0  }
0x14: {  	s2 =	sld [smem:$0x3F8D];
	s0 =	simm.s32 @p1 $0x1  }
0x15: {  	[smem:$0x3FAA] =	sst s0;
	s0 =	simm.s32 @!p2 $0x0  }
0x16: {  	s3 =	sld [smem:$0x3FDB];
	s0 =	simm.s32 @p2 $0x1  }
0x17: {  	s4 =	simm.s32 $0x1BF5;
	[smem:$0x3FAC] =	sst s0  }
0x18: {  	s0 =	sld [smem:$0x3F8F];
	_ =	swait.ge [sflag:s4], $0x0  }
0x19: {  	s7 =	sld [smem:$0x3F90]  }
0x1a: {  	s8 =	sadd.s32 $0xFFFFE003, lr  }
0x1b: {  	s9 =	sadd.s32 $0xFFFFFEF7, lr;
	s5 =	simm.s32 $0xFFFFFFFF;
	p2 =	slt.u32 s8, $0xFFFFF086  }
0x1c: {  	p1 =	slt.u32 s9, $0xF7A;
	s5 =	simm.s32 @!p2 $0x0  }
0x1d: {  	s5 =	simm.s32 @p1 $0x1;
	p0 =	seq.s32 s7, s2  }
0x1e: {  	s7 =	smul.u32 @!p0 $0xF7A, s2;
	p2 =	seq.s32 @!p0 s5, $0x0  }
0x1f: {  	s9 =	smul.u32 $0xF7A, s1;
	s8 =	simm.s32 @!p0 $0x1BF5;
	p2 =	por !p2, p0  }
0x20: {  	[sflag:s8] =	ssyncset.s32 @!p0 $0xFFFFF086;
	s6 =	sadd.s32 @!p0 s3, s7;
	s7 =	simm.s32 @!p0 $0x108  }
0x21: {  	s3 =	sadd.s32 s3, s9;
	s6 =	sadd.s32 @!p0 $0x88, s6;
	s7 =	simm.s32 @p2 $0x1082  }
0x22: {  	[simem:s7], [sflag:s8] =	dma.local @!p0 [hbm:s6], $0xF7A  }
0x23: {  	s9 =	sor.u32 $0xD0000000, s2;
	s6 =	simm.s32 $0x108;
	_ =	swait.ge @!p0 [sflag:s8], $0x0  }
0x24: {  	s3 =	sadd.s32 $0x88, s3;
	s6 =	simm.s32 @!p1 $0x1082;
	[sflag:s4] =	ssyncset.s32 $0xFFFFF086  }
0x25: {  	[simem:s6], [sflag:s4] =	dma.local [hbm:s3], $0xF7A  }
0x26: {  	[smem:$0x3F90] =	sst s1;
	(tag) =	ssettag s2;
	_ =	strace s9  }
0x27: {  	s1 =	sld [smem:$0x3FA0]  }
0x28: {  	s2 =	sld [smem:$0x3FA1]  }
0x29: {  	s4 =	sld [smem:$0x3FA3]  }
0x2a: {  	p0 =	seq.s32 s5, $0x0;
	s5 =	sld [smem:$0x3FA4]  }
0x2b: {  	s6 =	sld [smem:$0x3FA5]  }
0x2c: {  	s7 =	sld [smem:$0x3FA6]  }
0x2d: {  	s3 =	simm.s32 $0x108;
	s8 =	sld [smem:$0x3FA7]  }
0x2e: {  	s3 =	simm.s32 @!p0 $0x1082;
	s9 =	sld [smem:$0x3FA8]  }
0x2f: {  	lr =	sadd.s32 s0, s3;
	s0 =	sld [smem:$0x3F9F]  }
0x30: {  	s3 =	sld [smem:$0x3FA2]  }
0x31: {  	[smem:$0x3FAB] =	sst s10  }
0x32: {  	s10 =	sld [smem:$0x3FA9];
	_ =	sdelay $0x3  }
0x33: {  	p0 =	seq.s32 s10, $0x1;
	s10 =	sld [smem:$0x3FAB];
	_ =	sdelay $0x3  }
0x34: {  	[smem:$0x3FAB] =	sst s10  }
0x35: {  	s10 =	sld [smem:$0x3FAA];
	_ =	sdelay $0x3  }
0x36: {  	p1 =	seq.s32 s10, $0x1;
	s10 =	sld [smem:$0x3FAB];
	_ =	sdelay $0x3  }
0x37: {  	[smem:$0x3FAB] =	sst s10  }
0x38: {  	s10 =	sld [smem:$0x3FAC]  }
0x39: {  	_ = 	snop;
	(pc) =	sbr.ind lr, $3  }
0x3a: {  	_ = 	snop  }
0x3b: {  	_ = 	snop  }
0x3c: {  	p2 =	seq.s32 s10, $0x1;
	s10 =	sld [smem:$0x3FAB]  }
0x3d: {  	_ =	shalt  }
0x3e: {  	_ =	shalt  }
0x3f: {  	_ =	shalt  }
0x40: {  	_ =	shalt  }
0x41: {  	_ =	shalt  }
0x42: {  	_ =	shalt  }
0x43: {  	_ =	shalt  }
0x44: {  	_ =	shalt  }
0x45: {  	_ =	shalt  }
0x46: {  	_ =	shalt  }
0x47: {  	_ =	shalt  }
0x48: {  	_ =	shalt  }
0x49: {  	_ =	shalt  }
0x4a: {  	_ =	shalt  }
0x4b: {  	_ =	shalt  }
0x4c: {  	_ =	shalt  }
0x4d: {  	_ =	shalt  }
0x4e: {  	_ =	shalt  }
0x4f: {  	_ =	shalt  }
0x50: {  	_ =	shalt  }
0x51: {  	_ =	shalt  }
0x52: {  	_ =	shalt  }
0x53: {  	_ =	shalt  }
0x54: {  	_ =	shalt  }
0x55: {  	_ =	shalt  }
0x56: {  	_ =	shalt  }
0x57: {  	_ =	shalt  }
0x58: {  	_ =	shalt  }
0x59: {  	_ =	shalt  }
0x5a: {  	_ =	shalt  }
0x5b: {  	_ =	shalt  }
0x5c: {  	_ =	shalt  }
0x5d: {  	_ =	shalt  }
0x5e: {  	_ =	shalt  }
0x5f: {  	_ =	shalt  }
0x60: {  	_ =	shalt  }
0x61: {  	_ =	shalt  }
0x62: {  	_ =	shalt  }
0x63: {  	_ =	shalt  }
0x64: {  	_ =	shalt  }
0x65: {  	_ =	shalt  }
0x66: {  	_ =	shalt  }
0x67: {  	_ =	shalt  }
0x68: {  	_ =	shalt  }
0x69: {  	_ =	shalt  }
0x6a: {  	_ =	shalt  }
0x6b: {  	_ =	shalt  }
0x6c: {  	_ =	shalt  }
0x6d: {  	_ =	shalt  }
0x6e: {  	_ =	shalt  }
0x6f: {  	_ =	shalt  }
0x70: {  	_ =	shalt  }
0x71: {  	_ =	shalt  }
0x72: {  	_ =	shalt  }
0x73: {  	_ =	shalt  }
0x74: {  	_ =	shalt  }
0x75: {  	_ =	shalt  }
0x76: {  	_ =	shalt  }
0x77: {  	_ =	shalt  }
0x78: {  	_ =	shalt  }
0x79: {  	_ =	shalt  }
0x7a: {  	_ =	shalt  }
0x7b: {  	_ =	shalt  }
0x7c: {  	_ =	shalt  }
0x7d: {  	_ =	shalt  }
0x7e: {  	_ =	shalt  }
0x7f: {  	_ =	shalt  }
0x80: {  	_ =	shalt  }
0x81: {  	_ =	shalt  }
0x82: {  	_ =	shalt  }
0x83: {  	_ =	shalt  }
0x84: {  	_ =	shalt  }
0x85: {  	_ =	shalt  }
0x86: {  	_ =	shalt  }
0x87: {  	_ =	shalt  }
.Lfunc_end0:
.L_simem_size_0:
called_computation_lowered:
.L_overlay_start_0:
0x88: {  	s2 =	sld [smem:$0x3FD9]  }
0x89: {  	s3 =	sld [smem:$0x3FFE];
	_ =	sdelay $0x1  }
0x8a: {  	s1 =	srdreg.scid  }
0x8b: {  	s0 =	sand.u32 $0x1, s1  }
0x8c: {  	s14 =	sshll.u32 s0, $0xA;
	s2 =	sadd.s32 s3, s2  }
0x8d: {  	s2 =	sadd.s32 s2, s14  }
0x8e: {  	[smem:$0x3FB7] =	sst s2  }
0x8f: {  	_ = 	snop  }
0x90: {  	s2 =	sld [smem:$0x3FD0];
	_ =	sdelay $0x2  }
0x91: {  	s4 =	simm.s32 $0xA;
	s5 =	simm.s32 $0x10;
	s15 =	sld [smem:$0x3FC7]  }
0x92: {  	[smem:s5], [sflag:s4] =	dma.local [hbm:s2], $0x1  }
0x93: {  	_ =	swait.eq [sflag:s4], $0x1  }
0x94: {  	[sflag:s4] =	ssyncset.done $0x0  }
0x95: {  	s16 =	sld [smem:$0x10];
	[sflag:s4] =	ssyncadd.s32 $0xFFFFFFFF  }
0x96: {  	s17 =	sld [smem:$0x11];
	(tm) =	ssettm $0x1  }
0x97: {  	s18 =	sld [smem:$0x3FFB];
	_ =	sdelay $0x3  }
0x98: {  	_ =	strace s18  }
0x99: {  	s5 =	sld [smem:$0x3FFC];
	_ =	sdelay $0x3  }
0x9a: {  	_ =	strace s5  }
0x9b: {  	s5 =	sld [smem:$0x3FFD];
	_ =	sdelay $0x3  }
0x9c: {  	_ =	strace s5  }
0x9d: {  	_ =	strace $0x8FFFFFFF  }
0x9e: {  	s19 =	sld [smem:$0x3FDB];
	_ =	sdelay $0x1  }
0x9f: {  	s6 =	simm.s32 $_scs_section_size  }
0xa0: {  	s7 =	simm.s32 $_size__tile_overlayer_lowered;
	s8 =	simm.s32 $_tile_overlayer_lowered  }
0xa1: {  	s22 =	simm.s32 $0x1BFF;
	s21 =	sshll.u32 s8, $0x1;
	s5 =	sadd.s32 s6, s19  }
0xa2: {  	s9 =	simm.s32 $0x0;
	s20 =	sshll.u32 s7, $0x1;
	s7 =	sadd.s32 s21, s5  }
0xa3: {  	[timem:s9], [sflag:s22] =	dma.local [hbm:s7], s20  }
0xa4: {  	_ =	swait.ge [sflag:s22], s20  }
0xa5: {  	s6 =	ssub.s32 $0x0, s20;
	[sflag:s22] =	ssyncset.done $0x0  }
0xa6: {  	[sflag:s22] =	ssyncadd.s32 s6;
	_ =	sdelay $0x1  }
0xa7: {  	s23 =	simm.s32 $0x1B8B  }
0xa8: {  	_ =	swait.ge [sflag:s23], $0x1  }
0xa9: {  	[sflag:s23] =	ssyncset.done $0x0  }
0xaa: {  	s25 =	simm.s32 $0x1B8E;
	s24 =	sld [smem:$0x3FFE];
	[sflag:s23] =	ssyncadd.s32 $0xFFFFFFFF  }
0xab: {  	s26 =	simm.s32 $execute0_lowered;
	[smem:$0x3FD2] =	sst s25  }
0xac: {  	s7 =	sshll.u32 s26, $0x1;
	_ =	strace $0x80000046;
	[dreg:$0x1] =	wrdreg $0xFFFFFFFF  }
0xad: {  	s28 =	simm.s32 $_size_execute0_lowered;
	s5 =	sadd.s32 s5, s7;
	[dreg:$0x0] =	wrdreg $0x0  }
0xae: {  	s7 =	sshll.u32 s28, $0x1;
	[dreg:$0x2] =	wrdreg s5  }
0xaf: {  	[dreg:$0x3] =	wrdreg s7  }
0xb0: {  	[dreg:$0x4] =	wrdreg $0xC0  }
0xb1: {  	_ =	task [dreg:s9], $0x5FFFF  }
0xb2: {  	[dreg:$0x1] =	wrdreg $0xFFFFFFFF  }
0xb3: {  	[dreg:$0x0] =	wrdreg $0x60  }
0xb4: {  	[dreg:$0x2] =	wrdreg s17  }
0xb5: {  	[dreg:$0x3] =	wrdreg s16  }
0xb6: {  	[dreg:$0x4] =	wrdreg s24  }
0xb7: {  	[dreg:$0x5] =	wrdreg s15  }
0xb8: {  	[dreg:$0x6] =	wrdreg $0x6BC00  }
0xb9: {  	[dreg:$0x7] =	wrdreg $0x9  }
0xba: {  	_ =	task.clear_ibuf [dreg:s9], $0x8FFFF;
	_ =	strace $0x90000046  }
0xbb: {  	s29 =	simm.s32 $0x9;
	_ =	strace $0x80000048  }
0xbc: {  	_ =	swait.ge [sflag:s29], $0x1  }
0xbd: {  	[sflag:s29] =	ssyncadd.s32 $0xFFFFFFFF  }
0xbe: {  	_ =	strace $0x90000048  }
0xbf: {  	_ =	sfence  }
0xc0: {  	s30 =	sld [smem:$0x0];
	_ =	sdelay $0x2  }
0xc1: {  	s31 =	sshll.u32 s1, $0xD;
	s1 =	sshrl.u32 s1, $0x2  }
0xc2: {  	s3 =	sand.u32 $0x4000, s31;
	s1 =	sadd.s32 s1, s30  }
0xc3: {  	s0 =	sor.u32 s3, s0;
	s1 =	sshll.u32 s1, $0x11  }
0xc4: {  	s0 =	sor.u32 s1, s0  }
0xc5: {  	s0 =	sadd.s32 $0x8F2B, s0  }
0xc6: {  	[sflag:s0] =	ssyncadd.remote.s32 $0x1  }
0xc7: {  	_ =	sfence.sel $0xFFFF  }
0xc8: {  	[dreg:$0x0] =	wrdreg $0xFFFFFFFF;
	(pc) =	sbr.abs _section_cstart, $3  }
0xc9: {  	[dreg:$0x1] =	wrdreg $0xFFFFFFFF  }
0xca: {  	_ =	task.clear_ibuf [dreg:s9], $0x2FFFF;
	_ =	strace $0x9FFFFFFF  }
0xcb: {  	(tm) =	ssettm $0x7FFFFFFF  }
tec
execute0_lowered:
.L_overlay_start_1:
0x0: {  	(tag) =	ssettag $0x1  }
0x1: {  	s1 =	rddreg [dreg:$0x0]  }
0x2: {  	s2 =	rddreg [dreg:$0x1]  }
0x3: {  	s0 =	rddreg [dreg:$0x2]  }
0x4: {  	s22 =	rddreg [dreg:$0x3]  }
0x5: {  	s5 =	rddreg [dreg:$0x4];
	s14 =	simm.s32 $0x0  }
0x6: {  	s3 =	srdreg.scid;
	s13 =	stileid.u32;
	s15 =	simm.s32 $0x4F  }
0x7: {  	s28 =	simm.s32 $0x80;
	s29 =	simm.s32 $0x4700;
	s31 =	simm.s32 $0x480  }
0x8: {  	s16 =	simm.s32 $0x0;
	[smem:$0x7FF] =	sst s14;
	s3 =	sand.u32 $0x1, s3  }
0x9: {  	s4 =	smul.u32 $0x18700, s13;
	s7 =	sadd.s32 $0xC4600, s0;
	s8 =	sadd.s32 $0x62A00, s0  }
0xa: {  	s9 =	sadd.s32 $0xE00, s0;
	s10 =	sadd.s32 $0x200, s0;
	s17 =	sshll.u32 s13, $0x1  }
0xb: {  	s11 =	sadd.s32 $0xC7800, s0;
	p0 =	slt.u32 s13, $0x2;
	s20 =	sshll.u32 s13, $0x6  }
0xc: {  	_ =	strace $0x80000047;
	s6 =	smul.u32 $0x187000, s3;
	[dreg:$0x6] =	wrdreg s10  }
0xd: {  	[dreg:$0x7] =	wrdreg s11;
	s10 =	sor.u32 s3, s17;
	s3 =	ssub.s32 $0x2, s3  }
0xe: {  	s15 =	simm.s32 @!p0 $0x4E;
	s13 =	sor.u32 $0x1C05, s20;
	s20 =	simm.s32 $0x780  }
0xf: {  	s11 =	simm.s32 $0x980;
	s17 =	simm.s32 $0x1;
	s18 =	sshll.u32 s10, $0x1  }
0x10: {  	s19 =	sshrl.u32 s3, $0x1;
	s12 =	smul.u32 $0x4E, s10;
	[dreg:$0x8] =	wrdreg s15  }
0x11: {  	s10 =	smin.u32 s10, $0x4;
	[dreg:$0xa] =	wrdreg s13;
	s6 =	sadd.s32 s4, s6  }
0x12: {  	s3 =	ssub.s32 s3, s19;
	s4 =	sadd.s32 s4, s5;
	s19 =	simm.s32 $0x280  }
0x13: {  	s6 =	sshrl.u32 s6, $0x3;
	s12 =	sadd.s32 s10, s12;
	s30 =	smax.u32 s3, $0x1  }
0x14: {  	s10 =	simm.s32 $0x5700;
	s6 =	sadd.s32 s6, s0;
	s0 =	sadd.s32 s18, s0  }
0x15: {  	s21 =	sadd.s32 s15, s12;
	[dreg:$0x9] =	wrdreg s12;
	s12 =	smul.u32 $0xA0, s12  }
0x16: {  	[dreg:$0x11] =	wrdreg s30;
	s15 =	simm.s32 $0x3700;
	s23 =	sshll.u32 s21, $0x1  }
0x17: {  	s18 =	simm.s32 $0x2;
	s6 =	sadd.s32 $0xCAA00, s6;
	[dreg:$0xb] =	wrdreg s23  }
0x18: {  	s0 =	sadd.s32 $0x400, s0;
	s21 =	simm.s32 $0x3F00;
	[dreg:$0xf] =	wrdreg s6  }
0x19: {  	s24 =	sadd.s32 s8, s12;
	s25 =	sadd.s32 s9, s12;
	[dreg:$0x10] =	wrdreg s0  }
0x1a: {  	s26 =	sadd.s32 s22, s12;
	s12 =	sshrl.u32 s4, $0x3;
	[dreg:$0xc] =	wrdreg s24  }
0x1b: {  	s23 =	simm.s32 $0x5;
	s0 =	simm.s32 $0x880;
	[dreg:$0xd] =	wrdreg s25  }
0x1c: {  	s6 =	simm.s32 $0x4F00;
	s4 =	simm.s32 $0x900;
	[dreg:$0xe] =	wrdreg s26  }
0x1d: {  	v0 =	vimm.f32 $0.0e+00;
	s24 =	simm.s32 $0x400;
	s26 =	simm.s32 $0x3;
	[dreg:$0x12] =	wrdreg s12  }
.LBB2_1:
0x1e: {  	[dreg:$0x13] =	wrdreg s16  }
0x1f: {  	s3 =	rddreg [dreg:$0x7]  }
0x20: {  	[spmem:s12], [sflag:s13] =	dma.local [hbm:s3], $0x30E0  }
0x21: {  	_ =	swait.ge [sflag:s23], $0x30E0  }
0x22: {  	[sflag:s23] =	ssyncset.done $0x0  }
0x23: {  	s16 =	simm.s32 $0x6B90;
	s13 =	rddreg [dreg:$0x6];
	[sflag:s23] =	ssyncadd.s32 $0xFFFFCF20  }
0x24: {  	[tilespmem:s16], [sflag:$0x5] =	stream.linear.gather [hbm4b:s13+s14], $0x20, $0x38;
	[tilespmem:$0x1F2C0] =	vst v63  }
0x25: {  	_ =	swait.ge [sflag:s23], $0x20  }
0x26: {  	[sflag:s23] =	ssyncset.done $0x0  }
0x27: {  	[sflag:s23] =	ssyncadd.s32 $0xFFFFFFE0  }
0x28: {  	[tilespmem:$0x6BB0] =	vst v0  }
0x29: {  	[bflag:$0x0] =	sbarrier.arrive $0xFFFF  }
0x2a: {  	v1 =	vld [tilespmem:$0x6B90];
	s25 =	rddreg [dreg:$0xc]  }
0x2b: {  	v2 =	vld [tilespmem:$0x6BA0];
	[tilespmem:s14], [sflag:$0x5] =	stream.linear.gather [hbm4b:s25+s14], $0x280, $0x38  }
0x2c: {  	_ =	swait.ge [sflag:s23], $0x280  }
0x2d: {  	[sflag:s23] =	ssyncset.done $0x0  }
0x2e: {  	s12 =	simm.s32 $0x500;
	s30 =	rddreg [dreg:$0xd];
	[sflag:s23] =	ssyncadd.s32 $0xFFFFFD80  }
0x2f: {  	[tilespmem:s12], [sflag:$0x5] =	stream.linear.gather [hbm4b:s30+s14], $0x280, $0x38;
	[tilespmem:$0x1F2C0] =	vst v63  }
0x30: {  	_ =	swait.ge [sflag:s23], $0x280  }
0x31: {  	[sflag:s23] =	ssyncset.done $0x0  }
0x32: {  	s16 =	simm.s32 $0xA00;
	s13 =	rddreg [dreg:$0xe];
	[sflag:s23] =	ssyncadd.s32 $0xFFFFFD80  }
0x33: {  	[tilespmem:s16], [sflag:$0x5] =	stream.linear.gather [hbm4b:s13+s14], $0x280, $0x38;
	[tilespmem:$0x1F2C0] =	vst v63  }
0x34: {  	_ =	swait.ge [sflag:s23], $0x280  }
0x35: {  	[sflag:s23] =	ssyncset.done $0x0  }
0x36: {  	s25 =	simm.s32 $0xF00;
	[sflag:s23] =	ssyncadd.s32 $0xFFFFFD80  }
0x37: {  	[tilespmem:s25], [sflag:$0x1] =	stream.indirect.gather [hbm4b:s1+s28], $0x10, s14, s28, $0xb8;
	[tilespmem:$0x1F2C0] =	vst v63  }
0x38: {  	s30 =	simm.s32 $0x5F00  }
0x39: {  	[tilespmem:s30], [sflag:$0x1] =	stream.indirect.gather [hbm4b:s2+s28], $0x1, s14, s28, $0xb8;
	[tilespmem:$0x1F2C0] =	vst v63  }
0x3a: {  	s13 =	simm.s32 $0x6400  }
0x3b: {  	[tilespmem:s13], [sflag:$0x1] =	stream.indirect.gather [hbm4b:s7+s28], $0x1, s12, s28, $0xb8;
	[tilespmem:$0x1F2C0] =	vst v63  }
0x3c: {  	s14 =	simm.s32 $0x1700  }
0x3d: {  	[tilespmem:s14], [sflag:$0x1] =	stream.indirect.gather [hbm4b:s1+s28], $0x10, s28, s28, $0xb8;
	[tilespmem:$0x1F2C0] =	vst v63  }
0x3e: {  	s16 =	simm.s32 $0x5F80  }
0x3f: {  	[tilespmem:s16], [sflag:$0x1] =	stream.indirect.gather [hbm4b:s2+s28], $0x1, s28, s28, $0xb8;
	[tilespmem:$0x1F2C0] =	vst v63  }
0x40: {  	s25 =	simm.s32 $0x580;
	s30 =	simm.s32 $0x6480  }
0x41: {  	[tilespmem:s30], [sflag:$0x1] =	stream.indirect.gather [hbm4b:s7+s28], $0x1, s25, s28, $0xb8;
	[tilespmem:$0x1F2C0] =	vst v63  }
0x42: {  	s13 =	simm.s32 $0x100;
	s14 =	simm.s32 $0x1F00  }
0x43: {  	[tilespmem:s14], [sflag:$0x1] =	stream.indirect.gather [hbm4b:s1+s28], $0x10, s13, s28, $0xb8;
	[tilespmem:$0x1F2C0] =	vst v63  }
0x44: {  	s16 =	simm.s32 $0x6000  }
0x45: {  	[tilespmem:s16], [sflag:$0x1] =	stream.indirect.gather [hbm4b:s2+s28], $0x1, s13, s28, $0xb8;
	[tilespmem:$0x1F2C0] =	vst v63  }
0x46: {  	s25 =	simm.s32 $0x600;
	s30 =	simm.s32 $0x6500  }
0x47: {  	[tilespmem:s30], [sflag:$0x1] =	stream.indirect.gather [hbm4b:s7+s28], $0x1, s25, s28, $0xb8;
	[tilespmem:$0x1F2C0] =	vst v63  }
0x48: {  	s14 =	simm.s32 $0x2700;
	s13 =	simm.s32 $0x180  }
0x49: {  	[tilespmem:s14], [sflag:$0x1] =	stream.indirect.gather [hbm4b:s1+s28], $0x10, s13, s28, $0xb8;
	[tilespmem:$0x1F2C0] =	vst v63  }
0x4a: {  	s16 =	simm.s32 $0x6080  }
0x4b: {  	[tilespmem:s16], [sflag:$0x1] =	stream.indirect.gather [hbm4b:s2+s28], $0x1, s13, s28, $0xb8;
	[tilespmem:$0x1F2C0] =	vst v63  }
0x4c: {  	s25 =	simm.s32 $0x680;
	s30 =	simm.s32 $0x6580  }
0x4d: {  	[tilespmem:s30], [sflag:$0x1] =	stream.indirect.gather [hbm4b:s7+s28], $0x1, s25, s28, $0xb8;
	[tilespmem:$0x1F2C0] =	vst v63  }
0x4e: {  	s14 =	simm.s32 $0x2F00;
	s13 =	simm.s32 $0x200  }
0x4f: {  	[tilespmem:s14], [sflag:$0x1] =	stream.indirect.gather [hbm4b:s1+s28], $0x10, s13, s28, $0xb8;
	[tilespmem:$0x1F2C0] =	vst v63  }
0x50: {  	s16 =	simm.s32 $0x6100  }
0x51: {  	[tilespmem:s16], [sflag:$0x1] =	stream.indirect.gather [hbm4b:s2+s28], $0x1, s13, s28, $0xb8;
	[tilespmem:$0x1F2C0] =	vst v63  }
0x52: {  	s25 =	simm.s32 $0x700;
	s30 =	simm.s32 $0x6600  }
0x53: {  	[tilespmem:s30], [sflag:$0x1] =	stream.indirect.gather [hbm4b:s7+s28], $0x1, s25, s28, $0xb8;
	[tilespmem:$0x1F2C0] =	vst v63  }
0x54: {  	s25 =	simm.s32 $0x0  }
.LBB2_2:
0x55: {  	p0 =	seq.s32 s25, $0x0  }
0x56: {  	s12 =	simm.s32 @!p0 $0x4  }
0x57: {  	_ =	swait.ge @!p0 [sflag:s12], $0x800  }
0x58: {  	[sflag:s12] =	ssyncset.done @!p0 $0x0  }
0x59: {  	[sflag:s12] =	ssyncadd.s32 @!p0 $0xFFFFF800  }
0x5a: {  	_ =	swait.ge @!p0 [sflag:s12], $0x800  }
0x5b: {  	[sflag:s12] =	ssyncset.done @!p0 $0x0  }
0x5c: {  	[sflag:s12] =	ssyncadd.s32 @!p0 $0xFFFFF800  }
0x5d: {  	_ =	swait.ge @!p0 [sflag:s12], $0x800  }
0x5e: {  	[sflag:s12] =	ssyncset.done @!p0 $0x0  }
0x5f: {  	s3 =	rddreg [dreg:$0x9];
	[sflag:s12] =	ssyncadd.s32 @!p0 $0xFFFFF800  }
0x60: {  	s3 =	sadd.s32 s3, s25;
	_ =	swait.ge @!p0 [sflag:s12], $0x800  }
0x61: {  	s13 =	smul.u32 $0x500, s3;
	[sflag:s12] =	ssyncset.done @!p0 $0x0  }
0x62: {  	[sflag:s12] =	ssyncadd.s32 @!p0 $0xFFFFF800  }
0x63: {  	s13 =	sshrl.u32 s13, $0x3;
	_ =	swait.ge @!p0 [sflag:s12], $0x800  }
0x64: {  	s13 =	sadd.s32 $0x50, s13;
	[sflag:s12] =	ssyncset.done @!p0 $0x0  }
0x65: {  	s14 =	simm.s32 $0x0;
	s16 =	sadd.s32 s8, s13;
	[sflag:s12] =	ssyncadd.s32 @!p0 $0xFFFFF800  }
0x66: {  	[tilespmem:s19], [sflag:$0x5] =	stream.linear.gather [hbm4b:s16+s14], $0x280, $0x38;
	[tilespmem:$0x1F2C0] =	vst v63  }
0x67: {  	_ =	swait.ge [sflag:s23], $0x280  }
0x68: {  	[sflag:s23] =	ssyncset.done $0x0  }
0x69: {  	s16 =	sadd.s32 s9, s13;
	[sflag:s23] =	ssyncadd.s32 $0xFFFFFD80  }
0x6a: {  	[tilespmem:s20], [sflag:$0x5] =	stream.linear.gather [hbm4b:s16+s14], $0x280, $0x38;
	[tilespmem:$0x1F2C0] =	vst v63  }
0x6b: {  	_ =	swait.ge [sflag:s23], $0x280  }
0x6c: {  	s30 =	smov.u32 s22;
	[sflag:s23] =	ssyncset.done $0x0  }
0x6d: {  	s13 =	sadd.s32 s22, s13;
	s22 =	simm.s32 $0xC80;
	[sflag:s23] =	ssyncadd.s32 $0xFFFFFD80  }
0x6e: {  	[tilespmem:s22], [sflag:$0x5] =	stream.linear.gather [hbm4b:s13+s14], $0x280, $0x38;
	[tilespmem:$0x1F2C0] =	vst v63  }
0x6f: {  	_ =	swait.ge [sflag:s23], $0x280  }
0x70: {  	[sflag:s23] =	ssyncset.done $0x0  }
0x71: {  	[sflag:s23] =	ssyncadd.s32 $0xFFFFFD80  }
0x72: {  	[tilespmem:s15], [sflag:$0x2] =	stream.indirect.gather [hbm4b:s1+s28], $0x10, s19, s28, $0xb8;
	[tilespmem:$0x1F2C0] =	vst v63  }
0x73: {  	s15 =	simm.s32 $0x6180  }
0x74: {  	[tilespmem:s15], [sflag:$0x2] =	stream.indirect.gather [hbm4b:s2+s28], $0x1, s19, s28, $0xb8;
	[tilespmem:$0x1F2C0] =	vst v63  }
0x75: {  	s22 =	simm.s32 $0x6680  }
0x76: {  	[tilespmem:s22], [sflag:$0x2] =	stream.indirect.gather [hbm4b:s7+s28], $0x1, s20, s28, $0xb8;
	[tilespmem:$0x1F2C0] =	vst v63  }
0x77: {  	s13 =	simm.s32 $0x300  }
0x78: {  	[tilespmem:s21], [sflag:$0x2] =	stream.indirect.gather [hbm4b:s1+s28], $0x10, s13, s28, $0xb8;
	[tilespmem:$0x1F2C0] =	vst v63  }
0x79: {  	s14 =	simm.s32 $0x6200  }
0x7a: {  	[tilespmem:s14], [sflag:$0x2] =	stream.indirect.gather [hbm4b:s2+s28], $0x1, s13, s28, $0xb8;
	[tilespmem:$0x1F2C0] =	vst v63  }
0x7b: {  	s16 =	simm.s32 $0x800;
	s15 =	simm.s32 $0x6700  }
0x7c: {  	[tilespmem:s15], [sflag:$0x2] =	stream.indirect.gather [hbm4b:s7+s28], $0x1, s16, s28, $0xb8;
	[tilespmem:$0x1F2C0] =	vst v63  }
0x7d: {  	s21 =	simm.s32 $0x380  }
0x7e: {  	[tilespmem:s29], [sflag:$0x2] =	stream.indirect.gather [hbm4b:s1+s28], $0x10, s21, s28, $0xb8;
	[tilespmem:$0x1F2C0] =	vst v63  }
0x7f: {  	s22 =	simm.s32 $0x6280  }
0x80: {  	[tilespmem:s22], [sflag:$0x2] =	stream.indirect.gather [hbm4b:s2+s28], $0x1, s21, s28, $0xb8;
	[tilespmem:$0x1F2C0] =	vst v63  }
0x81: {  	s14 =	simm.s32 $0x6780  }
0x82: {  	[tilespmem:s14], [sflag:$0x2] =	stream.indirect.gather [hbm4b:s7+s28], $0x1, s0, s28, $0xb8;
	[tilespmem:$0x1F2C0] =	vst v63  }
0x83: {  	_ = 	snop  }
0x84: {  	[tilespmem:s6], [sflag:$0x2] =	stream.indirect.gather [hbm4b:s1+s28], $0x10, s24, s28, $0xb8;
	[tilespmem:$0x1F2C0] =	vst v63  }
0x85: {  	s15 =	simm.s32 $0x6300  }
0x86: {  	[tilespmem:s15], [sflag:$0x2] =	stream.indirect.gather [hbm4b:s2+s28], $0x1, s24, s28, $0xb8;
	[tilespmem:$0x1F2C0] =	vst v63  }
0x87: {  	s16 =	simm.s32 $0x6800  }
0x88: {  	[tilespmem:s16], [sflag:$0x2] =	stream.indirect.gather [hbm4b:s7+s28], $0x1, s4, s28, $0xb8;
	[tilespmem:$0x1F2C0] =	vst v63  }
0x89: {  	_ = 	snop  }
0x8a: {  	[tilespmem:s10], [sflag:$0x2] =	stream.indirect.gather [hbm4b:s1+s28], $0x10, s31, s28, $0xb8;
	[tilespmem:$0x1F2C0] =	vst v63  }
0x8b: {  	s21 =	simm.s32 $0x6380  }
0x8c: {  	[tilespmem:s21], [sflag:$0x2] =	stream.indirect.gather [hbm4b:s2+s28], $0x1, s31, s28, $0xb8;
	[tilespmem:$0x1F2C0] =	vst v63  }
0x8d: {  	s22 =	simm.s32 $0x6880  }
0x8e: {  	[tilespmem:s22], [sflag:$0x2] =	stream.indirect.gather [hbm4b:s7+s28], $0x1, s11, s28, $0xb8;
	[tilespmem:$0x1F2C0] =	vst v63  }
0x8f: {  	_ =	swait.ge [sflag:s17], $0x800  }
0x90: {  	[sflag:s17] =	ssyncset.done $0x0  }
0x91: {  	[sflag:s17] =	ssyncadd.s32 $0xFFFFF800  }
0x92: {  	_ =	swait.ge [sflag:s17], $0x80  }
0x93: {  	[sflag:s17] =	ssyncset.done $0x0  }
0x94: {  	[sflag:s17] =	ssyncadd.s32 $0xFFFFFF80  }
0x95: {  	_ =	swait.ge [sflag:s17], $0x80  }
0x96: {  	[sflag:s17] =	ssyncset.done $0x0  }
0x97: {  	[sflag:s17] =	ssyncadd.s32 $0xFFFFFF80  }
0x98: {  	_ =	swait.ge [sflag:s17], $0x800  }
0x99: {  	[sflag:s17] =	ssyncset.done $0x0  }
0x9a: {  	[sflag:s17] =	ssyncadd.s32 $0xFFFFF800  }
0x9b: {  	_ =	swait.ge [sflag:s17], $0x80  }
0x9c: {  	[sflag:s17] =	ssyncset.done $0x0  }
0x9d: {  	[sflag:s17] =	ssyncadd.s32 $0xFFFFFF80  }
0x9e: {  	_ =	swait.ge [sflag:s17], $0x80  }
0x9f: {  	[sflag:s17] =	ssyncset.done $0x0  }
0xa0: {  	[sflag:s17] =	ssyncadd.s32 $0xFFFFFF80  }
0xa1: {  	_ =	swait.ge [sflag:s17], $0x800  }
0xa2: {  	[sflag:s17] =	ssyncset.done $0x0  }
0xa3: {  	[sflag:s17] =	ssyncadd.s32 $0xFFFFF800  }
0xa4: {  	_ =	swait.ge [sflag:s17], $0x80  }
0xa5: {  	[sflag:s17] =	ssyncset.done $0x0  }
0xa6: {  	[sflag:s17] =	ssyncadd.s32 $0xFFFFFF80  }
0xa7: {  	_ =	swait.ge [sflag:s17], $0x80  }
0xa8: {  	[sflag:s17] =	ssyncset.done $0x0  }
0xa9: {  	[sflag:s17] =	ssyncadd.s32 $0xFFFFFF80  }
0xaa: {  	_ =	swait.ge [sflag:s17], $0x800  }
0xab: {  	[sflag:s17] =	ssyncset.done $0x0  }
0xac: {  	[sflag:s17] =	ssyncadd.s32 $0xFFFFF800  }
0xad: {  	_ =	swait.ge [sflag:s17], $0x80  }
0xae: {  	[sflag:s17] =	ssyncset.done $0x0  }
0xaf: {  	[sflag:s17] =	ssyncadd.s32 $0xFFFFFF80  }
0xb0: {  	_ =	swait.ge [sflag:s17], $0x80  }
0xb1: {  	[sflag:s17] =	ssyncset.done $0x0  }
0xb2: {  	[sflag:s17] =	ssyncadd.s32 $0xFFFFFF80  }
0xb3: {  	_ =	swait.ge [sflag:s17], $0x800  }
0xb4: {  	[sflag:s17] =	ssyncset.done $0x0  }
0xb5: {  	[sflag:s17] =	ssyncadd.s32 $0xFFFFF800  }
0xb6: {  	_ =	swait.ge [sflag:s17], $0x80  }
0xb7: {  	[sflag:s17] =	ssyncset.done $0x0  }
0xb8: {  	[sflag:s17] =	ssyncadd.s32 $0xFFFFFF80  }
0xb9: {  	_ =	swait.ge [sflag:s17], $0x80  }
0xba: {  	[sflag:s17] =	ssyncset.done $0x0  }
0xbb: {  	s12 =	simm.s32 $0x0;
	[sflag:s17] =	ssyncadd.s32 $0xFFFFFF80  }
0xbc: {  	v3 =	vld [tilespmem:s12+$0x5F00]  }
0xbd: {  	v4 =	vld [tilespmem:s12+$0x6400]  }
0xbe: {  	v5 =	vld [tilespmem:s12+$0xA00];
	_ =	sdelay $0x1  }
0xbf: {  	s13 =	simm.s32 $0x10  }
0xc0: {  	v6 =	vld [tilespmem:s13+$0x5F00]  }
0xc1: {  	v7 =	vld [tilespmem:s13+$0x6400]  }
0xc2: {  	v8 =	vld [tilespmem:s13+$0xA00];
	v3 =	vadd.f32 v4, v3;
	v4 =	vmul.f32 v5, v2;
	_ =	sdelay $0x1  }
0xc3: {  	v3 =	vadd.f32 v4, v3;
	_ =	sdelay $0x1  }
0xc4: {  	s15 =	simm.s32 $0x20;
	v9 =	vmul.f32 $2.000000030e-01, v3  }
0xc5: {  	v10 =	vld [tilespmem:s15+$0x6400];
	v6 =	vadd.f32 v7, v6;
	v7 =	vmul.f32 v8, v2;
	vm0 =	vgt.f32 v3, $0.0e+00  }
0xc6: {  	v4 =	vld [tilespmem:s15+$0x5F00];
	v3 =	vsel vm0, v3, v9  }
0xc7: {  	v6 =	vadd.f32 v7, v6;
	v7 =	vld [tilespmem:s15+$0xA00];
	v3 =	vsub.f32 v3, v1  }
0xc8: {  	v9 =	vimm.f32 $0.0e+00  }
0xc9: {  	v5 =	vadd.f32 v5, v9;
	v9 =	vmul.f32 $2.000000030e-01, v6;
	v3 =	vmul.f32 $1.442695020e+00, v3  }
0xca: {  	s21 =	simm.s32 $0x30;
	vm15 =	vgt.f32 v6, $0.0e+00  }
0xcb: {  	v8 =	vadd.f32 v8, v5;
	v6 =	vsel vm15, v6, v9;
	v5 =	vld [tilespmem:s21+$0x5F00];
	(erf) = vpow2.f32 v3  }
0xcc: {  	v9 =	vadd.f32 v10, v4;
	v10 =	vmul.f32 v7, v2;
	v11 =	vsub.f32 v6, v1;
	v6 =	vld [tilespmem:s21+$0x6400]  }
0xcd: {  	v3 =	vld [tilespmem:s21+$0xA00]  }
0xce: {  	v4 =	vadd.f32 v7, v8;
	v7 =	vadd.f32 v10, v9  }
0xcf: {  	s3 =	sshll.u32 s3, $0x1;
	s14 =	simm.s32 $0x100;
	v8 =	vmul.f32 $1.442695020e+00, v11  }
.LBB2_3:
0xd0: {  	v9 =	vmul.f32 $2.000000030e-01, v7;
	v10 =	vmov v5;
	s22 =	smov.u32 s21;
	s21 =	sshra.s32 s14, $0x2;
	p0 =	sne.s32 s14, $0x9C0  }
.Ltmp0:
0xd1: {  	vm0 =	vgt.f32 v7, $0.0e+00;
	v5 =	vld [tilespmem:s21+$0x5F00];
	(erf) = vpow2.f32 v8;
	(pc) =	sbr.rel @p0 .LBB2_3-.Ltmp0, $4  }
0xd2: {  	s14 =	sadd.s32 $0x40, s14;
	v8 =	vadd.f32 v6, v10;
	v6 =	vld [tilespmem:s21+$0x6400];
	v11 =	vmul.f32 v3, v2;
	v7 =	vsel vm0, v7, v9  }
0xd3: {  	v4 =	vadd.f32 v3, v4;
	v3 =	vld [tilespmem:s21+$0xA00];
	v9 =	vsub.f32 v7, v1  }
0xd4: {  	v7 =	vadd.f32 v11, v8;
	v10 =	vpop (erf)  }
0xd5: {  	v8 =	vmul.f32 $1.442695020e+00, v9;
	[tilespmem:s12+$0x6900] =	vst v10;
	s12 =	smov.u32 s13;
	s13 =	smov.u32 s15;
	s15 =	smov.u32 s22  }
0xd6: {  	_ =	sdelay $0x1  }
0xd7: {  	v5 =	vadd.f32 v6, v5;
	v6 =	vmul.f32 v3, v2;
	_ =	sdelay $0x1  }
0xd8: {  	v5 =	vadd.f32 v6, v5  }
0xd9: {  	v6 =	vmul.f32 $2.000000030e-01, v7  }
0xda: {  	vm0 =	vgt.f32 v7, $0.0e+00;
	v9 =	vmul.f32 $2.000000030e-01, v5  }
0xdb: {  	v6 =	vsel vm0, v7, v6;
	vm15 =	vgt.f32 v5, $0.0e+00  }
0xdc: {  	v6 =	vsub.f32 v6, v1;
	v5 =	vsel vm15, v5, v9  }
0xdd: {  	v5 =	vsub.f32 v5, v1  }
0xde: {  	v6 =	vmul.f32 $1.442695020e+00, v6  }
0xdf: {  	(erf) = vpow2.f32 v8;
	v5 =	vmul.f32 $1.442695020e+00, v5  }
0xe0: {  	(erf) = vpow2.f32 v6  }
0xe1: {  	(erf) = vpow2.f32 v5;
	_ =	sdelay $0x5  }
0xe2: {  	v5 =	vpop (erf)  }
0xe3: {  	v6 =	vpop (erf);
	[tilespmem:s12+$0x6900] =	vst v5  }
0xe4: {  	[tilespmem:s13+$0x6900] =	vst v6;
	v5 =	vpop (erf)  }
0xe5: {  	[tilespmem:s15+$0x6900] =	vst v5;
	v5 =	vpop (erf)  }
0xe6: {  	[tilespmem:s21+$0x6900] =	vst v5  }
0xe7: {  	v5 =	vld [tilespmem:$0x6BB0];
	_ =	sdelay $0x2  }
0xe8: {  	v3 =	vadd.f32 v3, v4;
	_ =	sdelay $0x1  }
0xe9: {  	v3 =	vadd.f32 v5, v3;
	_ =	sdelay $0x1  }
0xea: {  	s22 =	simm.s32 $0x6908;
	[tilespmem:$0x6BB0] =	vst v3  }
0xeb: {  	s12 =	simm.s32 $0xF80;
	v8 =	vld.msk [tilespmem:s22+$0x7 ss:$0x0], $0xffff  }
0xec: {  	v9 =	vld [tilespmem:s12+$0x70]  }
0xed: {  	v10 =	vld.msk [tilespmem:s22+$0xFFFFFFF9 ss:$0x0], $0xffff  }
0xee: {  	v11 =	vld.msk [tilespmem:s22+$0xFFFFFFFA ss:$0x0], $0xffff  }
0xef: {  	v12 =	vld.msk [tilespmem:s22+$0xFFFFFFFB ss:$0x0], $0xffff  }
0xf0: {  	v13 =	vld.msk [tilespmem:s22+$0xFFFFFFFC ss:$0x0], $0xffff  }
0xf1: {  	v14 =	vld.msk [tilespmem:s22+$0xFFFFFFFD ss:$0x0], $0xffff  }
0xf2: {  	v15 =	vld.msk [tilespmem:s22+$0xFFFFFFFE ss:$0x0], $0xffff  }
0xf3: {  	v16 =	vld.msk [tilespmem:s22+$0xFFFFFFFF ss:$0x0], $0xffff  }
0xf4: {  	v17 =	vld.msk [tilespmem:s22+$0x0 ss:$0x0], $0xffff  }
0xf5: {  	v18 =	vld.msk [tilespmem:s22+$0x1 ss:$0x0], $0xffff  }
0xf6: {  	v7 =	vld.msk [tilespmem:s22+$0x2 ss:$0x0], $0xffff  }
0xf7: {  	v6 =	vld.msk [tilespmem:s22+$0x3 ss:$0x0], $0xffff  }
0xf8: {  	v5 =	vld.msk [tilespmem:s22+$0x4 ss:$0x0], $0xffff  }
0xf9: {  	v4 =	vld.msk [tilespmem:s22+$0x5 ss:$0x0], $0xffff  }
0xfa: {  	v3 =	vld.msk [tilespmem:s22+$0x6 ss:$0x0], $0xffff  }
0xfb: {  	v19 =	vld.msk [tilespmem:s22+$0xFFFFFFF8 ss:$0x0], $0xffff  }
0xfc: {  	v20 =	vld [tilespmem:s12+$0xFFFFFF80]  }
0xfd: {  	v21 =	vld [tilespmem:s12+$0xFFFFFF90]  }
0xfe: {  	v22 =	vld [tilespmem:s12+$0xFFFFFFA0]  }
0xff: {  	v23 =	vld [tilespmem:s12+$0xFFFFFFB0]  }
0x100: {  	v8 =	vmul.f32 v8, v9;
	v9 =	vld [tilespmem:s12+$0xFFFFFFC0]  }
0x101: {  	v62 =	vld [tilespmem:s12+$0xFFFFFFD0];
	v19 =	vmul.f32 v19, v20  }
0x102: {  	[tilespmem:s12+$0x70] =	vst v8;
	v8 =	vmul.f32 v10, v21;
	v10 =	vld [tilespmem:s12+$0xFFFFFFE0]  }
0x103: {  	v63 =	vld [tilespmem:s12+$0xFFFFFFF0];
	v11 =	vmul.f32 v11, v22;
	[tilespmem:s12+$0xFFFFFF80] =	vst v19  }
0x104: {  	[tilespmem:s12+$0xFFFFFF90] =	vst v8;
	v8 =	vmul.f32 v12, v23;
	v12 =	vld [tilespmem:s12+$0x0]  }
0x105: {  	[tilespmem:s12+$0xFFFFFFA0] =	vst v11;
	v11 =	vmul.f32 v13, v9;
	v13 =	vld [tilespmem:s12+$0x10]  }
0x106: {  	v14 =	vmul.f32 v14, v62;
	v9 =	vld [tilespmem:s12+$0x20];
	[tilespmem:s12+$0xFFFFFFB0] =	vst v8  }
0x107: {  	v8 =	vld [tilespmem:s12+$0x30];
	[tilespmem:s12+$0xFFFFFFC0] =	vst v11;
	v11 =	vmul.f32 v15, v10  }
0x108: {  	[tilespmem:s12+$0xFFFFFFD0] =	vst v14;
	v15 =	vmul.f32 v16, v63;
	v10 =	vld [tilespmem:s12+$0x40]  }
0x109: {  	[tilespmem:s12+$0xFFFFFFE0] =	vst v11;
	v11 =	vld [tilespmem:s12+$0x50];
	v14 =	vmul.f32 v17, v12  }
0x10a: {  	s13 =	simm.s32 $0x0;
	s15 =	simm.s32 $0x6918;
	s21 =	simm.s32 $0xF80;
	[tilespmem:s12+$0xFFFFFFF0] =	vst v15;
	v12 =	vld [tilespmem:s12+$0x60];
	v13 =	vmul.f32 v18, v13  }
.LBB2_5:
0x10b: {  	v15 =	vld.msk [tilespmem:s15+$0x7 ss:$0x0], $0xffff;
	s13 =	sadd.s32 $0x10, s13;
	[tilespmem:s12+$0x0] =	vst v14;
	v7 =	vmul.f32 v7, v9;
	s21 =	sadd.s32 $0x100, s21  }
0x10c: {  	v9 =	vld [tilespmem:s21+$0x70];
	p0 =	slt.u32 s13, $0x270;
	[tilespmem:s12+$0x10] =	vst v13;
	v6 =	vmul.f32 v6, v8  }
0x10d: {  	v8 =	vld.msk [tilespmem:s15+$0xFFFFFFF9 ss:$0x0], $0xffff;
	[tilespmem:s12+$0x20] =	vst v7;
	v5 =	vmul.f32 v5, v10  }
0x10e: {  	v10 =	vld.msk [tilespmem:s15+$0xFFFFFFFA ss:$0x0], $0xffff;
	[tilespmem:s12+$0x30] =	vst v6;
	v4 =	vmul.f32 v4, v11  }
0x10f: {  	v11 =	vld.msk [tilespmem:s15+$0xFFFFFFFB ss:$0x0], $0xffff;
	[tilespmem:s12+$0x40] =	vst v5;
	v3 =	vmul.f32 v3, v12  }
0x110: {  	v12 =	vld.msk [tilespmem:s15+$0xFFFFFFFC ss:$0x0], $0xffff;
	[tilespmem:s12+$0x50] =	vst v4  }
0x111: {  	v13 =	vld.msk [tilespmem:s15+$0xFFFFFFFD ss:$0x0], $0xffff;
	v4 =	vmul.f32 v15, v9;
	[tilespmem:s12+$0x60] =	vst v3;
	s12 =	smov.u32 s21  }
0x112: {  	v14 =	vld.msk [tilespmem:s15+$0xFFFFFFFE ss:$0x0], $0xffff  }
0x113: {  	v15 =	vld.msk [tilespmem:s15+$0xFFFFFFFF ss:$0x0], $0xffff;
	[tilespmem:s21+$0x70] =	vst v4  }
0x114: {  	v16 =	vld.msk [tilespmem:s15+$0x0 ss:$0x0], $0xffff  }
0x115: {  	v17 =	vld.msk [tilespmem:s15+$0x1 ss:$0x0], $0xffff  }
0x116: {  	v7 =	vld.msk [tilespmem:s15+$0x2 ss:$0x0], $0xffff  }
0x117: {  	v6 =	vld.msk [tilespmem:s15+$0x3 ss:$0x0], $0xffff  }
0x118: {  	v5 =	vld.msk [tilespmem:s15+$0x4 ss:$0x0], $0xffff  }
0x119: {  	v4 =	vld.msk [tilespmem:s15+$0x5 ss:$0x0], $0xffff  }
0x11a: {  	v3 =	vld.msk [tilespmem:s15+$0x6 ss:$0x0], $0xffff  }
0x11b: {  	v9 =	vld.msk [tilespmem:s15+$0xFFFFFFF8 ss:$0x0], $0xffff  }
0x11c: {  	v18 =	vld [tilespmem:s21+$0xFFFFFF80]  }
0x11d: {  	v19 =	vld [tilespmem:s21+$0xFFFFFF90]  }
0x11e: {  	v20 =	vld [tilespmem:s21+$0xFFFFFFA0]  }
0x11f: {  	v21 =	vld [tilespmem:s21+$0xFFFFFFB0]  }
0x120: {  	v22 =	vld [tilespmem:s21+$0xFFFFFFC0]  }
0x121: {  	v9 =	vmul.f32 v9, v18;
	v18 =	vld [tilespmem:s21+$0xFFFFFFD0]  }
0x122: {  	v8 =	vmul.f32 v8, v19;
	v19 =	vld [tilespmem:s21+$0xFFFFFFE0]  }
0x123: {  	[tilespmem:s21+$0xFFFFFF80] =	vst v9;
	v9 =	vmul.f32 v10, v20;
	v10 =	vld [tilespmem:s21+$0xFFFFFFF0]  }
0x124: {  	[tilespmem:s21+$0xFFFFFF90] =	vst v8;
	v8 =	vmul.f32 v11, v21;
	v11 =	vld [tilespmem:s21+$0x0]  }
0x125: {  	[tilespmem:s21+$0xFFFFFFA0] =	vst v9;
	v12 =	vmul.f32 v12, v22;
	v20 =	vld [tilespmem:s21+$0x10]  }
.Ltmp1:
0x126: {  	[tilespmem:s21+$0xFFFFFFB0] =	vst v8;
	v13 =	vmul.f32 v13, v18;
	v9 =	vld [tilespmem:s21+$0x20];
	(pc) =	sbr.rel @p0 .LBB2_5-.Ltmp1, $4  }
0x127: {  	[tilespmem:s21+$0xFFFFFFC0] =	vst v12;
	v12 =	vmul.f32 v14, v19;
	v8 =	vld [tilespmem:s21+$0x30]  }
0x128: {  	[tilespmem:s21+$0xFFFFFFD0] =	vst v13;
	v13 =	vmul.f32 v15, v10;
	v10 =	vld [tilespmem:s21+$0x40]  }
0x129: {  	[tilespmem:s21+$0xFFFFFFE0] =	vst v12;
	v14 =	vmul.f32 v16, v11;
	v11 =	vld [tilespmem:s21+$0x50]  }
0x12a: {  	s15 =	sadd.s32 $0x10, s15;
	[tilespmem:s21+$0xFFFFFFF0] =	vst v13;
	v13 =	vmul.f32 v17, v20;
	v12 =	vld [tilespmem:s21+$0x60]  }
0x12b: {  	[tilespmem:s12+$0x0] =	vst v14;
	v7 =	vmul.f32 v7, v9  }
0x12c: {  	[tilespmem:s12+$0x10] =	vst v13;
	v6 =	vmul.f32 v6, v8  }
0x12d: {  	[tilespmem:s12+$0x20] =	vst v7;
	v5 =	vmul.f32 v5, v10  }
0x12e: {  	[tilespmem:s12+$0x30] =	vst v6;
	v4 =	vmul.f32 v4, v11  }
0x12f: {  	[tilespmem:s12+$0x40] =	vst v5;
	v3 =	vmul.f32 v3, v12  }
0x130: {  	[tilespmem:s12+$0x50] =	vst v4  }
0x131: {  	s14 =	simm.s32 $0x500;
	s13 =	simm.s32 $0xF00;
	[tilespmem:s12+$0x60] =	vst v3  }
0x132: {  	[spmem:s5] =	stream.indirect.scatter.add.f32 [tilespmem:s13], [sflag:$0x3], $0x10, s14, s28, $0xb8;
	[tilespmem:$0x1F2C0] =	vst v63  }
0x133: {  	s15 =	simm.s32 $0x1700;
	s16 =	simm.s32 $0x580  }
0x134: {  	[spmem:s5] =	stream.indirect.scatter.add.f32 [tilespmem:s15], [sflag:$0x3], $0x10, s16, s28, $0xb8;
	[tilespmem:$0x1F2C0] =	vst v63  }
0x135: {  	s21 =	simm.s32 $0x1F00;
	s22 =	simm.s32 $0x600  }
0x136: {  	[spmem:s5] =	stream.indirect.scatter.add.f32 [tilespmem:s21], [sflag:$0x3], $0x10, s22, s28, $0xb8;
	[tilespmem:$0x1F2C0] =	vst v63  }
0x137: {  	s14 =	simm.s32 $0x2700;
	s15 =	simm.s32 $0x680  }
0x138: {  	[spmem:s5] =	stream.indirect.scatter.add.f32 [tilespmem:s14], [sflag:$0x3], $0x10, s15, s28, $0xb8;
	[tilespmem:$0x1F2C0] =	vst v63  }
0x139: {  	s16 =	simm.s32 $0x2F00;
	s21 =	simm.s32 $0x700  }
0x13a: {  	[spmem:s5] =	stream.indirect.scatter.add.f32 [tilespmem:s16], [sflag:$0x3], $0x10, s21, s28, $0xb8;
	[tilespmem:$0x1F2C0] =	vst v63  }
0x13b: {  	_ =	swait.ge [sflag:s26], $0x800  }
0x13c: {  	[sflag:s26] =	ssyncset.done $0x0  }
0x13d: {  	[sflag:s26] =	ssyncadd.s32 $0xFFFFF800  }
0x13e: {  	_ =	swait.ge [sflag:s26], $0x800  }
0x13f: {  	[sflag:s26] =	ssyncset.done $0x0  }
0x140: {  	[sflag:s26] =	ssyncadd.s32 $0xFFFFF800  }
0x141: {  	_ =	swait.ge [sflag:s26], $0x800  }
0x142: {  	[sflag:s26] =	ssyncset.done $0x0  }
0x143: {  	[sflag:s26] =	ssyncadd.s32 $0xFFFFF800  }
0x144: {  	_ =	swait.ge [sflag:s26], $0x800  }
0x145: {  	s3 =	sadd.s32 $0x2, s3;
	[sflag:s26] =	ssyncset.done $0x0;
	s22 =	rddreg [dreg:$0xb]  }
0x146: {  	[sflag:s26] =	ssyncadd.s32 $0xFFFFF800;
	p0 =	sge.u32 s3, s22  }
0x147: {  	_ =	swait.ge [sflag:s26], $0x800;
	s3 =	smul.u32 @!p0 $0x50, s3  }
0x148: {  	[sflag:s26] =	ssyncset.done $0x0  }
0x149: {  	s13 =	simm.s32 @!p0 $0x0;
	[sflag:s26] =	ssyncadd.s32 $0xFFFFF800;
	s12 =	sadd.s32 @!p0 s8, s3  }
0x14a: {  	[tilespmem:s13], [sflag:$0x5] =	stream.linear.gather @!p0 [hbm4b:s12+s13], $0x280, $0x38;
	[tilespmem:$0x1F2C0] =	vst v63  }
0x14b: {  	s12 =	simm.s32 @!p0 $0x5  }
0x14c: {  	_ =	swait.ge @!p0 [sflag:s12], $0x280  }
0x14d: {  	[sflag:s12] =	ssyncset.done @!p0 $0x0  }
0x14e: {  	s15 =	simm.s32 @!p0 $0x500;
	s14 =	sadd.s32 @!p0 s9, s3;
	[sflag:s12] =	ssyncadd.s32 @!p0 $0xFFFFFD80  }
0x14f: {  	[tilespmem:s15], [sflag:$0x5] =	stream.linear.gather @!p0 [hbm4b:s14+s13], $0x280, $0x38;
	[tilespmem:$0x1F2C0] =	vst v63  }
0x150: {  	_ =	swait.ge @!p0 [sflag:s12], $0x280  }
0x151: {  	[sflag:s12] =	ssyncset.done @!p0 $0x0  }
0x152: {  	s3 =	sadd.s32 @!p0 s30, s3;
	s14 =	simm.s32 @!p0 $0xA00;
	[sflag:s12] =	ssyncadd.s32 @!p0 $0xFFFFFD80  }
0x153: {  	[tilespmem:s14], [sflag:$0x5] =	stream.linear.gather @!p0 [hbm4b:s3+s13], $0x280, $0x38;
	[tilespmem:$0x1F2C0] =	vst v63  }
0x154: {  	_ =	swait.ge @!p0 [sflag:s12], $0x280  }
0x155: {  	[sflag:s12] =	ssyncset.done @!p0 $0x0  }
0x156: {  	s3 =	simm.s32 @!p0 $0x80;
	[sflag:s12] =	ssyncadd.s32 @!p0 $0xFFFFFD80;
	s12 =	simm.s32 @!p0 $0xF00  }
0x157: {  	[tilespmem:s12], [sflag:$0x1] =	stream.indirect.gather @!p0 [hbm4b:s1+s3], $0x10, s13, s3, $0xb8;
	[tilespmem:$0x1F2C0] =	vst v63  }
0x158: {  	s12 =	simm.s32 @!p0 $0x5F00  }
0x159: {  	[tilespmem:s12], [sflag:$0x1] =	stream.indirect.gather @!p0 [hbm4b:s2+s3], $0x1, s13, s3, $0xb8;
	[tilespmem:$0x1F2C0] =	vst v63  }
0x15a: {  	s12 =	simm.s32 @!p0 $0x6400  }
0x15b: {  	[tilespmem:s12], [sflag:$0x1] =	stream.indirect.gather @!p0 [hbm4b:s7+s3], $0x1, s15, s3, $0xb8;
	[tilespmem:$0x1F2C0] =	vst v63  }
0x15c: {  	s12 =	simm.s32 @!p0 $0x1700  }
0x15d: {  	[tilespmem:s12], [sflag:$0x1] =	stream.indirect.gather @!p0 [hbm4b:s1+s3], $0x10, s3, s3, $0xb8;
	[tilespmem:$0x1F2C0] =	vst v63  }
0x15e: {  	s12 =	simm.s32 @!p0 $0x5F80  }
0x15f: {  	[tilespmem:s12], [sflag:$0x1] =	stream.indirect.gather @!p0 [hbm4b:s2+s3], $0x1, s3, s3, $0xb8;
	[tilespmem:$0x1F2C0] =	vst v63  }
0x160: {  	s13 =	simm.s32 @!p0 $0x6480;
	s12 =	simm.s32 @!p0 $0x580  }
0x161: {  	[tilespmem:s13], [sflag:$0x1] =	stream.indirect.gather @!p0 [hbm4b:s7+s3], $0x1, s12, s3, $0xb8;
	[tilespmem:$0x1F2C0] =	vst v63  }
0x162: {  	s12 =	simm.s32 @!p0 $0x100;
	s13 =	simm.s32 @!p0 $0x1F00  }
0x163: {  	[tilespmem:s13], [sflag:$0x1] =	stream.indirect.gather @!p0 [hbm4b:s1+s3], $0x10, s12, s3, $0xb8;
	[tilespmem:$0x1F2C0] =	vst v63  }
0x164: {  	s13 =	simm.s32 @!p0 $0x6000  }
0x165: {  	[tilespmem:s13], [sflag:$0x1] =	stream.indirect.gather @!p0 [hbm4b:s2+s3], $0x1, s12, s3, $0xb8;
	[tilespmem:$0x1F2C0] =	vst v63  }
0x166: {  	s12 =	simm.s32 @!p0 $0x600;
	s13 =	simm.s32 @!p0 $0x6500  }
0x167: {  	[tilespmem:s13], [sflag:$0x1] =	stream.indirect.gather @!p0 [hbm4b:s7+s3], $0x1, s12, s3, $0xb8;
	[tilespmem:$0x1F2C0] =	vst v63  }
0x168: {  	s12 =	simm.s32 @!p0 $0x180;
	s13 =	simm.s32 @!p0 $0x2700  }
0x169: {  	[tilespmem:s13], [sflag:$0x1] =	stream.indirect.gather @!p0 [hbm4b:s1+s3], $0x10, s12, s3, $0xb8;
	[tilespmem:$0x1F2C0] =	vst v63  }
0x16a: {  	s13 =	simm.s32 @!p0 $0x6080  }
0x16b: {  	[tilespmem:s13], [sflag:$0x1] =	stream.indirect.gather @!p0 [hbm4b:s2+s3], $0x1, s12, s3, $0xb8;
	[tilespmem:$0x1F2C0] =	vst v63  }
0x16c: {  	s12 =	simm.s32 @!p0 $0x680;
	s13 =	simm.s32 @!p0 $0x6580  }
0x16d: {  	[tilespmem:s13], [sflag:$0x1] =	stream.indirect.gather @!p0 [hbm4b:s7+s3], $0x1, s12, s3, $0xb8;
	[tilespmem:$0x1F2C0] =	vst v63  }
0x16e: {  	s12 =	simm.s32 @!p0 $0x200;
	s13 =	simm.s32 @!p0 $0x2F00  }
0x16f: {  	[tilespmem:s13], [sflag:$0x1] =	stream.indirect.gather @!p0 [hbm4b:s1+s3], $0x10, s12, s3, $0xb8;
	[tilespmem:$0x1F2C0] =	vst v63  }
0x170: {  	s13 =	simm.s32 @!p0 $0x6100  }
0x171: {  	[tilespmem:s13], [sflag:$0x1] =	stream.indirect.gather @!p0 [hbm4b:s2+s3], $0x1, s12, s3, $0xb8;
	[tilespmem:$0x1F2C0] =	vst v63  }
0x172: {  	s12 =	simm.s32 @!p0 $0x700;
	s13 =	simm.s32 @!p0 $0x6600  }
0x173: {  	[tilespmem:s13], [sflag:$0x1] =	stream.indirect.gather @!p0 [hbm4b:s7+s3], $0x1, s12, s3, $0xb8;
	[tilespmem:$0x1F2C0] =	vst v63  }
0x174: {  	_ =	swait.ge [sflag:s18], $0x800  }
0x175: {  	[sflag:s18] =	ssyncset.done $0x0  }
0x176: {  	[sflag:s18] =	ssyncadd.s32 $0xFFFFF800  }
0x177: {  	_ =	swait.ge [sflag:s18], $0x80  }
0x178: {  	[sflag:s18] =	ssyncset.done $0x0  }
0x179: {  	[sflag:s18] =	ssyncadd.s32 $0xFFFFFF80  }
0x17a: {  	_ =	swait.ge [sflag:s18], $0x80  }
0x17b: {  	[sflag:s18] =	ssyncset.done $0x0  }
0x17c: {  	[sflag:s18] =	ssyncadd.s32 $0xFFFFFF80  }
0x17d: {  	_ =	swait.ge [sflag:s18], $0x800  }
0x17e: {  	[sflag:s18] =	ssyncset.done $0x0  }
0x17f: {  	[sflag:s18] =	ssyncadd.s32 $0xFFFFF800  }
0x180: {  	_ =	swait.ge [sflag:s18], $0x80  }
0x181: {  	[sflag:s18] =	ssyncset.done $0x0  }
0x182: {  	[sflag:s18] =	ssyncadd.s32 $0xFFFFFF80  }
0x183: {  	_ =	swait.ge [sflag:s18], $0x80  }
0x184: {  	[sflag:s18] =	ssyncset.done $0x0  }
0x185: {  	[sflag:s18] =	ssyncadd.s32 $0xFFFFFF80  }
0x186: {  	_ =	swait.ge [sflag:s18], $0x800  }
0x187: {  	[sflag:s18] =	ssyncset.done $0x0  }
0x188: {  	[sflag:s18] =	ssyncadd.s32 $0xFFFFF800  }
0x189: {  	_ =	swait.ge [sflag:s18], $0x80  }
0x18a: {  	[sflag:s18] =	ssyncset.done $0x0  }
0x18b: {  	[sflag:s18] =	ssyncadd.s32 $0xFFFFFF80  }
0x18c: {  	_ =	swait.ge [sflag:s18], $0x80  }
0x18d: {  	[sflag:s18] =	ssyncset.done $0x0  }
0x18e: {  	[sflag:s18] =	ssyncadd.s32 $0xFFFFFF80  }
0x18f: {  	_ =	swait.ge [sflag:s18], $0x800  }
0x190: {  	[sflag:s18] =	ssyncset.done $0x0  }
0x191: {  	[sflag:s18] =	ssyncadd.s32 $0xFFFFF800  }
0x192: {  	_ =	swait.ge [sflag:s18], $0x80  }
0x193: {  	[sflag:s18] =	ssyncset.done $0x0  }
0x194: {  	[sflag:s18] =	ssyncadd.s32 $0xFFFFFF80  }
0x195: {  	_ =	swait.ge [sflag:s18], $0x80  }
0x196: {  	[sflag:s18] =	ssyncset.done $0x0  }
0x197: {  	[sflag:s18] =	ssyncadd.s32 $0xFFFFFF80  }
0x198: {  	_ =	swait.ge [sflag:s18], $0x800  }
0x199: {  	[sflag:s18] =	ssyncset.done $0x0  }
0x19a: {  	[sflag:s18] =	ssyncadd.s32 $0xFFFFF800  }
0x19b: {  	_ =	swait.ge [sflag:s18], $0x80  }
0x19c: {  	[sflag:s18] =	ssyncset.done $0x0  }
0x19d: {  	[sflag:s18] =	ssyncadd.s32 $0xFFFFFF80  }
0x19e: {  	_ =	swait.ge [sflag:s18], $0x80  }
0x19f: {  	[sflag:s18] =	ssyncset.done $0x0  }
0x1a0: {  	s3 =	simm.s32 $0x0;
	[sflag:s18] =	ssyncadd.s32 $0xFFFFFF80  }
0x1a1: {  	v3 =	vld [tilespmem:s3+$0x6180]  }
0x1a2: {  	v4 =	vld [tilespmem:s3+$0x6680]  }
0x1a3: {  	v5 =	vld [tilespmem:s3+$0xC80];
	_ =	sdelay $0x1  }
0x1a4: {  	s12 =	simm.s32 $0x10  }
0x1a5: {  	v6 =	vld [tilespmem:s12+$0x6180]  }
0x1a6: {  	v7 =	vld [tilespmem:s12+$0x6680]  }
0x1a7: {  	v8 =	vld [tilespmem:s12+$0xC80];
	v3 =	vadd.f32 v4, v3;
	v4 =	vmul.f32 v5, v2;
	_ =	sdelay $0x1  }
0x1a8: {  	v3 =	vadd.f32 v4, v3;
	_ =	sdelay $0x1  }
0x1a9: {  	s13 =	simm.s32 $0x20;
	v9 =	vmul.f32 $2.000000030e-01, v3  }
0x1aa: {  	v10 =	vld [tilespmem:s13+$0x6680];
	v6 =	vadd.f32 v7, v6;
	v7 =	vmul.f32 v8, v2;
	vm0 =	vgt.f32 v3, $0.0e+00  }
0x1ab: {  	v11 =	vld [tilespmem:s13+$0xC80];
	v3 =	vsel vm0, v3, v9  }
0x1ac: {  	v4 =	vld [tilespmem:s13+$0x6180];
	v6 =	vadd.f32 v7, v6;
	v3 =	vsub.f32 v3, v1  }
0x1ad: {  	v7 =	vimm.f32 $0.0e+00  }
0x1ae: {  	v5 =	vadd.f32 v5, v7;
	v7 =	vmul.f32 $2.000000030e-01, v6;
	v3 =	vmul.f32 $1.442695020e+00, v3  }
0x1af: {  	s15 =	simm.s32 $0x30;
	vm15 =	vgt.f32 v6, $0.0e+00  }
0x1b0: {  	v8 =	vadd.f32 v8, v5;
	v5 =	vld [tilespmem:s15+$0x6180];
	v6 =	vsel vm15, v6, v7;
	(erf) = vpow2.f32 v3  }
0x1b1: {  	v9 =	vmul.f32 v11, v2;
	v7 =	vadd.f32 v10, v4;
	v10 =	vsub.f32 v6, v1;
	v6 =	vld [tilespmem:s15+$0x6680]  }
0x1b2: {  	v3 =	vld [tilespmem:s15+$0xC80]  }
0x1b3: {  	v7 =	vadd.f32 v9, v7  }
0x1b4: {  	s22 =	smov.u32 s30;
	s14 =	simm.s32 $0x100;
	v4 =	vadd.f32 v11, v8;
	v8 =	vmul.f32 $1.442695020e+00, v10  }
.LBB2_7:
0x1b5: {  	v9 =	vmul.f32 $2.000000030e-01, v7;
	v10 =	vmov v5;
	s21 =	smov.u32 s15;
	s15 =	sshra.s32 s14, $0x2;
	p0 =	sne.s32 s14, $0x9C0  }
.Ltmp2:
0x1b6: {  	vm0 =	vgt.f32 v7, $0.0e+00;
	v5 =	vld [tilespmem:s15+$0x6180];
	(erf) = vpow2.f32 v8;
	(pc) =	sbr.rel @p0 .LBB2_7-.Ltmp2, $4  }
0x1b7: {  	s14 =	sadd.s32 $0x40, s14;
	v8 =	vadd.f32 v6, v10;
	v6 =	vld [tilespmem:s15+$0x6680];
	v11 =	vmul.f32 v3, v2;
	v7 =	vsel vm0, v7, v9  }
0x1b8: {  	v4 =	vadd.f32 v3, v4;
	v3 =	vld [tilespmem:s15+$0xC80];
	v9 =	vsub.f32 v7, v1  }
0x1b9: {  	v7 =	vadd.f32 v11, v8;
	v10 =	vpop (erf)  }
0x1ba: {  	v8 =	vmul.f32 $1.442695020e+00, v9;
	[tilespmem:s3+$0x6900] =	vst v10;
	s3 =	smov.u32 s12;
	s12 =	smov.u32 s13;
	s13 =	smov.u32 s21  }
0x1bb: {  	_ =	sdelay $0x1  }
0x1bc: {  	v5 =	vadd.f32 v6, v5;
	v6 =	vmul.f32 v3, v2;
	_ =	sdelay $0x1  }
0x1bd: {  	v5 =	vadd.f32 v6, v5  }
0x1be: {  	v6 =	vmul.f32 $2.000000030e-01, v7  }
0x1bf: {  	vm0 =	vgt.f32 v7, $0.0e+00;
	v9 =	vmul.f32 $2.000000030e-01, v5  }
0x1c0: {  	v6 =	vsel vm0, v7, v6;
	vm15 =	vgt.f32 v5, $0.0e+00  }
0x1c1: {  	v6 =	vsub.f32 v6, v1;
	v5 =	vsel vm15, v5, v9  }
0x1c2: {  	v5 =	vsub.f32 v5, v1  }
0x1c3: {  	v6 =	vmul.f32 $1.442695020e+00, v6  }
0x1c4: {  	(erf) = vpow2.f32 v8;
	v5 =	vmul.f32 $1.442695020e+00, v5  }
0x1c5: {  	(erf) = vpow2.f32 v6  }
0x1c6: {  	(erf) = vpow2.f32 v5;
	_ =	sdelay $0x5  }
0x1c7: {  	v5 =	vpop (erf)  }
0x1c8: {  	v6 =	vpop (erf);
	[tilespmem:s3+$0x6900] =	vst v5  }
0x1c9: {  	[tilespmem:s12+$0x6900] =	vst v6;
	v5 =	vpop (erf)  }
0x1ca: {  	[tilespmem:s13+$0x6900] =	vst v5;
	v5 =	vpop (erf)  }
0x1cb: {  	[tilespmem:s15+$0x6900] =	vst v5  }
0x1cc: {  	v5 =	vld [tilespmem:$0x6BB0];
	_ =	sdelay $0x2  }
0x1cd: {  	v3 =	vadd.f32 v3, v4;
	_ =	sdelay $0x1  }
0x1ce: {  	v3 =	vadd.f32 v5, v3;
	_ =	sdelay $0x1  }
0x1cf: {  	s30 =	simm.s32 $0x6908;
	[tilespmem:$0x6BB0] =	vst v3  }
0x1d0: {  	s3 =	simm.s32 $0x3780;
	v8 =	vld.msk [tilespmem:s30+$0x7 ss:$0x0], $0xffff  }
0x1d1: {  	v9 =	vld [tilespmem:s3+$0x70]  }
0x1d2: {  	v10 =	vld.msk [tilespmem:s30+$0xFFFFFFF9 ss:$0x0], $0xffff  }
0x1d3: {  	v11 =	vld.msk [tilespmem:s30+$0xFFFFFFFA ss:$0x0], $0xffff  }
0x1d4: {  	v12 =	vld.msk [tilespmem:s30+$0xFFFFFFFB ss:$0x0], $0xffff  }
0x1d5: {  	v13 =	vld.msk [tilespmem:s30+$0xFFFFFFFC ss:$0x0], $0xffff  }
0x1d6: {  	v14 =	vld.msk [tilespmem:s30+$0xFFFFFFFD ss:$0x0], $0xffff  }
0x1d7: {  	v15 =	vld.msk [tilespmem:s30+$0xFFFFFFFE ss:$0x0], $0xffff  }
0x1d8: {  	v16 =	vld.msk [tilespmem:s30+$0xFFFFFFFF ss:$0x0], $0xffff  }
0x1d9: {  	v17 =	vld.msk [tilespmem:s30+$0x0 ss:$0x0], $0xffff  }
0x1da: {  	v18 =	vld.msk [tilespmem:s30+$0x1 ss:$0x0], $0xffff  }
0x1db: {  	v7 =	vld.msk [tilespmem:s30+$0x2 ss:$0x0], $0xffff  }
0x1dc: {  	v6 =	vld.msk [tilespmem:s30+$0x3 ss:$0x0], $0xffff  }
0x1dd: {  	v5 =	vld.msk [tilespmem:s30+$0x4 ss:$0x0], $0xffff  }
0x1de: {  	v4 =	vld.msk [tilespmem:s30+$0x5 ss:$0x0], $0xffff  }
0x1df: {  	v3 =	vld.msk [tilespmem:s30+$0x6 ss:$0x0], $0xffff  }
0x1e0: {  	v19 =	vld.msk [tilespmem:s30+$0xFFFFFFF8 ss:$0x0], $0xffff  }
0x1e1: {  	v20 =	vld [tilespmem:s3+$0xFFFFFF80]  }
0x1e2: {  	v21 =	vld [tilespmem:s3+$0xFFFFFF90]  }
0x1e3: {  	v22 =	vld [tilespmem:s3+$0xFFFFFFA0]  }
0x1e4: {  	v23 =	vld [tilespmem:s3+$0xFFFFFFB0]  }
0x1e5: {  	v8 =	vmul.f32 v8, v9;
	v9 =	vld [tilespmem:s3+$0xFFFFFFC0]  }
0x1e6: {  	v62 =	vld [tilespmem:s3+$0xFFFFFFD0];
	v19 =	vmul.f32 v19, v20  }
0x1e7: {  	[tilespmem:s3+$0x70] =	vst v8;
	v8 =	vmul.f32 v10, v21;
	v10 =	vld [tilespmem:s3+$0xFFFFFFE0]  }
0x1e8: {  	v63 =	vld [tilespmem:s3+$0xFFFFFFF0];
	v11 =	vmul.f32 v11, v22;
	[tilespmem:s3+$0xFFFFFF80] =	vst v19  }
0x1e9: {  	[tilespmem:s3+$0xFFFFFF90] =	vst v8;
	v8 =	vmul.f32 v12, v23;
	v12 =	vld [tilespmem:s3+$0x0]  }
0x1ea: {  	[tilespmem:s3+$0xFFFFFFA0] =	vst v11;
	v11 =	vmul.f32 v13, v9;
	v13 =	vld [tilespmem:s3+$0x10]  }
0x1eb: {  	v14 =	vmul.f32 v14, v62;
	v9 =	vld [tilespmem:s3+$0x20];
	[tilespmem:s3+$0xFFFFFFB0] =	vst v8  }
0x1ec: {  	v8 =	vld [tilespmem:s3+$0x30];
	[tilespmem:s3+$0xFFFFFFC0] =	vst v11;
	v11 =	vmul.f32 v15, v10  }
0x1ed: {  	[tilespmem:s3+$0xFFFFFFD0] =	vst v14;
	v15 =	vmul.f32 v16, v63;
	v10 =	vld [tilespmem:s3+$0x40]  }
0x1ee: {  	s14 =	simm.s32 $0x800;
	[tilespmem:s3+$0xFFFFFFE0] =	vst v11;
	v11 =	vld [tilespmem:s3+$0x50];
	v14 =	vmul.f32 v17, v12  }
0x1ef: {  	s12 =	simm.s32 $0x0;
	s13 =	simm.s32 $0x6918;
	s15 =	simm.s32 $0x3780;
	[tilespmem:s3+$0xFFFFFFF0] =	vst v15;
	v12 =	vld [tilespmem:s3+$0x60];
	v13 =	vmul.f32 v18, v13  }
.LBB2_9:
0x1f0: {  	v15 =	vld.msk [tilespmem:s13+$0x7 ss:$0x0], $0xffff;
	s12 =	sadd.s32 $0x10, s12;
	[tilespmem:s3+$0x0] =	vst v14;
	v7 =	vmul.f32 v7, v9;
	s15 =	sadd.s32 $0x100, s15  }
0x1f1: {  	v9 =	vld [tilespmem:s15+$0x70];
	p0 =	slt.u32 s12, $0x270;
	[tilespmem:s3+$0x10] =	vst v13;
	v6 =	vmul.f32 v6, v8  }
0x1f2: {  	v8 =	vld.msk [tilespmem:s13+$0xFFFFFFF9 ss:$0x0], $0xffff;
	[tilespmem:s3+$0x20] =	vst v7;
	v5 =	vmul.f32 v5, v10  }
0x1f3: {  	v10 =	vld.msk [tilespmem:s13+$0xFFFFFFFA ss:$0x0], $0xffff;
	[tilespmem:s3+$0x30] =	vst v6;
	v4 =	vmul.f32 v4, v11  }
0x1f4: {  	v11 =	vld.msk [tilespmem:s13+$0xFFFFFFFB ss:$0x0], $0xffff;
	[tilespmem:s3+$0x40] =	vst v5;
	v3 =	vmul.f32 v3, v12  }
0x1f5: {  	v12 =	vld.msk [tilespmem:s13+$0xFFFFFFFC ss:$0x0], $0xffff;
	[tilespmem:s3+$0x50] =	vst v4  }
0x1f6: {  	v13 =	vld.msk [tilespmem:s13+$0xFFFFFFFD ss:$0x0], $0xffff;
	v4 =	vmul.f32 v15, v9;
	[tilespmem:s3+$0x60] =	vst v3;
	s3 =	smov.u32 s15  }
0x1f7: {  	v14 =	vld.msk [tilespmem:s13+$0xFFFFFFFE ss:$0x0], $0xffff  }
0x1f8: {  	v15 =	vld.msk [tilespmem:s13+$0xFFFFFFFF ss:$0x0], $0xffff;
	[tilespmem:s15+$0x70] =	vst v4  }
0x1f9: {  	v16 =	vld.msk [tilespmem:s13+$0x0 ss:$0x0], $0xffff  }
0x1fa: {  	v17 =	vld.msk [tilespmem:s13+$0x1 ss:$0x0], $0xffff  }
0x1fb: {  	v7 =	vld.msk [tilespmem:s13+$0x2 ss:$0x0], $0xffff  }
0x1fc: {  	v6 =	vld.msk [tilespmem:s13+$0x3 ss:$0x0], $0xffff  }
0x1fd: {  	v5 =	vld.msk [tilespmem:s13+$0x4 ss:$0x0], $0xffff  }
0x1fe: {  	v4 =	vld.msk [tilespmem:s13+$0x5 ss:$0x0], $0xffff  }
0x1ff: {  	v3 =	vld.msk [tilespmem:s13+$0x6 ss:$0x0], $0xffff  }
0x200: {  	v9 =	vld.msk [tilespmem:s13+$0xFFFFFFF8 ss:$0x0], $0xffff  }
0x201: {  	v18 =	vld [tilespmem:s15+$0xFFFFFF80]  }
0x202: {  	v19 =	vld [tilespmem:s15+$0xFFFFFF90]  }
0x203: {  	v20 =	vld [tilespmem:s15+$0xFFFFFFA0]  }
0x204: {  	v21 =	vld [tilespmem:s15+$0xFFFFFFB0]  }
0x205: {  	v22 =	vld [tilespmem:s15+$0xFFFFFFC0]  }
0x206: {  	v9 =	vmul.f32 v9, v18;
	v18 =	vld [tilespmem:s15+$0xFFFFFFD0]  }
0x207: {  	v8 =	vmul.f32 v8, v19;
	v19 =	vld [tilespmem:s15+$0xFFFFFFE0]  }
0x208: {  	[tilespmem:s15+$0xFFFFFF80] =	vst v9;
	v9 =	vmul.f32 v10, v20;
	v10 =	vld [tilespmem:s15+$0xFFFFFFF0]  }
0x209: {  	[tilespmem:s15+$0xFFFFFF90] =	vst v8;
	v8 =	vmul.f32 v11, v21;
	v11 =	vld [tilespmem:s15+$0x0]  }
0x20a: {  	[tilespmem:s15+$0xFFFFFFA0] =	vst v9;
	v12 =	vmul.f32 v12, v22;
	v20 =	vld [tilespmem:s15+$0x10]  }
.Ltmp3:
0x20b: {  	[tilespmem:s15+$0xFFFFFFB0] =	vst v8;
	v13 =	vmul.f32 v13, v18;
	v9 =	vld [tilespmem:s15+$0x20];
	(pc) =	sbr.rel @p0 .LBB2_9-.Ltmp3, $4  }
0x20c: {  	[tilespmem:s15+$0xFFFFFFC0] =	vst v12;
	v12 =	vmul.f32 v14, v19;
	v8 =	vld [tilespmem:s15+$0x30]  }
0x20d: {  	[tilespmem:s15+$0xFFFFFFD0] =	vst v13;
	v13 =	vmul.f32 v15, v10;
	v10 =	vld [tilespmem:s15+$0x40]  }
0x20e: {  	[tilespmem:s15+$0xFFFFFFE0] =	vst v12;
	v14 =	vmul.f32 v16, v11;
	v11 =	vld [tilespmem:s15+$0x50]  }
0x20f: {  	s13 =	sadd.s32 $0x10, s13;
	[tilespmem:s15+$0xFFFFFFF0] =	vst v13;
	v13 =	vmul.f32 v17, v20;
	v12 =	vld [tilespmem:s15+$0x60]  }
0x210: {  	[tilespmem:s3+$0x0] =	vst v14;
	v7 =	vmul.f32 v7, v9  }
0x211: {  	[tilespmem:s3+$0x10] =	vst v13;
	v6 =	vmul.f32 v6, v8  }
0x212: {  	[tilespmem:s3+$0x20] =	vst v7;
	v5 =	vmul.f32 v5, v10  }
0x213: {  	[tilespmem:s3+$0x30] =	vst v6;
	v4 =	vmul.f32 v4, v11  }
0x214: {  	[tilespmem:s3+$0x40] =	vst v5;
	v3 =	vmul.f32 v3, v12  }
0x215: {  	[tilespmem:s3+$0x50] =	vst v4  }
0x216: {  	s15 =	simm.s32 $0x3700;
	[tilespmem:s3+$0x60] =	vst v3  }
0x217: {  	[spmem:s5] =	stream.indirect.scatter.add.f32 [tilespmem:s15], [sflag:$0x4], $0x10, s20, s28, $0xb8;
	[tilespmem:$0x1F2C0] =	vst v63  }
0x218: {  	s21 =	simm.s32 $0x3F00;
	s25 =	sadd.s32 $0x1, s25;
	s3 =	rddreg [dreg:$0x8]  }
0x219: {  	[spmem:s5] =	stream.indirect.scatter.add.f32 [tilespmem:s21], [sflag:$0x4], $0x10, s14, s28, $0xb8;
	[tilespmem:$0x1F2C0] =	vst v63  }
0x21a: {  	p0 =	sne.s32 s25, s3  }
0x21b: {  	[spmem:s5] =	stream.indirect.scatter.add.f32 [tilespmem:s29], [sflag:$0x4], $0x10, s0, s28, $0xb8;
	[tilespmem:$0x1F2C0] =	vst v63  }
.Ltmp4:
0x21c: {  	_ = 	snop;
	(pc) =	sbr.rel @p0 .LBB2_2-.Ltmp4, $4  }
0x21d: {  	_ = 	snop  }
0x21e: {  	[spmem:s5] =	stream.indirect.scatter.add.f32 [tilespmem:s6], [sflag:$0x4], $0x10, s4, s28, $0xb8;
	[tilespmem:$0x1F2C0] =	vst v63  }
0x21f: {  	_ = 	snop  }
0x220: {  	[spmem:s5] =	stream.indirect.scatter.add.f32 [tilespmem:s10], [sflag:$0x4], $0x10, s11, s28, $0xb8;
	[tilespmem:$0x1F2C0] =	vst v63  }
0x221: {  	s3 =	simm.s32 $0x4  }
0x222: {  	_ =	swait.ge [sflag:s3], $0x800  }
0x223: {  	[sflag:s3] =	ssyncset.done $0x0  }
0x224: {  	[sflag:s3] =	ssyncadd.s32 $0xFFFFF800  }
0x225: {  	_ =	swait.ge [sflag:s3], $0x800  }
0x226: {  	[sflag:s3] =	ssyncset.done $0x0  }
0x227: {  	[sflag:s3] =	ssyncadd.s32 $0xFFFFF800  }
0x228: {  	_ =	swait.ge [sflag:s3], $0x800  }
0x229: {  	[sflag:s3] =	ssyncset.done $0x0  }
0x22a: {  	[sflag:s3] =	ssyncadd.s32 $0xFFFFF800  }
0x22b: {  	_ =	swait.ge [sflag:s3], $0x800  }
0x22c: {  	[sflag:s3] =	ssyncset.done $0x0  }
0x22d: {  	[sflag:s3] =	ssyncadd.s32 $0xFFFFF800  }
0x22e: {  	_ =	swait.ge [sflag:s3], $0x800  }
0x22f: {  	[sflag:s3] =	ssyncset.done $0x0  }
0x230: {  	[sflag:s3] =	ssyncadd.s32 $0xFFFFF800  }
0x231: {  	[bflag:$0x0] =	sbarrier.arrive $0xFFFF  }
0x232: {  	s13 =	rddreg [dreg:$0xa]  }
0x233: {  	s25 =	rddreg [dreg:$0xf]  }
0x234: {  	s12 =	rddreg [dreg:$0x12]  }
0x235: {  	[hbm:s25], [sflag:s13] =	dma.local [spmem:s12], $0x30E0  }
0x236: {  	_ =	swait.ge [sflag:s23], $0x30E0  }
0x237: {  	s14 =	simm.s32 $0x0;
	[sflag:s23] =	ssyncset.done $0x0  }
0x238: {  	s16 =	simm.s32 $0x6BB0;
	s30 =	rddreg [dreg:$0x10];
	[sflag:s23] =	ssyncadd.s32 $0xFFFFCF20  }
0x239: {  	[hbm4b:s30+s14] =	stream.linear.scatter [tilespmem:s16], [sflag:$0x5], $0x10, $0x38;
	[tilespmem:$0x1F2C0] =	vst v63  }
0x23a: {  	_ =	swait.ge [sflag:s23], $0x10  }
0x23b: {  	s25 =	rddreg [dreg:$0x13]  }
0x23c: {  	s30 =	rddreg [dreg:$0x11];
	s16 =	sadd.s32 $0x1, s25  }
0x23d: {  	p0 =	sne.s32 s16, s30  }
.Ltmp5:
0x23e: {  	_ = 	snop;
	(pc) =	sbr.rel @p0 .LBB2_1-.Ltmp5, $3  }
0x23f: {  	_ =	sdelay $0x1  }
0x240: {  	[sflag:s23] =	ssyncset.done $0x0  }
0x241: {  	[sflag:s23] =	ssyncadd.s32 $0xFFFFFFF0  }
0x242: {  	_ =	sfence.sel $0x180000  }
0x243: {  	[bflag:$0x0] =	sbarrier.arrive $0xFFFF  }
0x244: {  	_ =	strace $0x90000047  }
0x245: {  	s0 =	stileid.u32;
	[bflag:$0x2] =	sbarrier.arrive $0xFFFF  }
0x246: {  	p0 =	sne.s32 s0, $0x0;
	s0 =	rddreg [dreg:$0x5]  }
0x247: {  	s0 =	sadd.s32 @!p0 $0x100000, s0  }
0x248: {  	[sflag:s0] =	ssyncadd.tile.s32 @!p0 $0x1;
	_ =	shalt  }
.Lfunc_end2:
_tile_overlayer_lowered:
.L_overlay_start_2:
0x249: {  	(tag) =	ssettag $0x2  }
0x24a: {  	s0 =	rddreg [dreg:$0x0];
	s2 =	stileid.u32  }
0x24b: {  	s1 =	rddreg [dreg:$0x1];
	p0 =	sne.s32 s2, $0x0  }
0x24c: {  	s3 =	rddreg [dreg:$0x2];
	[bflag:$0x3] =	sbarrier.arrive $0xFFFF;
	s2 =	simm.s32 @!p0 $0x1C05  }
0x24d: {  	[timem:s3], [sflag:s2] =	dma.local @!p0 [hbm:s0], s1  }
0x24e: {  	s0 =	simm.s32 @!p0 $0x5  }
0x24f: {  	_ =	swait.ge @!p0 [sflag:s0], s1  }
0x250: {  	s1 =	ssub.s32 @!p0 $0x0, s1;
	[sflag:s0] =	ssyncset.done @!p0 $0x0  }
0x251: {  	[sflag:s0] =	ssyncadd.s32 @!p0 s1  }
0x252: {  	[bflag:$0x3] =	sbarrier.arrive $0xFFFF  }
0x253: {  	_ =	shalt  }

</sc_bundles>
